<compile_context>
chip_gen: v7x
topology: tpu7x:2x2x1
jax: 0.10.2.dev20260603
libtpu: 0.0.44.dev20260713+nightly
codegen_flags: <defaults>
</compile_context>

<pallas_src>
import functools

import jax
import jax.numpy as jnp
from jax import lax
from jax.experimental import pallas as pl
from jax.experimental.pallas import tpu as pltpu
from jax.experimental.pallas import tpu_sc as plsc

EPS = 1e-5
LANES = 16
NUM_WORKERS = 32
G = 4
BATCH = G * LANES
P = 64
NS = 64
OUT_P = P + NS


def _compute_batch(lt, wt, ot, cdfts, binsts, belowts, markers, lane, epoch,
                   pre_merge=None):
    lanes = [lane + (LANES * g) for g in range(G)]
    zero_f = jnp.zeros((LANES,), jnp.float32)
    zero_i = jnp.zeros((LANES,), jnp.int32)

    for g in range(G):
        cdfts[g][0] = zero_f

    def cdf_body(k, carry):
        runs, prevs = carry
        kv = jnp.full((LANES,), k, jnp.int32)
        new_runs, new_prevs = [], []
        for g in range(G):
            w = plsc.load_gather(wt, [lanes[g], kv + 1])
            lcol = plsc.load_gather(lt, [lanes[g], kv + 1])
            r = runs[g] + (w + EPS)
            cdfts[g][k + 1] = r
            binsts[g][k] = 0.5 * (prevs[g] + lcol)
            new_runs.append(r)
            new_prevs.append(lcol)
        return tuple(new_runs), tuple(new_prevs)

    prev0 = tuple(plsc.load_gather(lt, [lanes[g], zero_i]) for g in range(G))
    totals, prevs = plsc.parallel_loop(
        0, P - 2, 1, unroll=2, carry=((zero_f,) * G, prev0))(cdf_body)
    kv62 = jnp.full((LANES,), P - 1, jnp.int32)
    for g in range(G):
        lcol = plsc.load_gather(lt, [lanes[g], kv62])
        binsts[g][P - 2] = 0.5 * (prevs[g] + lcol)

    invs = [(NS - 1.0) / totals[g] for g in range(G)]

    def init_body(j, c):
        for g in range(G):
            belowts[g][j] = zero_i
        return c

    plsc.parallel_loop(0, NS, 1, unroll=4, carry=jnp.int32(0))(init_body)

    def ceil_pos(x):
        i = x.astype(jnp.int32)
        return jnp.where(i.astype(jnp.float32) < x, i + 1, i)

    def pos_body(k, pcurs):
        kv = jnp.full((LANES,), k, jnp.int32)
        new = []
        for g in range(G):
            pnext = ceil_pos(cdfts[g][k + 1] * invs[g])
            p = jnp.clip(pcurs[g], 0, NS - 1)
            plsc.store_scatter(belowts[g], [p, lane], kv, mask=pnext > pcurs[g])
            new.append(pnext)
        return tuple(new)

    plast = plsc.parallel_loop(
        0, P - 2, 1, unroll=2, carry=(zero_i,) * G)(pos_body)
    kv62 = jnp.full((LANES,), P - 2, jnp.int32)
    for g in range(G):
        plsc.store_scatter(belowts[g], [jnp.clip(plast[g], 0, NS - 1), lane],
                           kv62)

    if pre_merge is not None:
        pre_merge()

    def j_body(j, runbs):
        uf = lax.convert_element_type(j, jnp.float32) * (1.0 / (NS - 1.0))
        jv = jnp.full((LANES,), j, jnp.int32)
        out = []
        for g in range(G):
            runb = jnp.maximum(runbs[g], belowts[g][j])
            bi = runb
            ai = jnp.minimum(bi + 1, P - 2)
            cb = plsc.load_gather(cdfts[g], [bi, lane])
            ca = plsc.load_gather(cdfts[g], [ai, lane])
            bb = plsc.load_gather(binsts[g], [bi, lane])
            ba = plsc.load_gather(binsts[g], [ai, lane])
            lb1 = plsc.load_gather(lt, [lanes[g], bi + 1])
            u = uf * totals[g]
            den = ca - cb
            safe = jnp.where(den < EPS * totals[g], totals[g], den)
            t = (u - cb) / safe
            z = bb + t * (ba - bb)
            cnt = bi + 1 + jnp.where(lb1 <= z, 1, 0)
            rank = jv + cnt
            plsc.store_scatter(ot, [lanes[g], rank], z)
            plsc.store_scatter(markers[g], [rank, lane], epoch)
            out.append(runb)
        return tuple(out)

    plsc.parallel_loop(0, NS, 1, unroll=2, carry=(zero_i,) * G)(j_body)

    def h_body(i, hcnts):
        iv = jnp.full((LANES,), i, jnp.int32)
        new = []
        for g in range(G):
            is_hole = markers[g][i] != epoch
            val = plsc.load_gather(lt, [lanes[g], jnp.minimum(hcnts[g], P - 1)])
            plsc.store_scatter(ot, [lanes[g], iv], val, mask=is_hole)
            new.append(hcnts[g] + jnp.where(is_hole, 1, 0))
        return tuple(new)

    plsc.parallel_loop(0, OUT_P, 1, unroll=4, carry=(zero_i,) * G)(h_body)


def _refine_body(lengths_hbm, weights_hbm, out_hbm, lt0, lt1, wt0, wt1,
                 ot,
                 cdft0, cdft1, cdft2, cdft3,
                 binst0, binst1, binst2, binst3,
                 belowt0, belowt1, belowt2, belowt3,
                 mk0, mk1, mk2, mk3,
                 sl0, sl1, sw0, sw1, so):
    cdfts = [cdft0, cdft1, cdft2, cdft3]
    binsts = [binst0, binst1, binst2, binst3]
    belowts = [belowt0, belowt1, belowt2, belowt3]
    markers = [mk0, mk1, mk2, mk3]
    num_rays = lengths_hbm.shape[0]
    rays_per_worker = num_rays // NUM_WORKERS
    nb = rays_per_worker // BATCH

    wid = lax.axis_index("s") * 2 + lax.axis_index("c")
    w_base = wid * rays_per_worker
    lane = lax.iota(jnp.int32, LANES)

    def in_l(slot_ref, sem, b):
        return pltpu.make_async_copy(
            lengths_hbm.at[pl.ds(w_base + b * BATCH, BATCH)], slot_ref, sem)

    def in_w(slot_ref, sem, b):
        return pltpu.make_async_copy(
            weights_hbm.at[pl.ds(w_base + b * BATCH, BATCH)], slot_ref, sem)

    def out_c(slot_ref, sem, b):
        return pltpu.make_async_copy(
            slot_ref, out_hbm.at[pl.ds(w_base + b * BATCH, BATCH)], sem)

    in_l(lt0, sl0, 0).start()
    in_w(wt0, sw0, 0).start()
    zero_i = jnp.zeros((LANES,), jnp.int32)

    def mz_body(i, c):
        for g in range(G):
            markers[g][i] = zero_i
        return c

    lax.fori_loop(0, OUT_P, mz_body, 0)

    def wait_out():
        out_c(ot, so, 0).wait()

    def pair_body(b2, c):
        e = b2 * 2
        o = e + 1
        in_l(lt0, sl0, e).wait()
        in_w(wt0, sw0, e).wait()
        in_l(lt1, sl1, o).start()
        in_w(wt1, sw1, o).start()

        def pre_merge_e():
            @pl.when(b2 > 0)
            def _():
                wait_out()

        _compute_batch(lt0, wt0, ot, cdfts, binsts, belowts, markers, lane,
                       jnp.full((LANES,), e + 1, jnp.int32),
                       pre_merge=pre_merge_e)
        out_c(ot, so, e).start()

        in_l(lt1, sl1, o).wait()
        in_w(wt1, sw1, o).wait()

        @pl.when(b2 < nb // 2 - 1)
        def _():
            in_l(lt0, sl0, o + 1).start()
            in_w(wt0, sw0, o + 1).start()

        _compute_batch(lt1, wt1, ot, cdfts, binsts, belowts, markers, lane,
                       jnp.full((LANES,), o + 1, jnp.int32),
                       pre_merge=wait_out)
        out_c(ot, so, o).start()
        return c

    lax.fori_loop(0, nb // 2, pair_body, 0)
    wait_out()


@jax.jit
def _refine(lengths2d, weights2d):
    num_rays = lengths2d.shape[0]
    mesh = plsc.VectorSubcoreMesh(core_axis_name="c", subcore_axis_name="s")
    return pl.kernel(
        _refine_body,
        out_type=jax.ShapeDtypeStruct((num_rays, OUT_P), jnp.float32),
        mesh=mesh,
        compiler_params=pltpu.CompilerParams(
            needs_layout_passes=False, use_tc_tiling_on_sc=False),
        scratch_types=[
            pltpu.VMEM((BATCH, P), jnp.float32),
            pltpu.VMEM((BATCH, P), jnp.float32),
            pltpu.VMEM((BATCH, P), jnp.float32),
            pltpu.VMEM((BATCH, P), jnp.float32),
            pltpu.VMEM((BATCH, OUT_P), jnp.float32),
            *[pltpu.VMEM((P - 1, LANES), jnp.float32) for _ in range(G)],
            *[pltpu.VMEM((P - 1, LANES), jnp.float32) for _ in range(G)],
            *[pltpu.VMEM((NS, LANES), jnp.int32) for _ in range(G)],
            *[pltpu.VMEM((OUT_P, LANES), jnp.int32) for _ in range(G)],
            pltpu.SemaphoreType.DMA,
            pltpu.SemaphoreType.DMA,
            pltpu.SemaphoreType.DMA,
            pltpu.SemaphoreType.DMA,
            pltpu.SemaphoreType.DMA,
        ],
    )(lengths2d, weights2d)


def kernel(origins, directions, lengths, xys, ray_weights):
    b, r, p = lengths.shape
    z_out = _refine(lengths.reshape(b * r, p), ray_weights.reshape(b * r, p))
    return (origins, directions, z_out.reshape(b, r, OUT_P), xys)

# --- scband reference (transcript-rebuilt; emitter-appended) ---
"""Pipeline reference for scband-ray-point-refiner-3496103379245 (READ-ONLY COPY).

The authoritative reference and input builder live on the scoring server;
editing this copy changes nothing except your own understanding.
"""

import jax, jax.numpy as jnp
import numpy as np

EPS = 1e-5

def sample_pdf(bins, weights, n_samples):
    # bins: [B, nb] midpoints; weights: [B, nb-1]
    weights = weights + EPS
    pdf = weights / jnp.sum(weights, axis=-1, keepdims=True)
    cdf = jnp.cumsum(pdf, axis=-1)
    cdf = jnp.concatenate([jnp.zeros_like(cdf[..., :1]), cdf], axis=-1)  # [B, nb]
    # deterministic (det=True since random_sampling=False): equispaced percentiles
    u = jnp.linspace(0.0, 1.0, n_samples, dtype=cdf.dtype)
    u = jnp.broadcast_to(u, (cdf.shape[0], n_samples))
    inds = jax.vmap(lambda c, uu: jnp.searchsorted(c, uu, side='right'))(cdf, u)
    below = jnp.clip(inds - 1, 0, cdf.shape[-1] - 1)
    above = jnp.clip(inds, 0, cdf.shape[-1] - 1)
    cdf_b = jnp.take_along_axis(cdf, below, axis=-1)
    cdf_a = jnp.take_along_axis(cdf, above, axis=-1)
    bins_b = jnp.take_along_axis(bins, below, axis=-1)
    bins_a = jnp.take_along_axis(bins, above, axis=-1)
    denom = cdf_a - cdf_b
    denom = jnp.where(denom < EPS, jnp.ones_like(denom), denom)
    t = (u - cdf_b) / denom
    return bins_b + t * (bins_a - bins_b)


def setup_inputs(seed: int = 0):
    key = jax.random.key(seed)
    k1, k2, k3, k4, k5 = jax.random.split(key, 5)
    B, R, P = 1, 65536, 64
    # lengths must be sorted along the ray (depths from near to far)
    lengths = jnp.sort(jax.random.uniform(k1, (B, R, P), jnp.float32, 2.0, 6.0), axis=-1)
    ray_weights = jax.random.uniform(k2, (B, R, P), jnp.float32)
    origins = jax.random.normal(k3, (B, R, 3), jnp.float32)
    directions = jax.random.normal(k4, (B, R, 3), jnp.float32)
    xys = jax.random.uniform(k5, (B, R, 2), jnp.float32)
    return {"origins": origins, "directions": directions, "lengths": lengths, "xys": xys, "ray_weights": ray_weights}


def reference(origins, directions, lengths, xys, ray_weights):
    n_pts_per_ray = 64
    add_input_samples = True
    z_vals = lengths
    # torch.lerp(z[...,1:], z[...,:-1], 0.5) == midpoints
    z_vals_mid = 0.5 * (z_vals[..., 1:] + z_vals[..., :-1])
    w = ray_weights.reshape(-1, ray_weights.shape[-1])[:, 1:-1]
    z_samples = sample_pdf(z_vals_mid.reshape(-1, z_vals_mid.shape[-1]), w, n_pts_per_ray)
    z_samples = z_samples.reshape(z_vals.shape[:-1] + (n_pts_per_ray,))
    z_samples = jax.lax.stop_gradient(z_samples)  # torch.no_grad() block
    if add_input_samples:
        z_out = jnp.concatenate([z_vals, z_samples], axis=-1)
    else:
        z_out = z_samples
    z_out = jnp.sort(z_out, axis=-1)
    # RayBundle(origins, directions, lengths=z_out, xys)
    return (origins, directions, z_out, xys)

if __name__ == "__main__":
    import jax
    _d = setup_inputs()
    print(jax.jit(kernel)(*tuple(_d.values())))

</pallas_src>

<mosaic_0001>
#map = affine_map<(d0, d1) -> (0, 0)>
module attributes {stable_mosaic.version = 14 : i64} {
  func.func @_refine_body(%arg0: i32, %arg1: i32, %arg2: memref<65536x64xf32, #tpu.memory_space<hbm>>, %arg3: memref<65536x64xf32, #tpu.memory_space<hbm>>, %arg4: memref<65536x128xf32, #tpu.memory_space<hbm>>, %arg5: memref<64x64xf32, #tpu.memory_space<vmem>>, %arg6: memref<64x64xf32, #tpu.memory_space<vmem>>, %arg7: memref<64x64xf32, #tpu.memory_space<vmem>>, %arg8: memref<64x64xf32, #tpu.memory_space<vmem>>, %arg9: memref<64x128xf32, #tpu.memory_space<vmem>>, %arg10: memref<63x16xf32, #tpu.memory_space<vmem>>, %arg11: memref<63x16xf32, #tpu.memory_space<vmem>>, %arg12: memref<63x16xf32, #tpu.memory_space<vmem>>, %arg13: memref<63x16xf32, #tpu.memory_space<vmem>>, %arg14: memref<63x16xf32, #tpu.memory_space<vmem>>, %arg15: memref<63x16xf32, #tpu.memory_space<vmem>>, %arg16: memref<63x16xf32, #tpu.memory_space<vmem>>, %arg17: memref<63x16xf32, #tpu.memory_space<vmem>>, %arg18: memref<64x16xi32, #tpu.memory_space<vmem>>, %arg19: memref<64x16xi32, #tpu.memory_space<vmem>>, %arg20: memref<64x16xi32, #tpu.memory_space<vmem>>, %arg21: memref<64x16xi32, #tpu.memory_space<vmem>>, %arg22: memref<128x16xi32, #tpu.memory_space<vmem>>, %arg23: memref<128x16xi32, #tpu.memory_space<vmem>>, %arg24: memref<128x16xi32, #tpu.memory_space<vmem>>, %arg25: memref<128x16xi32, #tpu.memory_space<vmem>>, %arg26: memref<!tpu.dma_semaphore, #tpu.memory_space<semaphore_mem>>, %arg27: memref<!tpu.dma_semaphore, #tpu.memory_space<semaphore_mem>>, %arg28: memref<!tpu.dma_semaphore, #tpu.memory_space<semaphore_mem>>, %arg29: memref<!tpu.dma_semaphore, #tpu.memory_space<semaphore_mem>>, %arg30: memref<!tpu.dma_semaphore, #tpu.memory_space<semaphore_mem>>) attributes {dimension_semantics = [#tpu.dimension_semantics<core_parallel>, #tpu.dimension_semantics<subcore_parallel>], iteration_bounds = array<i64: 2, 16>, scalar_prefetch = 0 : i64, scratch_operands = 26 : i64, tpu.core_type = #tpu.core_type<sc_vector_subcore>, window_params = [{transform_indices = #map}, {transform_indices = #map}, {transform_indices = #map}]} {
    %mul3A = arith.constant 2 : i32
    %mul3A_0 = arith.muli %arg1, %mul3A : i32
    %add3A = arith.addi %mul3A_0, %arg0 : i32
    %mul3A_1 = arith.constant 2048 : i32
    %mul3A_2 = arith.muli %add3A, %mul3A_1 : i32
    %iota3A = tpu.iota {dimensions = array<i32: 0>} : vector<16xi32>
    %add3A_3 = arith.constant 0 : i32
    %add3A_4 = arith.addi %mul3A_2, %add3A_3 : i32
    %dma_start3A = arith.constant 0 : i32
    %dma_start3A_5 = tpu.memref_slice %arg2[%add3A_4, %dma_start3A] : memref<65536x64xf32, #tpu.memory_space<hbm>> -> memref<64x64xf32, #tpu.memory_space<hbm>>
    %dma_start3A_6 = arith.constant 0 : i32
    %dma_start3A_7 = tpu.memref_slice %arg2[%add3A_4, %dma_start3A_6] : memref<65536x64xf32, #tpu.memory_space<hbm>> -> memref<64x64xf32, #tpu.memory_space<hbm>>
    tpu.enqueue_dma source(%dma_start3A_7 : memref<64x64xf32, #tpu.memory_space<hbm>>) target(%arg5 : memref<64x64xf32, #tpu.memory_space<vmem>>) target_semaphore(%arg26 : memref<!tpu.dma_semaphore, #tpu.memory_space<semaphore_mem>>)
    %add3A_8 = arith.constant 0 : i32
    %add3A_9 = arith.addi %mul3A_2, %add3A_8 : i32
    %dma_start3A_10 = arith.constant 0 : i32
    %dma_start3A_11 = tpu.memref_slice %arg3[%add3A_9, %dma_start3A_10] : memref<65536x64xf32, #tpu.memory_space<hbm>> -> memref<64x64xf32, #tpu.memory_space<hbm>>
    %dma_start3A_12 = arith.constant 0 : i32
    %dma_start3A_13 = tpu.memref_slice %arg3[%add3A_9, %dma_start3A_12] : memref<65536x64xf32, #tpu.memory_space<hbm>> -> memref<64x64xf32, #tpu.memory_space<hbm>>
    tpu.enqueue_dma source(%dma_start3A_13 : memref<64x64xf32, #tpu.memory_space<hbm>>) target(%arg7 : memref<64x64xf32, #tpu.memory_space<vmem>>) target_semaphore(%arg28 : memref<!tpu.dma_semaphore, #tpu.memory_space<semaphore_mem>>)
    %broadcast_in_dim3A = arith.constant 0 : i32
    %broadcast_in_dim3A_14 = vector.broadcast %broadcast_in_dim3A : i32 to vector<16xi32>
    %scan3A = arith.constant 0 : i32
    %scan3A_15 = arith.constant 0 : i32
    %scan3A_16 = arith.constant 128 : i32
    %scan3A_17 = arith.addi %scan3A_15, %scan3A_16 : i32
    %scan3A_18 = arith.constant 1 : i32
    scf.for %scan3A_31 = %scan3A_15 to %scan3A_17 step %scan3A_18  : i32 {
      %swap3A = arith.index_cast %scan3A_31 : i32 to index
      %swap3A_32 = arith.constant 0 : index
      %swap3A_33 = tpu.vector_load %arg22[%swap3A, %swap3A_32] {strides = array<i32>} : memref<128x16xi32, #tpu.memory_space<vmem>>, vector<16xi32>,
      tpu.vector_store %arg22[%swap3A, %swap3A_32], %broadcast_in_dim3A_14 {strides = array<i32>} : memref<128x16xi32, #tpu.memory_space<vmem>>, vector<16xi32>,
      %swap3A_34 = arith.index_cast %scan3A_31 : i32 to index
      %swap3A_35 = arith.constant 0 : index
      %swap3A_36 = tpu.vector_load %arg23[%swap3A_34, %swap3A_35] {strides = array<i32>} : memref<128x16xi32, #tpu.memory_space<vmem>>, vector<16xi32>,
      tpu.vector_store %arg23[%swap3A_34, %swap3A_35], %broadcast_in_dim3A_14 {strides = array<i32>} : memref<128x16xi32, #tpu.memory_space<vmem>>, vector<16xi32>,
      %swap3A_37 = arith.index_cast %scan3A_31 : i32 to index
      %swap3A_38 = arith.constant 0 : index
      %swap3A_39 = tpu.vector_load %arg24[%swap3A_37, %swap3A_38] {strides = array<i32>} : memref<128x16xi32, #tpu.memory_space<vmem>>, vector<16xi32>,
      tpu.vector_store %arg24[%swap3A_37, %swap3A_38], %broadcast_in_dim3A_14 {strides = array<i32>} : memref<128x16xi32, #tpu.memory_space<vmem>>, vector<16xi32>,
      %swap3A_40 = arith.index_cast %scan3A_31 : i32 to index
      %swap3A_41 = arith.constant 0 : index
      %swap3A_42 = tpu.vector_load %arg25[%swap3A_40, %swap3A_41] {strides = array<i32>} : memref<128x16xi32, #tpu.memory_space<vmem>>, vector<16xi32>,
      tpu.vector_store %arg25[%swap3A_40, %swap3A_41], %broadcast_in_dim3A_14 {strides = array<i32>} : memref<128x16xi32, #tpu.memory_space<vmem>>, vector<16xi32>,
    }
    %scan3A_19 = arith.constant 128 : i32
    %scan3A_20 = arith.constant 0 : i32
    %scan3A_21 = arith.constant 0 : i32
    %scan3A_22 = arith.constant 16 : i32
    %scan3A_23 = arith.addi %scan3A_21, %scan3A_22 : i32
    %scan3A_24 = arith.constant 1 : i32
    scf.for %scan3A_31 = %scan3A_21 to %scan3A_23 step %scan3A_24  : i32 {
      %mul3A_32 = arith.constant 2 : i32
      %mul3A_33 = arith.muli %scan3A_31, %mul3A_32 : i32
      %add3A_34 = arith.constant 1 : i32
      %add3A_35 = arith.addi %mul3A_33, %add3A_34 : i32
      %mul3A_36 = arith.constant 64 : i32
      %mul3A_37 = arith.muli %mul3A_33, %mul3A_36 : i32
      %add3A_38 = arith.addi %mul3A_2, %mul3A_37 : i32
      %dma_wait3A_39 = arith.constant 0 : i32
      %dma_wait3A_40 = tpu.memref_slice %arg2[%add3A_38, %dma_wait3A_39] : memref<65536x64xf32, #tpu.memory_space<hbm>> -> memref<64x64xf32, #tpu.memory_space<hbm>>
      %dma_wait3A_41 = arith.constant 0 : i32
      %dma_wait3A_42 = tpu.memref_slice %arg2[%add3A_38, %dma_wait3A_41] : memref<65536x64xf32, #tpu.memory_space<hbm>> -> memref<64x64xf32, #tpu.memory_space<hbm>>
      tpu.wait_dma2 semaphore(%arg26 : memref<!tpu.dma_semaphore, #tpu.memory_space<semaphore_mem>>) src(%dma_wait3A_42 : memref<64x64xf32, #tpu.memory_space<hbm>>) dst(%arg5 : memref<64x64xf32, #tpu.memory_space<vmem>>)
      %mul3A_43 = arith.constant 64 : i32
      %mul3A_44 = arith.muli %mul3A_33, %mul3A_43 : i32
      %add3A_45 = arith.addi %mul3A_2, %mul3A_44 : i32
      %dma_wait3A_46 = arith.constant 0 : i32
      %dma_wait3A_47 = tpu.memref_slice %arg3[%add3A_45, %dma_wait3A_46] : memref<65536x64xf32, #tpu.memory_space<hbm>> -> memref<64x64xf32, #tpu.memory_space<hbm>>
      %dma_wait3A_48 = arith.constant 0 : i32
      %dma_wait3A_49 = tpu.memref_slice %arg3[%add3A_45, %dma_wait3A_48] : memref<65536x64xf32, #tpu.memory_space<hbm>> -> memref<64x64xf32, #tpu.memory_space<hbm>>
      tpu.wait_dma2 semaphore(%arg28 : memref<!tpu.dma_semaphore, #tpu.memory_space<semaphore_mem>>) src(%dma_wait3A_49 : memref<64x64xf32, #tpu.memory_space<hbm>>) dst(%arg7 : memref<64x64xf32, #tpu.memory_space<vmem>>)
      %mul3A_50 = arith.constant 64 : i32
      %mul3A_51 = arith.muli %add3A_35, %mul3A_50 : i32
      %add3A_52 = arith.addi %mul3A_2, %mul3A_51 : i32
      %dma_start3A_53 = arith.constant 0 : i32
      %dma_start3A_54 = tpu.memref_slice %arg2[%add3A_52, %dma_start3A_53] : memref<65536x64xf32, #tpu.memory_space<hbm>> -> memref<64x64xf32, #tpu.memory_space<hbm>>
      %dma_start3A_55 = arith.constant 0 : i32
      %dma_start3A_56 = tpu.memref_slice %arg2[%add3A_52, %dma_start3A_55] : memref<65536x64xf32, #tpu.memory_space<hbm>> -> memref<64x64xf32, #tpu.memory_space<hbm>>
      tpu.enqueue_dma source(%dma_start3A_56 : memref<64x64xf32, #tpu.memory_space<hbm>>) target(%arg6 : memref<64x64xf32, #tpu.memory_space<vmem>>) target_semaphore(%arg27 : memref<!tpu.dma_semaphore, #tpu.memory_space<semaphore_mem>>)
      %mul3A_57 = arith.constant 64 : i32
      %mul3A_58 = arith.muli %add3A_35, %mul3A_57 : i32
      %add3A_59 = arith.addi %mul3A_2, %mul3A_58 : i32
      %dma_start3A_60 = arith.constant 0 : i32
      %dma_start3A_61 = tpu.memref_slice %arg3[%add3A_59, %dma_start3A_60] : memref<65536x64xf32, #tpu.memory_space<hbm>> -> memref<64x64xf32, #tpu.memory_space<hbm>>
      %dma_start3A_62 = arith.constant 0 : i32
      %dma_start3A_63 = tpu.memref_slice %arg3[%add3A_59, %dma_start3A_62] : memref<65536x64xf32, #tpu.memory_space<hbm>> -> memref<64x64xf32, #tpu.memory_space<hbm>>
      tpu.enqueue_dma source(%dma_start3A_63 : memref<64x64xf32, #tpu.memory_space<hbm>>) target(%arg8 : memref<64x64xf32, #tpu.memory_space<vmem>>) target_semaphore(%arg29 : memref<!tpu.dma_semaphore, #tpu.memory_space<semaphore_mem>>)
      %add3A_64 = arith.constant 1 : i32
      %add3A_65 = arith.addi %mul3A_33, %add3A_64 : i32
      %broadcast_in_dim3A_66 = vector.broadcast %add3A_65 : i32 to vector<16xi32>
      %add3A_67 = arith.constant 0 : i32
      %add3A_68 = vector.broadcast %add3A_67 : i32 to vector<16xi32>
      %add3A_69 = arith.addi %iota3A, %add3A_68 : vector<16xi32>
      %add3A_70 = arith.constant 16 : i32
      %add3A_71 = vector.broadcast %add3A_70 : i32 to vector<16xi32>
      %add3A_72 = arith.addi %iota3A, %add3A_71 : vector<16xi32>
      %add3A_73 = arith.constant 32 : i32
      %add3A_74 = vector.broadcast %add3A_73 : i32 to vector<16xi32>
      %add3A_75 = arith.addi %iota3A, %add3A_74 : vector<16xi32>
      %add3A_76 = arith.constant 48 : i32
      %add3A_77 = vector.broadcast %add3A_76 : i32 to vector<16xi32>
      %add3A_78 = arith.addi %iota3A, %add3A_77 : vector<16xi32>
      %broadcast_in_dim3A_79 = arith.constant 0.000000e+00 : f32
      %broadcast_in_dim3A_80 = vector.broadcast %broadcast_in_dim3A_79 : f32 to vector<16xf32>
      %broadcast_in_dim3A_81 = arith.constant 0 : i32
      %broadcast_in_dim3A_82 = vector.broadcast %broadcast_in_dim3A_81 : i32 to vector<16xi32>
      %swap3A = arith.constant 0 : i32
      %swap3A_83 = arith.index_cast %swap3A : i32 to index
      %swap3A_84 = arith.constant 0 : index
      %swap3A_85 = tpu.vector_load %arg10[%swap3A_83, %swap3A_84] {strides = array<i32>} : memref<63x16xf32, #tpu.memory_space<vmem>>, vector<16xf32>,
      tpu.vector_store %arg10[%swap3A_83, %swap3A_84], %broadcast_in_dim3A_80 {strides = array<i32>} : memref<63x16xf32, #tpu.memory_space<vmem>>, vector<16xf32>,
      %swap3A_86 = arith.constant 0 : i32
      %swap3A_87 = arith.index_cast %swap3A_86 : i32 to index
      %swap3A_88 = arith.constant 0 : index
      %swap3A_89 = tpu.vector_load %arg11[%swap3A_87, %swap3A_88] {strides = array<i32>} : memref<63x16xf32, #tpu.memory_space<vmem>>, vector<16xf32>,
      tpu.vector_store %arg11[%swap3A_87, %swap3A_88], %broadcast_in_dim3A_80 {strides = array<i32>} : memref<63x16xf32, #tpu.memory_space<vmem>>, vector<16xf32>,
      %swap3A_90 = arith.constant 0 : i32
      %swap3A_91 = arith.index_cast %swap3A_90 : i32 to index
      %swap3A_92 = arith.constant 0 : index
      %swap3A_93 = tpu.vector_load %arg12[%swap3A_91, %swap3A_92] {strides = array<i32>} : memref<63x16xf32, #tpu.memory_space<vmem>>, vector<16xf32>,
      tpu.vector_store %arg12[%swap3A_91, %swap3A_92], %broadcast_in_dim3A_80 {strides = array<i32>} : memref<63x16xf32, #tpu.memory_space<vmem>>, vector<16xf32>,
      %swap3A_94 = arith.constant 0 : i32
      %swap3A_95 = arith.index_cast %swap3A_94 : i32 to index
      %swap3A_96 = arith.constant 0 : index
      %swap3A_97 = tpu.vector_load %arg13[%swap3A_95, %swap3A_96] {strides = array<i32>} : memref<63x16xf32, #tpu.memory_space<vmem>>, vector<16xf32>,
      tpu.vector_store %arg13[%swap3A_95, %swap3A_96], %broadcast_in_dim3A_80 {strides = array<i32>} : memref<63x16xf32, #tpu.memory_space<vmem>>, vector<16xf32>,
      %gather3A = tpu.vector_load_idx %arg5[%add3A_69, %broadcast_in_dim3A_82] : memref<64x64xf32, #tpu.memory_space<vmem>>[vector<16xi32>, vector<16xi32>], vector<16xf32>,
      %gather3A_98 = tpu.vector_load_idx %arg5[%add3A_72, %broadcast_in_dim3A_82] : memref<64x64xf32, #tpu.memory_space<vmem>>[vector<16xi32>, vector<16xi32>], vector<16xf32>,
      %gather3A_99 = tpu.vector_load_idx %arg5[%add3A_75, %broadcast_in_dim3A_82] : memref<64x64xf32, #tpu.memory_space<vmem>>[vector<16xi32>, vector<16xi32>], vector<16xf32>,
      %gather3A_100 = tpu.vector_load_idx %arg5[%add3A_78, %broadcast_in_dim3A_82] : memref<64x64xf32, #tpu.memory_space<vmem>>[vector<16xi32>, vector<16xi32>], vector<16xf32>,
      %parallel_loop3A = arith.constant 0 : i32
      %parallel_loop3A_101 = arith.constant 62 : i32
      %parallel_loop3A_102 = arith.constant 1 : i32
      %parallel_loop3A_103:8 = scf.for %parallel_loop3A_369 = %parallel_loop3A to %parallel_loop3A_101 step %parallel_loop3A_102 iter_args(%parallel_loop3A_370 = %broadcast_in_dim3A_80, %parallel_loop3A_371 = %broadcast_in_dim3A_80, %parallel_loop3A_372 = %broadcast_in_dim3A_80, %parallel_loop3A_373 = %broadcast_in_dim3A_80, %parallel_loop3A_374 = %gather3A, %parallel_loop3A_375 = %gather3A_98, %parallel_loop3A_376 = %gather3A_99, %parallel_loop3A_377 = %gather3A_100) -> (vector<16xf32>, vector<16xf32>, vector<16xf32>, vector<16xf32>, vector<16xf32>, vector<16xf32>, vector<16xf32>, vector<16xf32>)  : i32 {
        %parallel_loop3A_378 = vector.broadcast %parallel_loop3A_369 : i32 to vector<16xi32>
        %parallel_loop3A_379 = arith.constant 1 : i32
        %parallel_loop3A_380 = vector.broadcast %parallel_loop3A_379 : i32 to vector<16xi32>
        %parallel_loop3A_381 = arith.addi %parallel_loop3A_378, %parallel_loop3A_380 : vector<16xi32>
        %parallel_loop3A_382 = tpu.vector_load_idx %arg7[%add3A_69, %parallel_loop3A_381] : memref<64x64xf32, #tpu.memory_space<vmem>>[vector<16xi32>, vector<16xi32>], vector<16xf32>,
        %parallel_loop3A_383 = arith.constant 1 : i32
        %parallel_loop3A_384 = vector.broadcast %parallel_loop3A_383 : i32 to vector<16xi32>
        %parallel_loop3A_385 = arith.addi %parallel_loop3A_378, %parallel_loop3A_384 : vector<16xi32>
        %parallel_loop3A_386 = tpu.vector_load_idx %arg5[%add3A_69, %parallel_loop3A_385] : memref<64x64xf32, #tpu.memory_space<vmem>>[vector<16xi32>, vector<16xi32>], vector<16xf32>,
        %parallel_loop3A_387 = arith.constant 9.99999974E-6 : f32
        %parallel_loop3A_388 = vector.broadcast %parallel_loop3A_387 : f32 to vector<16xf32>
        %parallel_loop3A_389 = arith.addf %parallel_loop3A_382, %parallel_loop3A_388 : vector<16xf32>
        %parallel_loop3A_390 = arith.addf %parallel_loop3A_370, %parallel_loop3A_389 : vector<16xf32>
        %parallel_loop3A_391 = arith.constant 1 : i32
        %parallel_loop3A_392 = arith.addi %parallel_loop3A_369, %parallel_loop3A_391 : i32
        %parallel_loop3A_393 = arith.index_cast %parallel_loop3A_392 : i32 to index
        %parallel_loop3A_394 = arith.constant 0 : index
        %parallel_loop3A_395 = tpu.vector_load %arg10[%parallel_loop3A_393, %parallel_loop3A_394] {strides = array<i32>} : memref<63x16xf32, #tpu.memory_space<vmem>>, vector<16xf32>,
        tpu.vector_store %arg10[%parallel_loop3A_393, %parallel_loop3A_394], %parallel_loop3A_390 {strides = array<i32>} : memref<63x16xf32, #tpu.memory_space<vmem>>, vector<16xf32>,
        %parallel_loop3A_396 = arith.addf %parallel_loop3A_374, %parallel_loop3A_386 : vector<16xf32>
        %parallel_loop3A_397 = arith.constant 5.000000e-01 : f32
        %parallel_loop3A_398 = vector.broadcast %parallel_loop3A_397 : f32 to vector<16xf32>
        %parallel_loop3A_399 = arith.mulf %parallel_loop3A_398, %parallel_loop3A_396 : vector<16xf32>
        %parallel_loop3A_400 = arith.index_cast %parallel_loop3A_369 : i32 to index
        %parallel_loop3A_401 = arith.constant 0 : index
        %parallel_loop3A_402 = tpu.vector_load %arg14[%parallel_loop3A_400, %parallel_loop3A_401] {strides = array<i32>} : memref<63x16xf32, #tpu.memory_space<vmem>>, vector<16xf32>,
        tpu.vector_store %arg14[%parallel_loop3A_400, %parallel_loop3A_401], %parallel_loop3A_399 {strides = array<i32>} : memref<63x16xf32, #tpu.memory_space<vmem>>, vector<16xf32>,
        %parallel_loop3A_403 = arith.constant 1 : i32
        %parallel_loop3A_404 = vector.broadcast %parallel_loop3A_403 : i32 to vector<16xi32>
        %parallel_loop3A_405 = arith.addi %parallel_loop3A_378, %parallel_loop3A_404 : vector<16xi32>
        %parallel_loop3A_406 = tpu.vector_load_idx %arg7[%add3A_72, %parallel_loop3A_405] : memref<64x64xf32, #tpu.memory_space<vmem>>[vector<16xi32>, vector<16xi32>], vector<16xf32>,
        %parallel_loop3A_407 = arith.constant 1 : i32
        %parallel_loop3A_408 = vector.broadcast %parallel_loop3A_407 : i32 to vector<16xi32>
        %parallel_loop3A_409 = arith.addi %parallel_loop3A_378, %parallel_loop3A_408 : vector<16xi32>
        %parallel_loop3A_410 = tpu.vector_load_idx %arg5[%add3A_72, %parallel_loop3A_409] : memref<64x64xf32, #tpu.memory_space<vmem>>[vector<16xi32>, vector<16xi32>], vector<16xf32>,
        %parallel_loop3A_411 = arith.constant 9.99999974E-6 : f32
        %parallel_loop3A_412 = vector.broadcast %parallel_loop3A_411 : f32 to vector<16xf32>
        %parallel_loop3A_413 = arith.addf %parallel_loop3A_406, %parallel_loop3A_412 : vector<16xf32>
        %parallel_loop3A_414 = arith.addf %parallel_loop3A_371, %parallel_loop3A_413 : vector<16xf32>
        %parallel_loop3A_415 = arith.constant 1 : i32
        %parallel_loop3A_416 = arith.addi %parallel_loop3A_369, %parallel_loop3A_415 : i32
        %parallel_loop3A_417 = arith.index_cast %parallel_loop3A_416 : i32 to index
        %parallel_loop3A_418 = arith.constant 0 : index
        %parallel_loop3A_419 = tpu.vector_load %arg11[%parallel_loop3A_417, %parallel_loop3A_418] {strides = array<i32>} : memref<63x16xf32, #tpu.memory_space<vmem>>, vector<16xf32>,
        tpu.vector_store %arg11[%parallel_loop3A_417, %parallel_loop3A_418], %parallel_loop3A_414 {strides = array<i32>} : memref<63x16xf32, #tpu.memory_space<vmem>>, vector<16xf32>,
        %parallel_loop3A_420 = arith.addf %parallel_loop3A_375, %parallel_loop3A_410 : vector<16xf32>
        %parallel_loop3A_421 = arith.constant 5.000000e-01 : f32
        %parallel_loop3A_422 = vector.broadcast %parallel_loop3A_421 : f32 to vector<16xf32>
        %parallel_loop3A_423 = arith.mulf %parallel_loop3A_422, %parallel_loop3A_420 : vector<16xf32>
        %parallel_loop3A_424 = arith.index_cast %parallel_loop3A_369 : i32 to index
        %parallel_loop3A_425 = arith.constant 0 : index
        %parallel_loop3A_426 = tpu.vector_load %arg15[%parallel_loop3A_424, %parallel_loop3A_425] {strides = array<i32>} : memref<63x16xf32, #tpu.memory_space<vmem>>, vector<16xf32>,
        tpu.vector_store %arg15[%parallel_loop3A_424, %parallel_loop3A_425], %parallel_loop3A_423 {strides = array<i32>} : memref<63x16xf32, #tpu.memory_space<vmem>>, vector<16xf32>,
        %parallel_loop3A_427 = arith.constant 1 : i32
        %parallel_loop3A_428 = vector.broadcast %parallel_loop3A_427 : i32 to vector<16xi32>
        %parallel_loop3A_429 = arith.addi %parallel_loop3A_378, %parallel_loop3A_428 : vector<16xi32>
        %parallel_loop3A_430 = tpu.vector_load_idx %arg7[%add3A_75, %parallel_loop3A_429] : memref<64x64xf32, #tpu.memory_space<vmem>>[vector<16xi32>, vector<16xi32>], vector<16xf32>,
        %parallel_loop3A_431 = arith.constant 1 : i32
        %parallel_loop3A_432 = vector.broadcast %parallel_loop3A_431 : i32 to vector<16xi32>
        %parallel_loop3A_433 = arith.addi %parallel_loop3A_378, %parallel_loop3A_432 : vector<16xi32>
        %parallel_loop3A_434 = tpu.vector_load_idx %arg5[%add3A_75, %parallel_loop3A_433] : memref<64x64xf32, #tpu.memory_space<vmem>>[vector<16xi32>, vector<16xi32>], vector<16xf32>,
        %parallel_loop3A_435 = arith.constant 9.99999974E-6 : f32
        %parallel_loop3A_436 = vector.broadcast %parallel_loop3A_435 : f32 to vector<16xf32>
        %parallel_loop3A_437 = arith.addf %parallel_loop3A_430, %parallel_loop3A_436 : vector<16xf32>
        %parallel_loop3A_438 = arith.addf %parallel_loop3A_372, %parallel_loop3A_437 : vector<16xf32>
        %parallel_loop3A_439 = arith.constant 1 : i32
        %parallel_loop3A_440 = arith.addi %parallel_loop3A_369, %parallel_loop3A_439 : i32
        %parallel_loop3A_441 = arith.index_cast %parallel_loop3A_440 : i32 to index
        %parallel_loop3A_442 = arith.constant 0 : index
        %parallel_loop3A_443 = tpu.vector_load %arg12[%parallel_loop3A_441, %parallel_loop3A_442] {strides = array<i32>} : memref<63x16xf32, #tpu.memory_space<vmem>>, vector<16xf32>,
        tpu.vector_store %arg12[%parallel_loop3A_441, %parallel_loop3A_442], %parallel_loop3A_438 {strides = array<i32>} : memref<63x16xf32, #tpu.memory_space<vmem>>, vector<16xf32>,
        %parallel_loop3A_444 = arith.addf %parallel_loop3A_376, %parallel_loop3A_434 : vector<16xf32>
        %parallel_loop3A_445 = arith.constant 5.000000e-01 : f32
        %parallel_loop3A_446 = vector.broadcast %parallel_loop3A_445 : f32 to vector<16xf32>
        %parallel_loop3A_447 = arith.mulf %parallel_loop3A_446, %parallel_loop3A_444 : vector<16xf32>
        %parallel_loop3A_448 = arith.index_cast %parallel_loop3A_369 : i32 to index
        %parallel_loop3A_449 = arith.constant 0 : index
        %parallel_loop3A_450 = tpu.vector_load %arg16[%parallel_loop3A_448, %parallel_loop3A_449] {strides = array<i32>} : memref<63x16xf32, #tpu.memory_space<vmem>>, vector<16xf32>,
        tpu.vector_store %arg16[%parallel_loop3A_448, %parallel_loop3A_449], %parallel_loop3A_447 {strides = array<i32>} : memref<63x16xf32, #tpu.memory_space<vmem>>, vector<16xf32>,
        %parallel_loop3A_451 = arith.constant 1 : i32
        %parallel_loop3A_452 = vector.broadcast %parallel_loop3A_451 : i32 to vector<16xi32>
        %parallel_loop3A_453 = arith.addi %parallel_loop3A_378, %parallel_loop3A_452 : vector<16xi32>
        %parallel_loop3A_454 = tpu.vector_load_idx %arg7[%add3A_78, %parallel_loop3A_453] : memref<64x64xf32, #tpu.memory_space<vmem>>[vector<16xi32>, vector<16xi32>], vector<16xf32>,
        %parallel_loop3A_455 = arith.constant 1 : i32
        %parallel_loop3A_456 = vector.broadcast %parallel_loop3A_455 : i32 to vector<16xi32>
        %parallel_loop3A_457 = arith.addi %parallel_loop3A_378, %parallel_loop3A_456 : vector<16xi32>
        %parallel_loop3A_458 = tpu.vector_load_idx %arg5[%add3A_78, %parallel_loop3A_457] : memref<64x64xf32, #tpu.memory_space<vmem>>[vector<16xi32>, vector<16xi32>], vector<16xf32>,
        %parallel_loop3A_459 = arith.constant 9.99999974E-6 : f32
        %parallel_loop3A_460 = vector.broadcast %parallel_loop3A_459 : f32 to vector<16xf32>
        %parallel_loop3A_461 = arith.addf %parallel_loop3A_454, %parallel_loop3A_460 : vector<16xf32>
        %parallel_loop3A_462 = arith.addf %parallel_loop3A_373, %parallel_loop3A_461 : vector<16xf32>
        %parallel_loop3A_463 = arith.constant 1 : i32
        %parallel_loop3A_464 = arith.addi %parallel_loop3A_369, %parallel_loop3A_463 : i32
        %parallel_loop3A_465 = arith.index_cast %parallel_loop3A_464 : i32 to index
        %parallel_loop3A_466 = arith.constant 0 : index
        %parallel_loop3A_467 = tpu.vector_load %arg13[%parallel_loop3A_465, %parallel_loop3A_466] {strides = array<i32>} : memref<63x16xf32, #tpu.memory_space<vmem>>, vector<16xf32>,
        tpu.vector_store %arg13[%parallel_loop3A_465, %parallel_loop3A_466], %parallel_loop3A_462 {strides = array<i32>} : memref<63x16xf32, #tpu.memory_space<vmem>>, vector<16xf32>,
        %parallel_loop3A_468 = arith.addf %parallel_loop3A_377, %parallel_loop3A_458 : vector<16xf32>
        %parallel_loop3A_469 = arith.constant 5.000000e-01 : f32
        %parallel_loop3A_470 = vector.broadcast %parallel_loop3A_469 : f32 to vector<16xf32>
        %parallel_loop3A_471 = arith.mulf %parallel_loop3A_470, %parallel_loop3A_468 : vector<16xf32>
        %parallel_loop3A_472 = arith.index_cast %parallel_loop3A_369 : i32 to index
        %parallel_loop3A_473 = arith.constant 0 : index
        %parallel_loop3A_474 = tpu.vector_load %arg17[%parallel_loop3A_472, %parallel_loop3A_473] {strides = array<i32>} : memref<63x16xf32, #tpu.memory_space<vmem>>, vector<16xf32>,
        tpu.vector_store %arg17[%parallel_loop3A_472, %parallel_loop3A_473], %parallel_loop3A_471 {strides = array<i32>} : memref<63x16xf32, #tpu.memory_space<vmem>>, vector<16xf32>,
        scf.yield %parallel_loop3A_390, %parallel_loop3A_414, %parallel_loop3A_438, %parallel_loop3A_462, %parallel_loop3A_386, %parallel_loop3A_410, %parallel_loop3A_434, %parallel_loop3A_458 : vector<16xf32>, vector<16xf32>, vector<16xf32>, vector<16xf32>, vector<16xf32>, vector<16xf32>, vector<16xf32>, vector<16xf32>
      } {sc.loop_unroll_factor = 2 : i64, sc.parallel_access}
      %broadcast_in_dim3A_104 = arith.constant 63 : i32
      %broadcast_in_dim3A_105 = vector.broadcast %broadcast_in_dim3A_104 : i32 to vector<16xi32>
      %gather3A_106 = tpu.vector_load_idx %arg5[%add3A_69, %broadcast_in_dim3A_105] : memref<64x64xf32, #tpu.memory_space<vmem>>[vector<16xi32>, vector<16xi32>], vector<16xf32>,
      %add3A_107 = arith.addf %parallel_loop3A_103#4, %gather3A_106 : vector<16xf32>
      %mul3A_108 = arith.constant 5.000000e-01 : f32
      %mul3A_109 = vector.broadcast %mul3A_108 : f32 to vector<16xf32>
      %mul3A_110 = arith.mulf %mul3A_109, %add3A_107 : vector<16xf32>
      %swap3A_111 = arith.constant 62 : i32
      %swap3A_112 = arith.index_cast %swap3A_111 : i32 to index
      %swap3A_113 = arith.constant 0 : index
      %swap3A_114 = tpu.vector_load %arg14[%swap3A_112, %swap3A_113] {strides = array<i32>} : memref<63x16xf32, #tpu.memory_space<vmem>>, vector<16xf32>,
      tpu.vector_store %arg14[%swap3A_112, %swap3A_113], %mul3A_110 {strides = array<i32>} : memref<63x16xf32, #tpu.memory_space<vmem>>, vector<16xf32>,
      %gather3A_115 = tpu.vector_load_idx %arg5[%add3A_72, %broadcast_in_dim3A_105] : memref<64x64xf32, #tpu.memory_space<vmem>>[vector<16xi32>, vector<16xi32>], vector<16xf32>,
      %add3A_116 = arith.addf %parallel_loop3A_103#5, %gather3A_115 : vector<16xf32>
      %mul3A_117 = arith.constant 5.000000e-01 : f32
      %mul3A_118 = vector.broadcast %mul3A_117 : f32 to vector<16xf32>
      %mul3A_119 = arith.mulf %mul3A_118, %add3A_116 : vector<16xf32>
      %swap3A_120 = arith.constant 62 : i32
      %swap3A_121 = arith.index_cast %swap3A_120 : i32 to index
      %swap3A_122 = arith.constant 0 : index
      %swap3A_123 = tpu.vector_load %arg15[%swap3A_121, %swap3A_122] {strides = array<i32>} : memref<63x16xf32, #tpu.memory_space<vmem>>, vector<16xf32>,
      tpu.vector_store %arg15[%swap3A_121, %swap3A_122], %mul3A_119 {strides = array<i32>} : memref<63x16xf32, #tpu.memory_space<vmem>>, vector<16xf32>,
      %gather3A_124 = tpu.vector_load_idx %arg5[%add3A_75, %broadcast_in_dim3A_105] : memref<64x64xf32, #tpu.memory_space<vmem>>[vector<16xi32>, vector<16xi32>], vector<16xf32>,
      %add3A_125 = arith.addf %parallel_loop3A_103#6, %gather3A_124 : vector<16xf32>
      %mul3A_126 = arith.constant 5.000000e-01 : f32
      %mul3A_127 = vector.broadcast %mul3A_126 : f32 to vector<16xf32>
      %mul3A_128 = arith.mulf %mul3A_127, %add3A_125 : vector<16xf32>
      %swap3A_129 = arith.constant 62 : i32
      %swap3A_130 = arith.index_cast %swap3A_129 : i32 to index
      %swap3A_131 = arith.constant 0 : index
      %swap3A_132 = tpu.vector_load %arg16[%swap3A_130, %swap3A_131] {strides = array<i32>} : memref<63x16xf32, #tpu.memory_space<vmem>>, vector<16xf32>,
      tpu.vector_store %arg16[%swap3A_130, %swap3A_131], %mul3A_128 {strides = array<i32>} : memref<63x16xf32, #tpu.memory_space<vmem>>, vector<16xf32>,
      %gather3A_133 = tpu.vector_load_idx %arg5[%add3A_78, %broadcast_in_dim3A_105] : memref<64x64xf32, #tpu.memory_space<vmem>>[vector<16xi32>, vector<16xi32>], vector<16xf32>,
      %add3A_134 = arith.addf %parallel_loop3A_103#7, %gather3A_133 : vector<16xf32>
      %mul3A_135 = arith.constant 5.000000e-01 : f32
      %mul3A_136 = vector.broadcast %mul3A_135 : f32 to vector<16xf32>
      %mul3A_137 = arith.mulf %mul3A_136, %add3A_134 : vector<16xf32>
      %swap3A_138 = arith.constant 62 : i32
      %swap3A_139 = arith.index_cast %swap3A_138 : i32 to index
      %swap3A_140 = arith.constant 0 : index
      %swap3A_141 = tpu.vector_load %arg17[%swap3A_139, %swap3A_140] {strides = array<i32>} : memref<63x16xf32, #tpu.memory_space<vmem>>, vector<16xf32>,
      tpu.vector_store %arg17[%swap3A_139, %swap3A_140], %mul3A_137 {strides = array<i32>} : memref<63x16xf32, #tpu.memory_space<vmem>>, vector<16xf32>,
      %div3A = arith.constant 6.300000e+01 : f32
      %div3A_142 = vector.broadcast %div3A : f32 to vector<16xf32>
      %div3A_143 = arith.divf %div3A_142, %parallel_loop3A_103#0 : vector<16xf32>
      %div3A_144 = arith.constant 6.300000e+01 : f32
      %div3A_145 = vector.broadcast %div3A_144 : f32 to vector<16xf32>
      %div3A_146 = arith.divf %div3A_145, %parallel_loop3A_103#1 : vector<16xf32>
      %div3A_147 = arith.constant 6.300000e+01 : f32
      %div3A_148 = vector.broadcast %div3A_147 : f32 to vector<16xf32>
      %div3A_149 = arith.divf %div3A_148, %parallel_loop3A_103#2 : vector<16xf32>
      %div3A_150 = arith.constant 6.300000e+01 : f32
      %div3A_151 = vector.broadcast %div3A_150 : f32 to vector<16xf32>
      %div3A_152 = arith.divf %div3A_151, %parallel_loop3A_103#3 : vector<16xf32>
      %parallel_loop3A_153 = arith.constant 0 : i32
      %parallel_loop3A_154 = arith.constant 64 : i32
      %parallel_loop3A_155 = arith.constant 1 : i32
      %parallel_loop3A_156 = arith.constant 0 : i32
      %parallel_loop3A_157 = scf.for %parallel_loop3A_369 = %parallel_loop3A_153 to %parallel_loop3A_154 step %parallel_loop3A_155 iter_args(%parallel_loop3A_370 = %parallel_loop3A_156) -> (i32)  : i32 {
        %parallel_loop3A_371 = arith.index_cast %parallel_loop3A_369 : i32 to index
        %parallel_loop3A_372 = arith.constant 0 : index
        %parallel_loop3A_373 = tpu.vector_load %arg18[%parallel_loop3A_371, %parallel_loop3A_372] {strides = array<i32>} : memref<64x16xi32, #tpu.memory_space<vmem>>, vector<16xi32>,
        tpu.vector_store %arg18[%parallel_loop3A_371, %parallel_loop3A_372], %broadcast_in_dim3A_82 {strides = array<i32>} : memref<64x16xi32, #tpu.memory_space<vmem>>, vector<16xi32>,
        %parallel_loop3A_374 = arith.index_cast %parallel_loop3A_369 : i32 to index
        %parallel_loop3A_375 = arith.constant 0 : index
        %parallel_loop3A_376 = tpu.vector_load %arg19[%parallel_loop3A_374, %parallel_loop3A_375] {strides = array<i32>} : memref<64x16xi32, #tpu.memory_space<vmem>>, vector<16xi32>,
        tpu.vector_store %arg19[%parallel_loop3A_374, %parallel_loop3A_375], %broadcast_in_dim3A_82 {strides = array<i32>} : memref<64x16xi32, #tpu.memory_space<vmem>>, vector<16xi32>,
        %parallel_loop3A_377 = arith.index_cast %parallel_loop3A_369 : i32 to index
        %parallel_loop3A_378 = arith.constant 0 : index
        %parallel_loop3A_379 = tpu.vector_load %arg20[%parallel_loop3A_377, %parallel_loop3A_378] {strides = array<i32>} : memref<64x16xi32, #tpu.memory_space<vmem>>, vector<16xi32>,
        tpu.vector_store %arg20[%parallel_loop3A_377, %parallel_loop3A_378], %broadcast_in_dim3A_82 {strides = array<i32>} : memref<64x16xi32, #tpu.memory_space<vmem>>, vector<16xi32>,
        %parallel_loop3A_380 = arith.index_cast %parallel_loop3A_369 : i32 to index
        %parallel_loop3A_381 = arith.constant 0 : index
        %parallel_loop3A_382 = tpu.vector_load %arg21[%parallel_loop3A_380, %parallel_loop3A_381] {strides = array<i32>} : memref<64x16xi32, #tpu.memory_space<vmem>>, vector<16xi32>,
        tpu.vector_store %arg21[%parallel_loop3A_380, %parallel_loop3A_381], %broadcast_in_dim3A_82 {strides = array<i32>} : memref<64x16xi32, #tpu.memory_space<vmem>>, vector<16xi32>,
        scf.yield %parallel_loop3A_370 : i32
      } {sc.loop_unroll_factor = 4 : i64, sc.parallel_access}
      %parallel_loop3A_158 = arith.constant 0 : i32
      %parallel_loop3A_159 = arith.constant 62 : i32
      %parallel_loop3A_160 = arith.constant 1 : i32
      %parallel_loop3A_161:4 = scf.for %parallel_loop3A_369 = %parallel_loop3A_158 to %parallel_loop3A_159 step %parallel_loop3A_160 iter_args(%parallel_loop3A_370 = %broadcast_in_dim3A_82, %parallel_loop3A_371 = %broadcast_in_dim3A_82, %parallel_loop3A_372 = %broadcast_in_dim3A_82, %parallel_loop3A_373 = %broadcast_in_dim3A_82) -> (vector<16xi32>, vector<16xi32>, vector<16xi32>, vector<16xi32>)  : i32 {
        %parallel_loop3A_374 = vector.broadcast %parallel_loop3A_369 : i32 to vector<16xi32>
        %parallel_loop3A_375 = arith.constant 1 : i32
        %parallel_loop3A_376 = arith.addi %parallel_loop3A_369, %parallel_loop3A_375 : i32
        %parallel_loop3A_377 = arith.index_cast %parallel_loop3A_376 : i32 to index
        %parallel_loop3A_378 = arith.constant 0 : index
        %parallel_loop3A_379 = tpu.vector_load %arg10[%parallel_loop3A_377, %parallel_loop3A_378] {strides = array<i32>} : memref<63x16xf32, #tpu.memory_space<vmem>>, vector<16xf32>,
        %parallel_loop3A_380 = arith.mulf %parallel_loop3A_379, %div3A_143 : vector<16xf32>
        %parallel_loop3A_381 = arith.fptosi %parallel_loop3A_380 : vector<16xf32> to vector<16xi32>
        %parallel_loop3A_382 = arith.sitofp %parallel_loop3A_381 : vector<16xi32> to vector<16xf32>
        %parallel_loop3A_383 = arith.cmpf olt, %parallel_loop3A_382, %parallel_loop3A_380 : vector<16xf32>
        %parallel_loop3A_384 = arith.constant 1 : i32
        %parallel_loop3A_385 = vector.broadcast %parallel_loop3A_384 : i32 to vector<16xi32>
        %parallel_loop3A_386 = arith.addi %parallel_loop3A_381, %parallel_loop3A_385 : vector<16xi32>
        %parallel_loop3A_387 = arith.select %parallel_loop3A_383, %parallel_loop3A_386, %parallel_loop3A_381 : vector<16xi1>, vector<16xi32>
        %parallel_loop3A_388 = arith.constant 0 : i32
        %parallel_loop3A_389 = arith.constant 63 : i32
        %parallel_loop3A_390 = vector.broadcast %parallel_loop3A_388 : i32 to vector<16xi32>
        %parallel_loop3A_391 = arith.maxsi %parallel_loop3A_390, %parallel_loop3A_370 : vector<16xi32>
        %parallel_loop3A_392 = vector.broadcast %parallel_loop3A_389 : i32 to vector<16xi32>
        %parallel_loop3A_393 = arith.minsi %parallel_loop3A_392, %parallel_loop3A_391 : vector<16xi32>
        %parallel_loop3A_394 = arith.cmpi sgt, %parallel_loop3A_387, %parallel_loop3A_370 : vector<16xi32>
        tpu.vector_store_idx %arg18[%parallel_loop3A_393, %iota3A], %parallel_loop3A_374 masked %parallel_loop3A_394 : memref<64x16xi32, #tpu.memory_space<vmem>>[vector<16xi32>, vector<16xi32>], vector<16xi32>, vector<16xi1>
        %parallel_loop3A_395 = arith.constant 1 : i32
        %parallel_loop3A_396 = arith.addi %parallel_loop3A_369, %parallel_loop3A_395 : i32
        %parallel_loop3A_397 = arith.index_cast %parallel_loop3A_396 : i32 to index
        %parallel_loop3A_398 = arith.constant 0 : index
        %parallel_loop3A_399 = tpu.vector_load %arg11[%parallel_loop3A_397, %parallel_loop3A_398] {strides = array<i32>} : memref<63x16xf32, #tpu.memory_space<vmem>>, vector<16xf32>,
        %parallel_loop3A_400 = arith.mulf %parallel_loop3A_399, %div3A_146 : vector<16xf32>
        %parallel_loop3A_401 = arith.fptosi %parallel_loop3A_400 : vector<16xf32> to vector<16xi32>
        %parallel_loop3A_402 = arith.sitofp %parallel_loop3A_401 : vector<16xi32> to vector<16xf32>
        %parallel_loop3A_403 = arith.cmpf olt, %parallel_loop3A_402, %parallel_loop3A_400 : vector<16xf32>
        %parallel_loop3A_404 = arith.constant 1 : i32
        %parallel_loop3A_405 = vector.broadcast %parallel_loop3A_404 : i32 to vector<16xi32>
        %parallel_loop3A_406 = arith.addi %parallel_loop3A_401, %parallel_loop3A_405 : vector<16xi32>
        %parallel_loop3A_407 = arith.select %parallel_loop3A_403, %parallel_loop3A_406, %parallel_loop3A_401 : vector<16xi1>, vector<16xi32>
        %parallel_loop3A_408 = arith.constant 0 : i32
        %parallel_loop3A_409 = arith.constant 63 : i32
        %parallel_loop3A_410 = vector.broadcast %parallel_loop3A_408 : i32 to vector<16xi32>
        %parallel_loop3A_411 = arith.maxsi %parallel_loop3A_410, %parallel_loop3A_371 : vector<16xi32>
        %parallel_loop3A_412 = vector.broadcast %parallel_loop3A_409 : i32 to vector<16xi32>
        %parallel_loop3A_413 = arith.minsi %parallel_loop3A_412, %parallel_loop3A_411 : vector<16xi32>
        %parallel_loop3A_414 = arith.cmpi sgt, %parallel_loop3A_407, %parallel_loop3A_371 : vector<16xi32>
        tpu.vector_store_idx %arg19[%parallel_loop3A_413, %iota3A], %parallel_loop3A_374 masked %parallel_loop3A_414 : memref<64x16xi32, #tpu.memory_space<vmem>>[vector<16xi32>, vector<16xi32>], vector<16xi32>, vector<16xi1>
        %parallel_loop3A_415 = arith.constant 1 : i32
        %parallel_loop3A_416 = arith.addi %parallel_loop3A_369, %parallel_loop3A_415 : i32
        %parallel_loop3A_417 = arith.index_cast %parallel_loop3A_416 : i32 to index
        %parallel_loop3A_418 = arith.constant 0 : index
        %parallel_loop3A_419 = tpu.vector_load %arg12[%parallel_loop3A_417, %parallel_loop3A_418] {strides = array<i32>} : memref<63x16xf32, #tpu.memory_space<vmem>>, vector<16xf32>,
        %parallel_loop3A_420 = arith.mulf %parallel_loop3A_419, %div3A_149 : vector<16xf32>
        %parallel_loop3A_421 = arith.fptosi %parallel_loop3A_420 : vector<16xf32> to vector<16xi32>
        %parallel_loop3A_422 = arith.sitofp %parallel_loop3A_421 : vector<16xi32> to vector<16xf32>
        %parallel_loop3A_423 = arith.cmpf olt, %parallel_loop3A_422, %parallel_loop3A_420 : vector<16xf32>
        %parallel_loop3A_424 = arith.constant 1 : i32
        %parallel_loop3A_425 = vector.broadcast %parallel_loop3A_424 : i32 to vector<16xi32>
        %parallel_loop3A_426 = arith.addi %parallel_loop3A_421, %parallel_loop3A_425 : vector<16xi32>
        %parallel_loop3A_427 = arith.select %parallel_loop3A_423, %parallel_loop3A_426, %parallel_loop3A_421 : vector<16xi1>, vector<16xi32>
        %parallel_loop3A_428 = arith.constant 0 : i32
        %parallel_loop3A_429 = arith.constant 63 : i32
        %parallel_loop3A_430 = vector.broadcast %parallel_loop3A_428 : i32 to vector<16xi32>
        %parallel_loop3A_431 = arith.maxsi %parallel_loop3A_430, %parallel_loop3A_372 : vector<16xi32>
        %parallel_loop3A_432 = vector.broadcast %parallel_loop3A_429 : i32 to vector<16xi32>
        %parallel_loop3A_433 = arith.minsi %parallel_loop3A_432, %parallel_loop3A_431 : vector<16xi32>
        %parallel_loop3A_434 = arith.cmpi sgt, %parallel_loop3A_427, %parallel_loop3A_372 : vector<16xi32>
        tpu.vector_store_idx %arg20[%parallel_loop3A_433, %iota3A], %parallel_loop3A_374 masked %parallel_loop3A_434 : memref<64x16xi32, #tpu.memory_space<vmem>>[vector<16xi32>, vector<16xi32>], vector<16xi32>, vector<16xi1>
        %parallel_loop3A_435 = arith.constant 1 : i32
        %parallel_loop3A_436 = arith.addi %parallel_loop3A_369, %parallel_loop3A_435 : i32
        %parallel_loop3A_437 = arith.index_cast %parallel_loop3A_436 : i32 to index
        %parallel_loop3A_438 = arith.constant 0 : index
        %parallel_loop3A_439 = tpu.vector_load %arg13[%parallel_loop3A_437, %parallel_loop3A_438] {strides = array<i32>} : memref<63x16xf32, #tpu.memory_space<vmem>>, vector<16xf32>,
        %parallel_loop3A_440 = arith.mulf %parallel_loop3A_439, %div3A_152 : vector<16xf32>
        %parallel_loop3A_441 = arith.fptosi %parallel_loop3A_440 : vector<16xf32> to vector<16xi32>
        %parallel_loop3A_442 = arith.sitofp %parallel_loop3A_441 : vector<16xi32> to vector<16xf32>
        %parallel_loop3A_443 = arith.cmpf olt, %parallel_loop3A_442, %parallel_loop3A_440 : vector<16xf32>
        %parallel_loop3A_444 = arith.constant 1 : i32
        %parallel_loop3A_445 = vector.broadcast %parallel_loop3A_444 : i32 to vector<16xi32>
        %parallel_loop3A_446 = arith.addi %parallel_loop3A_441, %parallel_loop3A_445 : vector<16xi32>
        %parallel_loop3A_447 = arith.select %parallel_loop3A_443, %parallel_loop3A_446, %parallel_loop3A_441 : vector<16xi1>, vector<16xi32>
        %parallel_loop3A_448 = arith.constant 0 : i32
        %parallel_loop3A_449 = arith.constant 63 : i32
        %parallel_loop3A_450 = vector.broadcast %parallel_loop3A_448 : i32 to vector<16xi32>
        %parallel_loop3A_451 = arith.maxsi %parallel_loop3A_450, %parallel_loop3A_373 : vector<16xi32>
        %parallel_loop3A_452 = vector.broadcast %parallel_loop3A_449 : i32 to vector<16xi32>
        %parallel_loop3A_453 = arith.minsi %parallel_loop3A_452, %parallel_loop3A_451 : vector<16xi32>
        %parallel_loop3A_454 = arith.cmpi sgt, %parallel_loop3A_447, %parallel_loop3A_373 : vector<16xi32>
        tpu.vector_store_idx %arg21[%parallel_loop3A_453, %iota3A], %parallel_loop3A_374 masked %parallel_loop3A_454 : memref<64x16xi32, #tpu.memory_space<vmem>>[vector<16xi32>, vector<16xi32>], vector<16xi32>, vector<16xi1>
        scf.yield %parallel_loop3A_387, %parallel_loop3A_407, %parallel_loop3A_427, %parallel_loop3A_447 : vector<16xi32>, vector<16xi32>, vector<16xi32>, vector<16xi32>
      } {sc.loop_unroll_factor = 2 : i64, sc.parallel_access}
      %broadcast_in_dim3A_162 = arith.constant 62 : i32
      %broadcast_in_dim3A_163 = vector.broadcast %broadcast_in_dim3A_162 : i32 to vector<16xi32>
      %jit3A = arith.constant 0 : i32
      %jit3A_164 = arith.constant 63 : i32
      %max3A = vector.broadcast %jit3A : i32 to vector<16xi32>
      %max3A_165 = arith.maxsi %max3A, %parallel_loop3A_161#0 : vector<16xi32>
      %min3A = vector.broadcast %jit3A_164 : i32 to vector<16xi32>
      %min3A_166 = arith.minsi %min3A, %max3A_165 : vector<16xi32>
      tpu.vector_store_idx %arg18[%min3A_166, %iota3A], %broadcast_in_dim3A_163 : memref<64x16xi32, #tpu.memory_space<vmem>>[vector<16xi32>, vector<16xi32>], vector<16xi32>,
      %jit3A_167 = arith.constant 0 : i32
      %jit3A_168 = arith.constant 63 : i32
      %max3A_169 = vector.broadcast %jit3A_167 : i32 to vector<16xi32>
      %max3A_170 = arith.maxsi %max3A_169, %parallel_loop3A_161#1 : vector<16xi32>
      %min3A_171 = vector.broadcast %jit3A_168 : i32 to vector<16xi32>
      %min3A_172 = arith.minsi %min3A_171, %max3A_170 : vector<16xi32>
      tpu.vector_store_idx %arg19[%min3A_172, %iota3A], %broadcast_in_dim3A_163 : memref<64x16xi32, #tpu.memory_space<vmem>>[vector<16xi32>, vector<16xi32>], vector<16xi32>,
      %jit3A_173 = arith.constant 0 : i32
      %jit3A_174 = arith.constant 63 : i32
      %max3A_175 = vector.broadcast %jit3A_173 : i32 to vector<16xi32>
      %max3A_176 = arith.maxsi %max3A_175, %parallel_loop3A_161#2 : vector<16xi32>
      %min3A_177 = vector.broadcast %jit3A_174 : i32 to vector<16xi32>
      %min3A_178 = arith.minsi %min3A_177, %max3A_176 : vector<16xi32>
      tpu.vector_store_idx %arg20[%min3A_178, %iota3A], %broadcast_in_dim3A_163 : memref<64x16xi32, #tpu.memory_space<vmem>>[vector<16xi32>, vector<16xi32>], vector<16xi32>,
      %jit3A_179 = arith.constant 0 : i32
      %jit3A_180 = arith.constant 63 : i32
      %max3A_181 = vector.broadcast %jit3A_179 : i32 to vector<16xi32>
      %max3A_182 = arith.maxsi %max3A_181, %parallel_loop3A_161#3 : vector<16xi32>
      %min3A_183 = vector.broadcast %jit3A_180 : i32 to vector<16xi32>
      %min3A_184 = arith.minsi %min3A_183, %max3A_182 : vector<16xi32>
      tpu.vector_store_idx %arg21[%min3A_184, %iota3A], %broadcast_in_dim3A_163 : memref<64x16xi32, #tpu.memory_space<vmem>>[vector<16xi32>, vector<16xi32>], vector<16xi32>,
      %gt3A = arith.constant 0 : i32
      %gt3A_185 = arith.cmpi sgt, %scan3A_31, %gt3A : i32
      %convert_element_type3A = arith.extui %gt3A_185 : i1 to i32
      %cond3A = arith.constant 0 : i32
      %cond3A_186 = arith.cmpi ne, %convert_element_type3A, %cond3A : i32
      scf.if %cond3A_186 {
        %add3A_369 = arith.constant 0 : i32
        %add3A_370 = arith.addi %mul3A_2, %add3A_369 : i32
        %dma_wait3A_371 = arith.constant 0 : i32
        %dma_wait3A_372 = tpu.memref_slice %arg4[%add3A_370, %dma_wait3A_371] : memref<65536x128xf32, #tpu.memory_space<hbm>> -> memref<64x128xf32, #tpu.memory_space<hbm>>
        %dma_wait3A_373 = arith.constant 0 : i32
        %dma_wait3A_374 = tpu.memref_slice %arg4[%add3A_370, %dma_wait3A_373] : memref<65536x128xf32, #tpu.memory_space<hbm>> -> memref<64x128xf32, #tpu.memory_space<hbm>>
        tpu.wait_dma2 semaphore(%arg30 : memref<!tpu.dma_semaphore, #tpu.memory_space<semaphore_mem>>) src(%arg9 : memref<64x128xf32, #tpu.memory_space<vmem>>) dst(%dma_wait3A_374 : memref<64x128xf32, #tpu.memory_space<hbm>>)
      } else {
      }
      %parallel_loop3A_187 = arith.constant 0 : i32
      %parallel_loop3A_188 = arith.constant 64 : i32
      %parallel_loop3A_189 = arith.constant 1 : i32
      %parallel_loop3A_190:4 = scf.for %parallel_loop3A_369 = %parallel_loop3A_187 to %parallel_loop3A_188 step %parallel_loop3A_189 iter_args(%parallel_loop3A_370 = %broadcast_in_dim3A_82, %parallel_loop3A_371 = %broadcast_in_dim3A_82, %parallel_loop3A_372 = %broadcast_in_dim3A_82, %parallel_loop3A_373 = %broadcast_in_dim3A_82) -> (vector<16xi32>, vector<16xi32>, vector<16xi32>, vector<16xi32>)  : i32 {
        %parallel_loop3A_374 = arith.sitofp %parallel_loop3A_369 : i32 to f32
        %parallel_loop3A_375 = arith.constant 0.0158730168 : f32
        %parallel_loop3A_376 = arith.mulf %parallel_loop3A_374, %parallel_loop3A_375 : f32
        %parallel_loop3A_377 = vector.broadcast %parallel_loop3A_369 : i32 to vector<16xi32>
        %parallel_loop3A_378 = arith.index_cast %parallel_loop3A_369 : i32 to index
        %parallel_loop3A_379 = arith.constant 0 : index
        %parallel_loop3A_380 = tpu.vector_load %arg18[%parallel_loop3A_378, %parallel_loop3A_379] {strides = array<i32>} : memref<64x16xi32, #tpu.memory_space<vmem>>, vector<16xi32>,
        %parallel_loop3A_381 = arith.maxsi %parallel_loop3A_370, %parallel_loop3A_380 : vector<16xi32>
        %parallel_loop3A_382 = arith.constant 1 : i32
        %parallel_loop3A_383 = vector.broadcast %parallel_loop3A_382 : i32 to vector<16xi32>
        %parallel_loop3A_384 = arith.addi %parallel_loop3A_381, %parallel_loop3A_383 : vector<16xi32>
        %parallel_loop3A_385 = arith.constant 62 : i32
        %parallel_loop3A_386 = vector.broadcast %parallel_loop3A_385 : i32 to vector<16xi32>
        %parallel_loop3A_387 = arith.minsi %parallel_loop3A_384, %parallel_loop3A_386 : vector<16xi32>
        %parallel_loop3A_388 = tpu.vector_load_idx %arg10[%parallel_loop3A_381, %iota3A] : memref<63x16xf32, #tpu.memory_space<vmem>>[vector<16xi32>, vector<16xi32>], vector<16xf32>,
        %parallel_loop3A_389 = tpu.vector_load_idx %arg10[%parallel_loop3A_387, %iota3A] : memref<63x16xf32, #tpu.memory_space<vmem>>[vector<16xi32>, vector<16xi32>], vector<16xf32>,
        %parallel_loop3A_390 = tpu.vector_load_idx %arg14[%parallel_loop3A_381, %iota3A] : memref<63x16xf32, #tpu.memory_space<vmem>>[vector<16xi32>, vector<16xi32>], vector<16xf32>,
        %parallel_loop3A_391 = tpu.vector_load_idx %arg14[%parallel_loop3A_387, %iota3A] : memref<63x16xf32, #tpu.memory_space<vmem>>[vector<16xi32>, vector<16xi32>], vector<16xf32>,
        %parallel_loop3A_392 = arith.constant 1 : i32
        %parallel_loop3A_393 = vector.broadcast %parallel_loop3A_392 : i32 to vector<16xi32>
        %parallel_loop3A_394 = arith.addi %parallel_loop3A_381, %parallel_loop3A_393 : vector<16xi32>
        %parallel_loop3A_395 = tpu.vector_load_idx %arg5[%add3A_69, %parallel_loop3A_394] : memref<64x64xf32, #tpu.memory_space<vmem>>[vector<16xi32>, vector<16xi32>], vector<16xf32>,
        %parallel_loop3A_396 = vector.broadcast %parallel_loop3A_376 : f32 to vector<16xf32>
        %parallel_loop3A_397 = arith.mulf %parallel_loop3A_396, %parallel_loop3A_103#0 : vector<16xf32>
        %parallel_loop3A_398 = arith.subf %parallel_loop3A_389, %parallel_loop3A_388 : vector<16xf32>
        %parallel_loop3A_399 = arith.constant 9.99999974E-6 : f32
        %parallel_loop3A_400 = vector.broadcast %parallel_loop3A_399 : f32 to vector<16xf32>
        %parallel_loop3A_401 = arith.mulf %parallel_loop3A_400, %parallel_loop3A_103#0 : vector<16xf32>
        %parallel_loop3A_402 = arith.cmpf olt, %parallel_loop3A_398, %parallel_loop3A_401 : vector<16xf32>
        %parallel_loop3A_403 = arith.select %parallel_loop3A_402, %parallel_loop3A_103#0, %parallel_loop3A_398 : vector<16xi1>, vector<16xf32>
        %parallel_loop3A_404 = arith.subf %parallel_loop3A_397, %parallel_loop3A_388 : vector<16xf32>
        %parallel_loop3A_405 = arith.divf %parallel_loop3A_404, %parallel_loop3A_403 : vector<16xf32>
        %parallel_loop3A_406 = arith.subf %parallel_loop3A_391, %parallel_loop3A_390 : vector<16xf32>
        %parallel_loop3A_407 = arith.mulf %parallel_loop3A_405, %parallel_loop3A_406 : vector<16xf32>
        %parallel_loop3A_408 = arith.addf %parallel_loop3A_390, %parallel_loop3A_407 : vector<16xf32>
        %parallel_loop3A_409 = arith.constant 1 : i32
        %parallel_loop3A_410 = vector.broadcast %parallel_loop3A_409 : i32 to vector<16xi32>
        %parallel_loop3A_411 = arith.addi %parallel_loop3A_381, %parallel_loop3A_410 : vector<16xi32>
        %parallel_loop3A_412 = arith.cmpf ole, %parallel_loop3A_395, %parallel_loop3A_408 : vector<16xf32>
        %parallel_loop3A_413 = arith.constant 1 : i32
        %parallel_loop3A_414 = arith.constant 0 : i32
        %parallel_loop3A_415 = vector.broadcast %parallel_loop3A_413 : i32 to vector<16xi32>
        %parallel_loop3A_416 = vector.broadcast %parallel_loop3A_414 : i32 to vector<16xi32>
        %parallel_loop3A_417 = arith.select %parallel_loop3A_412, %parallel_loop3A_415, %parallel_loop3A_416 : vector<16xi1>, vector<16xi32>
        %parallel_loop3A_418 = arith.addi %parallel_loop3A_411, %parallel_loop3A_417 : vector<16xi32>
        %parallel_loop3A_419 = arith.addi %parallel_loop3A_377, %parallel_loop3A_418 : vector<16xi32>
        tpu.vector_store_idx %arg9[%add3A_69, %parallel_loop3A_419], %parallel_loop3A_408 : memref<64x128xf32, #tpu.memory_space<vmem>>[vector<16xi32>, vector<16xi32>], vector<16xf32>,
        tpu.vector_store_idx %arg22[%parallel_loop3A_419, %iota3A], %broadcast_in_dim3A_66 : memref<128x16xi32, #tpu.memory_space<vmem>>[vector<16xi32>, vector<16xi32>], vector<16xi32>,
        %parallel_loop3A_420 = arith.index_cast %parallel_loop3A_369 : i32 to index
        %parallel_loop3A_421 = arith.constant 0 : index
        %parallel_loop3A_422 = tpu.vector_load %arg19[%parallel_loop3A_420, %parallel_loop3A_421] {strides = array<i32>} : memref<64x16xi32, #tpu.memory_space<vmem>>, vector<16xi32>,
        %parallel_loop3A_423 = arith.maxsi %parallel_loop3A_371, %parallel_loop3A_422 : vector<16xi32>
        %parallel_loop3A_424 = arith.constant 1 : i32
        %parallel_loop3A_425 = vector.broadcast %parallel_loop3A_424 : i32 to vector<16xi32>
        %parallel_loop3A_426 = arith.addi %parallel_loop3A_423, %parallel_loop3A_425 : vector<16xi32>
        %parallel_loop3A_427 = arith.constant 62 : i32
        %parallel_loop3A_428 = vector.broadcast %parallel_loop3A_427 : i32 to vector<16xi32>
        %parallel_loop3A_429 = arith.minsi %parallel_loop3A_426, %parallel_loop3A_428 : vector<16xi32>
        %parallel_loop3A_430 = tpu.vector_load_idx %arg11[%parallel_loop3A_423, %iota3A] : memref<63x16xf32, #tpu.memory_space<vmem>>[vector<16xi32>, vector<16xi32>], vector<16xf32>,
        %parallel_loop3A_431 = tpu.vector_load_idx %arg11[%parallel_loop3A_429, %iota3A] : memref<63x16xf32, #tpu.memory_space<vmem>>[vector<16xi32>, vector<16xi32>], vector<16xf32>,
        %parallel_loop3A_432 = tpu.vector_load_idx %arg15[%parallel_loop3A_423, %iota3A] : memref<63x16xf32, #tpu.memory_space<vmem>>[vector<16xi32>, vector<16xi32>], vector<16xf32>,
        %parallel_loop3A_433 = tpu.vector_load_idx %arg15[%parallel_loop3A_429, %iota3A] : memref<63x16xf32, #tpu.memory_space<vmem>>[vector<16xi32>, vector<16xi32>], vector<16xf32>,
        %parallel_loop3A_434 = arith.constant 1 : i32
        %parallel_loop3A_435 = vector.broadcast %parallel_loop3A_434 : i32 to vector<16xi32>
        %parallel_loop3A_436 = arith.addi %parallel_loop3A_423, %parallel_loop3A_435 : vector<16xi32>
        %parallel_loop3A_437 = tpu.vector_load_idx %arg5[%add3A_72, %parallel_loop3A_436] : memref<64x64xf32, #tpu.memory_space<vmem>>[vector<16xi32>, vector<16xi32>], vector<16xf32>,
        %parallel_loop3A_438 = vector.broadcast %parallel_loop3A_376 : f32 to vector<16xf32>
        %parallel_loop3A_439 = arith.mulf %parallel_loop3A_438, %parallel_loop3A_103#1 : vector<16xf32>
        %parallel_loop3A_440 = arith.subf %parallel_loop3A_431, %parallel_loop3A_430 : vector<16xf32>
        %parallel_loop3A_441 = arith.constant 9.99999974E-6 : f32
        %parallel_loop3A_442 = vector.broadcast %parallel_loop3A_441 : f32 to vector<16xf32>
        %parallel_loop3A_443 = arith.mulf %parallel_loop3A_442, %parallel_loop3A_103#1 : vector<16xf32>
        %parallel_loop3A_444 = arith.cmpf olt, %parallel_loop3A_440, %parallel_loop3A_443 : vector<16xf32>
        %parallel_loop3A_445 = arith.select %parallel_loop3A_444, %parallel_loop3A_103#1, %parallel_loop3A_440 : vector<16xi1>, vector<16xf32>
        %parallel_loop3A_446 = arith.subf %parallel_loop3A_439, %parallel_loop3A_430 : vector<16xf32>
        %parallel_loop3A_447 = arith.divf %parallel_loop3A_446, %parallel_loop3A_445 : vector<16xf32>
        %parallel_loop3A_448 = arith.subf %parallel_loop3A_433, %parallel_loop3A_432 : vector<16xf32>
        %parallel_loop3A_449 = arith.mulf %parallel_loop3A_447, %parallel_loop3A_448 : vector<16xf32>
        %parallel_loop3A_450 = arith.addf %parallel_loop3A_432, %parallel_loop3A_449 : vector<16xf32>
        %parallel_loop3A_451 = arith.constant 1 : i32
        %parallel_loop3A_452 = vector.broadcast %parallel_loop3A_451 : i32 to vector<16xi32>
        %parallel_loop3A_453 = arith.addi %parallel_loop3A_423, %parallel_loop3A_452 : vector<16xi32>
        %parallel_loop3A_454 = arith.cmpf ole, %parallel_loop3A_437, %parallel_loop3A_450 : vector<16xf32>
        %parallel_loop3A_455 = arith.constant 1 : i32
        %parallel_loop3A_456 = arith.constant 0 : i32
        %parallel_loop3A_457 = vector.broadcast %parallel_loop3A_455 : i32 to vector<16xi32>
        %parallel_loop3A_458 = vector.broadcast %parallel_loop3A_456 : i32 to vector<16xi32>
        %parallel_loop3A_459 = arith.select %parallel_loop3A_454, %parallel_loop3A_457, %parallel_loop3A_458 : vector<16xi1>, vector<16xi32>
        %parallel_loop3A_460 = arith.addi %parallel_loop3A_453, %parallel_loop3A_459 : vector<16xi32>
        %parallel_loop3A_461 = arith.addi %parallel_loop3A_377, %parallel_loop3A_460 : vector<16xi32>
        tpu.vector_store_idx %arg9[%add3A_72, %parallel_loop3A_461], %parallel_loop3A_450 : memref<64x128xf32, #tpu.memory_space<vmem>>[vector<16xi32>, vector<16xi32>], vector<16xf32>,
        tpu.vector_store_idx %arg23[%parallel_loop3A_461, %iota3A], %broadcast_in_dim3A_66 : memref<128x16xi32, #tpu.memory_space<vmem>>[vector<16xi32>, vector<16xi32>], vector<16xi32>,
        %parallel_loop3A_462 = arith.index_cast %parallel_loop3A_369 : i32 to index
        %parallel_loop3A_463 = arith.constant 0 : index
        %parallel_loop3A_464 = tpu.vector_load %arg20[%parallel_loop3A_462, %parallel_loop3A_463] {strides = array<i32>} : memref<64x16xi32, #tpu.memory_space<vmem>>, vector<16xi32>,
        %parallel_loop3A_465 = arith.maxsi %parallel_loop3A_372, %parallel_loop3A_464 : vector<16xi32>
        %parallel_loop3A_466 = arith.constant 1 : i32
        %parallel_loop3A_467 = vector.broadcast %parallel_loop3A_466 : i32 to vector<16xi32>
        %parallel_loop3A_468 = arith.addi %parallel_loop3A_465, %parallel_loop3A_467 : vector<16xi32>
        %parallel_loop3A_469 = arith.constant 62 : i32
        %parallel_loop3A_470 = vector.broadcast %parallel_loop3A_469 : i32 to vector<16xi32>
        %parallel_loop3A_471 = arith.minsi %parallel_loop3A_468, %parallel_loop3A_470 : vector<16xi32>
        %parallel_loop3A_472 = tpu.vector_load_idx %arg12[%parallel_loop3A_465, %iota3A] : memref<63x16xf32, #tpu.memory_space<vmem>>[vector<16xi32>, vector<16xi32>], vector<16xf32>,
        %parallel_loop3A_473 = tpu.vector_load_idx %arg12[%parallel_loop3A_471, %iota3A] : memref<63x16xf32, #tpu.memory_space<vmem>>[vector<16xi32>, vector<16xi32>], vector<16xf32>,
        %parallel_loop3A_474 = tpu.vector_load_idx %arg16[%parallel_loop3A_465, %iota3A] : memref<63x16xf32, #tpu.memory_space<vmem>>[vector<16xi32>, vector<16xi32>], vector<16xf32>,
        %parallel_loop3A_475 = tpu.vector_load_idx %arg16[%parallel_loop3A_471, %iota3A] : memref<63x16xf32, #tpu.memory_space<vmem>>[vector<16xi32>, vector<16xi32>], vector<16xf32>,
        %parallel_loop3A_476 = arith.constant 1 : i32
        %parallel_loop3A_477 = vector.broadcast %parallel_loop3A_476 : i32 to vector<16xi32>
        %parallel_loop3A_478 = arith.addi %parallel_loop3A_465, %parallel_loop3A_477 : vector<16xi32>
        %parallel_loop3A_479 = tpu.vector_load_idx %arg5[%add3A_75, %parallel_loop3A_478] : memref<64x64xf32, #tpu.memory_space<vmem>>[vector<16xi32>, vector<16xi32>], vector<16xf32>,
        %parallel_loop3A_480 = vector.broadcast %parallel_loop3A_376 : f32 to vector<16xf32>
        %parallel_loop3A_481 = arith.mulf %parallel_loop3A_480, %parallel_loop3A_103#2 : vector<16xf32>
        %parallel_loop3A_482 = arith.subf %parallel_loop3A_473, %parallel_loop3A_472 : vector<16xf32>
        %parallel_loop3A_483 = arith.constant 9.99999974E-6 : f32
        %parallel_loop3A_484 = vector.broadcast %parallel_loop3A_483 : f32 to vector<16xf32>
        %parallel_loop3A_485 = arith.mulf %parallel_loop3A_484, %parallel_loop3A_103#2 : vector<16xf32>
        %parallel_loop3A_486 = arith.cmpf olt, %parallel_loop3A_482, %parallel_loop3A_485 : vector<16xf32>
        %parallel_loop3A_487 = arith.select %parallel_loop3A_486, %parallel_loop3A_103#2, %parallel_loop3A_482 : vector<16xi1>, vector<16xf32>
        %parallel_loop3A_488 = arith.subf %parallel_loop3A_481, %parallel_loop3A_472 : vector<16xf32>
        %parallel_loop3A_489 = arith.divf %parallel_loop3A_488, %parallel_loop3A_487 : vector<16xf32>
        %parallel_loop3A_490 = arith.subf %parallel_loop3A_475, %parallel_loop3A_474 : vector<16xf32>
        %parallel_loop3A_491 = arith.mulf %parallel_loop3A_489, %parallel_loop3A_490 : vector<16xf32>
        %parallel_loop3A_492 = arith.addf %parallel_loop3A_474, %parallel_loop3A_491 : vector<16xf32>
        %parallel_loop3A_493 = arith.constant 1 : i32
        %parallel_loop3A_494 = vector.broadcast %parallel_loop3A_493 : i32 to vector<16xi32>
        %parallel_loop3A_495 = arith.addi %parallel_loop3A_465, %parallel_loop3A_494 : vector<16xi32>
        %parallel_loop3A_496 = arith.cmpf ole, %parallel_loop3A_479, %parallel_loop3A_492 : vector<16xf32>
        %parallel_loop3A_497 = arith.constant 1 : i32
        %parallel_loop3A_498 = arith.constant 0 : i32
        %parallel_loop3A_499 = vector.broadcast %parallel_loop3A_497 : i32 to vector<16xi32>
        %parallel_loop3A_500 = vector.broadcast %parallel_loop3A_498 : i32 to vector<16xi32>
        %parallel_loop3A_501 = arith.select %parallel_loop3A_496, %parallel_loop3A_499, %parallel_loop3A_500 : vector<16xi1>, vector<16xi32>
        %parallel_loop3A_502 = arith.addi %parallel_loop3A_495, %parallel_loop3A_501 : vector<16xi32>
        %parallel_loop3A_503 = arith.addi %parallel_loop3A_377, %parallel_loop3A_502 : vector<16xi32>
        tpu.vector_store_idx %arg9[%add3A_75, %parallel_loop3A_503], %parallel_loop3A_492 : memref<64x128xf32, #tpu.memory_space<vmem>>[vector<16xi32>, vector<16xi32>], vector<16xf32>,
        tpu.vector_store_idx %arg24[%parallel_loop3A_503, %iota3A], %broadcast_in_dim3A_66 : memref<128x16xi32, #tpu.memory_space<vmem>>[vector<16xi32>, vector<16xi32>], vector<16xi32>,
        %parallel_loop3A_504 = arith.index_cast %parallel_loop3A_369 : i32 to index
        %parallel_loop3A_505 = arith.constant 0 : index
        %parallel_loop3A_506 = tpu.vector_load %arg21[%parallel_loop3A_504, %parallel_loop3A_505] {strides = array<i32>} : memref<64x16xi32, #tpu.memory_space<vmem>>, vector<16xi32>,
        %parallel_loop3A_507 = arith.maxsi %parallel_loop3A_373, %parallel_loop3A_506 : vector<16xi32>
        %parallel_loop3A_508 = arith.constant 1 : i32
        %parallel_loop3A_509 = vector.broadcast %parallel_loop3A_508 : i32 to vector<16xi32>
        %parallel_loop3A_510 = arith.addi %parallel_loop3A_507, %parallel_loop3A_509 : vector<16xi32>
        %parallel_loop3A_511 = arith.constant 62 : i32
        %parallel_loop3A_512 = vector.broadcast %parallel_loop3A_511 : i32 to vector<16xi32>
        %parallel_loop3A_513 = arith.minsi %parallel_loop3A_510, %parallel_loop3A_512 : vector<16xi32>
        %parallel_loop3A_514 = tpu.vector_load_idx %arg13[%parallel_loop3A_507, %iota3A] : memref<63x16xf32, #tpu.memory_space<vmem>>[vector<16xi32>, vector<16xi32>], vector<16xf32>,
        %parallel_loop3A_515 = tpu.vector_load_idx %arg13[%parallel_loop3A_513, %iota3A] : memref<63x16xf32, #tpu.memory_space<vmem>>[vector<16xi32>, vector<16xi32>], vector<16xf32>,
        %parallel_loop3A_516 = tpu.vector_load_idx %arg17[%parallel_loop3A_507, %iota3A] : memref<63x16xf32, #tpu.memory_space<vmem>>[vector<16xi32>, vector<16xi32>], vector<16xf32>,
        %parallel_loop3A_517 = tpu.vector_load_idx %arg17[%parallel_loop3A_513, %iota3A] : memref<63x16xf32, #tpu.memory_space<vmem>>[vector<16xi32>, vector<16xi32>], vector<16xf32>,
        %parallel_loop3A_518 = arith.constant 1 : i32
        %parallel_loop3A_519 = vector.broadcast %parallel_loop3A_518 : i32 to vector<16xi32>
        %parallel_loop3A_520 = arith.addi %parallel_loop3A_507, %parallel_loop3A_519 : vector<16xi32>
        %parallel_loop3A_521 = tpu.vector_load_idx %arg5[%add3A_78, %parallel_loop3A_520] : memref<64x64xf32, #tpu.memory_space<vmem>>[vector<16xi32>, vector<16xi32>], vector<16xf32>,
        %parallel_loop3A_522 = vector.broadcast %parallel_loop3A_376 : f32 to vector<16xf32>
        %parallel_loop3A_523 = arith.mulf %parallel_loop3A_522, %parallel_loop3A_103#3 : vector<16xf32>
        %parallel_loop3A_524 = arith.subf %parallel_loop3A_515, %parallel_loop3A_514 : vector<16xf32>
        %parallel_loop3A_525 = arith.constant 9.99999974E-6 : f32
        %parallel_loop3A_526 = vector.broadcast %parallel_loop3A_525 : f32 to vector<16xf32>
        %parallel_loop3A_527 = arith.mulf %parallel_loop3A_526, %parallel_loop3A_103#3 : vector<16xf32>
        %parallel_loop3A_528 = arith.cmpf olt, %parallel_loop3A_524, %parallel_loop3A_527 : vector<16xf32>
        %parallel_loop3A_529 = arith.select %parallel_loop3A_528, %parallel_loop3A_103#3, %parallel_loop3A_524 : vector<16xi1>, vector<16xf32>
        %parallel_loop3A_530 = arith.subf %parallel_loop3A_523, %parallel_loop3A_514 : vector<16xf32>
        %parallel_loop3A_531 = arith.divf %parallel_loop3A_530, %parallel_loop3A_529 : vector<16xf32>
        %parallel_loop3A_532 = arith.subf %parallel_loop3A_517, %parallel_loop3A_516 : vector<16xf32>
        %parallel_loop3A_533 = arith.mulf %parallel_loop3A_531, %parallel_loop3A_532 : vector<16xf32>
        %parallel_loop3A_534 = arith.addf %parallel_loop3A_516, %parallel_loop3A_533 : vector<16xf32>
        %parallel_loop3A_535 = arith.constant 1 : i32
        %parallel_loop3A_536 = vector.broadcast %parallel_loop3A_535 : i32 to vector<16xi32>
        %parallel_loop3A_537 = arith.addi %parallel_loop3A_507, %parallel_loop3A_536 : vector<16xi32>
        %parallel_loop3A_538 = arith.cmpf ole, %parallel_loop3A_521, %parallel_loop3A_534 : vector<16xf32>
        %parallel_loop3A_539 = arith.constant 1 : i32
        %parallel_loop3A_540 = arith.constant 0 : i32
        %parallel_loop3A_541 = vector.broadcast %parallel_loop3A_539 : i32 to vector<16xi32>
        %parallel_loop3A_542 = vector.broadcast %parallel_loop3A_540 : i32 to vector<16xi32>
        %parallel_loop3A_543 = arith.select %parallel_loop3A_538, %parallel_loop3A_541, %parallel_loop3A_542 : vector<16xi1>, vector<16xi32>
        %parallel_loop3A_544 = arith.addi %parallel_loop3A_537, %parallel_loop3A_543 : vector<16xi32>
        %parallel_loop3A_545 = arith.addi %parallel_loop3A_377, %parallel_loop3A_544 : vector<16xi32>
        tpu.vector_store_idx %arg9[%add3A_78, %parallel_loop3A_545], %parallel_loop3A_534 : memref<64x128xf32, #tpu.memory_space<vmem>>[vector<16xi32>, vector<16xi32>], vector<16xf32>,
        tpu.vector_store_idx %arg25[%parallel_loop3A_545, %iota3A], %broadcast_in_dim3A_66 : memref<128x16xi32, #tpu.memory_space<vmem>>[vector<16xi32>, vector<16xi32>], vector<16xi32>,
        scf.yield %parallel_loop3A_381, %parallel_loop3A_423, %parallel_loop3A_465, %parallel_loop3A_507 : vector<16xi32>, vector<16xi32>, vector<16xi32>, vector<16xi32>
      } {sc.loop_unroll_factor = 2 : i64, sc.parallel_access}
      %parallel_loop3A_191 = arith.constant 0 : i32
      %parallel_loop3A_192 = arith.constant 128 : i32
      %parallel_loop3A_193 = arith.constant 1 : i32
      %parallel_loop3A_194:4 = scf.for %parallel_loop3A_369 = %parallel_loop3A_191 to %parallel_loop3A_192 step %parallel_loop3A_193 iter_args(%parallel_loop3A_370 = %broadcast_in_dim3A_82, %parallel_loop3A_371 = %broadcast_in_dim3A_82, %parallel_loop3A_372 = %broadcast_in_dim3A_82, %parallel_loop3A_373 = %broadcast_in_dim3A_82) -> (vector<16xi32>, vector<16xi32>, vector<16xi32>, vector<16xi32>)  : i32 {
        %parallel_loop3A_374 = vector.broadcast %parallel_loop3A_369 : i32 to vector<16xi32>
        %parallel_loop3A_375 = arith.index_cast %parallel_loop3A_369 : i32 to index
        %parallel_loop3A_376 = arith.constant 0 : index
        %parallel_loop3A_377 = tpu.vector_load %arg22[%parallel_loop3A_375, %parallel_loop3A_376] {strides = array<i32>} : memref<128x16xi32, #tpu.memory_space<vmem>>, vector<16xi32>,
        %parallel_loop3A_378 = arith.cmpi ne, %parallel_loop3A_377, %broadcast_in_dim3A_66 : vector<16xi32>
        %parallel_loop3A_379 = arith.constant 63 : i32
        %parallel_loop3A_380 = vector.broadcast %parallel_loop3A_379 : i32 to vector<16xi32>
        %parallel_loop3A_381 = arith.minsi %parallel_loop3A_370, %parallel_loop3A_380 : vector<16xi32>
        %parallel_loop3A_382 = tpu.vector_load_idx %arg5[%add3A_69, %parallel_loop3A_381] : memref<64x64xf32, #tpu.memory_space<vmem>>[vector<16xi32>, vector<16xi32>], vector<16xf32>,
        tpu.vector_store_idx %arg9[%add3A_69, %parallel_loop3A_374], %parallel_loop3A_382 masked %parallel_loop3A_378 : memref<64x128xf32, #tpu.memory_space<vmem>>[vector<16xi32>, vector<16xi32>], vector<16xf32>, vector<16xi1>
        %parallel_loop3A_383 = arith.constant 1 : i32
        %parallel_loop3A_384 = arith.constant 0 : i32
        %parallel_loop3A_385 = vector.broadcast %parallel_loop3A_383 : i32 to vector<16xi32>
        %parallel_loop3A_386 = vector.broadcast %parallel_loop3A_384 : i32 to vector<16xi32>
        %parallel_loop3A_387 = arith.select %parallel_loop3A_378, %parallel_loop3A_385, %parallel_loop3A_386 : vector<16xi1>, vector<16xi32>
        %parallel_loop3A_388 = arith.addi %parallel_loop3A_370, %parallel_loop3A_387 : vector<16xi32>
        %parallel_loop3A_389 = arith.index_cast %parallel_loop3A_369 : i32 to index
        %parallel_loop3A_390 = arith.constant 0 : index
        %parallel_loop3A_391 = tpu.vector_load %arg23[%parallel_loop3A_389, %parallel_loop3A_390] {strides = array<i32>} : memref<128x16xi32, #tpu.memory_space<vmem>>, vector<16xi32>,
        %parallel_loop3A_392 = arith.cmpi ne, %parallel_loop3A_391, %broadcast_in_dim3A_66 : vector<16xi32>
        %parallel_loop3A_393 = arith.constant 63 : i32
        %parallel_loop3A_394 = vector.broadcast %parallel_loop3A_393 : i32 to vector<16xi32>
        %parallel_loop3A_395 = arith.minsi %parallel_loop3A_371, %parallel_loop3A_394 : vector<16xi32>
        %parallel_loop3A_396 = tpu.vector_load_idx %arg5[%add3A_72, %parallel_loop3A_395] : memref<64x64xf32, #tpu.memory_space<vmem>>[vector<16xi32>, vector<16xi32>], vector<16xf32>,
        tpu.vector_store_idx %arg9[%add3A_72, %parallel_loop3A_374], %parallel_loop3A_396 masked %parallel_loop3A_392 : memref<64x128xf32, #tpu.memory_space<vmem>>[vector<16xi32>, vector<16xi32>], vector<16xf32>, vector<16xi1>
        %parallel_loop3A_397 = arith.constant 1 : i32
        %parallel_loop3A_398 = arith.constant 0 : i32
        %parallel_loop3A_399 = vector.broadcast %parallel_loop3A_397 : i32 to vector<16xi32>
        %parallel_loop3A_400 = vector.broadcast %parallel_loop3A_398 : i32 to vector<16xi32>
        %parallel_loop3A_401 = arith.select %parallel_loop3A_392, %parallel_loop3A_399, %parallel_loop3A_400 : vector<16xi1>, vector<16xi32>
        %parallel_loop3A_402 = arith.addi %parallel_loop3A_371, %parallel_loop3A_401 : vector<16xi32>
        %parallel_loop3A_403 = arith.index_cast %parallel_loop3A_369 : i32 to index
        %parallel_loop3A_404 = arith.constant 0 : index
        %parallel_loop3A_405 = tpu.vector_load %arg24[%parallel_loop3A_403, %parallel_loop3A_404] {strides = array<i32>} : memref<128x16xi32, #tpu.memory_space<vmem>>, vector<16xi32>,
        %parallel_loop3A_406 = arith.cmpi ne, %parallel_loop3A_405, %broadcast_in_dim3A_66 : vector<16xi32>
        %parallel_loop3A_407 = arith.constant 63 : i32
        %parallel_loop3A_408 = vector.broadcast %parallel_loop3A_407 : i32 to vector<16xi32>
        %parallel_loop3A_409 = arith.minsi %parallel_loop3A_372, %parallel_loop3A_408 : vector<16xi32>
        %parallel_loop3A_410 = tpu.vector_load_idx %arg5[%add3A_75, %parallel_loop3A_409] : memref<64x64xf32, #tpu.memory_space<vmem>>[vector<16xi32>, vector<16xi32>], vector<16xf32>,
        tpu.vector_store_idx %arg9[%add3A_75, %parallel_loop3A_374], %parallel_loop3A_410 masked %parallel_loop3A_406 : memref<64x128xf32, #tpu.memory_space<vmem>>[vector<16xi32>, vector<16xi32>], vector<16xf32>, vector<16xi1>
        %parallel_loop3A_411 = arith.constant 1 : i32
        %parallel_loop3A_412 = arith.constant 0 : i32
        %parallel_loop3A_413 = vector.broadcast %parallel_loop3A_411 : i32 to vector<16xi32>
        %parallel_loop3A_414 = vector.broadcast %parallel_loop3A_412 : i32 to vector<16xi32>
        %parallel_loop3A_415 = arith.select %parallel_loop3A_406, %parallel_loop3A_413, %parallel_loop3A_414 : vector<16xi1>, vector<16xi32>
        %parallel_loop3A_416 = arith.addi %parallel_loop3A_372, %parallel_loop3A_415 : vector<16xi32>
        %parallel_loop3A_417 = arith.index_cast %parallel_loop3A_369 : i32 to index
        %parallel_loop3A_418 = arith.constant 0 : index
        %parallel_loop3A_419 = tpu.vector_load %arg25[%parallel_loop3A_417, %parallel_loop3A_418] {strides = array<i32>} : memref<128x16xi32, #tpu.memory_space<vmem>>, vector<16xi32>,
        %parallel_loop3A_420 = arith.cmpi ne, %parallel_loop3A_419, %broadcast_in_dim3A_66 : vector<16xi32>
        %parallel_loop3A_421 = arith.constant 63 : i32
        %parallel_loop3A_422 = vector.broadcast %parallel_loop3A_421 : i32 to vector<16xi32>
        %parallel_loop3A_423 = arith.minsi %parallel_loop3A_373, %parallel_loop3A_422 : vector<16xi32>
        %parallel_loop3A_424 = tpu.vector_load_idx %arg5[%add3A_78, %parallel_loop3A_423] : memref<64x64xf32, #tpu.memory_space<vmem>>[vector<16xi32>, vector<16xi32>], vector<16xf32>,
        tpu.vector_store_idx %arg9[%add3A_78, %parallel_loop3A_374], %parallel_loop3A_424 masked %parallel_loop3A_420 : memref<64x128xf32, #tpu.memory_space<vmem>>[vector<16xi32>, vector<16xi32>], vector<16xf32>, vector<16xi1>
        %parallel_loop3A_425 = arith.constant 1 : i32
        %parallel_loop3A_426 = arith.constant 0 : i32
        %parallel_loop3A_427 = vector.broadcast %parallel_loop3A_425 : i32 to vector<16xi32>
        %parallel_loop3A_428 = vector.broadcast %parallel_loop3A_426 : i32 to vector<16xi32>
        %parallel_loop3A_429 = arith.select %parallel_loop3A_420, %parallel_loop3A_427, %parallel_loop3A_428 : vector<16xi1>, vector<16xi32>
        %parallel_loop3A_430 = arith.addi %parallel_loop3A_373, %parallel_loop3A_429 : vector<16xi32>
        scf.yield %parallel_loop3A_388, %parallel_loop3A_402, %parallel_loop3A_416, %parallel_loop3A_430 : vector<16xi32>, vector<16xi32>, vector<16xi32>, vector<16xi32>
      } {sc.loop_unroll_factor = 4 : i64, sc.parallel_access}
      %mul3A_195 = arith.constant 64 : i32
      %mul3A_196 = arith.muli %mul3A_33, %mul3A_195 : i32
      %add3A_197 = arith.addi %mul3A_2, %mul3A_196 : i32
      %dma_start3A_198 = arith.constant 0 : i32
      %dma_start3A_199 = tpu.memref_slice %arg4[%add3A_197, %dma_start3A_198] : memref<65536x128xf32, #tpu.memory_space<hbm>> -> memref<64x128xf32, #tpu.memory_space<hbm>>
      %dma_start3A_200 = arith.constant 0 : i32
      %dma_start3A_201 = tpu.memref_slice %arg4[%add3A_197, %dma_start3A_200] : memref<65536x128xf32, #tpu.memory_space<hbm>> -> memref<64x128xf32, #tpu.memory_space<hbm>>
      tpu.enqueue_dma source(%arg9 : memref<64x128xf32, #tpu.memory_space<vmem>>) target(%dma_start3A_201 : memref<64x128xf32, #tpu.memory_space<hbm>>) target_semaphore(%arg30 : memref<!tpu.dma_semaphore, #tpu.memory_space<semaphore_mem>>)
      %mul3A_202 = arith.constant 64 : i32
      %mul3A_203 = arith.muli %add3A_35, %mul3A_202 : i32
      %add3A_204 = arith.addi %mul3A_2, %mul3A_203 : i32
      %dma_wait3A_205 = arith.constant 0 : i32
      %dma_wait3A_206 = tpu.memref_slice %arg2[%add3A_204, %dma_wait3A_205] : memref<65536x64xf32, #tpu.memory_space<hbm>> -> memref<64x64xf32, #tpu.memory_space<hbm>>
      %dma_wait3A_207 = arith.constant 0 : i32
      %dma_wait3A_208 = tpu.memref_slice %arg2[%add3A_204, %dma_wait3A_207] : memref<65536x64xf32, #tpu.memory_space<hbm>> -> memref<64x64xf32, #tpu.memory_space<hbm>>
      tpu.wait_dma2 semaphore(%arg27 : memref<!tpu.dma_semaphore, #tpu.memory_space<semaphore_mem>>) src(%dma_wait3A_208 : memref<64x64xf32, #tpu.memory_space<hbm>>) dst(%arg6 : memref<64x64xf32, #tpu.memory_space<vmem>>)
      %mul3A_209 = arith.constant 64 : i32
      %mul3A_210 = arith.muli %add3A_35, %mul3A_209 : i32
      %add3A_211 = arith.addi %mul3A_2, %mul3A_210 : i32
      %dma_wait3A_212 = arith.constant 0 : i32
      %dma_wait3A_213 = tpu.memref_slice %arg3[%add3A_211, %dma_wait3A_212] : memref<65536x64xf32, #tpu.memory_space<hbm>> -> memref<64x64xf32, #tpu.memory_space<hbm>>
      %dma_wait3A_214 = arith.constant 0 : i32
      %dma_wait3A_215 = tpu.memref_slice %arg3[%add3A_211, %dma_wait3A_214] : memref<65536x64xf32, #tpu.memory_space<hbm>> -> memref<64x64xf32, #tpu.memory_space<hbm>>
      tpu.wait_dma2 semaphore(%arg29 : memref<!tpu.dma_semaphore, #tpu.memory_space<semaphore_mem>>) src(%dma_wait3A_215 : memref<64x64xf32, #tpu.memory_space<hbm>>) dst(%arg8 : memref<64x64xf32, #tpu.memory_space<vmem>>)
      %lt3A = arith.constant 15 : i32
      %lt3A_216 = arith.cmpi slt, %scan3A_31, %lt3A : i32
      %convert_element_type3A_217 = arith.extui %lt3A_216 : i1 to i32
      %cond3A_218 = arith.constant 0 : i32
      %cond3A_219 = arith.cmpi ne, %convert_element_type3A_217, %cond3A_218 : i32
      scf.if %cond3A_219 {
        %add3A_369 = arith.constant 1 : i32
        %add3A_370 = arith.addi %add3A_35, %add3A_369 : i32
        %mul3A_371 = arith.constant 64 : i32
        %mul3A_372 = arith.muli %add3A_370, %mul3A_371 : i32
        %add3A_373 = arith.addi %mul3A_2, %mul3A_372 : i32
        %dma_start3A_374 = arith.constant 0 : i32
        %dma_start3A_375 = tpu.memref_slice %arg2[%add3A_373, %dma_start3A_374] : memref<65536x64xf32, #tpu.memory_space<hbm>> -> memref<64x64xf32, #tpu.memory_space<hbm>>
        %dma_start3A_376 = arith.constant 0 : i32
        %dma_start3A_377 = tpu.memref_slice %arg2[%add3A_373, %dma_start3A_376] : memref<65536x64xf32, #tpu.memory_space<hbm>> -> memref<64x64xf32, #tpu.memory_space<hbm>>
        tpu.enqueue_dma source(%dma_start3A_377 : memref<64x64xf32, #tpu.memory_space<hbm>>) target(%arg5 : memref<64x64xf32, #tpu.memory_space<vmem>>) target_semaphore(%arg26 : memref<!tpu.dma_semaphore, #tpu.memory_space<semaphore_mem>>)
        %add3A_378 = arith.constant 1 : i32
        %add3A_379 = arith.addi %add3A_35, %add3A_378 : i32
        %mul3A_380 = arith.constant 64 : i32
        %mul3A_381 = arith.muli %add3A_379, %mul3A_380 : i32
        %add3A_382 = arith.addi %mul3A_2, %mul3A_381 : i32
        %dma_start3A_383 = arith.constant 0 : i32
        %dma_start3A_384 = tpu.memref_slice %arg3[%add3A_382, %dma_start3A_383] : memref<65536x64xf32, #tpu.memory_space<hbm>> -> memref<64x64xf32, #tpu.memory_space<hbm>>
        %dma_start3A_385 = arith.constant 0 : i32
        %dma_start3A_386 = tpu.memref_slice %arg3[%add3A_382, %dma_start3A_385] : memref<65536x64xf32, #tpu.memory_space<hbm>> -> memref<64x64xf32, #tpu.memory_space<hbm>>
        tpu.enqueue_dma source(%dma_start3A_386 : memref<64x64xf32, #tpu.memory_space<hbm>>) target(%arg7 : memref<64x64xf32, #tpu.memory_space<vmem>>) target_semaphore(%arg28 : memref<!tpu.dma_semaphore, #tpu.memory_space<semaphore_mem>>)
      } else {
      }
      %add3A_220 = arith.constant 1 : i32
      %add3A_221 = arith.addi %add3A_35, %add3A_220 : i32
      %broadcast_in_dim3A_222 = vector.broadcast %add3A_221 : i32 to vector<16xi32>
      %add3A_223 = arith.constant 0 : i32
      %add3A_224 = vector.broadcast %add3A_223 : i32 to vector<16xi32>
      %add3A_225 = arith.addi %iota3A, %add3A_224 : vector<16xi32>
      %add3A_226 = arith.constant 16 : i32
      %add3A_227 = vector.broadcast %add3A_226 : i32 to vector<16xi32>
      %add3A_228 = arith.addi %iota3A, %add3A_227 : vector<16xi32>
      %add3A_229 = arith.constant 32 : i32
      %add3A_230 = vector.broadcast %add3A_229 : i32 to vector<16xi32>
      %add3A_231 = arith.addi %iota3A, %add3A_230 : vector<16xi32>
      %add3A_232 = arith.constant 48 : i32
      %add3A_233 = vector.broadcast %add3A_232 : i32 to vector<16xi32>
      %add3A_234 = arith.addi %iota3A, %add3A_233 : vector<16xi32>
      %broadcast_in_dim3A_235 = arith.constant 0.000000e+00 : f32
      %broadcast_in_dim3A_236 = vector.broadcast %broadcast_in_dim3A_235 : f32 to vector<16xf32>
      %broadcast_in_dim3A_237 = arith.constant 0 : i32
      %broadcast_in_dim3A_238 = vector.broadcast %broadcast_in_dim3A_237 : i32 to vector<16xi32>
      %swap3A_239 = arith.constant 0 : i32
      %swap3A_240 = arith.index_cast %swap3A_239 : i32 to index
      %swap3A_241 = arith.constant 0 : index
      %swap3A_242 = tpu.vector_load %arg10[%swap3A_240, %swap3A_241] {strides = array<i32>} : memref<63x16xf32, #tpu.memory_space<vmem>>, vector<16xf32>,
      tpu.vector_store %arg10[%swap3A_240, %swap3A_241], %broadcast_in_dim3A_236 {strides = array<i32>} : memref<63x16xf32, #tpu.memory_space<vmem>>, vector<16xf32>,
      %swap3A_243 = arith.constant 0 : i32
      %swap3A_244 = arith.index_cast %swap3A_243 : i32 to index
      %swap3A_245 = arith.constant 0 : index
      %swap3A_246 = tpu.vector_load %arg11[%swap3A_244, %swap3A_245] {strides = array<i32>} : memref<63x16xf32, #tpu.memory_space<vmem>>, vector<16xf32>,
      tpu.vector_store %arg11[%swap3A_244, %swap3A_245], %broadcast_in_dim3A_236 {strides = array<i32>} : memref<63x16xf32, #tpu.memory_space<vmem>>, vector<16xf32>,
      %swap3A_247 = arith.constant 0 : i32
      %swap3A_248 = arith.index_cast %swap3A_247 : i32 to index
      %swap3A_249 = arith.constant 0 : index
      %swap3A_250 = tpu.vector_load %arg12[%swap3A_248, %swap3A_249] {strides = array<i32>} : memref<63x16xf32, #tpu.memory_space<vmem>>, vector<16xf32>,
      tpu.vector_store %arg12[%swap3A_248, %swap3A_249], %broadcast_in_dim3A_236 {strides = array<i32>} : memref<63x16xf32, #tpu.memory_space<vmem>>, vector<16xf32>,
      %swap3A_251 = arith.constant 0 : i32
      %swap3A_252 = arith.index_cast %swap3A_251 : i32 to index
      %swap3A_253 = arith.constant 0 : index
      %swap3A_254 = tpu.vector_load %arg13[%swap3A_252, %swap3A_253] {strides = array<i32>} : memref<63x16xf32, #tpu.memory_space<vmem>>, vector<16xf32>,
      tpu.vector_store %arg13[%swap3A_252, %swap3A_253], %broadcast_in_dim3A_236 {strides = array<i32>} : memref<63x16xf32, #tpu.memory_space<vmem>>, vector<16xf32>,
      %gather3A_255 = tpu.vector_load_idx %arg6[%add3A_225, %broadcast_in_dim3A_238] : memref<64x64xf32, #tpu.memory_space<vmem>>[vector<16xi32>, vector<16xi32>], vector<16xf32>,
      %gather3A_256 = tpu.vector_load_idx %arg6[%add3A_228, %broadcast_in_dim3A_238] : memref<64x64xf32, #tpu.memory_space<vmem>>[vector<16xi32>, vector<16xi32>], vector<16xf32>,
      %gather3A_257 = tpu.vector_load_idx %arg6[%add3A_231, %broadcast_in_dim3A_238] : memref<64x64xf32, #tpu.memory_space<vmem>>[vector<16xi32>, vector<16xi32>], vector<16xf32>,
      %gather3A_258 = tpu.vector_load_idx %arg6[%add3A_234, %broadcast_in_dim3A_238] : memref<64x64xf32, #tpu.memory_space<vmem>>[vector<16xi32>, vector<16xi32>], vector<16xf32>,
      %parallel_loop3A_259 = arith.constant 0 : i32
      %parallel_loop3A_260 = arith.constant 62 : i32
      %parallel_loop3A_261 = arith.constant 1 : i32
      %parallel_loop3A_262:8 = scf.for %parallel_loop3A_369 = %parallel_loop3A_259 to %parallel_loop3A_260 step %parallel_loop3A_261 iter_args(%parallel_loop3A_370 = %broadcast_in_dim3A_236, %parallel_loop3A_371 = %broadcast_in_dim3A_236, %parallel_loop3A_372 = %broadcast_in_dim3A_236, %parallel_loop3A_373 = %broadcast_in_dim3A_236, %parallel_loop3A_374 = %gather3A_255, %parallel_loop3A_375 = %gather3A_256, %parallel_loop3A_376 = %gather3A_257, %parallel_loop3A_377 = %gather3A_258) -> (vector<16xf32>, vector<16xf32>, vector<16xf32>, vector<16xf32>, vector<16xf32>, vector<16xf32>, vector<16xf32>, vector<16xf32>)  : i32 {
        %parallel_loop3A_378 = vector.broadcast %parallel_loop3A_369 : i32 to vector<16xi32>
        %parallel_loop3A_379 = arith.constant 1 : i32
        %parallel_loop3A_380 = vector.broadcast %parallel_loop3A_379 : i32 to vector<16xi32>
        %parallel_loop3A_381 = arith.addi %parallel_loop3A_378, %parallel_loop3A_380 : vector<16xi32>
        %parallel_loop3A_382 = tpu.vector_load_idx %arg8[%add3A_225, %parallel_loop3A_381] : memref<64x64xf32, #tpu.memory_space<vmem>>[vector<16xi32>, vector<16xi32>], vector<16xf32>,
        %parallel_loop3A_383 = arith.constant 1 : i32
        %parallel_loop3A_384 = vector.broadcast %parallel_loop3A_383 : i32 to vector<16xi32>
        %parallel_loop3A_385 = arith.addi %parallel_loop3A_378, %parallel_loop3A_384 : vector<16xi32>
        %parallel_loop3A_386 = tpu.vector_load_idx %arg6[%add3A_225, %parallel_loop3A_385] : memref<64x64xf32, #tpu.memory_space<vmem>>[vector<16xi32>, vector<16xi32>], vector<16xf32>,
        %parallel_loop3A_387 = arith.constant 9.99999974E-6 : f32
        %parallel_loop3A_388 = vector.broadcast %parallel_loop3A_387 : f32 to vector<16xf32>
        %parallel_loop3A_389 = arith.addf %parallel_loop3A_382, %parallel_loop3A_388 : vector<16xf32>
        %parallel_loop3A_390 = arith.addf %parallel_loop3A_370, %parallel_loop3A_389 : vector<16xf32>
        %parallel_loop3A_391 = arith.constant 1 : i32
        %parallel_loop3A_392 = arith.addi %parallel_loop3A_369, %parallel_loop3A_391 : i32
        %parallel_loop3A_393 = arith.index_cast %parallel_loop3A_392 : i32 to index
        %parallel_loop3A_394 = arith.constant 0 : index
        %parallel_loop3A_395 = tpu.vector_load %arg10[%parallel_loop3A_393, %parallel_loop3A_394] {strides = array<i32>} : memref<63x16xf32, #tpu.memory_space<vmem>>, vector<16xf32>,
        tpu.vector_store %arg10[%parallel_loop3A_393, %parallel_loop3A_394], %parallel_loop3A_390 {strides = array<i32>} : memref<63x16xf32, #tpu.memory_space<vmem>>, vector<16xf32>,
        %parallel_loop3A_396 = arith.addf %parallel_loop3A_374, %parallel_loop3A_386 : vector<16xf32>
        %parallel_loop3A_397 = arith.constant 5.000000e-01 : f32
        %parallel_loop3A_398 = vector.broadcast %parallel_loop3A_397 : f32 to vector<16xf32>
        %parallel_loop3A_399 = arith.mulf %parallel_loop3A_398, %parallel_loop3A_396 : vector<16xf32>
        %parallel_loop3A_400 = arith.index_cast %parallel_loop3A_369 : i32 to index
        %parallel_loop3A_401 = arith.constant 0 : index
        %parallel_loop3A_402 = tpu.vector_load %arg14[%parallel_loop3A_400, %parallel_loop3A_401] {strides = array<i32>} : memref<63x16xf32, #tpu.memory_space<vmem>>, vector<16xf32>,
        tpu.vector_store %arg14[%parallel_loop3A_400, %parallel_loop3A_401], %parallel_loop3A_399 {strides = array<i32>} : memref<63x16xf32, #tpu.memory_space<vmem>>, vector<16xf32>,
        %parallel_loop3A_403 = arith.constant 1 : i32
        %parallel_loop3A_404 = vector.broadcast %parallel_loop3A_403 : i32 to vector<16xi32>
        %parallel_loop3A_405 = arith.addi %parallel_loop3A_378, %parallel_loop3A_404 : vector<16xi32>
        %parallel_loop3A_406 = tpu.vector_load_idx %arg8[%add3A_228, %parallel_loop3A_405] : memref<64x64xf32, #tpu.memory_space<vmem>>[vector<16xi32>, vector<16xi32>], vector<16xf32>,
        %parallel_loop3A_407 = arith.constant 1 : i32
        %parallel_loop3A_408 = vector.broadcast %parallel_loop3A_407 : i32 to vector<16xi32>
        %parallel_loop3A_409 = arith.addi %parallel_loop3A_378, %parallel_loop3A_408 : vector<16xi32>
        %parallel_loop3A_410 = tpu.vector_load_idx %arg6[%add3A_228, %parallel_loop3A_409] : memref<64x64xf32, #tpu.memory_space<vmem>>[vector<16xi32>, vector<16xi32>], vector<16xf32>,
        %parallel_loop3A_411 = arith.constant 9.99999974E-6 : f32
        %parallel_loop3A_412 = vector.broadcast %parallel_loop3A_411 : f32 to vector<16xf32>
        %parallel_loop3A_413 = arith.addf %parallel_loop3A_406, %parallel_loop3A_412 : vector<16xf32>
        %parallel_loop3A_414 = arith.addf %parallel_loop3A_371, %parallel_loop3A_413 : vector<16xf32>
        %parallel_loop3A_415 = arith.constant 1 : i32
        %parallel_loop3A_416 = arith.addi %parallel_loop3A_369, %parallel_loop3A_415 : i32
        %parallel_loop3A_417 = arith.index_cast %parallel_loop3A_416 : i32 to index
        %parallel_loop3A_418 = arith.constant 0 : index
        %parallel_loop3A_419 = tpu.vector_load %arg11[%parallel_loop3A_417, %parallel_loop3A_418] {strides = array<i32>} : memref<63x16xf32, #tpu.memory_space<vmem>>, vector<16xf32>,
        tpu.vector_store %arg11[%parallel_loop3A_417, %parallel_loop3A_418], %parallel_loop3A_414 {strides = array<i32>} : memref<63x16xf32, #tpu.memory_space<vmem>>, vector<16xf32>,
        %parallel_loop3A_420 = arith.addf %parallel_loop3A_375, %parallel_loop3A_410 : vector<16xf32>
        %parallel_loop3A_421 = arith.constant 5.000000e-01 : f32
        %parallel_loop3A_422 = vector.broadcast %parallel_loop3A_421 : f32 to vector<16xf32>
        %parallel_loop3A_423 = arith.mulf %parallel_loop3A_422, %parallel_loop3A_420 : vector<16xf32>
        %parallel_loop3A_424 = arith.index_cast %parallel_loop3A_369 : i32 to index
        %parallel_loop3A_425 = arith.constant 0 : index
        %parallel_loop3A_426 = tpu.vector_load %arg15[%parallel_loop3A_424, %parallel_loop3A_425] {strides = array<i32>} : memref<63x16xf32, #tpu.memory_space<vmem>>, vector<16xf32>,
        tpu.vector_store %arg15[%parallel_loop3A_424, %parallel_loop3A_425], %parallel_loop3A_423 {strides = array<i32>} : memref<63x16xf32, #tpu.memory_space<vmem>>, vector<16xf32>,
        %parallel_loop3A_427 = arith.constant 1 : i32
        %parallel_loop3A_428 = vector.broadcast %parallel_loop3A_427 : i32 to vector<16xi32>
        %parallel_loop3A_429 = arith.addi %parallel_loop3A_378, %parallel_loop3A_428 : vector<16xi32>
        %parallel_loop3A_430 = tpu.vector_load_idx %arg8[%add3A_231, %parallel_loop3A_429] : memref<64x64xf32, #tpu.memory_space<vmem>>[vector<16xi32>, vector<16xi32>], vector<16xf32>,
        %parallel_loop3A_431 = arith.constant 1 : i32
        %parallel_loop3A_432 = vector.broadcast %parallel_loop3A_431 : i32 to vector<16xi32>
        %parallel_loop3A_433 = arith.addi %parallel_loop3A_378, %parallel_loop3A_432 : vector<16xi32>
        %parallel_loop3A_434 = tpu.vector_load_idx %arg6[%add3A_231, %parallel_loop3A_433] : memref<64x64xf32, #tpu.memory_space<vmem>>[vector<16xi32>, vector<16xi32>], vector<16xf32>,
        %parallel_loop3A_435 = arith.constant 9.99999974E-6 : f32
        %parallel_loop3A_436 = vector.broadcast %parallel_loop3A_435 : f32 to vector<16xf32>
        %parallel_loop3A_437 = arith.addf %parallel_loop3A_430, %parallel_loop3A_436 : vector<16xf32>
        %parallel_loop3A_438 = arith.addf %parallel_loop3A_372, %parallel_loop3A_437 : vector<16xf32>
        %parallel_loop3A_439 = arith.constant 1 : i32
        %parallel_loop3A_440 = arith.addi %parallel_loop3A_369, %parallel_loop3A_439 : i32
        %parallel_loop3A_441 = arith.index_cast %parallel_loop3A_440 : i32 to index
        %parallel_loop3A_442 = arith.constant 0 : index
        %parallel_loop3A_443 = tpu.vector_load %arg12[%parallel_loop3A_441, %parallel_loop3A_442] {strides = array<i32>} : memref<63x16xf32, #tpu.memory_space<vmem>>, vector<16xf32>,
        tpu.vector_store %arg12[%parallel_loop3A_441, %parallel_loop3A_442], %parallel_loop3A_438 {strides = array<i32>} : memref<63x16xf32, #tpu.memory_space<vmem>>, vector<16xf32>,
        %parallel_loop3A_444 = arith.addf %parallel_loop3A_376, %parallel_loop3A_434 : vector<16xf32>
        %parallel_loop3A_445 = arith.constant 5.000000e-01 : f32
        %parallel_loop3A_446 = vector.broadcast %parallel_loop3A_445 : f32 to vector<16xf32>
        %parallel_loop3A_447 = arith.mulf %parallel_loop3A_446, %parallel_loop3A_444 : vector<16xf32>
        %parallel_loop3A_448 = arith.index_cast %parallel_loop3A_369 : i32 to index
        %parallel_loop3A_449 = arith.constant 0 : index
        %parallel_loop3A_450 = tpu.vector_load %arg16[%parallel_loop3A_448, %parallel_loop3A_449] {strides = array<i32>} : memref<63x16xf32, #tpu.memory_space<vmem>>, vector<16xf32>,
        tpu.vector_store %arg16[%parallel_loop3A_448, %parallel_loop3A_449], %parallel_loop3A_447 {strides = array<i32>} : memref<63x16xf32, #tpu.memory_space<vmem>>, vector<16xf32>,
        %parallel_loop3A_451 = arith.constant 1 : i32
        %parallel_loop3A_452 = vector.broadcast %parallel_loop3A_451 : i32 to vector<16xi32>
        %parallel_loop3A_453 = arith.addi %parallel_loop3A_378, %parallel_loop3A_452 : vector<16xi32>
        %parallel_loop3A_454 = tpu.vector_load_idx %arg8[%add3A_234, %parallel_loop3A_453] : memref<64x64xf32, #tpu.memory_space<vmem>>[vector<16xi32>, vector<16xi32>], vector<16xf32>,
        %parallel_loop3A_455 = arith.constant 1 : i32
        %parallel_loop3A_456 = vector.broadcast %parallel_loop3A_455 : i32 to vector<16xi32>
        %parallel_loop3A_457 = arith.addi %parallel_loop3A_378, %parallel_loop3A_456 : vector<16xi32>
        %parallel_loop3A_458 = tpu.vector_load_idx %arg6[%add3A_234, %parallel_loop3A_457] : memref<64x64xf32, #tpu.memory_space<vmem>>[vector<16xi32>, vector<16xi32>], vector<16xf32>,
        %parallel_loop3A_459 = arith.constant 9.99999974E-6 : f32
        %parallel_loop3A_460 = vector.broadcast %parallel_loop3A_459 : f32 to vector<16xf32>
        %parallel_loop3A_461 = arith.addf %parallel_loop3A_454, %parallel_loop3A_460 : vector<16xf32>
        %parallel_loop3A_462 = arith.addf %parallel_loop3A_373, %parallel_loop3A_461 : vector<16xf32>
        %parallel_loop3A_463 = arith.constant 1 : i32
        %parallel_loop3A_464 = arith.addi %parallel_loop3A_369, %parallel_loop3A_463 : i32
        %parallel_loop3A_465 = arith.index_cast %parallel_loop3A_464 : i32 to index
        %parallel_loop3A_466 = arith.constant 0 : index
        %parallel_loop3A_467 = tpu.vector_load %arg13[%parallel_loop3A_465, %parallel_loop3A_466] {strides = array<i32>} : memref<63x16xf32, #tpu.memory_space<vmem>>, vector<16xf32>,
        tpu.vector_store %arg13[%parallel_loop3A_465, %parallel_loop3A_466], %parallel_loop3A_462 {strides = array<i32>} : memref<63x16xf32, #tpu.memory_space<vmem>>, vector<16xf32>,
        %parallel_loop3A_468 = arith.addf %parallel_loop3A_377, %parallel_loop3A_458 : vector<16xf32>
        %parallel_loop3A_469 = arith.constant 5.000000e-01 : f32
        %parallel_loop3A_470 = vector.broadcast %parallel_loop3A_469 : f32 to vector<16xf32>
        %parallel_loop3A_471 = arith.mulf %parallel_loop3A_470, %parallel_loop3A_468 : vector<16xf32>
        %parallel_loop3A_472 = arith.index_cast %parallel_loop3A_369 : i32 to index
        %parallel_loop3A_473 = arith.constant 0 : index
        %parallel_loop3A_474 = tpu.vector_load %arg17[%parallel_loop3A_472, %parallel_loop3A_473] {strides = array<i32>} : memref<63x16xf32, #tpu.memory_space<vmem>>, vector<16xf32>,
        tpu.vector_store %arg17[%parallel_loop3A_472, %parallel_loop3A_473], %parallel_loop3A_471 {strides = array<i32>} : memref<63x16xf32, #tpu.memory_space<vmem>>, vector<16xf32>,
        scf.yield %parallel_loop3A_390, %parallel_loop3A_414, %parallel_loop3A_438, %parallel_loop3A_462, %parallel_loop3A_386, %parallel_loop3A_410, %parallel_loop3A_434, %parallel_loop3A_458 : vector<16xf32>, vector<16xf32>, vector<16xf32>, vector<16xf32>, vector<16xf32>, vector<16xf32>, vector<16xf32>, vector<16xf32>
      } {sc.loop_unroll_factor = 2 : i64, sc.parallel_access}
      %broadcast_in_dim3A_263 = arith.constant 63 : i32
      %broadcast_in_dim3A_264 = vector.broadcast %broadcast_in_dim3A_263 : i32 to vector<16xi32>
      %gather3A_265 = tpu.vector_load_idx %arg6[%add3A_225, %broadcast_in_dim3A_264] : memref<64x64xf32, #tpu.memory_space<vmem>>[vector<16xi32>, vector<16xi32>], vector<16xf32>,
      %add3A_266 = arith.addf %parallel_loop3A_262#4, %gather3A_265 : vector<16xf32>
      %mul3A_267 = arith.constant 5.000000e-01 : f32
      %mul3A_268 = vector.broadcast %mul3A_267 : f32 to vector<16xf32>
      %mul3A_269 = arith.mulf %mul3A_268, %add3A_266 : vector<16xf32>
      %swap3A_270 = arith.constant 62 : i32
      %swap3A_271 = arith.index_cast %swap3A_270 : i32 to index
      %swap3A_272 = arith.constant 0 : index
      %swap3A_273 = tpu.vector_load %arg14[%swap3A_271, %swap3A_272] {strides = array<i32>} : memref<63x16xf32, #tpu.memory_space<vmem>>, vector<16xf32>,
      tpu.vector_store %arg14[%swap3A_271, %swap3A_272], %mul3A_269 {strides = array<i32>} : memref<63x16xf32, #tpu.memory_space<vmem>>, vector<16xf32>,
      %gather3A_274 = tpu.vector_load_idx %arg6[%add3A_228, %broadcast_in_dim3A_264] : memref<64x64xf32, #tpu.memory_space<vmem>>[vector<16xi32>, vector<16xi32>], vector<16xf32>,
      %add3A_275 = arith.addf %parallel_loop3A_262#5, %gather3A_274 : vector<16xf32>
      %mul3A_276 = arith.constant 5.000000e-01 : f32
      %mul3A_277 = vector.broadcast %mul3A_276 : f32 to vector<16xf32>
      %mul3A_278 = arith.mulf %mul3A_277, %add3A_275 : vector<16xf32>
      %swap3A_279 = arith.constant 62 : i32
      %swap3A_280 = arith.index_cast %swap3A_279 : i32 to index
      %swap3A_281 = arith.constant 0 : index
      %swap3A_282 = tpu.vector_load %arg15[%swap3A_280, %swap3A_281] {strides = array<i32>} : memref<63x16xf32, #tpu.memory_space<vmem>>, vector<16xf32>,
      tpu.vector_store %arg15[%swap3A_280, %swap3A_281], %mul3A_278 {strides = array<i32>} : memref<63x16xf32, #tpu.memory_space<vmem>>, vector<16xf32>,
      %gather3A_283 = tpu.vector_load_idx %arg6[%add3A_231, %broadcast_in_dim3A_264] : memref<64x64xf32, #tpu.memory_space<vmem>>[vector<16xi32>, vector<16xi32>], vector<16xf32>,
      %add3A_284 = arith.addf %parallel_loop3A_262#6, %gather3A_283 : vector<16xf32>
      %mul3A_285 = arith.constant 5.000000e-01 : f32
      %mul3A_286 = vector.broadcast %mul3A_285 : f32 to vector<16xf32>
      %mul3A_287 = arith.mulf %mul3A_286, %add3A_284 : vector<16xf32>
      %swap3A_288 = arith.constant 62 : i32
      %swap3A_289 = arith.index_cast %swap3A_288 : i32 to index
      %swap3A_290 = arith.constant 0 : index
      %swap3A_291 = tpu.vector_load %arg16[%swap3A_289, %swap3A_290] {strides = array<i32>} : memref<63x16xf32, #tpu.memory_space<vmem>>, vector<16xf32>,
      tpu.vector_store %arg16[%swap3A_289, %swap3A_290], %mul3A_287 {strides = array<i32>} : memref<63x16xf32, #tpu.memory_space<vmem>>, vector<16xf32>,
      %gather3A_292 = tpu.vector_load_idx %arg6[%add3A_234, %broadcast_in_dim3A_264] : memref<64x64xf32, #tpu.memory_space<vmem>>[vector<16xi32>, vector<16xi32>], vector<16xf32>,
      %add3A_293 = arith.addf %parallel_loop3A_262#7, %gather3A_292 : vector<16xf32>
      %mul3A_294 = arith.constant 5.000000e-01 : f32
      %mul3A_295 = vector.broadcast %mul3A_294 : f32 to vector<16xf32>
      %mul3A_296 = arith.mulf %mul3A_295, %add3A_293 : vector<16xf32>
      %swap3A_297 = arith.constant 62 : i32
      %swap3A_298 = arith.index_cast %swap3A_297 : i32 to index
      %swap3A_299 = arith.constant 0 : index
      %swap3A_300 = tpu.vector_load %arg17[%swap3A_298, %swap3A_299] {strides = array<i32>} : memref<63x16xf32, #tpu.memory_space<vmem>>, vector<16xf32>,
      tpu.vector_store %arg17[%swap3A_298, %swap3A_299], %mul3A_296 {strides = array<i32>} : memref<63x16xf32, #tpu.memory_space<vmem>>, vector<16xf32>,
      %div3A_301 = arith.constant 6.300000e+01 : f32
      %div3A_302 = vector.broadcast %div3A_301 : f32 to vector<16xf32>
      %div3A_303 = arith.divf %div3A_302, %parallel_loop3A_262#0 : vector<16xf32>
      %div3A_304 = arith.constant 6.300000e+01 : f32
      %div3A_305 = vector.broadcast %div3A_304 : f32 to vector<16xf32>
      %div3A_306 = arith.divf %div3A_305, %parallel_loop3A_262#1 : vector<16xf32>
      %div3A_307 = arith.constant 6.300000e+01 : f32
      %div3A_308 = vector.broadcast %div3A_307 : f32 to vector<16xf32>
      %div3A_309 = arith.divf %div3A_308, %parallel_loop3A_262#2 : vector<16xf32>
      %div3A_310 = arith.constant 6.300000e+01 : f32
      %div3A_311 = vector.broadcast %div3A_310 : f32 to vector<16xf32>
      %div3A_312 = arith.divf %div3A_311, %parallel_loop3A_262#3 : vector<16xf32>
      %parallel_loop3A_313 = arith.constant 0 : i32
      %parallel_loop3A_314 = arith.constant 64 : i32
      %parallel_loop3A_315 = arith.constant 1 : i32
      %parallel_loop3A_316 = arith.constant 0 : i32
      %parallel_loop3A_317 = scf.for %parallel_loop3A_369 = %parallel_loop3A_313 to %parallel_loop3A_314 step %parallel_loop3A_315 iter_args(%parallel_loop3A_370 = %parallel_loop3A_316) -> (i32)  : i32 {
        %parallel_loop3A_371 = arith.index_cast %parallel_loop3A_369 : i32 to index
        %parallel_loop3A_372 = arith.constant 0 : index
        %parallel_loop3A_373 = tpu.vector_load %arg18[%parallel_loop3A_371, %parallel_loop3A_372] {strides = array<i32>} : memref<64x16xi32, #tpu.memory_space<vmem>>, vector<16xi32>,
        tpu.vector_store %arg18[%parallel_loop3A_371, %parallel_loop3A_372], %broadcast_in_dim3A_238 {strides = array<i32>} : memref<64x16xi32, #tpu.memory_space<vmem>>, vector<16xi32>,
        %parallel_loop3A_374 = arith.index_cast %parallel_loop3A_369 : i32 to index
        %parallel_loop3A_375 = arith.constant 0 : index
        %parallel_loop3A_376 = tpu.vector_load %arg19[%parallel_loop3A_374, %parallel_loop3A_375] {strides = array<i32>} : memref<64x16xi32, #tpu.memory_space<vmem>>, vector<16xi32>,
        tpu.vector_store %arg19[%parallel_loop3A_374, %parallel_loop3A_375], %broadcast_in_dim3A_238 {strides = array<i32>} : memref<64x16xi32, #tpu.memory_space<vmem>>, vector<16xi32>,
        %parallel_loop3A_377 = arith.index_cast %parallel_loop3A_369 : i32 to index
        %parallel_loop3A_378 = arith.constant 0 : index
        %parallel_loop3A_379 = tpu.vector_load %arg20[%parallel_loop3A_377, %parallel_loop3A_378] {strides = array<i32>} : memref<64x16xi32, #tpu.memory_space<vmem>>, vector<16xi32>,
        tpu.vector_store %arg20[%parallel_loop3A_377, %parallel_loop3A_378], %broadcast_in_dim3A_238 {strides = array<i32>} : memref<64x16xi32, #tpu.memory_space<vmem>>, vector<16xi32>,
        %parallel_loop3A_380 = arith.index_cast %parallel_loop3A_369 : i32 to index
        %parallel_loop3A_381 = arith.constant 0 : index
        %parallel_loop3A_382 = tpu.vector_load %arg21[%parallel_loop3A_380, %parallel_loop3A_381] {strides = array<i32>} : memref<64x16xi32, #tpu.memory_space<vmem>>, vector<16xi32>,
        tpu.vector_store %arg21[%parallel_loop3A_380, %parallel_loop3A_381], %broadcast_in_dim3A_238 {strides = array<i32>} : memref<64x16xi32, #tpu.memory_space<vmem>>, vector<16xi32>,
        scf.yield %parallel_loop3A_370 : i32
      } {sc.loop_unroll_factor = 4 : i64, sc.parallel_access}
      %parallel_loop3A_318 = arith.constant 0 : i32
      %parallel_loop3A_319 = arith.constant 62 : i32
      %parallel_loop3A_320 = arith.constant 1 : i32
      %parallel_loop3A_321:4 = scf.for %parallel_loop3A_369 = %parallel_loop3A_318 to %parallel_loop3A_319 step %parallel_loop3A_320 iter_args(%parallel_loop3A_370 = %broadcast_in_dim3A_238, %parallel_loop3A_371 = %broadcast_in_dim3A_238, %parallel_loop3A_372 = %broadcast_in_dim3A_238, %parallel_loop3A_373 = %broadcast_in_dim3A_238) -> (vector<16xi32>, vector<16xi32>, vector<16xi32>, vector<16xi32>)  : i32 {
        %parallel_loop3A_374 = vector.broadcast %parallel_loop3A_369 : i32 to vector<16xi32>
        %parallel_loop3A_375 = arith.constant 1 : i32
        %parallel_loop3A_376 = arith.addi %parallel_loop3A_369, %parallel_loop3A_375 : i32
        %parallel_loop3A_377 = arith.index_cast %parallel_loop3A_376 : i32 to index
        %parallel_loop3A_378 = arith.constant 0 : index
        %parallel_loop3A_379 = tpu.vector_load %arg10[%parallel_loop3A_377, %parallel_loop3A_378] {strides = array<i32>} : memref<63x16xf32, #tpu.memory_space<vmem>>, vector<16xf32>,
        %parallel_loop3A_380 = arith.mulf %parallel_loop3A_379, %div3A_303 : vector<16xf32>
        %parallel_loop3A_381 = arith.fptosi %parallel_loop3A_380 : vector<16xf32> to vector<16xi32>
        %parallel_loop3A_382 = arith.sitofp %parallel_loop3A_381 : vector<16xi32> to vector<16xf32>
        %parallel_loop3A_383 = arith.cmpf olt, %parallel_loop3A_382, %parallel_loop3A_380 : vector<16xf32>
        %parallel_loop3A_384 = arith.constant 1 : i32
        %parallel_loop3A_385 = vector.broadcast %parallel_loop3A_384 : i32 to vector<16xi32>
        %parallel_loop3A_386 = arith.addi %parallel_loop3A_381, %parallel_loop3A_385 : vector<16xi32>
        %parallel_loop3A_387 = arith.select %parallel_loop3A_383, %parallel_loop3A_386, %parallel_loop3A_381 : vector<16xi1>, vector<16xi32>
        %parallel_loop3A_388 = arith.constant 0 : i32
        %parallel_loop3A_389 = arith.constant 63 : i32
        %parallel_loop3A_390 = vector.broadcast %parallel_loop3A_388 : i32 to vector<16xi32>
        %parallel_loop3A_391 = arith.maxsi %parallel_loop3A_390, %parallel_loop3A_370 : vector<16xi32>
        %parallel_loop3A_392 = vector.broadcast %parallel_loop3A_389 : i32 to vector<16xi32>
        %parallel_loop3A_393 = arith.minsi %parallel_loop3A_392, %parallel_loop3A_391 : vector<16xi32>
        %parallel_loop3A_394 = arith.cmpi sgt, %parallel_loop3A_387, %parallel_loop3A_370 : vector<16xi32>
        tpu.vector_store_idx %arg18[%parallel_loop3A_393, %iota3A], %parallel_loop3A_374 masked %parallel_loop3A_394 : memref<64x16xi32, #tpu.memory_space<vmem>>[vector<16xi32>, vector<16xi32>], vector<16xi32>, vector<16xi1>
        %parallel_loop3A_395 = arith.constant 1 : i32
        %parallel_loop3A_396 = arith.addi %parallel_loop3A_369, %parallel_loop3A_395 : i32
        %parallel_loop3A_397 = arith.index_cast %parallel_loop3A_396 : i32 to index
        %parallel_loop3A_398 = arith.constant 0 : index
        %parallel_loop3A_399 = tpu.vector_load %arg11[%parallel_loop3A_397, %parallel_loop3A_398] {strides = array<i32>} : memref<63x16xf32, #tpu.memory_space<vmem>>, vector<16xf32>,
        %parallel_loop3A_400 = arith.mulf %parallel_loop3A_399, %div3A_306 : vector<16xf32>
        %parallel_loop3A_401 = arith.fptosi %parallel_loop3A_400 : vector<16xf32> to vector<16xi32>
        %parallel_loop3A_402 = arith.sitofp %parallel_loop3A_401 : vector<16xi32> to vector<16xf32>
        %parallel_loop3A_403 = arith.cmpf olt, %parallel_loop3A_402, %parallel_loop3A_400 : vector<16xf32>
        %parallel_loop3A_404 = arith.constant 1 : i32
        %parallel_loop3A_405 = vector.broadcast %parallel_loop3A_404 : i32 to vector<16xi32>
        %parallel_loop3A_406 = arith.addi %parallel_loop3A_401, %parallel_loop3A_405 : vector<16xi32>
        %parallel_loop3A_407 = arith.select %parallel_loop3A_403, %parallel_loop3A_406, %parallel_loop3A_401 : vector<16xi1>, vector<16xi32>
        %parallel_loop3A_408 = arith.constant 0 : i32
        %parallel_loop3A_409 = arith.constant 63 : i32
        %parallel_loop3A_410 = vector.broadcast %parallel_loop3A_408 : i32 to vector<16xi32>
        %parallel_loop3A_411 = arith.maxsi %parallel_loop3A_410, %parallel_loop3A_371 : vector<16xi32>
        %parallel_loop3A_412 = vector.broadcast %parallel_loop3A_409 : i32 to vector<16xi32>
        %parallel_loop3A_413 = arith.minsi %parallel_loop3A_412, %parallel_loop3A_411 : vector<16xi32>
        %parallel_loop3A_414 = arith.cmpi sgt, %parallel_loop3A_407, %parallel_loop3A_371 : vector<16xi32>
        tpu.vector_store_idx %arg19[%parallel_loop3A_413, %iota3A], %parallel_loop3A_374 masked %parallel_loop3A_414 : memref<64x16xi32, #tpu.memory_space<vmem>>[vector<16xi32>, vector<16xi32>], vector<16xi32>, vector<16xi1>
        %parallel_loop3A_415 = arith.constant 1 : i32
        %parallel_loop3A_416 = arith.addi %parallel_loop3A_369, %parallel_loop3A_415 : i32
        %parallel_loop3A_417 = arith.index_cast %parallel_loop3A_416 : i32 to index
        %parallel_loop3A_418 = arith.constant 0 : index
        %parallel_loop3A_419 = tpu.vector_load %arg12[%parallel_loop3A_417, %parallel_loop3A_418] {strides = array<i32>} : memref<63x16xf32, #tpu.memory_space<vmem>>, vector<16xf32>,
        %parallel_loop3A_420 = arith.mulf %parallel_loop3A_419, %div3A_309 : vector<16xf32>
        %parallel_loop3A_421 = arith.fptosi %parallel_loop3A_420 : vector<16xf32> to vector<16xi32>
        %parallel_loop3A_422 = arith.sitofp %parallel_loop3A_421 : vector<16xi32> to vector<16xf32>
        %parallel_loop3A_423 = arith.cmpf olt, %parallel_loop3A_422, %parallel_loop3A_420 : vector<16xf32>
        %parallel_loop3A_424 = arith.constant 1 : i32
        %parallel_loop3A_425 = vector.broadcast %parallel_loop3A_424 : i32 to vector<16xi32>
        %parallel_loop3A_426 = arith.addi %parallel_loop3A_421, %parallel_loop3A_425 : vector<16xi32>
        %parallel_loop3A_427 = arith.select %parallel_loop3A_423, %parallel_loop3A_426, %parallel_loop3A_421 : vector<16xi1>, vector<16xi32>
        %parallel_loop3A_428 = arith.constant 0 : i32
        %parallel_loop3A_429 = arith.constant 63 : i32
        %parallel_loop3A_430 = vector.broadcast %parallel_loop3A_428 : i32 to vector<16xi32>
        %parallel_loop3A_431 = arith.maxsi %parallel_loop3A_430, %parallel_loop3A_372 : vector<16xi32>
        %parallel_loop3A_432 = vector.broadcast %parallel_loop3A_429 : i32 to vector<16xi32>
        %parallel_loop3A_433 = arith.minsi %parallel_loop3A_432, %parallel_loop3A_431 : vector<16xi32>
        %parallel_loop3A_434 = arith.cmpi sgt, %parallel_loop3A_427, %parallel_loop3A_372 : vector<16xi32>
        tpu.vector_store_idx %arg20[%parallel_loop3A_433, %iota3A], %parallel_loop3A_374 masked %parallel_loop3A_434 : memref<64x16xi32, #tpu.memory_space<vmem>>[vector<16xi32>, vector<16xi32>], vector<16xi32>, vector<16xi1>
        %parallel_loop3A_435 = arith.constant 1 : i32
        %parallel_loop3A_436 = arith.addi %parallel_loop3A_369, %parallel_loop3A_435 : i32
        %parallel_loop3A_437 = arith.index_cast %parallel_loop3A_436 : i32 to index
        %parallel_loop3A_438 = arith.constant 0 : index
        %parallel_loop3A_439 = tpu.vector_load %arg13[%parallel_loop3A_437, %parallel_loop3A_438] {strides = array<i32>} : memref<63x16xf32, #tpu.memory_space<vmem>>, vector<16xf32>,
        %parallel_loop3A_440 = arith.mulf %parallel_loop3A_439, %div3A_312 : vector<16xf32>
        %parallel_loop3A_441 = arith.fptosi %parallel_loop3A_440 : vector<16xf32> to vector<16xi32>
        %parallel_loop3A_442 = arith.sitofp %parallel_loop3A_441 : vector<16xi32> to vector<16xf32>
        %parallel_loop3A_443 = arith.cmpf olt, %parallel_loop3A_442, %parallel_loop3A_440 : vector<16xf32>
        %parallel_loop3A_444 = arith.constant 1 : i32
        %parallel_loop3A_445 = vector.broadcast %parallel_loop3A_444 : i32 to vector<16xi32>
        %parallel_loop3A_446 = arith.addi %parallel_loop3A_441, %parallel_loop3A_445 : vector<16xi32>
        %parallel_loop3A_447 = arith.select %parallel_loop3A_443, %parallel_loop3A_446, %parallel_loop3A_441 : vector<16xi1>, vector<16xi32>
        %parallel_loop3A_448 = arith.constant 0 : i32
        %parallel_loop3A_449 = arith.constant 63 : i32
        %parallel_loop3A_450 = vector.broadcast %parallel_loop3A_448 : i32 to vector<16xi32>
        %parallel_loop3A_451 = arith.maxsi %parallel_loop3A_450, %parallel_loop3A_373 : vector<16xi32>
        %parallel_loop3A_452 = vector.broadcast %parallel_loop3A_449 : i32 to vector<16xi32>
        %parallel_loop3A_453 = arith.minsi %parallel_loop3A_452, %parallel_loop3A_451 : vector<16xi32>
        %parallel_loop3A_454 = arith.cmpi sgt, %parallel_loop3A_447, %parallel_loop3A_373 : vector<16xi32>
        tpu.vector_store_idx %arg21[%parallel_loop3A_453, %iota3A], %parallel_loop3A_374 masked %parallel_loop3A_454 : memref<64x16xi32, #tpu.memory_space<vmem>>[vector<16xi32>, vector<16xi32>], vector<16xi32>, vector<16xi1>
        scf.yield %parallel_loop3A_387, %parallel_loop3A_407, %parallel_loop3A_427, %parallel_loop3A_447 : vector<16xi32>, vector<16xi32>, vector<16xi32>, vector<16xi32>
      } {sc.loop_unroll_factor = 2 : i64, sc.parallel_access}
      %broadcast_in_dim3A_322 = arith.constant 62 : i32
      %broadcast_in_dim3A_323 = vector.broadcast %broadcast_in_dim3A_322 : i32 to vector<16xi32>
      %jit3A_324 = arith.constant 0 : i32
      %jit3A_325 = arith.constant 63 : i32
      %max3A_326 = vector.broadcast %jit3A_324 : i32 to vector<16xi32>
      %max3A_327 = arith.maxsi %max3A_326, %parallel_loop3A_321#0 : vector<16xi32>
      %min3A_328 = vector.broadcast %jit3A_325 : i32 to vector<16xi32>
      %min3A_329 = arith.minsi %min3A_328, %max3A_327 : vector<16xi32>
      tpu.vector_store_idx %arg18[%min3A_329, %iota3A], %broadcast_in_dim3A_323 : memref<64x16xi32, #tpu.memory_space<vmem>>[vector<16xi32>, vector<16xi32>], vector<16xi32>,
      %jit3A_330 = arith.constant 0 : i32
      %jit3A_331 = arith.constant 63 : i32
      %max3A_332 = vector.broadcast %jit3A_330 : i32 to vector<16xi32>
      %max3A_333 = arith.maxsi %max3A_332, %parallel_loop3A_321#1 : vector<16xi32>
      %min3A_334 = vector.broadcast %jit3A_331 : i32 to vector<16xi32>
      %min3A_335 = arith.minsi %min3A_334, %max3A_333 : vector<16xi32>
      tpu.vector_store_idx %arg19[%min3A_335, %iota3A], %broadcast_in_dim3A_323 : memref<64x16xi32, #tpu.memory_space<vmem>>[vector<16xi32>, vector<16xi32>], vector<16xi32>,
      %jit3A_336 = arith.constant 0 : i32
      %jit3A_337 = arith.constant 63 : i32
      %max3A_338 = vector.broadcast %jit3A_336 : i32 to vector<16xi32>
      %max3A_339 = arith.maxsi %max3A_338, %parallel_loop3A_321#2 : vector<16xi32>
      %min3A_340 = vector.broadcast %jit3A_337 : i32 to vector<16xi32>
      %min3A_341 = arith.minsi %min3A_340, %max3A_339 : vector<16xi32>
      tpu.vector_store_idx %arg20[%min3A_341, %iota3A], %broadcast_in_dim3A_323 : memref<64x16xi32, #tpu.memory_space<vmem>>[vector<16xi32>, vector<16xi32>], vector<16xi32>,
      %jit3A_342 = arith.constant 0 : i32
      %jit3A_343 = arith.constant 63 : i32
      %max3A_344 = vector.broadcast %jit3A_342 : i32 to vector<16xi32>
      %max3A_345 = arith.maxsi %max3A_344, %parallel_loop3A_321#3 : vector<16xi32>
      %min3A_346 = vector.broadcast %jit3A_343 : i32 to vector<16xi32>
      %min3A_347 = arith.minsi %min3A_346, %max3A_345 : vector<16xi32>
      tpu.vector_store_idx %arg21[%min3A_347, %iota3A], %broadcast_in_dim3A_323 : memref<64x16xi32, #tpu.memory_space<vmem>>[vector<16xi32>, vector<16xi32>], vector<16xi32>,
      %add3A_348 = arith.constant 0 : i32
      %add3A_349 = arith.addi %mul3A_2, %add3A_348 : i32
      %dma_wait3A_350 = arith.constant 0 : i32
      %dma_wait3A_351 = tpu.memref_slice %arg4[%add3A_349, %dma_wait3A_350] : memref<65536x128xf32, #tpu.memory_space<hbm>> -> memref<64x128xf32, #tpu.memory_space<hbm>>
      %dma_wait3A_352 = arith.constant 0 : i32
      %dma_wait3A_353 = tpu.memref_slice %arg4[%add3A_349, %dma_wait3A_352] : memref<65536x128xf32, #tpu.memory_space<hbm>> -> memref<64x128xf32, #tpu.memory_space<hbm>>
      tpu.wait_dma2 semaphore(%arg30 : memref<!tpu.dma_semaphore, #tpu.memory_space<semaphore_mem>>) src(%arg9 : memref<64x128xf32, #tpu.memory_space<vmem>>) dst(%dma_wait3A_353 : memref<64x128xf32, #tpu.memory_space<hbm>>)
      %parallel_loop3A_354 = arith.constant 0 : i32
      %parallel_loop3A_355 = arith.constant 64 : i32
      %parallel_loop3A_356 = arith.constant 1 : i32
      %parallel_loop3A_357:4 = scf.for %parallel_loop3A_369 = %parallel_loop3A_354 to %parallel_loop3A_355 step %parallel_loop3A_356 iter_args(%parallel_loop3A_370 = %broadcast_in_dim3A_238, %parallel_loop3A_371 = %broadcast_in_dim3A_238, %parallel_loop3A_372 = %broadcast_in_dim3A_238, %parallel_loop3A_373 = %broadcast_in_dim3A_238) -> (vector<16xi32>, vector<16xi32>, vector<16xi32>, vector<16xi32>)  : i32 {
        %parallel_loop3A_374 = arith.sitofp %parallel_loop3A_369 : i32 to f32
        %parallel_loop3A_375 = arith.constant 0.0158730168 : f32
        %parallel_loop3A_376 = arith.mulf %parallel_loop3A_374, %parallel_loop3A_375 : f32
        %parallel_loop3A_377 = vector.broadcast %parallel_loop3A_369 : i32 to vector<16xi32>
        %parallel_loop3A_378 = arith.index_cast %parallel_loop3A_369 : i32 to index
        %parallel_loop3A_379 = arith.constant 0 : index
        %parallel_loop3A_380 = tpu.vector_load %arg18[%parallel_loop3A_378, %parallel_loop3A_379] {strides = array<i32>} : memref<64x16xi32, #tpu.memory_space<vmem>>, vector<16xi32>,
        %parallel_loop3A_381 = arith.maxsi %parallel_loop3A_370, %parallel_loop3A_380 : vector<16xi32>
        %parallel_loop3A_382 = arith.constant 1 : i32
        %parallel_loop3A_383 = vector.broadcast %parallel_loop3A_382 : i32 to vector<16xi32>
        %parallel_loop3A_384 = arith.addi %parallel_loop3A_381, %parallel_loop3A_383 : vector<16xi32>
        %parallel_loop3A_385 = arith.constant 62 : i32
        %parallel_loop3A_386 = vector.broadcast %parallel_loop3A_385 : i32 to vector<16xi32>
        %parallel_loop3A_387 = arith.minsi %parallel_loop3A_384, %parallel_loop3A_386 : vector<16xi32>
        %parallel_loop3A_388 = tpu.vector_load_idx %arg10[%parallel_loop3A_381, %iota3A] : memref<63x16xf32, #tpu.memory_space<vmem>>[vector<16xi32>, vector<16xi32>], vector<16xf32>,
        %parallel_loop3A_389 = tpu.vector_load_idx %arg10[%parallel_loop3A_387, %iota3A] : memref<63x16xf32, #tpu.memory_space<vmem>>[vector<16xi32>, vector<16xi32>], vector<16xf32>,
        %parallel_loop3A_390 = tpu.vector_load_idx %arg14[%parallel_loop3A_381, %iota3A] : memref<63x16xf32, #tpu.memory_space<vmem>>[vector<16xi32>, vector<16xi32>], vector<16xf32>,
        %parallel_loop3A_391 = tpu.vector_load_idx %arg14[%parallel_loop3A_387, %iota3A] : memref<63x16xf32, #tpu.memory_space<vmem>>[vector<16xi32>, vector<16xi32>], vector<16xf32>,
        %parallel_loop3A_392 = arith.constant 1 : i32
        %parallel_loop3A_393 = vector.broadcast %parallel_loop3A_392 : i32 to vector<16xi32>
        %parallel_loop3A_394 = arith.addi %parallel_loop3A_381, %parallel_loop3A_393 : vector<16xi32>
        %parallel_loop3A_395 = tpu.vector_load_idx %arg6[%add3A_225, %parallel_loop3A_394] : memref<64x64xf32, #tpu.memory_space<vmem>>[vector<16xi32>, vector<16xi32>], vector<16xf32>,
        %parallel_loop3A_396 = vector.broadcast %parallel_loop3A_376 : f32 to vector<16xf32>
        %parallel_loop3A_397 = arith.mulf %parallel_loop3A_396, %parallel_loop3A_262#0 : vector<16xf32>
        %parallel_loop3A_398 = arith.subf %parallel_loop3A_389, %parallel_loop3A_388 : vector<16xf32>
        %parallel_loop3A_399 = arith.constant 9.99999974E-6 : f32
        %parallel_loop3A_400 = vector.broadcast %parallel_loop3A_399 : f32 to vector<16xf32>
        %parallel_loop3A_401 = arith.mulf %parallel_loop3A_400, %parallel_loop3A_262#0 : vector<16xf32>
        %parallel_loop3A_402 = arith.cmpf olt, %parallel_loop3A_398, %parallel_loop3A_401 : vector<16xf32>
        %parallel_loop3A_403 = arith.select %parallel_loop3A_402, %parallel_loop3A_262#0, %parallel_loop3A_398 : vector<16xi1>, vector<16xf32>
        %parallel_loop3A_404 = arith.subf %parallel_loop3A_397, %parallel_loop3A_388 : vector<16xf32>
        %parallel_loop3A_405 = arith.divf %parallel_loop3A_404, %parallel_loop3A_403 : vector<16xf32>
        %parallel_loop3A_406 = arith.subf %parallel_loop3A_391, %parallel_loop3A_390 : vector<16xf32>
        %parallel_loop3A_407 = arith.mulf %parallel_loop3A_405, %parallel_loop3A_406 : vector<16xf32>
        %parallel_loop3A_408 = arith.addf %parallel_loop3A_390, %parallel_loop3A_407 : vector<16xf32>
        %parallel_loop3A_409 = arith.constant 1 : i32
        %parallel_loop3A_410 = vector.broadcast %parallel_loop3A_409 : i32 to vector<16xi32>
        %parallel_loop3A_411 = arith.addi %parallel_loop3A_381, %parallel_loop3A_410 : vector<16xi32>
        %parallel_loop3A_412 = arith.cmpf ole, %parallel_loop3A_395, %parallel_loop3A_408 : vector<16xf32>
        %parallel_loop3A_413 = arith.constant 1 : i32
        %parallel_loop3A_414 = arith.constant 0 : i32
        %parallel_loop3A_415 = vector.broadcast %parallel_loop3A_413 : i32 to vector<16xi32>
        %parallel_loop3A_416 = vector.broadcast %parallel_loop3A_414 : i32 to vector<16xi32>
        %parallel_loop3A_417 = arith.select %parallel_loop3A_412, %parallel_loop3A_415, %parallel_loop3A_416 : vector<16xi1>, vector<16xi32>
        %parallel_loop3A_418 = arith.addi %parallel_loop3A_411, %parallel_loop3A_417 : vector<16xi32>
        %parallel_loop3A_419 = arith.addi %parallel_loop3A_377, %parallel_loop3A_418 : vector<16xi32>
        tpu.vector_store_idx %arg9[%add3A_225, %parallel_loop3A_419], %parallel_loop3A_408 : memref<64x128xf32, #tpu.memory_space<vmem>>[vector<16xi32>, vector<16xi32>], vector<16xf32>,
        tpu.vector_store_idx %arg22[%parallel_loop3A_419, %iota3A], %broadcast_in_dim3A_222 : memref<128x16xi32, #tpu.memory_space<vmem>>[vector<16xi32>, vector<16xi32>], vector<16xi32>,
        %parallel_loop3A_420 = arith.index_cast %parallel_loop3A_369 : i32 to index
        %parallel_loop3A_421 = arith.constant 0 : index
        %parallel_loop3A_422 = tpu.vector_load %arg19[%parallel_loop3A_420, %parallel_loop3A_421] {strides = array<i32>} : memref<64x16xi32, #tpu.memory_space<vmem>>, vector<16xi32>,
        %parallel_loop3A_423 = arith.maxsi %parallel_loop3A_371, %parallel_loop3A_422 : vector<16xi32>
        %parallel_loop3A_424 = arith.constant 1 : i32
        %parallel_loop3A_425 = vector.broadcast %parallel_loop3A_424 : i32 to vector<16xi32>
        %parallel_loop3A_426 = arith.addi %parallel_loop3A_423, %parallel_loop3A_425 : vector<16xi32>
        %parallel_loop3A_427 = arith.constant 62 : i32
        %parallel_loop3A_428 = vector.broadcast %parallel_loop3A_427 : i32 to vector<16xi32>
        %parallel_loop3A_429 = arith.minsi %parallel_loop3A_426, %parallel_loop3A_428 : vector<16xi32>
        %parallel_loop3A_430 = tpu.vector_load_idx %arg11[%parallel_loop3A_423, %iota3A] : memref<63x16xf32, #tpu.memory_space<vmem>>[vector<16xi32>, vector<16xi32>], vector<16xf32>,
        %parallel_loop3A_431 = tpu.vector_load_idx %arg11[%parallel_loop3A_429, %iota3A] : memref<63x16xf32, #tpu.memory_space<vmem>>[vector<16xi32>, vector<16xi32>], vector<16xf32>,
        %parallel_loop3A_432 = tpu.vector_load_idx %arg15[%parallel_loop3A_423, %iota3A] : memref<63x16xf32, #tpu.memory_space<vmem>>[vector<16xi32>, vector<16xi32>], vector<16xf32>,
        %parallel_loop3A_433 = tpu.vector_load_idx %arg15[%parallel_loop3A_429, %iota3A] : memref<63x16xf32, #tpu.memory_space<vmem>>[vector<16xi32>, vector<16xi32>], vector<16xf32>,
        %parallel_loop3A_434 = arith.constant 1 : i32
        %parallel_loop3A_435 = vector.broadcast %parallel_loop3A_434 : i32 to vector<16xi32>
        %parallel_loop3A_436 = arith.addi %parallel_loop3A_423, %parallel_loop3A_435 : vector<16xi32>
        %parallel_loop3A_437 = tpu.vector_load_idx %arg6[%add3A_228, %parallel_loop3A_436] : memref<64x64xf32, #tpu.memory_space<vmem>>[vector<16xi32>, vector<16xi32>], vector<16xf32>,
        %parallel_loop3A_438 = vector.broadcast %parallel_loop3A_376 : f32 to vector<16xf32>
        %parallel_loop3A_439 = arith.mulf %parallel_loop3A_438, %parallel_loop3A_262#1 : vector<16xf32>
        %parallel_loop3A_440 = arith.subf %parallel_loop3A_431, %parallel_loop3A_430 : vector<16xf32>
        %parallel_loop3A_441 = arith.constant 9.99999974E-6 : f32
        %parallel_loop3A_442 = vector.broadcast %parallel_loop3A_441 : f32 to vector<16xf32>
        %parallel_loop3A_443 = arith.mulf %parallel_loop3A_442, %parallel_loop3A_262#1 : vector<16xf32>
        %parallel_loop3A_444 = arith.cmpf olt, %parallel_loop3A_440, %parallel_loop3A_443 : vector<16xf32>
        %parallel_loop3A_445 = arith.select %parallel_loop3A_444, %parallel_loop3A_262#1, %parallel_loop3A_440 : vector<16xi1>, vector<16xf32>
        %parallel_loop3A_446 = arith.subf %parallel_loop3A_439, %parallel_loop3A_430 : vector<16xf32>
        %parallel_loop3A_447 = arith.divf %parallel_loop3A_446, %parallel_loop3A_445 : vector<16xf32>
        %parallel_loop3A_448 = arith.subf %parallel_loop3A_433, %parallel_loop3A_432 : vector<16xf32>
        %parallel_loop3A_449 = arith.mulf %parallel_loop3A_447, %parallel_loop3A_448 : vector<16xf32>
        %parallel_loop3A_450 = arith.addf %parallel_loop3A_432, %parallel_loop3A_449 : vector<16xf32>
        %parallel_loop3A_451 = arith.constant 1 : i32
        %parallel_loop3A_452 = vector.broadcast %parallel_loop3A_451 : i32 to vector<16xi32>
        %parallel_loop3A_453 = arith.addi %parallel_loop3A_423, %parallel_loop3A_452 : vector<16xi32>
        %parallel_loop3A_454 = arith.cmpf ole, %parallel_loop3A_437, %parallel_loop3A_450 : vector<16xf32>
        %parallel_loop3A_455 = arith.constant 1 : i32
        %parallel_loop3A_456 = arith.constant 0 : i32
        %parallel_loop3A_457 = vector.broadcast %parallel_loop3A_455 : i32 to vector<16xi32>
        %parallel_loop3A_458 = vector.broadcast %parallel_loop3A_456 : i32 to vector<16xi32>
        %parallel_loop3A_459 = arith.select %parallel_loop3A_454, %parallel_loop3A_457, %parallel_loop3A_458 : vector<16xi1>, vector<16xi32>
        %parallel_loop3A_460 = arith.addi %parallel_loop3A_453, %parallel_loop3A_459 : vector<16xi32>
        %parallel_loop3A_461 = arith.addi %parallel_loop3A_377, %parallel_loop3A_460 : vector<16xi32>
        tpu.vector_store_idx %arg9[%add3A_228, %parallel_loop3A_461], %parallel_loop3A_450 : memref<64x128xf32, #tpu.memory_space<vmem>>[vector<16xi32>, vector<16xi32>], vector<16xf32>,
        tpu.vector_store_idx %arg23[%parallel_loop3A_461, %iota3A], %broadcast_in_dim3A_222 : memref<128x16xi32, #tpu.memory_space<vmem>>[vector<16xi32>, vector<16xi32>], vector<16xi32>,
        %parallel_loop3A_462 = arith.index_cast %parallel_loop3A_369 : i32 to index
        %parallel_loop3A_463 = arith.constant 0 : index
        %parallel_loop3A_464 = tpu.vector_load %arg20[%parallel_loop3A_462, %parallel_loop3A_463] {strides = array<i32>} : memref<64x16xi32, #tpu.memory_space<vmem>>, vector<16xi32>,
        %parallel_loop3A_465 = arith.maxsi %parallel_loop3A_372, %parallel_loop3A_464 : vector<16xi32>
        %parallel_loop3A_466 = arith.constant 1 : i32
        %parallel_loop3A_467 = vector.broadcast %parallel_loop3A_466 : i32 to vector<16xi32>
        %parallel_loop3A_468 = arith.addi %parallel_loop3A_465, %parallel_loop3A_467 : vector<16xi32>
        %parallel_loop3A_469 = arith.constant 62 : i32
        %parallel_loop3A_470 = vector.broadcast %parallel_loop3A_469 : i32 to vector<16xi32>
        %parallel_loop3A_471 = arith.minsi %parallel_loop3A_468, %parallel_loop3A_470 : vector<16xi32>
        %parallel_loop3A_472 = tpu.vector_load_idx %arg12[%parallel_loop3A_465, %iota3A] : memref<63x16xf32, #tpu.memory_space<vmem>>[vector<16xi32>, vector<16xi32>], vector<16xf32>,
        %parallel_loop3A_473 = tpu.vector_load_idx %arg12[%parallel_loop3A_471, %iota3A] : memref<63x16xf32, #tpu.memory_space<vmem>>[vector<16xi32>, vector<16xi32>], vector<16xf32>,
        %parallel_loop3A_474 = tpu.vector_load_idx %arg16[%parallel_loop3A_465, %iota3A] : memref<63x16xf32, #tpu.memory_space<vmem>>[vector<16xi32>, vector<16xi32>], vector<16xf32>,
        %parallel_loop3A_475 = tpu.vector_load_idx %arg16[%parallel_loop3A_471, %iota3A] : memref<63x16xf32, #tpu.memory_space<vmem>>[vector<16xi32>, vector<16xi32>], vector<16xf32>,
        %parallel_loop3A_476 = arith.constant 1 : i32
        %parallel_loop3A_477 = vector.broadcast %parallel_loop3A_476 : i32 to vector<16xi32>
        %parallel_loop3A_478 = arith.addi %parallel_loop3A_465, %parallel_loop3A_477 : vector<16xi32>
        %parallel_loop3A_479 = tpu.vector_load_idx %arg6[%add3A_231, %parallel_loop3A_478] : memref<64x64xf32, #tpu.memory_space<vmem>>[vector<16xi32>, vector<16xi32>], vector<16xf32>,
        %parallel_loop3A_480 = vector.broadcast %parallel_loop3A_376 : f32 to vector<16xf32>
        %parallel_loop3A_481 = arith.mulf %parallel_loop3A_480, %parallel_loop3A_262#2 : vector<16xf32>
        %parallel_loop3A_482 = arith.subf %parallel_loop3A_473, %parallel_loop3A_472 : vector<16xf32>
        %parallel_loop3A_483 = arith.constant 9.99999974E-6 : f32
        %parallel_loop3A_484 = vector.broadcast %parallel_loop3A_483 : f32 to vector<16xf32>
        %parallel_loop3A_485 = arith.mulf %parallel_loop3A_484, %parallel_loop3A_262#2 : vector<16xf32>
        %parallel_loop3A_486 = arith.cmpf olt, %parallel_loop3A_482, %parallel_loop3A_485 : vector<16xf32>
        %parallel_loop3A_487 = arith.select %parallel_loop3A_486, %parallel_loop3A_262#2, %parallel_loop3A_482 : vector<16xi1>, vector<16xf32>
        %parallel_loop3A_488 = arith.subf %parallel_loop3A_481, %parallel_loop3A_472 : vector<16xf32>
        %parallel_loop3A_489 = arith.divf %parallel_loop3A_488, %parallel_loop3A_487 : vector<16xf32>
        %parallel_loop3A_490 = arith.subf %parallel_loop3A_475, %parallel_loop3A_474 : vector<16xf32>
        %parallel_loop3A_491 = arith.mulf %parallel_loop3A_489, %parallel_loop3A_490 : vector<16xf32>
        %parallel_loop3A_492 = arith.addf %parallel_loop3A_474, %parallel_loop3A_491 : vector<16xf32>
        %parallel_loop3A_493 = arith.constant 1 : i32
        %parallel_loop3A_494 = vector.broadcast %parallel_loop3A_493 : i32 to vector<16xi32>
        %parallel_loop3A_495 = arith.addi %parallel_loop3A_465, %parallel_loop3A_494 : vector<16xi32>
        %parallel_loop3A_496 = arith.cmpf ole, %parallel_loop3A_479, %parallel_loop3A_492 : vector<16xf32>
        %parallel_loop3A_497 = arith.constant 1 : i32
        %parallel_loop3A_498 = arith.constant 0 : i32
        %parallel_loop3A_499 = vector.broadcast %parallel_loop3A_497 : i32 to vector<16xi32>
        %parallel_loop3A_500 = vector.broadcast %parallel_loop3A_498 : i32 to vector<16xi32>
        %parallel_loop3A_501 = arith.select %parallel_loop3A_496, %parallel_loop3A_499, %parallel_loop3A_500 : vector<16xi1>, vector<16xi32>
        %parallel_loop3A_502 = arith.addi %parallel_loop3A_495, %parallel_loop3A_501 : vector<16xi32>
        %parallel_loop3A_503 = arith.addi %parallel_loop3A_377, %parallel_loop3A_502 : vector<16xi32>
        tpu.vector_store_idx %arg9[%add3A_231, %parallel_loop3A_503], %parallel_loop3A_492 : memref<64x128xf32, #tpu.memory_space<vmem>>[vector<16xi32>, vector<16xi32>], vector<16xf32>,
        tpu.vector_store_idx %arg24[%parallel_loop3A_503, %iota3A], %broadcast_in_dim3A_222 : memref<128x16xi32, #tpu.memory_space<vmem>>[vector<16xi32>, vector<16xi32>], vector<16xi32>,
        %parallel_loop3A_504 = arith.index_cast %parallel_loop3A_369 : i32 to index
        %parallel_loop3A_505 = arith.constant 0 : index
        %parallel_loop3A_506 = tpu.vector_load %arg21[%parallel_loop3A_504, %parallel_loop3A_505] {strides = array<i32>} : memref<64x16xi32, #tpu.memory_space<vmem>>, vector<16xi32>,
        %parallel_loop3A_507 = arith.maxsi %parallel_loop3A_373, %parallel_loop3A_506 : vector<16xi32>
        %parallel_loop3A_508 = arith.constant 1 : i32
        %parallel_loop3A_509 = vector.broadcast %parallel_loop3A_508 : i32 to vector<16xi32>
        %parallel_loop3A_510 = arith.addi %parallel_loop3A_507, %parallel_loop3A_509 : vector<16xi32>
        %parallel_loop3A_511 = arith.constant 62 : i32
        %parallel_loop3A_512 = vector.broadcast %parallel_loop3A_511 : i32 to vector<16xi32>
        %parallel_loop3A_513 = arith.minsi %parallel_loop3A_510, %parallel_loop3A_512 : vector<16xi32>
        %parallel_loop3A_514 = tpu.vector_load_idx %arg13[%parallel_loop3A_507, %iota3A] : memref<63x16xf32, #tpu.memory_space<vmem>>[vector<16xi32>, vector<16xi32>], vector<16xf32>,
        %parallel_loop3A_515 = tpu.vector_load_idx %arg13[%parallel_loop3A_513, %iota3A] : memref<63x16xf32, #tpu.memory_space<vmem>>[vector<16xi32>, vector<16xi32>], vector<16xf32>,
        %parallel_loop3A_516 = tpu.vector_load_idx %arg17[%parallel_loop3A_507, %iota3A] : memref<63x16xf32, #tpu.memory_space<vmem>>[vector<16xi32>, vector<16xi32>], vector<16xf32>,
        %parallel_loop3A_517 = tpu.vector_load_idx %arg17[%parallel_loop3A_513, %iota3A] : memref<63x16xf32, #tpu.memory_space<vmem>>[vector<16xi32>, vector<16xi32>], vector<16xf32>,
        %parallel_loop3A_518 = arith.constant 1 : i32
        %parallel_loop3A_519 = vector.broadcast %parallel_loop3A_518 : i32 to vector<16xi32>
        %parallel_loop3A_520 = arith.addi %parallel_loop3A_507, %parallel_loop3A_519 : vector<16xi32>
        %parallel_loop3A_521 = tpu.vector_load_idx %arg6[%add3A_234, %parallel_loop3A_520] : memref<64x64xf32, #tpu.memory_space<vmem>>[vector<16xi32>, vector<16xi32>], vector<16xf32>,
        %parallel_loop3A_522 = vector.broadcast %parallel_loop3A_376 : f32 to vector<16xf32>
        %parallel_loop3A_523 = arith.mulf %parallel_loop3A_522, %parallel_loop3A_262#3 : vector<16xf32>
        %parallel_loop3A_524 = arith.subf %parallel_loop3A_515, %parallel_loop3A_514 : vector<16xf32>
        %parallel_loop3A_525 = arith.constant 9.99999974E-6 : f32
        %parallel_loop3A_526 = vector.broadcast %parallel_loop3A_525 : f32 to vector<16xf32>
        %parallel_loop3A_527 = arith.mulf %parallel_loop3A_526, %parallel_loop3A_262#3 : vector<16xf32>
        %parallel_loop3A_528 = arith.cmpf olt, %parallel_loop3A_524, %parallel_loop3A_527 : vector<16xf32>
        %parallel_loop3A_529 = arith.select %parallel_loop3A_528, %parallel_loop3A_262#3, %parallel_loop3A_524 : vector<16xi1>, vector<16xf32>
        %parallel_loop3A_530 = arith.subf %parallel_loop3A_523, %parallel_loop3A_514 : vector<16xf32>
        %parallel_loop3A_531 = arith.divf %parallel_loop3A_530, %parallel_loop3A_529 : vector<16xf32>
        %parallel_loop3A_532 = arith.subf %parallel_loop3A_517, %parallel_loop3A_516 : vector<16xf32>
        %parallel_loop3A_533 = arith.mulf %parallel_loop3A_531, %parallel_loop3A_532 : vector<16xf32>
        %parallel_loop3A_534 = arith.addf %parallel_loop3A_516, %parallel_loop3A_533 : vector<16xf32>
        %parallel_loop3A_535 = arith.constant 1 : i32
        %parallel_loop3A_536 = vector.broadcast %parallel_loop3A_535 : i32 to vector<16xi32>
        %parallel_loop3A_537 = arith.addi %parallel_loop3A_507, %parallel_loop3A_536 : vector<16xi32>
        %parallel_loop3A_538 = arith.cmpf ole, %parallel_loop3A_521, %parallel_loop3A_534 : vector<16xf32>
        %parallel_loop3A_539 = arith.constant 1 : i32
        %parallel_loop3A_540 = arith.constant 0 : i32
        %parallel_loop3A_541 = vector.broadcast %parallel_loop3A_539 : i32 to vector<16xi32>
        %parallel_loop3A_542 = vector.broadcast %parallel_loop3A_540 : i32 to vector<16xi32>
        %parallel_loop3A_543 = arith.select %parallel_loop3A_538, %parallel_loop3A_541, %parallel_loop3A_542 : vector<16xi1>, vector<16xi32>
        %parallel_loop3A_544 = arith.addi %parallel_loop3A_537, %parallel_loop3A_543 : vector<16xi32>
        %parallel_loop3A_545 = arith.addi %parallel_loop3A_377, %parallel_loop3A_544 : vector<16xi32>
        tpu.vector_store_idx %arg9[%add3A_234, %parallel_loop3A_545], %parallel_loop3A_534 : memref<64x128xf32, #tpu.memory_space<vmem>>[vector<16xi32>, vector<16xi32>], vector<16xf32>,
        tpu.vector_store_idx %arg25[%parallel_loop3A_545, %iota3A], %broadcast_in_dim3A_222 : memref<128x16xi32, #tpu.memory_space<vmem>>[vector<16xi32>, vector<16xi32>], vector<16xi32>,
        scf.yield %parallel_loop3A_381, %parallel_loop3A_423, %parallel_loop3A_465, %parallel_loop3A_507 : vector<16xi32>, vector<16xi32>, vector<16xi32>, vector<16xi32>
      } {sc.loop_unroll_factor = 2 : i64, sc.parallel_access}
      %parallel_loop3A_358 = arith.constant 0 : i32
      %parallel_loop3A_359 = arith.constant 128 : i32
      %parallel_loop3A_360 = arith.constant 1 : i32
      %parallel_loop3A_361:4 = scf.for %parallel_loop3A_369 = %parallel_loop3A_358 to %parallel_loop3A_359 step %parallel_loop3A_360 iter_args(%parallel_loop3A_370 = %broadcast_in_dim3A_238, %parallel_loop3A_371 = %broadcast_in_dim3A_238, %parallel_loop3A_372 = %broadcast_in_dim3A_238, %parallel_loop3A_373 = %broadcast_in_dim3A_238) -> (vector<16xi32>, vector<16xi32>, vector<16xi32>, vector<16xi32>)  : i32 {
        %parallel_loop3A_374 = vector.broadcast %parallel_loop3A_369 : i32 to vector<16xi32>
        %parallel_loop3A_375 = arith.index_cast %parallel_loop3A_369 : i32 to index
        %parallel_loop3A_376 = arith.constant 0 : index
        %parallel_loop3A_377 = tpu.vector_load %arg22[%parallel_loop3A_375, %parallel_loop3A_376] {strides = array<i32>} : memref<128x16xi32, #tpu.memory_space<vmem>>, vector<16xi32>,
        %parallel_loop3A_378 = arith.cmpi ne, %parallel_loop3A_377, %broadcast_in_dim3A_222 : vector<16xi32>
        %parallel_loop3A_379 = arith.constant 63 : i32
        %parallel_loop3A_380 = vector.broadcast %parallel_loop3A_379 : i32 to vector<16xi32>
        %parallel_loop3A_381 = arith.minsi %parallel_loop3A_370, %parallel_loop3A_380 : vector<16xi32>
        %parallel_loop3A_382 = tpu.vector_load_idx %arg6[%add3A_225, %parallel_loop3A_381] : memref<64x64xf32, #tpu.memory_space<vmem>>[vector<16xi32>, vector<16xi32>], vector<16xf32>,
        tpu.vector_store_idx %arg9[%add3A_225, %parallel_loop3A_374], %parallel_loop3A_382 masked %parallel_loop3A_378 : memref<64x128xf32, #tpu.memory_space<vmem>>[vector<16xi32>, vector<16xi32>], vector<16xf32>, vector<16xi1>
        %parallel_loop3A_383 = arith.constant 1 : i32
        %parallel_loop3A_384 = arith.constant 0 : i32
        %parallel_loop3A_385 = vector.broadcast %parallel_loop3A_383 : i32 to vector<16xi32>
        %parallel_loop3A_386 = vector.broadcast %parallel_loop3A_384 : i32 to vector<16xi32>
        %parallel_loop3A_387 = arith.select %parallel_loop3A_378, %parallel_loop3A_385, %parallel_loop3A_386 : vector<16xi1>, vector<16xi32>
        %parallel_loop3A_388 = arith.addi %parallel_loop3A_370, %parallel_loop3A_387 : vector<16xi32>
        %parallel_loop3A_389 = arith.index_cast %parallel_loop3A_369 : i32 to index
        %parallel_loop3A_390 = arith.constant 0 : index
        %parallel_loop3A_391 = tpu.vector_load %arg23[%parallel_loop3A_389, %parallel_loop3A_390] {strides = array<i32>} : memref<128x16xi32, #tpu.memory_space<vmem>>, vector<16xi32>,
        %parallel_loop3A_392 = arith.cmpi ne, %parallel_loop3A_391, %broadcast_in_dim3A_222 : vector<16xi32>
        %parallel_loop3A_393 = arith.constant 63 : i32
        %parallel_loop3A_394 = vector.broadcast %parallel_loop3A_393 : i32 to vector<16xi32>
        %parallel_loop3A_395 = arith.minsi %parallel_loop3A_371, %parallel_loop3A_394 : vector<16xi32>
        %parallel_loop3A_396 = tpu.vector_load_idx %arg6[%add3A_228, %parallel_loop3A_395] : memref<64x64xf32, #tpu.memory_space<vmem>>[vector<16xi32>, vector<16xi32>], vector<16xf32>,
        tpu.vector_store_idx %arg9[%add3A_228, %parallel_loop3A_374], %parallel_loop3A_396 masked %parallel_loop3A_392 : memref<64x128xf32, #tpu.memory_space<vmem>>[vector<16xi32>, vector<16xi32>], vector<16xf32>, vector<16xi1>
        %parallel_loop3A_397 = arith.constant 1 : i32
        %parallel_loop3A_398 = arith.constant 0 : i32
        %parallel_loop3A_399 = vector.broadcast %parallel_loop3A_397 : i32 to vector<16xi32>
        %parallel_loop3A_400 = vector.broadcast %parallel_loop3A_398 : i32 to vector<16xi32>
        %parallel_loop3A_401 = arith.select %parallel_loop3A_392, %parallel_loop3A_399, %parallel_loop3A_400 : vector<16xi1>, vector<16xi32>
        %parallel_loop3A_402 = arith.addi %parallel_loop3A_371, %parallel_loop3A_401 : vector<16xi32>
        %parallel_loop3A_403 = arith.index_cast %parallel_loop3A_369 : i32 to index
        %parallel_loop3A_404 = arith.constant 0 : index
        %parallel_loop3A_405 = tpu.vector_load %arg24[%parallel_loop3A_403, %parallel_loop3A_404] {strides = array<i32>} : memref<128x16xi32, #tpu.memory_space<vmem>>, vector<16xi32>,
        %parallel_loop3A_406 = arith.cmpi ne, %parallel_loop3A_405, %broadcast_in_dim3A_222 : vector<16xi32>
        %parallel_loop3A_407 = arith.constant 63 : i32
        %parallel_loop3A_408 = vector.broadcast %parallel_loop3A_407 : i32 to vector<16xi32>
        %parallel_loop3A_409 = arith.minsi %parallel_loop3A_372, %parallel_loop3A_408 : vector<16xi32>
        %parallel_loop3A_410 = tpu.vector_load_idx %arg6[%add3A_231, %parallel_loop3A_409] : memref<64x64xf32, #tpu.memory_space<vmem>>[vector<16xi32>, vector<16xi32>], vector<16xf32>,
        tpu.vector_store_idx %arg9[%add3A_231, %parallel_loop3A_374], %parallel_loop3A_410 masked %parallel_loop3A_406 : memref<64x128xf32, #tpu.memory_space<vmem>>[vector<16xi32>, vector<16xi32>], vector<16xf32>, vector<16xi1>
        %parallel_loop3A_411 = arith.constant 1 : i32
        %parallel_loop3A_412 = arith.constant 0 : i32
        %parallel_loop3A_413 = vector.broadcast %parallel_loop3A_411 : i32 to vector<16xi32>
        %parallel_loop3A_414 = vector.broadcast %parallel_loop3A_412 : i32 to vector<16xi32>
        %parallel_loop3A_415 = arith.select %parallel_loop3A_406, %parallel_loop3A_413, %parallel_loop3A_414 : vector<16xi1>, vector<16xi32>
        %parallel_loop3A_416 = arith.addi %parallel_loop3A_372, %parallel_loop3A_415 : vector<16xi32>
        %parallel_loop3A_417 = arith.index_cast %parallel_loop3A_369 : i32 to index
        %parallel_loop3A_418 = arith.constant 0 : index
        %parallel_loop3A_419 = tpu.vector_load %arg25[%parallel_loop3A_417, %parallel_loop3A_418] {strides = array<i32>} : memref<128x16xi32, #tpu.memory_space<vmem>>, vector<16xi32>,
        %parallel_loop3A_420 = arith.cmpi ne, %parallel_loop3A_419, %broadcast_in_dim3A_222 : vector<16xi32>
        %parallel_loop3A_421 = arith.constant 63 : i32
        %parallel_loop3A_422 = vector.broadcast %parallel_loop3A_421 : i32 to vector<16xi32>
        %parallel_loop3A_423 = arith.minsi %parallel_loop3A_373, %parallel_loop3A_422 : vector<16xi32>
        %parallel_loop3A_424 = tpu.vector_load_idx %arg6[%add3A_234, %parallel_loop3A_423] : memref<64x64xf32, #tpu.memory_space<vmem>>[vector<16xi32>, vector<16xi32>], vector<16xf32>,
        tpu.vector_store_idx %arg9[%add3A_234, %parallel_loop3A_374], %parallel_loop3A_424 masked %parallel_loop3A_420 : memref<64x128xf32, #tpu.memory_space<vmem>>[vector<16xi32>, vector<16xi32>], vector<16xf32>, vector<16xi1>
        %parallel_loop3A_425 = arith.constant 1 : i32
        %parallel_loop3A_426 = arith.constant 0 : i32
        %parallel_loop3A_427 = vector.broadcast %parallel_loop3A_425 : i32 to vector<16xi32>
        %parallel_loop3A_428 = vector.broadcast %parallel_loop3A_426 : i32 to vector<16xi32>
        %parallel_loop3A_429 = arith.select %parallel_loop3A_420, %parallel_loop3A_427, %parallel_loop3A_428 : vector<16xi1>, vector<16xi32>
        %parallel_loop3A_430 = arith.addi %parallel_loop3A_373, %parallel_loop3A_429 : vector<16xi32>
        scf.yield %parallel_loop3A_388, %parallel_loop3A_402, %parallel_loop3A_416, %parallel_loop3A_430 : vector<16xi32>, vector<16xi32>, vector<16xi32>, vector<16xi32>
      } {sc.loop_unroll_factor = 4 : i64, sc.parallel_access}
      %mul3A_362 = arith.constant 64 : i32
      %mul3A_363 = arith.muli %add3A_35, %mul3A_362 : i32
      %add3A_364 = arith.addi %mul3A_2, %mul3A_363 : i32
      %dma_start3A_365 = arith.constant 0 : i32
      %dma_start3A_366 = tpu.memref_slice %arg4[%add3A_364, %dma_start3A_365] : memref<65536x128xf32, #tpu.memory_space<hbm>> -> memref<64x128xf32, #tpu.memory_space<hbm>>
      %dma_start3A_367 = arith.constant 0 : i32
      %dma_start3A_368 = tpu.memref_slice %arg4[%add3A_364, %dma_start3A_367] : memref<65536x128xf32, #tpu.memory_space<hbm>> -> memref<64x128xf32, #tpu.memory_space<hbm>>
      tpu.enqueue_dma source(%arg9 : memref<64x128xf32, #tpu.memory_space<vmem>>) target(%dma_start3A_368 : memref<64x128xf32, #tpu.memory_space<hbm>>) target_semaphore(%arg30 : memref<!tpu.dma_semaphore, #tpu.memory_space<semaphore_mem>>)
    }
    %scan3A_25 = arith.constant 16 : i32
    %add3A_26 = arith.constant 0 : i32
    %add3A_27 = arith.addi %mul3A_2, %add3A_26 : i32
    %dma_wait3A = arith.constant 0 : i32
    %dma_wait3A_28 = tpu.memref_slice %arg4[%add3A_27, %dma_wait3A] : memref<65536x128xf32, #tpu.memory_space<hbm>> -> memref<64x128xf32, #tpu.memory_space<hbm>>
    %dma_wait3A_29 = arith.constant 0 : i32
    %dma_wait3A_30 = tpu.memref_slice %arg4[%add3A_27, %dma_wait3A_29] : memref<65536x128xf32, #tpu.memory_space<hbm>> -> memref<64x128xf32, #tpu.memory_space<hbm>>
    tpu.wait_dma2 semaphore(%arg30 : memref<!tpu.dma_semaphore, #tpu.memory_space<semaphore_mem>>) src(%arg9 : memref<64x128xf32, #tpu.memory_space<vmem>>) dst(%dma_wait3A_30 : memref<64x128xf32, #tpu.memory_space<hbm>>)
    return
  }
}

</mosaic_0001>

<sc_bundles>
// kernel: _refine.3.cloned.1.call-start
scs
__scs_entry_jumppad:
0x0: {  	(pc) =	sbr.rel $0x88, $3  }
0x1: {  	(tag) =	ssettag $0x0;
	lr =	simm.s32 $0x1  }
0x2: {  	[smem:$0x3F9F] =	sst lr;
	_ =	strace $0xD0000000  }
0x3: {  	_ = 	snop  }
0x4: {  	_ = 	snop  }
0x5: {  	_ = 	snop  }
0x6: {  	_ = 	snop  }
0x7: {  	_ = 	snop  }
__scs_overlays_trampoline_lowered:
0x8: {  	[smem:$0x3FAE] =	sst s0  }
0x9: {  	[smem:$0x3FAF] =	sst s1  }
0xa: {  	[smem:$0x3FB0] =	sst s2  }
0xb: {  	[smem:$0x3FB1] =	sst s3  }
0xc: {  	[smem:$0x3FB2] =	sst s4  }
0xd: {  	[smem:$0x3FB3] =	sst s5  }
0xe: {  	[smem:$0x3FB4] =	sst s6  }
0xf: {  	[smem:$0x3FB5] =	sst s7  }
0x10: {  	[smem:$0x3FB6] =	sst s8  }
0x11: {  	[smem:$0x3FB7] =	sst s9;
	s0 =	simm.s32 @!p0 $0x0  }
0x12: {  	s1 =	sld [smem:$0x3F9D];
	s0 =	simm.s32 @p0 $0x1  }
0x13: {  	[smem:$0x3FB8] =	sst s0;
	s0 =	simm.s32 @!p1 $0x0  }
0x14: {  	s2 =	sld [smem:$0x3F9C];
	s0 =	simm.s32 @p1 $0x1  }
0x15: {  	[smem:$0x3FB9] =	sst s0;
	s0 =	simm.s32 @!p2 $0x0  }
0x16: {  	s3 =	sld [smem:$0x3FDB];
	s0 =	simm.s32 @p2 $0x1  }
0x17: {  	s4 =	simm.s32 $0x1BF5;
	[smem:$0x3FBB] =	sst s0  }
0x18: {  	s0 =	sld [smem:$0x3F9E];
	_ =	swait.ge [sflag:s4], $0x0  }
0x19: {  	s7 =	sld [smem:$0x3F9F]  }
0x1a: {  	s8 =	sadd.s32 $0xFFFFE003, lr  }
0x1b: {  	s9 =	sadd.s32 $0xFFFFFEF7, lr;
	s5 =	simm.s32 $0xFFFFFFFF;
	p2 =	slt.u32 s8, $0xFFFFF086  }
0x1c: {  	p1 =	slt.u32 s9, $0xF7A;
	s5 =	simm.s32 @!p2 $0x0  }
0x1d: {  	s5 =	simm.s32 @p1 $0x1;
	p0 =	seq.s32 s7, s2  }
0x1e: {  	s7 =	smul.u32 @!p0 $0xF7A, s2;
	p2 =	seq.s32 @!p0 s5, $0x0  }
0x1f: {  	s9 =	smul.u32 $0xF7A, s1;
	s8 =	simm.s32 @!p0 $0x1BF5;
	p2 =	por !p2, p0  }
0x20: {  	[sflag:s8] =	ssyncset.s32 @!p0 $0xFFFFF086;
	s6 =	sadd.s32 @!p0 s3, s7;
	s7 =	simm.s32 @!p0 $0x108  }
0x21: {  	s3 =	sadd.s32 s3, s9;
	s6 =	sadd.s32 @!p0 $0x88, s6;
	s7 =	simm.s32 @p2 $0x1082  }
0x22: {  	[simem:s7], [sflag:s8] =	dma.local @!p0 [hbm:s6], $0xF7A  }
0x23: {  	s9 =	sor.u32 $0xD0000000, s2;
	s6 =	simm.s32 $0x108;
	_ =	swait.ge @!p0 [sflag:s8], $0x0  }
0x24: {  	s3 =	sadd.s32 $0x88, s3;
	s6 =	simm.s32 @!p1 $0x1082;
	[sflag:s4] =	ssyncset.s32 $0xFFFFF086  }
0x25: {  	[simem:s6], [sflag:s4] =	dma.local [hbm:s3], $0xF7A  }
0x26: {  	[smem:$0x3F9F] =	sst s1;
	(tag) =	ssettag s2;
	_ =	strace s9  }
0x27: {  	s1 =	sld [smem:$0x3FAF]  }
0x28: {  	s2 =	sld [smem:$0x3FB0]  }
0x29: {  	s4 =	sld [smem:$0x3FB2]  }
0x2a: {  	p0 =	seq.s32 s5, $0x0;
	s5 =	sld [smem:$0x3FB3]  }
0x2b: {  	s6 =	sld [smem:$0x3FB4]  }
0x2c: {  	s7 =	sld [smem:$0x3FB5]  }
0x2d: {  	s3 =	simm.s32 $0x108;
	s8 =	sld [smem:$0x3FB6]  }
0x2e: {  	s3 =	simm.s32 @!p0 $0x1082;
	s9 =	sld [smem:$0x3FB7]  }
0x2f: {  	lr =	sadd.s32 s0, s3;
	s0 =	sld [smem:$0x3FAE]  }
0x30: {  	s3 =	sld [smem:$0x3FB1]  }
0x31: {  	[smem:$0x3FBA] =	sst s10  }
0x32: {  	s10 =	sld [smem:$0x3FB8];
	_ =	sdelay $0x3  }
0x33: {  	p0 =	seq.s32 s10, $0x1;
	s10 =	sld [smem:$0x3FBA];
	_ =	sdelay $0x3  }
0x34: {  	[smem:$0x3FBA] =	sst s10  }
0x35: {  	s10 =	sld [smem:$0x3FB9];
	_ =	sdelay $0x3  }
0x36: {  	p1 =	seq.s32 s10, $0x1;
	s10 =	sld [smem:$0x3FBA];
	_ =	sdelay $0x3  }
0x37: {  	[smem:$0x3FBA] =	sst s10  }
0x38: {  	s10 =	sld [smem:$0x3FBB]  }
0x39: {  	_ = 	snop;
	(pc) =	sbr.ind lr, $3  }
0x3a: {  	_ = 	snop  }
0x3b: {  	_ = 	snop  }
0x3c: {  	p2 =	seq.s32 s10, $0x1;
	s10 =	sld [smem:$0x3FBA]  }
0x3d: {  	_ =	shalt  }
0x3e: {  	_ =	shalt  }
0x3f: {  	_ =	shalt  }
0x40: {  	_ =	shalt  }
0x41: {  	_ =	shalt  }
0x42: {  	_ =	shalt  }
0x43: {  	_ =	shalt  }
0x44: {  	_ =	shalt  }
0x45: {  	_ =	shalt  }
0x46: {  	_ =	shalt  }
0x47: {  	_ =	shalt  }
0x48: {  	_ =	shalt  }
0x49: {  	_ =	shalt  }
0x4a: {  	_ =	shalt  }
0x4b: {  	_ =	shalt  }
0x4c: {  	_ =	shalt  }
0x4d: {  	_ =	shalt  }
0x4e: {  	_ =	shalt  }
0x4f: {  	_ =	shalt  }
0x50: {  	_ =	shalt  }
0x51: {  	_ =	shalt  }
0x52: {  	_ =	shalt  }
0x53: {  	_ =	shalt  }
0x54: {  	_ =	shalt  }
0x55: {  	_ =	shalt  }
0x56: {  	_ =	shalt  }
0x57: {  	_ =	shalt  }
0x58: {  	_ =	shalt  }
0x59: {  	_ =	shalt  }
0x5a: {  	_ =	shalt  }
0x5b: {  	_ =	shalt  }
0x5c: {  	_ =	shalt  }
0x5d: {  	_ =	shalt  }
0x5e: {  	_ =	shalt  }
0x5f: {  	_ =	shalt  }
0x60: {  	_ =	shalt  }
0x61: {  	_ =	shalt  }
0x62: {  	_ =	shalt  }
0x63: {  	_ =	shalt  }
0x64: {  	_ =	shalt  }
0x65: {  	_ =	shalt  }
0x66: {  	_ =	shalt  }
0x67: {  	_ =	shalt  }
0x68: {  	_ =	shalt  }
0x69: {  	_ =	shalt  }
0x6a: {  	_ =	shalt  }
0x6b: {  	_ =	shalt  }
0x6c: {  	_ =	shalt  }
0x6d: {  	_ =	shalt  }
0x6e: {  	_ =	shalt  }
0x6f: {  	_ =	shalt  }
0x70: {  	_ =	shalt  }
0x71: {  	_ =	shalt  }
0x72: {  	_ =	shalt  }
0x73: {  	_ =	shalt  }
0x74: {  	_ =	shalt  }
0x75: {  	_ =	shalt  }
0x76: {  	_ =	shalt  }
0x77: {  	_ =	shalt  }
0x78: {  	_ =	shalt  }
0x79: {  	_ =	shalt  }
0x7a: {  	_ =	shalt  }
0x7b: {  	_ =	shalt  }
0x7c: {  	_ =	shalt  }
0x7d: {  	_ =	shalt  }
0x7e: {  	_ =	shalt  }
0x7f: {  	_ =	shalt  }
0x80: {  	_ =	shalt  }
0x81: {  	_ =	shalt  }
0x82: {  	_ =	shalt  }
0x83: {  	_ =	shalt  }
0x84: {  	_ =	shalt  }
0x85: {  	_ =	shalt  }
0x86: {  	_ =	shalt  }
0x87: {  	_ =	shalt  }
.Lfunc_end0:
.L_simem_size_0:
called_computation_lowered:
.L_overlay_start_0:
0x88: {  	s2 =	sld [smem:$0x3FD9]  }
0x89: {  	s3 =	sld [smem:$0x3FFE];
	_ =	sdelay $0x1  }
0x8a: {  	s1 =	srdreg.scid  }
0x8b: {  	s0 =	sand.u32 $0x1, s1  }
0x8c: {  	s17 =	sshll.u32 s0, $0xA;
	s2 =	sadd.s32 s3, s2  }
0x8d: {  	s2 =	sadd.s32 s2, s17  }
0x8e: {  	[smem:$0x3FC6] =	sst s2  }
0x8f: {  	_ = 	snop  }
0x90: {  	s2 =	sld [smem:$0x3FD0];
	(tm) =	ssettm $0x1  }
0x91: {  	s18 =	sld [smem:$0x3FFB];
	_ =	sdelay $0x3  }
0x92: {  	_ =	strace s18  }
0x93: {  	s3 =	sld [smem:$0x3FFC];
	_ =	sdelay $0x3  }
0x94: {  	_ =	strace s3  }
0x95: {  	s3 =	sld [smem:$0x3FFD];
	_ =	sdelay $0x3  }
0x96: {  	_ =	strace s3  }
0x97: {  	_ =	strace $0x8FFFFFFF  }
0x98: {  	s19 =	sld [smem:$0x3FDB];
	_ =	sdelay $0x1  }
0x99: {  	s4 =	simm.s32 $_scs_section_size  }
0x9a: {  	s5 =	simm.s32 $_size__tile_overlayer_lowered;
	s6 =	simm.s32 $_tile_overlayer_lowered  }
0x9b: {  	s22 =	simm.s32 $0x1BFF;
	s21 =	sshll.u32 s6, $0x1;
	s3 =	sadd.s32 s4, s19  }
0x9c: {  	s7 =	simm.s32 $0x0;
	s20 =	sshll.u32 s5, $0x1;
	s5 =	sadd.s32 s21, s3  }
0x9d: {  	[timem:s7], [sflag:s22] =	dma.local [hbm:s5], s20  }
0x9e: {  	_ =	swait.ge [sflag:s22], s20  }
0x9f: {  	s4 =	ssub.s32 $0x0, s20;
	[sflag:s22] =	ssyncset.done $0x0  }
0xa0: {  	[sflag:s22] =	ssyncadd.s32 s4;
	_ =	sdelay $0x1  }
0xa1: {  	s23 =	simm.s32 $0x1B8B  }
0xa2: {  	_ =	swait.ge [sflag:s23], $0x1  }
0xa3: {  	[sflag:s23] =	ssyncset.done $0x0  }
0xa4: {  	s25 =	simm.s32 $0x1B8E;
	s24 =	sld [smem:$0x3FFE];
	[sflag:s23] =	ssyncadd.s32 $0xFFFFFFFF  }
0xa5: {  	s26 =	simm.s32 $execute0_lowered;
	[smem:$0x3FD2] =	sst s25  }
0xa6: {  	s5 =	sshll.u32 s26, $0x1;
	_ =	strace $0x80000046;
	[dreg:$0x1] =	wrdreg $0xFFFFFFFF  }
0xa7: {  	s28 =	simm.s32 $_size_execute0_lowered;
	s3 =	sadd.s32 s3, s5;
	[dreg:$0x0] =	wrdreg $0x0  }
0xa8: {  	s5 =	sshll.u32 s28, $0x1;
	[dreg:$0x2] =	wrdreg s3  }
0xa9: {  	[dreg:$0x3] =	wrdreg s5  }
0xaa: {  	[dreg:$0x4] =	wrdreg $0xC0  }
0xab: {  	_ =	task [dreg:s7], $0x5FFFF  }
0xac: {  	[dreg:$0x1] =	wrdreg $0xFFFFFFFF  }
0xad: {  	[dreg:$0x0] =	wrdreg $0x60  }
0xae: {  	[dreg:$0x2] =	wrdreg s24  }
0xaf: {  	[dreg:$0x3] =	wrdreg s2  }
0xb0: {  	[dreg:$0x4] =	wrdreg $0x9  }
0xb1: {  	_ =	task.clear_ibuf [dreg:s7], $0x5FFFF;
	_ =	strace $0x90000046  }
0xb2: {  	s29 =	simm.s32 $0x9;
	_ =	strace $0x80000048  }
0xb3: {  	_ =	swait.ge [sflag:s29], $0x1  }
0xb4: {  	[sflag:s29] =	ssyncadd.s32 $0xFFFFFFFF  }
0xb5: {  	_ =	strace $0x90000048  }
0xb6: {  	_ =	sfence  }
0xb7: {  	s30 =	sld [smem:$0x0];
	_ =	sdelay $0x2  }
0xb8: {  	s31 =	sshll.u32 s1, $0xD;
	s1 =	sshrl.u32 s1, $0x2  }
0xb9: {  	s3 =	sand.u32 $0x4000, s31;
	s1 =	sadd.s32 s1, s30  }
0xba: {  	s0 =	sor.u32 s3, s0;
	s1 =	sshll.u32 s1, $0x11  }
0xbb: {  	s0 =	sor.u32 s1, s0  }
0xbc: {  	s0 =	sadd.s32 $0x8F2B, s0  }
0xbd: {  	[sflag:s0] =	ssyncadd.remote.s32 $0x1  }
0xbe: {  	_ =	sfence.sel $0xFFFF  }
0xbf: {  	[dreg:$0x0] =	wrdreg $0xFFFFFFFF;
	(pc) =	sbr.abs _section_cstart, $3  }
0xc0: {  	[dreg:$0x1] =	wrdreg $0xFFFFFFFF  }
0xc1: {  	_ =	task.clear_ibuf [dreg:s7], $0x2FFFF;
	_ =	strace $0x9FFFFFFF  }
0xc2: {  	(tm) =	ssettm $0x7FFFFFFF  }
0xc3: {  	_ =	shalt  }
tec
execute0_lowered:
.L_overlay_start_1:
0x0: {  	(tag) =	ssettag $0x1  }
0x1: {  	s0 =	rddreg [dreg:$0x0]  }
0x2: {  	s5 =	rddreg [dreg:$0x1];
	s3 =	simm.s32 $0x0  }
0x3: {  	s1 =	srdreg.scid;
	s2 =	stileid.u32;
	s19 =	simm.s32 $0x2000  }
0x4: {  	s15 =	simm.s32 $0x1000;
	s16 =	simm.s32 $0x3000;
	s20 =	simm.s32 $0x7F80  }
0x5: {  	s21 =	simm.s32 $0x8380;
	s28 =	simm.s32 $0x8B80;
	s31 =	simm.s32 $0x6000  }
0x6: {  	s29 =	simm.s32 $0x9780;
	s30 =	simm.s32 $0x67E0;
	[smem:$0x7FF] =	sst s3  }
0x7: {  	v0 =	vlaneseq.u32;
	s1 =	sand.u32 $0x1, s1;
	s2 =	sshll.u32 s2, $0xC;
	s6 =	sadd.s32 $0x1400, s0  }
0x8: {  	s7 =	sadd.s32 $0x81400, s0;
	v53 =	vmul.u32 $0x40, v0;
	_ =	strace $0x80000047;
	s4 =	sshll.u32 s1, $0xB  }
0x9: {  	s1 =	ssub.s32 $0x2, s1;
	[dreg:$0x3] =	wrdreg s6;
	s4 =	sor.u32 s4, s2  }
0xa: {  	[dreg:$0x5] =	wrdreg s7;
	s22 =	sshrl.u32 s1, $0x1;
	v1 =	vor.u32 $0x3F, v53;
	[tilespmem:$0x1FFC0] =	vst v53;
	s2 =	sshll.u32 s4, $0x3  }
0xb: {  	v52 =	vor.u32 $0x400, v53;
	s0 =	ssub.s32 s1, s22;
	[dreg:$0x4] =	wrdreg s4;
	[tilespmem:$0x1FF80] =	vst v1;
	s23 =	sadd.s32 s6, s2  }
0xc: {  	v54 =	vor.u32 $0x800, v53;
	s24 =	sshll.u32 s4, $0x4;
	[tilespmem:$0x1FFD0] =	vst v52;
	s25 =	sadd.s32 s7, s2;
	[dreg:$0x6] =	wrdreg s23  }
0xd: {  	v55 =	vor.u32 $0xC00, v53;
	s22 =	simm.s32 $0x6FC0;
	[tilespmem:$0x1FFE0] =	vst v54;
	s1 =	sadd.s32 s5, s24;
	[dreg:$0x7] =	wrdreg s25  }
0xe: {  	v1 =	vor.u32 $0x43F, v53;
	[tilespmem:$0x1FFF0] =	vst v55;
	s0 =	smax.u32 s0, $0x1;
	s26 =	sor.u32 $0x400, s2;
	[dreg:$0x8] =	wrdreg s1  }
0xf: {  	s24 =	simm.s32 $0x8780;
	s2 =	simm.s32 $0x9F80;
	[tilespmem:$0x1FF90] =	vst v1;
	v1 =	vor.u32 $0x83F, v53;
	[dreg:$0x9] =	wrdreg s0  }
0x10: {  	s5 =	simm.s32 $0x0;
	[dreg:$0xa] =	wrdreg s26;
	s23 =	simm.s32 $0x4000;
	[tilespmem:$0x1FFA0] =	vst v1;
	v1 =	vor.u32 $0xC3F, v53  }
0x11: {  	v2 =	vimm.s32 $0x0;
	s25 =	simm.s32 $0x63F0;
	s26 =	simm.s32 $0x73B0;
	s0 =	simm.s32 $0x77A0;
	[tilespmem:$0x1FFB0] =	vst v1  }
.LBB2_1:
0x12: {  	[dreg:$0xb] =	wrdreg s5  }
0x13: {  	s1 =	rddreg [dreg:$0x6]  }
0x14: {  	[tilespmem:s3], [sflag:$0x1] =	stream.linear.gather [hbm4b:s1+s3], $0x1000, $0x38;
	[tilespmem:$0xAF80] =	vst v63  }
0x15: {  	s18 =	rddreg [dreg:$0x7];
	s4 =	simm.s32 $0x40;
	s1 =	simm.s32 $0x0  }
0x16: {  	[tilespmem:s19], [sflag:$0x3] =	stream.linear.gather [hbm4b:s18+s3], $0x1000, $0x38;
	[tilespmem:$0xAF80] =	vst v63  }
.LBB2_2:
0x17: {  	p0 =	sne.s32 s4, $0x1FC0;
	[tilespmem:s1+$0xA780] =	vst v2;
	s5 =	smov.u32 s4;
	s4 =	sadd.s32 $0x40, s4  }
.Ltmp0:
0x18: {  	[tilespmem:s1+$0x9F80] =	vst v2;
	(pc) =	sbr.rel @p0 .LBB2_2-.Ltmp0, $3  }
0x19: {  	[tilespmem:s1+$0x8F80] =	vst v2  }
0x1a: {  	[tilespmem:s1+$0x9780] =	vst v2;
	_ =	sdelay $0x1  }
0x1b: {  	s1 =	sshra.s32 s5, $0x2  }
0x1c: {  	[tilespmem:s1+$0xA780] =	vst v2  }
0x1d: {  	[tilespmem:s1+$0x9F80] =	vst v2  }
0x1e: {  	[tilespmem:s1+$0x8F80] =	vst v2  }
0x1f: {  	[tilespmem:s1+$0x9780] =	vst v2;
	s9 =	simm.s32 $0x0  }
.LBB2_4:
0x20: {  	s8 =	sshllo.u32 s9, $0x1;
	s4 =	simm.s32 $0x1  }
0x21: {  	s11 =	simm.s32 $0x3;
	s6 =	simm.s32 $0x0;
	_ =	swait.ge [sflag:s4], $0x1000  }
0x22: {  	s1 =	sshll.u32 s8, $0x6;
	[sflag:s4] =	ssyncset.done $0x0;
	s10 =	rddreg [dreg:$0x4]  }
0x23: {  	s5 =	simm.s32 $0x1;
	[sflag:s4] =	ssyncadd.s32 $0xFFFFF000;
	s1 =	sadd.s32 s10, s1  }
0x24: {  	_ =	swait.ge [sflag:s11], $0x1000;
	[dreg:$0xd] =	wrdreg s1;
	s1 =	sshll.u32 s1, $0x3  }
0x25: {  	v6 =	vmov s6;
	[sflag:s11] =	ssyncset.done $0x0;
	s1 =	sand.u32 $0x1FFFFE00, s1;
	s12 =	rddreg [dreg:$0x3]  }
0x26: {  	v6 =	vadd.s32 $0x1, v6;
	s13 =	rddreg [dreg:$0x5];
	[sflag:s11] =	ssyncadd.s32 $0xFFFFF000;
	s4 =	sadd.s32 s12, s1  }
0x27: {  	v7 =	vmov s5;
	v6 =	vand.u32 $0x3F, v6;
	[tilespmem:s15], [sflag:$0x2] =	stream.linear.gather [hbm4b:s4+s6], $0x1000, $0x38;
	[tilespmem:$0xAF80] =	vst v63  }
0x28: {  	v7 =	vadd.s32 $0x1, v7;
	v8 =	vbroadcast v6, $0x0;
	s1 =	sadd.s32 s13, s1  }
0x29: {  	v17 =	vimm.f32 $0.0e+00;
	v6 =	vand.u32 $0x7E, v7;
	[tilespmem:s16], [sflag:$0x4] =	stream.linear.gather [hbm4b:s1+s6], $0x1000, $0x38;
	[tilespmem:$0xAF80] =	vst v63  }
0x2a: {  	v7 =	vbroadcast v6, $0x0;
	v6 =	vor.u32 v53, v8;
	[tilespmem:$0x6000] =	vst v17  }
0x2b: {  	[tilespmem:$0x63F0] =	vst v17  }
0x2c: {  	v9 =	vadd.s32 v53, v7;
	[tilespmem:$0x67E0] =	vst v17  }
0x2d: {  	[tilespmem:$0x6BD0] =	vst v17  }
0x2e: {  	v10 =	vld.idx.msk [tilespmem:v53+s6+$0x0], $0xffff  }
0x2f: {  	v11 =	vld.idx.msk [tilespmem:v6+s19+$0x0], $0xffff  }
0x30: {  	v12 =	vld.idx.msk [tilespmem:v6+s3+$0x0], $0xffff  }
0x31: {  	v6 =	vld.idx.msk [tilespmem:v9+s19+$0x0], $0xffff  }
0x32: {  	v9 =	vld.idx.msk [tilespmem:v9+s3+$0x0], $0xffff  }
0x33: {  	s16 =	simm.s32 $0x2  }
0x34: {  	v16 =	vor.u32 v52, v8;
	v18 =	vmov s16;
	v11 =	vadd.f32 $9.999999740e-06, v11  }
0x35: {  	v14 =	vadd.s32 v52, v7;
	v18 =	vadd.s32 $0x1, v18;
	v10 =	vadd.f32 v12, v10  }
0x36: {  	v15 =	vld.idx.msk [tilespmem:v52+s6+$0x0], $0xffff;
	v18 =	vand.u32 $0x3F, v18;
	v21 =	vadd.f32 $9.999999740e-06, v6;
	v11 =	vadd.f32 v11, v17  }
0x37: {  	s14 =	simm.s32 $0x3;
	s17 =	simm.s32 $0x6020;
	v19 =	vld.idx.msk [tilespmem:v54+s6+$0x0], $0xffff;
	v20 =	vbroadcast v18, $0x0;
	v12 =	vadd.f32 v9, v12;
	v10 =	vmul.f32 $5.000000000e-01, v10  }
0x38: {  	s18 =	simm.s32 $0x6FD0;
	v13 =	vmov s14;
	v6 =	vld.idx.msk [tilespmem:v55+s6+$0x0], $0xffff;
	[tilespmem:s17+$0xFFFFFFF0] =	vst v11;
	v18 =	vadd.f32 v21, v11  }
0x39: {  	v13 =	vadd.s32 $0x1, v13;
	[tilespmem:s18+$0xFFFFFFF0] =	vst v10;
	v10 =	vmul.f32 $5.000000000e-01, v12;
	v12 =	vor.u32 v53, v20  }
0x3a: {  	v11 =	vand.u32 $0x7E, v13;
	v13 =	vld.idx.msk [tilespmem:v16+s19+$0x0], $0xffff;
	[tilespmem:s17+$0x0] =	vst v18  }
0x3b: {  	v11 =	vbroadcast v11, $0x0;
	v16 =	vld.idx.msk [tilespmem:v16+s3+$0x0], $0xffff;
	[tilespmem:s18+$0x0] =	vst v10  }
0x3c: {  	s5 =	simm.s32 $0x5;
	v21 =	vld.idx.msk [tilespmem:v14+s19+$0x0], $0xffff  }
0x3d: {  	v10 =	vadd.s32 v53, v11;
	v22 =	vld.idx.msk [tilespmem:v14+s3+$0x0], $0xffff;
	v14 =	vmov s5  }
0x3e: {  	v14 =	vadd.s32 $0x1, v14;
	v23 =	vld.idx.msk [tilespmem:v12+s19+$0x0], $0xffff  }
0x3f: {  	v25 =	vld.idx.msk [tilespmem:v12+s3+$0x0], $0xffff;
	v12 =	vand.u32 $0x7E, v14;
	v13 =	vadd.f32 $9.999999740e-06, v13  }
0x40: {  	v26 =	vor.u32 v54, v8;
	v15 =	vadd.f32 v16, v15;
	v12 =	vbroadcast v12, $0x0  }
0x41: {  	v13 =	vadd.f32 v13, v17  }
0x42: {  	s6 =	simm.s32 $0x6410;
	v27 =	vld.idx.msk [tilespmem:v10+s19+$0x0], $0xffff;
	v14 =	vadd.f32 $9.999999740e-06, v21;
	v15 =	vmul.f32 $5.000000000e-01, v15;
	v29 =	vadd.s32 v53, v12  }
0x43: {  	s7 =	simm.s32 $0x73C0;
	v24 =	vadd.s32 v54, v7;
	v10 =	vld.idx.msk [tilespmem:v10+s3+$0x0], $0xffff;
	v16 =	vadd.f32 v22, v16;
	[tilespmem:s6+$0xFFFFFFF0] =	vst v13  }
0x44: {  	s10 =	simm.s32 $0x4;
	v21 =	vadd.s32 v52, v11;
	v28 =	vadd.f32 v14, v13;
	[tilespmem:s7+$0xFFFFFFF0] =	vst v15  }
0x45: {  	v13 =	vadd.f32 $9.999999740e-06, v23;
	v14 =	vmul.f32 $5.000000000e-01, v16;
	v16 =	vmov s10;
	v23 =	vld.idx.msk [tilespmem:v26+s19+$0x0], $0xffff  }
0x46: {  	v9 =	vadd.f32 v25, v9;
	v15 =	vor.u32 v52, v20;
	v16 =	vadd.s32 $0x1, v16;
	[tilespmem:s6+$0x0] =	vst v28;
	v26 =	vld.idx.msk [tilespmem:v26+s3+$0x0], $0xffff  }
0x47: {  	v27 =	vadd.f32 $9.999999740e-06, v27;
	v18 =	vadd.f32 v13, v18;
	v13 =	vand.u32 $0x3F, v16;
	[tilespmem:s7+$0x0] =	vst v14;
	v30 =	vld.idx.msk [tilespmem:v29+s19+$0x0], $0xffff  }
0x48: {  	s11 =	simm.s32 $0x6040;
	v9 =	vmul.f32 $5.000000000e-01, v9;
	v14 =	vadd.f32 v10, v25;
	v13 =	vbroadcast v13, $0x0;
	v16 =	vld.idx.msk [tilespmem:v24+s19+$0x0], $0xffff  }
0x49: {  	s12 =	simm.s32 $0x6FF0;
	[tilespmem:s11+$0xFFFFFFF0] =	vst v18;
	v25 =	vadd.f32 v27, v18;
	v27 =	vld.idx.msk [tilespmem:v24+s3+$0x0], $0xffff  }
0x4a: {  	v18 =	vld.idx.msk [tilespmem:v29+s3+$0x0], $0xffff;
	[tilespmem:s12+$0xFFFFFFF0] =	vst v9;
	v9 =	vmul.f32 $5.000000000e-01, v14;
	v24 =	vor.u32 v53, v13  }
0x4b: {  	v31 =	vld.idx.msk [tilespmem:v15+s19+$0x0], $0xffff;
	[tilespmem:s11+$0x0] =	vst v25;
	v14 =	vadd.f32 $9.999999740e-06, v23  }
0x4c: {  	v8 =	vor.u32 v55, v8;
	v15 =	vld.idx.msk [tilespmem:v15+s3+$0x0], $0xffff;
	[tilespmem:s12+$0x0] =	vst v9;
	v9 =	vadd.f32 v26, v19  }
0x4d: {  	s13 =	simm.s32 $0x7;
	v7 =	vadd.s32 v55, v7;
	v23 =	vld.idx.msk [tilespmem:v21+s19+$0x0], $0xffff;
	v19 =	vadd.f32 v14, v17;
	v16 =	vadd.f32 $9.999999740e-06, v16  }
0x4e: {  	s14 =	simm.s32 $0x6800;
	v14 =	vld.idx.msk [tilespmem:v21+s3+$0x0], $0xffff;
	v21 =	vmov s13;
	v9 =	vmul.f32 $5.000000000e-01, v9;
	v26 =	vadd.f32 v27, v26  }
0x4f: {  	s16 =	simm.s32 $0x77B0;
	v21 =	vadd.s32 $0x1, v21;
	v32 =	vld.idx.msk [tilespmem:v24+s19+$0x0], $0xffff;
	[tilespmem:s14+$0xFFFFFFF0] =	vst v19;
	v19 =	vadd.f32 v16, v19  }
0x50: {  	v16 =	vand.u32 $0x7E, v21;
	v21 =	vadd.f32 $9.999999740e-06, v31;
	v31 =	vld.idx.msk [tilespmem:v24+s3+$0x0], $0xffff;
	[tilespmem:s16+$0xFFFFFFF0] =	vst v9;
	v9 =	vmul.f32 $5.000000000e-01, v26  }
0x51: {  	v22 =	vadd.f32 v15, v22;
	v26 =	vor.u32 v54, v20;
	v33 =	vld.idx.msk [tilespmem:v8+s19+$0x0], $0xffff;
	[tilespmem:s14+$0x0] =	vst v19  }
0x52: {  	v29 =	vadd.s32 v54, v11;
	v21 =	vadd.f32 v21, v28;
	v28 =	vadd.f32 $9.999999740e-06, v23;
	v34 =	vld.idx.msk [tilespmem:v8+s3+$0x0], $0xffff;
	[tilespmem:s16+$0x0] =	vst v9  }
0x53: {  	s17 =	simm.s32 $0x6;
	s6 =	simm.s32 $0x6430;
	v16 =	vbroadcast v16, $0x0;
	v8 =	vmul.f32 $5.000000000e-01, v22;
	v9 =	vadd.f32 v14, v15;
	v35 =	vld.idx.msk [tilespmem:v7+s19+$0x0], $0xffff  }
0x54: {  	s7 =	simm.s32 $0x73E0;
	v22 =	vmov s17;
	[tilespmem:s6+$0xFFFFFFF0] =	vst v21;
	v21 =	vadd.f32 v28, v21;
	v15 =	vld.idx.msk [tilespmem:v7+s3+$0x0], $0xffff;
	v7 =	vadd.f32 $9.999999740e-06, v32  }
0x55: {  	v24 =	vadd.s32 v53, v16;
	[tilespmem:s7+$0xFFFFFFF0] =	vst v8;
	v8 =	vmul.f32 $5.000000000e-01, v9;
	v10 =	vadd.f32 v31, v10  }
0x56: {  	v28 =	vor.u32 v52, v13;
	v9 =	vadd.f32 $9.999999740e-06, v30;
	v63 =	vld.idx.msk [tilespmem:v26+s19+$0x0], $0xffff;
	[tilespmem:s6+$0x0] =	vst v21;
	v7 =	vadd.f32 v7, v25  }
0x57: {  	s12 =	simm.s32 $0x6060;
	v30 =	vadd.f32 v18, v31;
	v31 =	vadd.s32 $0x1, v22;
	v22 =	vld.idx.msk [tilespmem:v26+s3+$0x0], $0xffff;
	[tilespmem:s7+$0x0] =	vst v8;
	v10 =	vmul.f32 $5.000000000e-01, v10  }
0x58: {  	s11 =	simm.s32 $0x7010;
	v23 =	vadd.s32 v52, v12;
	v25 =	vand.u32 $0x3F, v31;
	v8 =	vld.idx.msk [tilespmem:v29+s19+$0x0], $0xffff;
	[tilespmem:s12+$0xFFFFFFF0] =	vst v7  }
0x59: {  	v33 =	vadd.f32 $9.999999740e-06, v33;
	v31 =	vadd.f32 v34, v6;
	v6 =	vbroadcast v25, $0x0;
	v25 =	vld.idx.msk [tilespmem:v29+s3+$0x0], $0xffff;
	[tilespmem:s11+$0xFFFFFFF0] =	vst v10  }
0x5a: {  	s18 =	sshll.u32 s9, $0x1;
	v26 =	vadd.f32 v9, v7;
	v9 =	vld.idx.msk [tilespmem:v24+s19+$0x0], $0xffff;
	[dreg:$0xc] =	wrdreg s9  }
0x5b: {  	v36 =	vadd.f32 v33, v17;
	v17 =	vmul.f32 $5.000000000e-01, v30;
	[dreg:$0xe] =	wrdreg s18  }
0x5c: {  	v29 =	vadd.f32 $9.999999740e-06, v35;
	v34 =	vadd.f32 v15, v34;
	v10 =	vor.u32 v53, v6;
	v30 =	vld.idx.msk [tilespmem:v28+s19+$0x0], $0xffff;
	[tilespmem:s12+$0x0] =	vst v26  }
0x5d: {  	s4 =	simm.s32 $0x6BF0;
	s1 =	simm.s32 $0x7BC0;
	s5 =	simm.s32 $0x7BA0;
	v7 =	vmul.f32 $5.000000000e-01, v31;
	v28 =	vld.idx.msk [tilespmem:v28+s3+$0x0], $0xffff;
	v33 =	vadd.f32 $9.999999740e-06, v63;
	v32 =	vadd.f32 v22, v27;
	[tilespmem:s11+$0x0] =	vst v17  }
0x5e: {  	s10 =	simm.s32 $0x6820;
	s14 =	simm.s32 $0x8;
	s9 =	simm.s32 $0x77D0;
	v31 =	vmul.f32 $5.000000000e-01, v34;
	v27 =	vor.u32 v55, v20;
	[tilespmem:s4+$0xFFFFFFF0] =	vst v36;
	v17 =	vadd.f32 v29, v36;
	v29 =	vld.idx.msk [tilespmem:v23+s19+$0x0], $0xffff  }
.LBB2_5:
0x5f: {  	s17 =	sadd.s32 $0x1, s14;
	v20 =	vld.idx.msk [tilespmem:v23+s3+$0x0], $0xffff;
	v19 =	vadd.f32 v33, v19;
	v8 =	vadd.f32 $9.999999740e-06, v8  }
0x60: {  	v33 =	vadd.s32 v55, v11;
	[tilespmem:s4+$0x0] =	vst v17;
	s4 =	sadd.s32 $0x20, s4;
	v11 =	vmovc v12;
	v12 =	vmovc v16;
	v34 =	vmov v6;
	v35 =	vmov v25;
	s18 =	smov.u32 s14;
	s13 =	sadd.s32 $0x2, s14  }
0x61: {  	p0 =	slt.u32 s14, $0x3C;
	v22 =	vadd.f32 v25, v22;
	v6 =	vmov s17;
	v36 =	vld.idx.msk [tilespmem:v24+s3+$0x0], $0xffff;
	v16 =	vmul.f32 $5.000000000e-01, v32;
	[tilespmem:s5+$0x0] =	vst v31  }
0x62: {  	v31 =	vadd.s32 v54, v11;
	v6 =	vadd.s32 $0x1, v6;
	v25 =	vld.idx.msk [tilespmem:v10+s19+$0x0], $0xffff;
	[tilespmem:s10+$0xFFFFFFF0] =	vst v19;
	v19 =	vadd.f32 v8, v19  }
0x63: {  	v22 =	vmul.f32 $5.000000000e-01, v22;
	v6 =	vand.u32 $0x7E, v6;
	v8 =	vld.idx.msk [tilespmem:v10+s3+$0x0], $0xffff;
	v10 =	vadd.f32 $9.999999740e-06, v30;
	[tilespmem:s9+$0xFFFFFFF0] =	vst v16  }
0x64: {  	v30 =	vor.u32 v54, v13;
	v16 =	vbroadcast v6, $0x0;
	v6 =	vadd.f32 v28, v14;
	v32 =	vld.idx.msk [tilespmem:v27+s19+$0x0], $0xffff;
	[tilespmem:s10+$0x0] =	vst v19  }
0x65: {  	v23 =	vadd.s32 v52, v12;
	v1 =	vadd.f32 $9.999999740e-06, v29;
	v10 =	vadd.f32 v10, v21;
	v27 =	vld.idx.msk [tilespmem:v27+s3+$0x0], $0xffff;
	[tilespmem:s9+$0x0] =	vst v22  }
0x66: {  	s6 =	sadd.s32 $0x20, s6;
	v22 =	vadd.f32 v20, v28;
	v24 =	vadd.s32 v53, v16;
	v6 =	vmul.f32 $5.000000000e-01, v6;
	v28 =	vld.idx.msk [tilespmem:v33+s19+$0x0], $0xffff;
	[tilespmem:s5+$0xFFFFFFF0] =	vst v7;
	s5 =	smov.u32 s1  }
0x67: {  	s7 =	sadd.s32 $0x20, s7;
	v29 =	vor.u32 v52, v34;
	v14 =	vmov v20;
	[tilespmem:s6+$0xFFFFFFF0] =	vst v10;
	v21 =	vadd.f32 v1, v10;
	v7 =	vld.idx.msk [tilespmem:v33+s3+$0x0], $0xffff  }
0x68: {  	v9 =	vadd.f32 $9.999999740e-06, v9;
	v10 =	vadd.f32 $9.999999740e-06, v25;
	[tilespmem:s7+$0xFFFFFFF0] =	vst v6;
	v6 =	vmul.f32 $5.000000000e-01, v22  }
0x69: {  	v20 =	vmov s18;
	v25 =	vadd.f32 v8, v18;
	v33 =	vadd.f32 v36, v8;
	v18 =	vmovc v36;
	v37 =	vld.idx.msk [tilespmem:v30+s19+$0x0], $0xffff;
	[tilespmem:s6+$0x0] =	vst v21  }
0x6a: {  	v8 =	vadd.s32 $0x1, v20;
	v10 =	vadd.f32 v10, v26;
	v20 =	vadd.f32 $9.999999740e-06, v32;
	v22 =	vld.idx.msk [tilespmem:v30+s3+$0x0], $0xffff;
	[tilespmem:s7+$0x0] =	vst v6  }
0x6b: {  	s12 =	sadd.s32 $0x20, s12;
	v6 =	vand.u32 $0x3F, v8;
	v30 =	vmul.f32 $5.000000000e-01, v25;
	v32 =	vadd.f32 v27, v15;
	v8 =	vld.idx.msk [tilespmem:v31+s19+$0x0], $0xffff  }
.Ltmp1:
0x6c: {  	s11 =	sadd.s32 $0x20, s11;
	v6 =	vbroadcast v6, $0x0;
	v26 =	vadd.f32 v9, v10;
	v20 =	vadd.f32 v20, v17;
	[tilespmem:s12+$0xFFFFFFF0] =	vst v10;
	v25 =	vld.idx.msk [tilespmem:v31+s3+$0x0], $0xffff;
	(pc) =	sbr.rel @p0 .LBB2_5-.Ltmp1, $4  }
0x6d: {  	v17 =	vmul.f32 $5.000000000e-01, v33;
	v31 =	vadd.f32 $9.999999740e-06, v28;
	v27 =	vadd.f32 v7, v27;
	v15 =	vmovc v7;
	v9 =	vld.idx.msk [tilespmem:v24+s19+$0x0], $0xffff;
	[tilespmem:s11+$0xFFFFFFF0] =	vst v30  }
0x6e: {  	v7 =	vmul.f32 $5.000000000e-01, v32;
	v10 =	vor.u32 v53, v6;
	v30 =	vld.idx.msk [tilespmem:v29+s19+$0x0], $0xffff;
	[tilespmem:s12+$0x0] =	vst v26  }
0x6f: {  	s14 =	smov.u32 s13;
	v33 =	vadd.f32 $9.999999740e-06, v37;
	v28 =	vld.idx.msk [tilespmem:v29+s3+$0x0], $0xffff;
	[tilespmem:s11+$0x0] =	vst v17;
	v17 =	vadd.f32 v31, v20;
	v31 =	vmul.f32 $5.000000000e-01, v27  }
0x70: {  	s10 =	sadd.s32 $0x20, s10;
	s9 =	sadd.s32 $0x20, s9;
	s1 =	sadd.s32 $0x20, s1;
	v32 =	vadd.f32 v22, v35;
	v27 =	vor.u32 v55, v13;
	v13 =	vmov v34;
	v29 =	vld.idx.msk [tilespmem:v23+s19+$0x0], $0xffff;
	[tilespmem:s4+$0xFFFFFFF0] =	vst v20  }
0x71: {  	_ =	sdelay $0x3  }
0x72: {  	v20 =	vld.idx.msk [tilespmem:v10+s19+$0x0], $0xffff  }
0x73: {  	v51 =	vld.idx.msk [tilespmem:v10+s3+$0x0], $0xffff;
	_ =	sdelay $0x1  }
0x74: {  	v24 =	vld.idx.msk [tilespmem:v24+s3+$0x0], $0xffff;
	_ =	sdelay $0x1  }
0x75: {  	v20 =	vadd.f32 $9.999999740e-06, v20  }
0x76: {  	v34 =	vor.u32 v52, v6;
	v18 =	vadd.f32 v51, v18  }
0x77: {  	v9 =	vadd.f32 $9.999999740e-06, v9;
	v20 =	vadd.f32 v20, v26  }
0x78: {  	s12 =	sadd.s32 $0x20, s12;
	v56 =	vadd.s32 v52, v16;
	[tilespmem:s4+$0x0] =	vst v17;
	v10 =	vadd.f32 v24, v51;
	v18 =	vmul.f32 $5.000000000e-01, v18  }
0x79: {  	s11 =	sadd.s32 $0x20, s11;
	[tilespmem:s12+$0xFFFFFFF0] =	vst v20;
	v20 =	vadd.f32 v9, v20  }
0x7a: {  	v23 =	vld.idx.msk [tilespmem:v23+s3+$0x0], $0xffff;
	v57 =	vmul.f32 $5.000000000e-01, v10;
	[tilespmem:s11+$0xFFFFFFF0] =	vst v18  }
0x7b: {  	v58 =	vld.idx.msk [tilespmem:v34+s19+$0x0], $0xffff;
	[tilespmem:s12+$0x0] =	vst v20  }
0x7c: {  	v18 =	vadd.f32 v33, v19;
	v19 =	vadd.f32 $9.999999740e-06, v30;
	v59 =	vld.idx.msk [tilespmem:v34+s3+$0x0], $0xffff;
	[tilespmem:s11+$0x0] =	vst v57  }
0x7d: {  	v60 =	vor.u32 v54, v13;
	v32 =	vmul.f32 $5.000000000e-01, v32;
	[tilespmem:s5+$0x0] =	vst v31;
	v14 =	vadd.f32 v28, v14;
	v61 =	vld.idx.msk [tilespmem:v56+s19+$0x0], $0xffff  }
0x7e: {  	[tilespmem:s10+$0xFFFFFFF0] =	vst v18;
	v19 =	vadd.f32 v19, v21;
	v21 =	vadd.f32 $9.999999740e-06, v29;
	v9 =	vld.idx.msk [tilespmem:v56+s3+$0x0], $0xffff  }
0x7f: {  	v62 =	vadd.s32 v54, v12;
	s6 =	sadd.s32 $0x20, s6;
	v14 =	vmul.f32 $5.000000000e-01, v14;
	v63 =	vadd.f32 v23, v28;
	[tilespmem:s9+$0xFFFFFFF0] =	vst v32  }
0x80: {  	s7 =	sadd.s32 $0x20, s7;
	[tilespmem:s6+$0xFFFFFFF0] =	vst v19;
	v19 =	vadd.f32 v21, v19;
	v10 =	vadd.f32 $9.999999740e-06, v58  }
0x81: {  	v4 =	vor.u32 v54, v6;
	v21 =	vld.idx.msk [tilespmem:v27+s19+$0x0], $0xffff;
	[tilespmem:s7+$0xFFFFFFF0] =	vst v14;
	v14 =	vmul.f32 $5.000000000e-01, v63;
	v23 =	vadd.f32 v59, v23  }
0x82: {  	v5 =	vld.idx.msk [tilespmem:v60+s19+$0x0], $0xffff;
	[tilespmem:s6+$0x0] =	vst v19;
	v10 =	vadd.f32 v10, v19;
	v19 =	vadd.f32 $9.999999740e-06, v61  }
0x83: {  	v36 =	vadd.s32 v54, v16;
	v31 =	vld.idx.msk [tilespmem:v60+s3+$0x0], $0xffff;
	s6 =	sadd.s32 $0x20, s6;
	[tilespmem:s7+$0x0] =	vst v14;
	v23 =	vmul.f32 $5.000000000e-01, v23;
	v30 =	vadd.f32 v9, v59  }
0x84: {  	v8 =	vadd.f32 $9.999999740e-06, v8;
	s7 =	sadd.s32 $0x20, s7;
	v37 =	vld.idx.msk [tilespmem:v62+s19+$0x0], $0xffff;
	[tilespmem:s6+$0xFFFFFFF0] =	vst v10;
	v14 =	vadd.f32 v19, v10  }
0x85: {  	v38 =	vadd.f32 v25, v22;
	v19 =	vld.idx.msk [tilespmem:v62+s3+$0x0], $0xffff;
	v22 =	vmul.f32 $5.000000000e-01, v30;
	[tilespmem:s7+$0xFFFFFFF0] =	vst v23  }
0x86: {  	v11 =	vadd.s32 v55, v11;
	v8 =	vadd.f32 v8, v18;
	v18 =	vld.idx.msk [tilespmem:v4+s19+$0x0], $0xffff;
	[tilespmem:s6+$0x0] =	vst v14  }
0x87: {  	v23 =	vadd.f32 $9.999999740e-06, v5;
	v39 =	vld.idx.msk [tilespmem:v4+s3+$0x0], $0xffff;
	[tilespmem:s7+$0x0] =	vst v22  }
0x88: {  	v13 =	vor.u32 v55, v13;
	[tilespmem:s5+$0xFFFFFFF0] =	vst v7;
	v10 =	vmul.f32 $5.000000000e-01, v38;
	v22 =	vadd.f32 v31, v25;
	v40 =	vld.idx.msk [tilespmem:v36+s19+$0x0], $0xffff  }
0x89: {  	[tilespmem:s10+$0x0] =	vst v8;
	v8 =	vadd.f32 v23, v8;
	v41 =	vadd.f32 $9.999999740e-06, v37;
	v23 =	vld.idx.msk [tilespmem:v36+s3+$0x0], $0xffff  }
0x8a: {  	s14 =	sadd.s32 $0x20, s10;
	v43 =	vadd.s32 v55, v12;
	v42 =	vld.idx.msk [tilespmem:v27+s3+$0x0], $0xffff;
	[tilespmem:s9+$0x0] =	vst v10;
	v12 =	vmul.f32 $5.000000000e-01, v22;
	v22 =	vadd.f32 v19, v31  }
0x8b: {  	s16 =	sadd.s32 $0x20, s9;
	v46 =	vor.u32 v55, v6;
	v44 =	vld.idx.msk [tilespmem:v11+s19+$0x0], $0xffff;
	[tilespmem:s14+$0xFFFFFFF0] =	vst v8;
	v8 =	vadd.f32 v41, v8;
	v45 =	vadd.f32 $9.999999740e-06, v18  }
0x8c: {  	v21 =	vadd.f32 $9.999999740e-06, v21;
	v11 =	vld.idx.msk [tilespmem:v11+s3+$0x0], $0xffff;
	[tilespmem:s16+$0xFFFFFFF0] =	vst v12;
	v12 =	vmul.f32 $5.000000000e-01, v22;
	v18 =	vadd.f32 v39, v19  }
0x8d: {  	[tilespmem:s14+$0x0] =	vst v8;
	v19 =	vld.idx.msk [tilespmem:v13+s19+$0x0], $0xffff;
	v8 =	vadd.f32 v45, v8;
	v47 =	vadd.f32 $9.999999740e-06, v40  }
0x8e: {  	s5 =	sadd.s32 $0x20, s14;
	v22 =	vld.idx.msk [tilespmem:v13+s3+$0x0], $0xffff;
	[tilespmem:s16+$0x0] =	vst v12;
	v12 =	vadd.s32 v55, v16;
	v48 =	vmul.f32 $5.000000000e-01, v18;
	v18 =	vadd.f32 v23, v39  }
0x8f: {  	s6 =	sadd.s32 $0x20, s16;
	v49 =	vld.idx.msk [tilespmem:v43+s19+$0x0], $0xffff;
	[tilespmem:s5+$0xFFFFFFF0] =	vst v8;
	v62 =	vadd.f32 v47, v8  }
0x90: {  	v50 =	vadd.f32 v21, v17;
	v51 =	vadd.f32 $9.999999740e-06, v44;
	v7 =	vld.idx.msk [tilespmem:v43+s3+$0x0], $0xffff;
	v52 =	vmul.f32 $5.000000000e-01, v18;
	[tilespmem:s6+$0xFFFFFFF0] =	vst v48  }
0x91: {  	v15 =	vadd.f32 v42, v15;
	v54 =	vadd.f32 v11, v42;
	v18 =	vld.idx.msk [tilespmem:v46+s19+$0x0], $0xffff;
	[tilespmem:s5+$0x0] =	vst v62  }
0x92: {  	s17 =	sadd.s32 $0x20, s4;
	v10 =	vadd.f32 v51, v50;
	v19 =	vadd.f32 $9.999999740e-06, v19;
	v6 =	vld.idx.msk [tilespmem:v46+s3+$0x0], $0xffff;
	[tilespmem:s6+$0x0] =	vst v52  }
0x93: {  	v15 =	vmul.f32 $5.000000000e-01, v15;
	[tilespmem:s17+$0xFFFFFFF0] =	vst v50;
	v11 =	vadd.f32 v22, v11;
	v56 =	vld.idx.msk [tilespmem:v12+s19+$0x0], $0xffff  }
0x94: {  	v55 =	vmul.f32 $5.000000000e-01, v54;
	[tilespmem:s17+$0x0] =	vst v10;
	v10 =	vadd.f32 v19, v10;
	v57 =	vadd.f32 $9.999999740e-06, v49;
	v12 =	vld.idx.msk [tilespmem:v12+s3+$0x0], $0xffff  }
0x95: {  	[tilespmem:s1+$0xFFFFFFF0] =	vst v15;
	v58 =	vadd.f32 v7, v22  }
0x96: {  	s4 =	sadd.s32 $0x20, s17;
	[tilespmem:s1+$0x0] =	vst v55;
	v60 =	vmul.f32 $5.000000000e-01, v11;
	v15 =	vadd.f32 v57, v10;
	v59 =	vadd.f32 $9.999999740e-06, v18  }
0x97: {  	s18 =	sadd.s32 $0x20, s1;
	[tilespmem:s4+$0xFFFFFFF0] =	vst v10  }
0x98: {  	v16 =	vmul.f32 $5.000000000e-01, v58;
	[tilespmem:s18+$0xFFFFFFF0] =	vst v60;
	v61 =	vadd.f32 v59, v15;
	v8 =	vadd.f32 $9.999999740e-06, v56  }
0x99: {  	[tilespmem:s4+$0x0] =	vst v15;
	v15 =	vadd.f32 v12, v6;
	v6 =	vadd.f32 v6, v7  }
0x9a: {  	s4 =	sadd.s32 $0x20, s4;
	[tilespmem:s18+$0x0] =	vst v16;
	v13 =	vadd.f32 v8, v61  }
0x9b: {  	[tilespmem:s4+$0xFFFFFFF0] =	vst v61;
	v6 =	vmul.f32 $5.000000000e-01, v6  }
0x9c: {  	s1 =	sadd.s32 $0x20, s18;
	v63 =	vmul.f32 $5.000000000e-01, v15;
	[tilespmem:s4+$0x0] =	vst v13  }
0x9d: {  	[tilespmem:s1+$0xFFFFFFF0] =	vst v6  }
0x9e: {  	[tilespmem:s1+$0x0] =	vst v63  }
0x9f: {  	v1 =	vld [tilespmem:$0x1FF80];
	_ =	sdelay $0x7  }
0xa0: {  	v6 =	vld.idx.msk [tilespmem:v1+s3+$0x0], $0xffff;
	_ =	sdelay $0x1  }
0xa1: {  	v1 =	vld [tilespmem:$0x1FF90];
	_ =	sdelay $0x2  }
0xa2: {  	v6 =	vadd.f32 v6, v24;
	_ =	sdelay $0x1  }
0xa3: {  	v6 =	vmul.f32 $5.000000000e-01, v6;
	_ =	sdelay $0x1  }
0xa4: {  	[tilespmem:$0x73A0] =	vst v6  }
0xa5: {  	v6 =	vld.idx.msk [tilespmem:v1+s3+$0x0], $0xffff;
	_ =	sdelay $0x1  }
0xa6: {  	v1 =	vld [tilespmem:$0x1FFA0];
	_ =	sdelay $0x2  }
0xa7: {  	v6 =	vadd.f32 v6, v9;
	_ =	sdelay $0x1  }
0xa8: {  	v6 =	vmul.f32 $5.000000000e-01, v6;
	_ =	sdelay $0x1  }
0xa9: {  	[tilespmem:$0x7790] =	vst v6  }
0xaa: {  	v6 =	vld.idx.msk [tilespmem:v1+s3+$0x0], $0xffff;
	_ =	sdelay $0x1  }
0xab: {  	v1 =	vld [tilespmem:$0x1FFB0];
	_ =	sdelay $0x2  }
0xac: {  	v6 =	vadd.f32 v6, v23;
	_ =	sdelay $0x1  }
0xad: {  	v6 =	vmul.f32 $5.000000000e-01, v6;
	_ =	sdelay $0x1  }
0xae: {  	[tilespmem:$0x7B80] =	vst v6  }
0xaf: {  	v6 =	vld.idx.msk [tilespmem:v1+s3+$0x0], $0xffff;
	_ =	sdelay $0x4  }
0xb0: {  	v6 =	vadd.f32 v6, v12;
	_ =	sdelay $0x1  }
0xb1: {  	v6 =	vmul.f32 $5.000000000e-01, v6;
	_ =	sdelay $0x1  }
0xb2: {  	s19 =	simm.s32 $0x7FA0;
	[tilespmem:$0x7F70] =	vst v6  }
0xb3: {  	[tilespmem:s19+$0xFFFFFFF0] =	vst v2  }
0xb4: {  	[tilespmem:s19+$0x0] =	vst v2  }
0xb5: {  	[tilespmem:s19+$0x10] =	vst v2  }
0xb6: {  	s1 =	simm.s32 $0x83A0;
	[tilespmem:s19+$0xFFFFFFE0] =	vst v2  }
0xb7: {  	[tilespmem:s1+$0xFFFFFFF0] =	vst v2  }
0xb8: {  	[tilespmem:s1+$0x0] =	vst v2  }
0xb9: {  	[tilespmem:s1+$0x10] =	vst v2  }
0xba: {  	s4 =	simm.s32 $0x87A0;
	[tilespmem:s1+$0xFFFFFFE0] =	vst v2  }
0xbb: {  	[tilespmem:s4+$0xFFFFFFF0] =	vst v2  }
0xbc: {  	[tilespmem:s4+$0x0] =	vst v2  }
0xbd: {  	[tilespmem:s4+$0x10] =	vst v2  }
0xbe: {  	s5 =	simm.s32 $0x8BA0;
	[tilespmem:s4+$0xFFFFFFE0] =	vst v2  }
0xbf: {  	[tilespmem:s5+$0xFFFFFFF0] =	vst v2  }
0xc0: {  	[tilespmem:s5+$0x0] =	vst v2  }
0xc1: {  	[tilespmem:s5+$0x10] =	vst v2  }
0xc2: {  	s7 =	simm.s32 $0x7FE0;
	s6 =	simm.s32 $0x0;
	[tilespmem:s5+$0xFFFFFFE0] =	vst v2  }
.LBB2_7:
0xc3: {  	[tilespmem:s7+$0xFFFFFFF0] =	vst v2;
	s1 =	sadd.s32 $0x40, s1  }
0xc4: {  	s4 =	sadd.s32 $0x40, s4;
	[tilespmem:s1+$0xFFFFFFF0] =	vst v2  }
0xc5: {  	s5 =	sadd.s32 $0x40, s5;
	[tilespmem:s4+$0xFFFFFFF0] =	vst v2  }
0xc6: {  	[tilespmem:s5+$0xFFFFFFF0] =	vst v2  }
0xc7: {  	[tilespmem:s7+$0x0] =	vst v2  }
0xc8: {  	[tilespmem:s1+$0x0] =	vst v2  }
0xc9: {  	[tilespmem:s4+$0x0] =	vst v2  }
0xca: {  	[tilespmem:s5+$0x0] =	vst v2  }
0xcb: {  	[tilespmem:s7+$0x10] =	vst v2  }
0xcc: {  	s6 =	sadd.s32 $0x4, s6;
	[tilespmem:s1+$0x10] =	vst v2  }
0xcd: {  	p0 =	slt.u32 s6, $0x3C;
	[tilespmem:s4+$0x10] =	vst v2  }
.Ltmp2:
0xce: {  	[tilespmem:s5+$0x10] =	vst v2;
	(pc) =	sbr.rel @p0 .LBB2_7-.Ltmp2, $4  }
0xcf: {  	[tilespmem:s7+$0xFFFFFFE0] =	vst v2  }
0xd0: {  	[tilespmem:s1+$0xFFFFFFE0] =	vst v2  }
0xd1: {  	[tilespmem:s4+$0xFFFFFFE0] =	vst v2  }
0xd2: {  	s7 =	sadd.s32 $0x40, s7;
	[tilespmem:s5+$0xFFFFFFE0] =	vst v2  }
0xd3: {  	(erf) = vrcp.f32 v20;
	_ =	sdelay $0x5  }
0xd4: {  	s1 =	simm.s32 $0x6020  }
0xd5: {  	v6 =	vld [tilespmem:s1+$0xFFFFFFF0]  }
0xd6: {  	v7 =	vld [tilespmem:s1+$0x0]  }
0xd7: {  	v8 =	vpop (erf)  }
0xd8: {  	v23 =	vmul.f32 $6.300000000e+01, v8;
	_ =	sdelay $0x1  }
0xd9: {  	v6 =	vmul.f32 v6, v23  }
0xda: {  	v16 =	vimm.s32 $0x0;
	v7 =	vmul.f32 v7, v23  }
0xdb: {  	vm1 =	vgt.s32 v16, $0x0;
	v8 =	vtrunc.f32 v6  }
0xdc: {  	v9 =	vtrunc.f32 v7;
	v10 =	vcvt.f32.s32 v8;
	vm0 =	vgt.f32 v6, v8  }
0xdd: {  	(erf) = vrcp.f32 v14;
	v6 =	vcvt.f32.s32 v9;
	v8 =	vsel vm0, $0x1, v2  }
0xde: {  	vm0 =	vgt.f32 v7, v9;
	v7 =	vadd.s32 v10, v8;
	v8 =	vnsel vm1, $0x0, v16  }
0xdf: {  	v9 =	vsel vm0, $0x1, v2;
	vm2 =	vgt.s32 v7, $0x0;
	v8 =	vmin.u32 v8, $0x3F  }
0xe0: {  	vm0 =	vgt.s32 v7, v16;
	v10 =	vnsel vm2, $0x0, v7;
	v8 =	vshll.u32 v8, $0x4  }
0xe1: {  	v6 =	vadd.s32 v6, v9;
	v9 =	vmin.u32 v10, $0x3F;
	v15 =	vor.u32 v0, v8  }
0xe2: {  	vm1 =	vgt.s32 v6, v7;
	v9 =	vshll.u32 v9, $0x4  }
0xe3: {  	v7 =	vor.u32 v0, v9  }
0xe4: {  	s14 =	simm.s32 $0x0  }
0xe5: {  	v11 =	vmov s14  }
0xe6: {  	s16 =	simm.s32 $0x1;
	s4 =	simm.s32 $0x6410;
	[tilespmem:v15+s20+$0x0] =	vst.idx.msk vm0, v11  }
0xe7: {  	v12 =	vmov s16;
	v8 =	vld [tilespmem:s4+$0xFFFFFFF0]  }
0xe8: {  	[tilespmem:v7+s20+$0x0] =	vst.idx.msk vm1, v12  }
0xe9: {  	v9 =	vpop (erf);
	v7 =	vld [tilespmem:s4+$0x0]  }
0xea: {  	v24 =	vmul.f32 $6.300000000e+01, v9;
	_ =	sdelay $0x1  }
0xeb: {  	v8 =	vmul.f32 v8, v24  }
0xec: {  	(erf) = vrcp.f32 v62  }
0xed: {  	v7 =	vmul.f32 v7, v24;
	v9 =	vtrunc.f32 v8  }
0xee: {  	v10 =	vcvt.f32.s32 v9;
	vm0 =	vgt.f32 v8, v9  }
0xef: {  	s17 =	simm.s32 $0x6040;
	v18 =	vtrunc.f32 v7;
	v19 =	vsel vm0, $0x1, v2;
	vm0 =	vgt.s32 v16, $0x0  }
0xf0: {  	v8 =	vld [tilespmem:s17+$0xFFFFFFF0];
	v9 =	vcvt.f32.s32 v18;
	vm1 =	vgt.f32 v7, v18;
	v7 =	vadd.s32 v10, v19  }
0xf1: {  	v21 =	vld [tilespmem:s17+$0x0];
	v10 =	vnsel vm0, $0x0, v16;
	v18 =	vsel vm1, $0x1, v2;
	vm0 =	vgt.s32 v7, $0x0  }
0xf2: {  	v10 =	vmin.u32 v10, $0x3F;
	vm1 =	vgt.s32 v7, v16;
	v19 =	vnsel vm0, $0x0, v7  }
0xf3: {  	v10 =	vshll.u32 v10, $0x4;
	v9 =	vadd.s32 v9, v18;
	v18 =	vmin.u32 v19, $0x3F  }
0xf4: {  	v10 =	vor.u32 v0, v10  }
0xf5: {  	v8 =	vmul.f32 v8, v23;
	vm0 =	vgt.s32 v9, v7;
	v7 =	vshll.u32 v18, $0x4  }
0xf6: {  	v19 =	vmul.f32 v21, v23;
	v7 =	vor.u32 v0, v7;
	v18 =	vpop (erf)  }
0xf7: {  	v22 =	vmul.f32 $6.300000000e+01, v18;
	v18 =	vtrunc.f32 v8  }
0xf8: {  	v21 =	vtrunc.f32 v19;
	v25 =	vcvt.f32.s32 v18;
	vm2 =	vgt.f32 v8, v18  }
0xf9: {  	s1 =	simm.s32 $0x6800;
	(erf) = vrcp.f32 v13;
	v8 =	vcvt.f32.s32 v21;
	[tilespmem:v10+s21+$0x0] =	vst.idx.msk vm1, v11;
	v18 =	vsel vm2, $0x1, v2  }
0xfa: {  	vm1 =	vgt.f32 v19, v21;
	vm2 =	vgt.s32 v6, $0x0;
	v10 =	vadd.s32 v25, v18;
	v18 =	vld [tilespmem:s1+$0xFFFFFFF0]  }
0xfb: {  	v19 =	vsel vm1, $0x1, v2;
	[tilespmem:v7+s21+$0x0] =	vst.idx.msk vm0, v12;
	v7 =	vnsel vm2, $0x0, v6;
	vm0 =	vgt.s32 v10, $0x0  }
0xfc: {  	v26 =	vadd.s32 v8, v19;
	v21 =	vld [tilespmem:s1+$0x0];
	v7 =	vmin.u32 v7, $0x3F;
	v25 =	vnsel vm0, $0x0, v10  }
0xfd: {  	vm0 =	vgt.s32 v10, v6;
	v6 =	vshll.u32 v7, $0x4;
	v8 =	vmin.u32 v25, $0x3F  }
0xfe: {  	vm1 =	vgt.s32 v26, v10;
	v6 =	vor.u32 v0, v6;
	v7 =	vshll.u32 v8, $0x4  }
0xff: {  	v7 =	vor.u32 v0, v7;
	v8 =	vmul.f32 v18, v22;
	_ =	sdelay $0x1  }
0x100: {  	s18 =	simm.s32 $0x2;
	s6 =	simm.s32 $0x6060;
	v10 =	vmul.f32 v21, v22;
	v19 =	vtrunc.f32 v8  }
0x101: {  	s19 =	simm.s32 $0x3;
	v27 =	vld [tilespmem:s6+$0x0];
	v18 =	vmov s18;
	v21 =	vcvt.f32.s32 v19;
	vm2 =	vgt.f32 v8, v19  }
0x102: {  	s5 =	simm.s32 $0x6430;
	v28 =	vld [tilespmem:s6+$0xFFFFFFF0];
	v19 =	vmov s19;
	v8 =	vtrunc.f32 v10;
	[tilespmem:v6+s20+$0x0] =	vst.idx.msk vm0, v18;
	v6 =	vsel vm2, $0x1, v2  }
0x103: {  	v25 =	vcvt.f32.s32 v8;
	v29 =	vld [tilespmem:s5+$0xFFFFFFF0];
	[tilespmem:v7+s20+$0x0] =	vst.idx.msk vm1, v19;
	v6 =	vadd.s32 v21, v6  }
0x104: {  	vm0 =	vgt.f32 v10, v8;
	v7 =	vld [tilespmem:s5+$0x0];
	vm1 =	vgt.s32 v6, v16;
	vm2 =	vgt.s32 v6, $0x0  }
0x105: {  	v10 =	vsel vm0, $0x1, v2;
	v8 =	vpop (erf);
	v30 =	vnsel vm2, $0x0, v6  }
0x106: {  	v25 =	vadd.s32 v25, v10;
	v21 =	vmul.f32 $6.300000000e+01, v8;
	v8 =	vmin.u32 v30, $0x3F  }
0x107: {  	vm0 =	vgt.s32 v25, v6;
	v6 =	vshll.u32 v8, $0x4  }
0x108: {  	v10 =	vmul.f32 v27, v23;
	v30 =	vmul.f32 v28, v23;
	v6 =	vor.u32 v0, v6  }
0x109: {  	v8 =	vmul.f32 v29, v24;
	v7 =	vmul.f32 v7, v24  }
0x10a: {  	s4 =	simm.s32 $0x6BF0;
	v28 =	vtrunc.f32 v10;
	v29 =	vtrunc.f32 v30;
	[tilespmem:v15+s24+$0x0] =	vst.idx.msk vm1, v11  }
0x10b: {  	v27 =	vtrunc.f32 v8;
	v32 =	vtrunc.f32 v7;
	v33 =	vld [tilespmem:s4+$0xFFFFFFF0]  }
0x10c: {  	v31 =	vcvt.f32.s32 v27;
	vm1 =	vgt.f32 v8, v27;
	vm2 =	vgt.f32 v7, v32  }
0x10d: {  	v27 =	vsel vm1, $0x1, v2;
	v8 =	vcvt.f32.s32 v32;
	v32 =	vsel vm2, $0x1, v2;
	[tilespmem:v6+s24+$0x0] =	vst.idx.msk vm0, v12  }
0x10e: {  	v6 =	vadd.s32 v31, v27;
	vm0 =	vgt.s32 v9, $0x0;
	vm2 =	vgt.f32 v10, v28;
	v31 =	vld [tilespmem:s4+$0x0]  }
0x10f: {  	v27 =	vadd.s32 v8, v32;
	v8 =	vnsel vm0, $0x0, v9;
	vm1 =	vgt.s32 v6, $0x0  }
0x110: {  	vm0 =	vgt.s32 v6, v9;
	v9 =	vnsel vm1, $0x0, v6;
	v60 =	vmul.f32 v33, v21  }
0x111: {  	v8 =	vmin.u32 v8, $0x3F;
	vm1 =	vgt.s32 v27, v6;
	v9 =	vmin.u32 v9, $0x3F  }
0x112: {  	v8 =	vshll.u32 v8, $0x4;
	v6 =	vshll.u32 v9, $0x4;
	v9 =	vtrunc.f32 v60  }
0x113: {  	v61 =	vcvt.f32.s32 v9;
	vm3 =	vgt.f32 v60, v9;
	v63 =	vmul.f32 v31, v21  }
0x114: {  	v8 =	vor.u32 v0, v8;
	v10 =	vor.u32 v0, v6;
	v6 =	vsel vm3, $0x1, v2  }
0x115: {  	v7 =	vcvt.f32.s32 v28;
	v28 =	vadd.s32 v61, v6;
	v6 =	vtrunc.f32 v63  }
0x116: {  	v31 =	vcvt.f32.s32 v29  }
0x117: {  	v9 =	vcvt.f32.s32 v6;
	vm4 =	vgt.f32 v63, v6;
	vm5 =	vgt.s32 v28, $0x0  }
0x118: {  	s7 =	simm.s32 $0x4;
	s9 =	simm.s32 $0x6;
	s12 =	simm.s32 $0x8F80;
	vm3 =	vgt.f32 v30, v29;
	v30 =	vsel vm4, $0x1, v2;
	v29 =	vnsel vm5, $0x0, v28;
	v6 =	vmovc v26  }
.LBB2_9:
0x119: {  	p0 =	slt.u32 s9, $0x3C;
	v32 =	vsel vm3, $0x1, v2;
	[tilespmem:v8+s21+$0x0] =	vst.idx.msk vm0, v18;
	v8 =	vadd.s32 v9, v30;
	v9 =	vmin.u32 v29, $0x3F;
	s1 =	sadd.s32 $0x20, s1  }
0x11a: {  	v29 =	vadd.s32 v31, v32;
	v30 =	vld [tilespmem:s1+$0xFFFFFFF0];
	[tilespmem:v10+s21+$0x0] =	vst.idx.msk vm1, v19;
	vm0 =	vgt.s32 v8, v28;
	v9 =	vshll.u32 v9, $0x4  }
0x11b: {  	vm1 =	vgt.s32 v26, $0x0;
	vm3 =	vgt.s32 v29, $0x0;
	v10 =	vld [tilespmem:s1+$0x0];
	v9 =	vor.u32 v0, v9  }
0x11c: {  	v31 =	vsel vm2, $0x1, v2;
	v26 =	vnsel vm1, $0x0, v26;
	v32 =	vnsel vm3, $0x0, v29  }
0x11d: {  	v33 =	vmin.u32 v26, $0x3F;
	v26 =	vadd.s32 v7, v31;
	v7 =	vmin.u32 v32, $0x3F  }
0x11e: {  	vm2 =	vgt.s32 v29, v6;
	v31 =	vshll.u32 v33, $0x4;
	v6 =	vmovc v26;
	v7 =	vshll.u32 v7, $0x4  }
0x11f: {  	vm1 =	vgt.s32 v26, v29;
	v31 =	vor.u32 v0, v31;
	v7 =	vor.u32 v0, v7  }
0x120: {  	vm3 =	vgt.s32 v8, $0x0;
	v29 =	vmul.f32 v30, v22;
	v10 =	vmul.f32 v10, v22;
	[tilespmem:v9+s28+$0x0] =	vst.idx.msk vm0, v12  }
0x121: {  	s10 =	sadd.s32 $0x1, s7;
	v30 =	vnsel vm3, $0x0, v8;
	v9 =	vmov s7;
	vm0 =	vgt.s32 v28, v16;
	v16 =	vmovc v8;
	v12 =	vmovc v19;
	s7 =	smov.u32 s9  }
0x122: {  	s6 =	sadd.s32 $0x20, s6;
	v19 =	vmov s10;
	v8 =	vtrunc.f32 v29;
	v28 =	vtrunc.f32 v10  }
0x123: {  	vm4 =	vgt.s32 v25, $0x0;
	v33 =	vcvt.f32.s32 v8;
	vm3 =	vgt.f32 v29, v8;
	v32 =	vld [tilespmem:s6+$0x0]  }
0x124: {  	s5 =	sadd.s32 $0x20, s5;
	v29 =	vsel vm3, $0x1, v2;
	v34 =	vcvt.f32.s32 v28;
	v8 =	vld [tilespmem:s6+$0xFFFFFFF0];
	[tilespmem:v31+s20+$0x0] =	vst.idx.msk vm2, v9;
	v31 =	vnsel vm4, $0x0, v25  }
0x125: {  	v35 =	vld [tilespmem:s5+$0xFFFFFFF0];
	[tilespmem:v7+s20+$0x0] =	vst.idx.msk vm1, v19;
	v7 =	vadd.s32 v33, v29;
	v29 =	vmin.u32 v31, $0x3F;
	vm1 =	vgt.f32 v10, v28  }
0x126: {  	v10 =	vld [tilespmem:s5+$0x0];
	vm2 =	vgt.s32 v7, v25;
	v25 =	vshll.u32 v29, $0x4;
	vm3 =	vgt.s32 v7, $0x0  }
0x127: {  	v28 =	vor.u32 v0, v25;
	v25 =	vsel vm1, $0x1, v2;
	v29 =	vnsel vm3, $0x0, v7;
	[tilespmem:v15+s28+$0x0] =	vst.idx.msk vm0, v11;
	v11 =	vmovc v18  }
0x128: {  	v15 =	vmin.u32 v30, $0x3F;
	v18 =	vmovc v9;
	v25 =	vadd.s32 v34, v25;
	v29 =	vmin.u32 v29, $0x3F  }
0x129: {  	v9 =	vmul.f32 v32, v23;
	vm0 =	vgt.s32 v25, v7;
	v7 =	vshll.u32 v29, $0x4  }
0x12a: {  	v29 =	vmul.f32 v8, v23;
	v8 =	vmul.f32 v35, v24;
	v30 =	vor.u32 v0, v7  }
0x12b: {  	v31 =	vtrunc.f32 v9;
	v7 =	vmul.f32 v10, v24;
	v10 =	vshll.u32 v15, $0x4  }
0x12c: {  	s4 =	sadd.s32 $0x20, s4;
	v32 =	vtrunc.f32 v29;
	v33 =	vtrunc.f32 v8;
	[tilespmem:v28+s24+$0x0] =	vst.idx.msk vm2, v11;
	v15 =	vor.u32 v0, v10  }
0x12d: {  	v10 =	vcvt.f32.s32 v33;
	v28 =	vtrunc.f32 v7;
	v34 =	vld [tilespmem:s4+$0xFFFFFFF0]  }
0x12e: {  	vm1 =	vgt.f32 v8, v33;
	v8 =	vcvt.f32.s32 v28;
	vm2 =	vgt.f32 v7, v28  }
0x12f: {  	v7 =	vcvt.f32.s32 v31;
	v28 =	vsel vm1, $0x1, v2;
	v33 =	vsel vm2, $0x1, v2;
	[tilespmem:v30+s24+$0x0] =	vst.idx.msk vm0, v12  }
0x130: {  	v10 =	vadd.s32 v10, v28;
	vm0 =	vgt.s32 v27, $0x0;
	v8 =	vadd.s32 v8, v33;
	v28 =	vld [tilespmem:s4+$0x0]  }
0x131: {  	v30 =	vnsel vm0, $0x0, v27;
	vm0 =	vgt.s32 v10, v27;
	vm1 =	vgt.s32 v10, $0x0;
	v27 =	vmovc v8  }
0x132: {  	v30 =	vmin.u32 v30, $0x3F;
	v33 =	vnsel vm1, $0x0, v10;
	v34 =	vmul.f32 v34, v21  }
0x133: {  	vm1 =	vgt.s32 v8, v10;
	v30 =	vshll.u32 v30, $0x4;
	v33 =	vmin.u32 v33, $0x3F  }
0x134: {  	v8 =	vor.u32 v0, v30;
	v10 =	vshll.u32 v33, $0x4;
	v30 =	vtrunc.f32 v34  }
.Ltmp3:
0x135: {  	v33 =	vcvt.f32.s32 v30;
	vm3 =	vgt.f32 v34, v30;
	v30 =	vmul.f32 v28, v21;
	(pc) =	sbr.rel @p0 .LBB2_9-.Ltmp3, $4  }
0x136: {  	vm2 =	vgt.f32 v9, v31;
	v10 =	vor.u32 v0, v10;
	v9 =	vsel vm3, $0x1, v2  }
0x137: {  	v31 =	vcvt.f32.s32 v32;
	v28 =	vadd.s32 v33, v9;
	v33 =	vtrunc.f32 v30  }
0x138: {  	v9 =	vcvt.f32.s32 v33;
	vm4 =	vgt.f32 v30, v33;
	vm5 =	vgt.s32 v28, $0x0  }
0x139: {  	s9 =	sadd.s32 $0x2, s9;
	vm3 =	vgt.f32 v29, v32;
	v30 =	vsel vm4, $0x1, v2;
	v29 =	vnsel vm5, $0x0, v28  }
0x13a: {  	v23 =	vsel vm3, $0x1, v2  }
0x13b: {  	vm3 =	vgt.s32 v26, $0x0;
	v23 =	vadd.s32 v31, v23  }
0x13c: {  	v26 =	vnsel vm3, $0x0, v26;
	v31 =	vsel vm2, $0x1, v2;
	vm4 =	vgt.s32 v23, $0x0  }
0x13d: {  	v26 =	vmin.u32 v26, $0x3F;
	v7 =	vadd.s32 v7, v31;
	v32 =	vnsel vm4, $0x0, v23  }
0x13e: {  	vm2 =	vgt.s32 v23, v6;
	v6 =	vshll.u32 v26, $0x4;
	v31 =	vmin.u32 v32, $0x3F  }
0x13f: {  	vm3 =	vgt.s32 v7, v23;
	v26 =	vshll.u32 v31, $0x4;
	v31 =	vor.u32 v0, v6  }
0x140: {  	v26 =	vor.u32 v0, v26;
	_ =	sdelay $0x2  }
0x141: {  	s6 =	sadd.s32 $0x1, s7;
	v6 =	vmov s7  }
0x142: {  	s5 =	sadd.s32 $0x20, s5;
	v23 =	vmov s6;
	[tilespmem:v31+s20+$0x0] =	vst.idx.msk vm2, v6  }
0x143: {  	v31 =	vld [tilespmem:s5+$0xFFFFFFF0];
	[tilespmem:v26+s20+$0x0] =	vst.idx.msk vm3, v23  }
0x144: {  	v26 =	vld [tilespmem:s5+$0x0];
	_ =	sdelay $0x3  }
0x145: {  	v31 =	vmul.f32 v31, v24  }
0x146: {  	v24 =	vmul.f32 v26, v24  }
0x147: {  	v26 =	vtrunc.f32 v31  }
0x148: {  	v42 =	vcvt.f32.s32 v26;
	v33 =	vtrunc.f32 v24;
	vm2 =	vgt.f32 v31, v26  }
0x149: {  	[tilespmem:v8+s21+$0x0] =	vst.idx.msk vm0, v18;
	vm0 =	vgt.s32 v27, $0x0;
	v8 =	vcvt.f32.s32 v33;
	v26 =	vsel vm2, $0x1, v2  }
0x14a: {  	s1 =	sadd.s32 $0x20, s1;
	[tilespmem:v10+s21+$0x0] =	vst.idx.msk vm1, v19;
	vm1 =	vgt.f32 v24, v33;
	v24 =	vnsel vm0, $0x0, v27;
	v10 =	vadd.s32 v42, v26  }
0x14b: {  	v31 =	vld [tilespmem:s1+$0xFFFFFFF0];
	v43 =	vsel vm1, $0x1, v2;
	v24 =	vmin.u32 v24, $0x3F;
	vm0 =	vgt.s32 v10, $0x0  }
0x14c: {  	v26 =	vld [tilespmem:s1+$0x0];
	vm1 =	vgt.s32 v10, v27;
	v24 =	vshll.u32 v24, $0x4;
	v27 =	vnsel vm0, $0x0, v10  }
0x14d: {  	v8 =	vadd.s32 v8, v43;
	v24 =	vor.u32 v0, v24;
	v27 =	vmin.u32 v27, $0x3F  }
0x14e: {  	vm0 =	vgt.s32 v8, v10;
	v10 =	vshll.u32 v27, $0x4  }
0x14f: {  	v10 =	vor.u32 v0, v10  }
0x150: {  	v9 =	vadd.s32 v9, v30;
	v27 =	vmul.f32 v31, v22  }
0x151: {  	v29 =	vmin.u32 v29, $0x3F;
	vm12 =	vgt.s32 v7, $0x0;
	v26 =	vmul.f32 v26, v22  }
0x152: {  	v7 =	vnsel vm12, $0x0, v7;
	vm2 =	vgt.s32 v25, $0x0;
	s1 =	sadd.s32 $0x20, s1;
	v31 =	vtrunc.f32 v27;
	[tilespmem:v24+s21+$0x0] =	vst.idx.msk vm1, v6  }
0x153: {  	v44 =	vtrunc.f32 v26;
	v24 =	vcvt.f32.s32 v31;
	vm1 =	vgt.f32 v27, v31;
	v27 =	vld [tilespmem:s1+$0xFFFFFFF0]  }
0x154: {  	v45 =	vnsel vm2, $0x0, v25;
	v31 =	vsel vm1, $0x1, v2;
	v34 =	vcvt.f32.s32 v44;
	[tilespmem:v10+s21+$0x0] =	vst.idx.msk vm0, v23  }
0x155: {  	v10 =	vadd.s32 v24, v31;
	v24 =	vmin.u32 v45, $0x3F;
	vm0 =	vgt.f32 v26, v44;
	v26 =	vld [tilespmem:s1+$0x0]  }
0x156: {  	vm1 =	vgt.s32 v10, v25;
	v24 =	vshll.u32 v24, $0x4;
	vm2 =	vgt.s32 v10, $0x0  }
0x157: {  	v25 =	vsel vm0, $0x1, v2;
	v24 =	vor.u32 v0, v24;
	v31 =	vnsel vm2, $0x0, v10  }
0x158: {  	v25 =	vadd.s32 v34, v25;
	v31 =	vmin.u32 v31, $0x3F;
	v27 =	vmul.f32 v27, v22  }
0x159: {  	v7 =	vmin.u32 v7, $0x3F;
	vm0 =	vgt.s32 v25, v10;
	v10 =	vshll.u32 v31, $0x4  }
0x15a: {  	v10 =	vor.u32 v0, v10;
	v22 =	vmul.f32 v26, v22;
	v26 =	vtrunc.f32 v27  }
0x15b: {  	v7 =	vshll.u32 v7, $0x4;
	v31 =	vcvt.f32.s32 v26;
	vm2 =	vgt.f32 v27, v26  }
0x15c: {  	s4 =	sadd.s32 $0x20, s4;
	vm6 =	vgt.s32 v8, $0x0;
	vm3 =	vgt.s32 v25, $0x0;
	[tilespmem:v24+s24+$0x0] =	vst.idx.msk vm1, v18;
	v24 =	vsel vm2, $0x1, v2  }
0x15d: {  	v26 =	vnsel vm3, $0x0, v25;
	v27 =	vld [tilespmem:s4+$0xFFFFFFF0];
	v46 =	vtrunc.f32 v22;
	v24 =	vadd.s32 v31, v24  }
0x15e: {  	v26 =	vmin.u32 v26, $0x3F;
	v31 =	vcvt.f32.s32 v46;
	vm1 =	vgt.s32 v24, v25  }
0x15f: {  	v25 =	vshll.u32 v26, $0x4;
	[tilespmem:v10+s24+$0x0] =	vst.idx.msk vm0, v19;
	vm0 =	vgt.f32 v22, v46;
	vm2 =	vgt.s32 v24, $0x0  }
0x160: {  	v10 =	vor.u32 v0, v25;
	v22 =	vld [tilespmem:s4+$0x0];
	v25 =	vsel vm0, $0x1, v2;
	v26 =	vnsel vm2, $0x0, v24  }
0x161: {  	v8 =	vnsel vm6, $0x0, v8;
	v25 =	vadd.s32 v31, v25;
	v26 =	vmin.u32 v26, $0x3F  }
0x162: {  	v27 =	vmul.f32 v27, v21;
	vm2 =	vgt.s32 v25, v24;
	v24 =	vshll.u32 v26, $0x4  }
0x163: {  	v7 =	vor.u32 v0, v7;
	v8 =	vmin.u32 v8, $0x3F;
	v24 =	vor.u32 v0, v24  }
0x164: {  	vm3 =	vgt.s32 v9, $0x0;
	v26 =	vshll.u32 v29, $0x4;
	v29 =	vtrunc.f32 v27  }
0x165: {  	s1 =	sadd.s32 $0x20, s4;
	[tilespmem:v10+s24+$0x0] =	vst.idx.msk vm1, v6;
	v10 =	vcvt.f32.s32 v29;
	vm9 =	vgt.f32 v27, v29;
	v22 =	vmul.f32 v22, v21  }
0x166: {  	vm0 =	vgt.s32 v9, v28;
	vm1 =	vgt.s32 v28, v16;
	v27 =	vld [tilespmem:s1+$0xFFFFFFF0];
	v16 =	vsel vm9, $0x1, v2  }
0x167: {  	v29 =	vnsel vm3, $0x0, v9;
	v10 =	vadd.s32 v10, v16;
	v16 =	vtrunc.f32 v22  }
0x168: {  	vm15 =	vgt.s32 v25, $0x0;
	v28 =	vmin.u32 v29, $0x3F;
	v29 =	vcvt.f32.s32 v16;
	[tilespmem:v24+s24+$0x0] =	vst.idx.msk vm2, v23  }
0x169: {  	vm3 =	vgt.f32 v22, v16;
	vm10 =	vgt.s32 v10, $0x0;
	v16 =	vshll.u32 v28, $0x4;
	v28 =	vld [tilespmem:s1+$0x0]  }
0x16a: {  	v26 =	vor.u32 v0, v26;
	v22 =	vsel vm3, $0x1, v2;
	v24 =	vnsel vm10, $0x0, v10  }
0x16b: {  	v16 =	vor.u32 v0, v16;
	v22 =	vadd.s32 v29, v22;
	v27 =	vmul.f32 v27, v21  }
0x16c: {  	v24 =	vmin.u32 v24, $0x3F;
	vm2 =	vgt.s32 v22, v10;
	vm3 =	vgt.s32 v22, $0x0  }
0x16d: {  	v24 =	vshll.u32 v24, $0x4;
	v30 =	vnsel vm3, $0x0, v22;
	v29 =	vtrunc.f32 v27  }
0x16e: {  	v31 =	vcvt.f32.s32 v29;
	vm3 =	vgt.f32 v27, v29;
	v21 =	vmul.f32 v28, v21  }
0x16f: {  	v27 =	vmin.u32 v30, $0x3F;
	v28 =	vsel vm3, $0x1, v2;
	vm3 =	vgt.s32 v10, v9  }
0x170: {  	v9 =	vshll.u32 v27, $0x4;
	v10 =	vadd.s32 v31, v28;
	v27 =	vtrunc.f32 v21  }
0x171: {  	vm11 =	vgt.s32 v10, $0x0;
	v28 =	vcvt.f32.s32 v27;
	vm5 =	vgt.f32 v21, v27  }
0x172: {  	v24 =	vor.u32 v0, v24;
	v21 =	vnsel vm11, $0x0, v10;
	v27 =	vsel vm5, $0x1, v2  }
0x173: {  	vm14 =	vgt.s32 v10, v22;
	v21 =	vmin.u32 v21, $0x3F;
	v27 =	vadd.s32 v28, v27  }
0x174: {  	v9 =	vor.u32 v0, v9;
	v21 =	vshll.u32 v21, $0x4;
	vm13 =	vgt.s32 v27, v10  }
0x175: {  	[tilespmem:v26+s28+$0x0] =	vst.idx.msk vm0, v12;
	v10 =	vnsel vm15, $0x0, v25;
	vm0 =	vgt.s32 v27, $0x0;
	v21 =	vor.u32 v0, v21  }
0x176: {  	v8 =	vshll.u32 v8, $0x4;
	[tilespmem:v15+s28+$0x0] =	vst.idx.msk vm1, v11;
	v10 =	vmin.u32 v10, $0x3F;
	v11 =	vnsel vm0, $0x0, v27  }
0x177: {  	v8 =	vor.u32 v0, v8;
	[tilespmem:v24+s28+$0x0] =	vst.idx.msk vm2, v19;
	v10 =	vshll.u32 v10, $0x4;
	v11 =	vmin.u32 v11, $0x3F  }
0x178: {  	[tilespmem:v16+s28+$0x0] =	vst.idx.msk vm3, v18;
	v10 =	vor.u32 v0, v10;
	v11 =	vshll.u32 v11, $0x4  }
0x179: {  	[tilespmem:v9+s28+$0x0] =	vst.idx.msk vm14, v6;
	v11 =	vor.u32 v0, v11  }
0x17a: {  	v1 =	vimm.s32 $0x3E;
	[tilespmem:v21+s28+$0x0] =	vst.idx.msk vm13, v23  }
0x17b: {  	[tilespmem:v7+s20+$0x0] =	vst.idx.msk $0xffff, v1  }
0x17c: {  	s5 =	rddreg [dreg:$0xc];
	[tilespmem:v8+s21+$0x0] =	vst.idx.msk $0xffff, v1  }
0x17d: {  	p0 =	seq.s32 s5, $0x0;
	[tilespmem:v10+s24+$0x0] =	vst.idx.msk $0xffff, v1  }
0x17e: {  	s1 =	simm.s32 @!p0 $0x5;
	[tilespmem:v11+s28+$0x0] =	vst.idx.msk $0xffff, v1  }
0x17f: {  	_ =	swait.ge @!p0 [sflag:s1], $0x2000  }
0x180: {  	[sflag:s1] =	ssyncset.done @!p0 $0x0  }
0x181: {  	s6 =	simm.s32 $0x7F90;
	[sflag:s1] =	ssyncadd.s32 @!p0 $0xFFFFE000  }
0x182: {  	v6 =	vld [tilespmem:s6+$0xFFFFFFF0];
	_ =	sdelay $0x1  }
0x183: {  	v7 =	vld [tilespmem:s6+$0x0];
	_ =	sdelay $0x1  }
0x184: {  	v1 =	vimm.s32 $0x0  }
0x185: {  	vm0 =	vgt.s32 v1, v6  }
0x186: {  	v6 =	vsel vm0, v1, v6  }
0x187: {  	v8 =	vadd.s32 $0x1, v6;
	vm0 =	vgt.s32 v6, v7  }
0x188: {  	vm1 =	vlt.s32 v8, $0x3E;
	v7 =	vsel vm0, v6, v7  }
0x189: {  	v12 =	vshll.u32 v6, $0x4;
	v9 =	vnsel vm1, $0x3E, v8;
	v10 =	vadd.s32 $0x1, v7  }
0x18a: {  	v12 =	vor.u32 v0, v12;
	v9 =	vshll.u32 v9, $0x4;
	vm0 =	vlt.s32 v10, $0x3E  }
0x18b: {  	v15 =	vshll.u32 v7, $0x4;
	v9 =	vor.u32 v0, v9;
	v11 =	vnsel vm0, $0x3E, v10  }
0x18c: {  	v15 =	vor.u32 v0, v15;
	v11 =	vshll.u32 v11, $0x4  }
0x18d: {  	v11 =	vor.u32 v0, v11;
	_ =	sdelay $0x1  }
0x18e: {  	v18 =	vld.idx.msk [tilespmem:v12+s31+$0x0], $0xffff  }
0x18f: {  	v16 =	vld.idx.msk [tilespmem:v9+s31+$0x0], $0xffff  }
0x190: {  	v23 =	vld.idx.msk [tilespmem:v15+s31+$0x0], $0xffff  }
0x191: {  	v19 =	vld.idx.msk [tilespmem:v11+s31+$0x0], $0xffff;
	_ =	sdelay $0x2  }
0x192: {  	v5 =	vmul.f32 $9.999999740e-06, v20;
	v16 =	vsub.f32 v16, v18;
	_ =	sdelay $0x1  }
0x193: {  	v19 =	vsub.f32 v19, v23;
	vm0 =	vlt.f32 v16, v5  }
0x194: {  	v16 =	vsel vm0, v20, v16  }
0x195: {  	vm0 =	vlt.f32 v19, v5;
	(erf) = vrcp.f32 v16  }
0x196: {  	s14 =	simm.s32 $0x0;
	v16 =	vsel vm0, v20, v19  }
0x197: {  	s7 =	scvt.s32.f32 s14;
	(erf) = vrcp.f32 v16  }
0x198: {  	s10 =	simm.s32 $0x1  }
0x199: {  	s9 =	scvt.s32.f32 s10;
	s4 =	smul.f32 $1.587301680e-02, s7;
	v12 =	vld.idx.msk [tilespmem:v12+s22+$0x0], $0xffff  }
0x19a: {  	v3 =	vor.u32 $0x1, v53;
	v9 =	vld.idx.msk [tilespmem:v9+s22+$0x0], $0xffff  }
0x19b: {  	s1 =	smul.f32 $1.587301680e-02, s9;
	v6 =	vadd.s32 v3, v6;
	v15 =	vld.idx.msk [tilespmem:v15+s22+$0x0], $0xffff;
	v16 =	vmul.f32 s4, v20  }
0x19c: {  	v11 =	vld.idx.msk [tilespmem:v11+s22+$0x0], $0xffff  }
0x19d: {  	v24 =	vmul.f32 s1, v20;
	v19 =	vadd.s32 v3, v7;
	v16 =	vsub.f32 v16, v18  }
0x19e: {  	v18 =	vpop (erf)  }
0x19f: {  	v9 =	vsub.f32 v9, v12;
	v23 =	vsub.f32 v24, v23;
	v16 =	vmul.f32 v18, v16  }
0x1a0: {  	v6 =	vld.idx.msk [tilespmem:v6+s14+$0x0], $0xffff;
	v18 =	vpop (erf)  }
0x1a1: {  	v11 =	vsub.f32 v11, v15;
	v9 =	vmul.f32 v16, v9;
	v16 =	vmul.f32 v18, v23  }
0x1a2: {  	v18 =	vld.idx.msk [tilespmem:v19+s14+$0x0], $0xffff  }
0x1a3: {  	v9 =	vadd.f32 v9, v12;
	v11 =	vmul.f32 v16, v11;
	_ =	sdelay $0x1  }
0x1a4: {  	vm0 =	vle.f32 v6, v9;
	v6 =	vadd.f32 v11, v15  }
0x1a5: {  	v8 =	vadd.s32 s14, v8;
	v11 =	vmul.u32 $0x80, v0;
	v12 =	vsel vm0, $0x1, v2  }
0x1a6: {  	v10 =	vadd.s32 s10, v10;
	v8 =	vadd.s32 v12, v8;
	vm0 =	vle.f32 v18, v6  }
0x1a7: {  	v12 =	vadd.s32 v11, v8;
	v8 =	vshll.u32 v8, $0x4;
	v15 =	vsel vm0, $0x1, v2  }
0x1a8: {  	v8 =	vor.u32 v0, v8;
	v10 =	vadd.s32 v15, v10  }
0x1a9: {  	v15 =	vadd.s32 v11, v10;
	v10 =	vshll.u32 v10, $0x4  }
0x1aa: {  	v10 =	vor.u32 v0, v10;
	_ =	sdelay $0x1  }
0x1ab: {  	v19 =	vmov s8;
	[tilespmem:v12+s23+$0x0] =	vst.idx.msk $0xffff, v9  }
0x1ac: {  	s11 =	simm.s32 $0x8390;
	[tilespmem:v8+s12+$0x0] =	vst.idx.msk $0xffff, v19  }
0x1ad: {  	v8 =	vld [tilespmem:s11+$0xFFFFFFF0];
	[tilespmem:v15+s23+$0x0] =	vst.idx.msk $0xffff, v6  }
0x1ae: {  	[tilespmem:v10+s12+$0x0] =	vst.idx.msk $0xffff, v19  }
0x1af: {  	v6 =	vld [tilespmem:s11+$0x0]  }
0x1b0: {  	s13 =	simm.s32 $0x7FB0  }
0x1b1: {  	v9 =	vld [tilespmem:s13+$0xFFFFFFF0]  }
0x1b2: {  	vm0 =	vgt.s32 v1, v8  }
0x1b3: {  	v8 =	vsel vm0, v1, v8  }
0x1b4: {  	v10 =	vld [tilespmem:s13+$0x0];
	vm0 =	vgt.s32 v8, v6  }
0x1b5: {  	v6 =	vsel vm0, v8, v6  }
0x1b6: {  	vm0 =	vgt.s32 v7, v9;
	v12 =	vadd.s32 $0x1, v6;
	v15 =	vshll.u32 v6, $0x4  }
0x1b7: {  	v9 =	vsel vm0, v7, v9;
	vm0 =	vlt.s32 v12, $0x3E;
	v15 =	vor.u32 v0, v15  }
0x1b8: {  	v16 =	vadd.s32 $0x1, v9;
	v23 =	vshll.u32 v9, $0x4;
	v7 =	vnsel vm0, $0x3E, v12  }
0x1b9: {  	vm0 =	vgt.s32 v9, v10;
	vm1 =	vlt.s32 v16, $0x3E;
	v26 =	vor.u32 v0, v23  }
0x1ba: {  	v18 =	vshll.u32 v7, $0x4;
	v7 =	vsel vm0, v9, v10;
	v10 =	vnsel vm1, $0x3E, v16  }
0x1bb: {  	v18 =	vor.u32 v0, v18;
	v24 =	vadd.s32 $0x1, v7;
	v10 =	vshll.u32 v10, $0x4  }
0x1bc: {  	vm0 =	vlt.s32 v24, $0x3E;
	v10 =	vor.u32 v0, v10  }
0x1bd: {  	v27 =	vshll.u32 v7, $0x4;
	v25 =	vnsel vm0, $0x3E, v24  }
0x1be: {  	v27 =	vor.u32 v0, v27;
	v23 =	vshll.u32 v25, $0x4;
	v25 =	vld.idx.msk [tilespmem:v15+s25+$0x0], $0xffff  }
0x1bf: {  	v31 =	vld.idx.msk [tilespmem:v26+s31+$0x0], $0xffff;
	v28 =	vor.u32 v0, v23  }
0x1c0: {  	v29 =	vld.idx.msk [tilespmem:v18+s25+$0x0], $0xffff  }
0x1c1: {  	v30 =	vld.idx.msk [tilespmem:v10+s31+$0x0], $0xffff;
	_ =	sdelay $0x1  }
0x1c2: {  	v49 =	vld.idx.msk [tilespmem:v27+s31+$0x0], $0xffff  }
0x1c3: {  	v48 =	vadd.s32 $0x1, v8;
	v47 =	vld.idx.msk [tilespmem:v28+s31+$0x0], $0xffff  }
0x1c4: {  	vm0 =	vlt.s32 v48, $0x3E;
	v23 =	vmul.f32 $9.999999740e-06, v14;
	v29 =	vsub.f32 v29, v25  }
0x1c5: {  	v35 =	vshll.u32 v8, $0x4;
	v36 =	vnsel vm0, $0x3E, v48;
	v30 =	vsub.f32 v30, v31  }
0x1c6: {  	v35 =	vor.u32 v0, v35;
	v36 =	vshll.u32 v36, $0x4;
	vm0 =	vlt.f32 v29, v23  }
0x1c7: {  	v36 =	vor.u32 v0, v36;
	v29 =	vsel vm0, v14, v29;
	vm0 =	vlt.f32 v30, v5  }
0x1c8: {  	v32 =	vsub.f32 v47, v49;
	(erf) = vrcp.f32 v29;
	v29 =	vsel vm0, v20, v30  }
0x1c9: {  	(erf) = vrcp.f32 v29  }
0x1ca: {  	s3 =	simm.s32 $0x2;
	vm0 =	vlt.f32 v32, v5  }
0x1cb: {  	s16 =	scvt.s32.f32 s3;
	v26 =	vld.idx.msk [tilespmem:v26+s22+$0x0], $0xffff;
	v29 =	vsel vm0, v20, v32  }
0x1cc: {  	v30 =	vld.idx.msk [tilespmem:v36+s25+$0x0], $0xffff;
	(erf) = vrcp.f32 v29  }
0x1cd: {  	s5 =	smul.f32 $1.587301680e-02, s16;
	s6 =	simm.s32 $0x3;
	v29 =	vld.idx.msk [tilespmem:v35+s25+$0x0], $0xffff  }
0x1ce: {  	s17 =	scvt.s32.f32 s6;
	v10 =	vld.idx.msk [tilespmem:v10+s22+$0x0], $0xffff  }
0x1cf: {  	v50 =	vmul.f32 s5, v20  }
0x1d0: {  	s13 =	smul.f32 $1.587301680e-02, s17;
	v9 =	vadd.s32 v3, v9;
	v27 =	vld.idx.msk [tilespmem:v27+s22+$0x0], $0xffff  }
0x1d1: {  	v28 =	vld.idx.msk [tilespmem:v28+s22+$0x0], $0xffff;
	v31 =	vsub.f32 v50, v31;
	v51 =	vpop (erf)  }
0x1d2: {  	v38 =	vmul.f32 s13, v20;
	v37 =	vadd.s32 v3, v7;
	v30 =	vsub.f32 v30, v29;
	v39 =	vpop (erf)  }
0x1d3: {  	v10 =	vsub.f32 v10, v26;
	v31 =	vmul.f32 v39, v31  }
0x1d4: {  	v34 =	vsub.f32 v38, v49;
	vm0 =	vlt.f32 v30, v23  }
0x1d5: {  	v9 =	vld.idx.msk [tilespmem:v9+s14+$0x0], $0xffff;
	v30 =	vsel vm0, v14, v30;
	v52 =	vpop (erf);
	v10 =	vmul.f32 v31, v10  }
0x1d6: {  	v28 =	vsub.f32 v28, v27;
	(erf) = vrcp.f32 v30;
	v31 =	vmul.f32 v52, v34  }
0x1d7: {  	v30 =	vld.idx.msk [tilespmem:v37+s14+$0x0], $0xffff  }
0x1d8: {  	v4 =	vor.u32 $0x401, v53;
	v10 =	vadd.f32 v10, v26;
	v26 =	vmul.f32 v31, v28  }
0x1d9: {  	v8 =	vadd.s32 v4, v8;
	v16 =	vadd.s32 s3, v16;
	v15 =	vld.idx.msk [tilespmem:v15+s26+$0x0], $0xffff  }
0x1da: {  	v24 =	vadd.s32 s6, v24;
	v54 =	vld.idx.msk [tilespmem:v36+s26+$0x0], $0xffff;
	vm0 =	vle.f32 v9, v10;
	v9 =	vadd.f32 v26, v27  }
0x1db: {  	v28 =	vadd.s32 v4, v6;
	v31 =	vmul.f32 s1, v14;
	v26 =	vld.idx.msk [tilespmem:v35+s26+$0x0], $0xffff;
	v27 =	vsel vm0, $0x1, v2  }
0x1dc: {  	v18 =	vld.idx.msk [tilespmem:v18+s26+$0x0], $0xffff;
	v16 =	vadd.s32 v27, v16;
	v27 =	vmul.f32 s4, v14;
	vm0 =	vle.f32 v30, v9  }
0x1dd: {  	v30 =	vadd.s32 v11, v16;
	v16 =	vshll.u32 v16, $0x4;
	v55 =	vsel vm0, $0x1, v2  }
0x1de: {  	v16 =	vor.u32 v0, v16;
	v27 =	vsub.f32 v27, v29;
	v24 =	vadd.s32 v55, v24  }
0x1df: {  	v25 =	vsub.f32 v31, v25;
	v31 =	vpop (erf);
	v29 =	vadd.s32 v11, v24;
	v24 =	vshll.u32 v24, $0x4  }
0x1e0: {  	v34 =	vsub.f32 v54, v26;
	v27 =	vmul.f32 v31, v27;
	v24 =	vor.u32 v0, v24  }
0x1e1: {  	v8 =	vld.idx.msk [tilespmem:v8+s14+$0x0], $0xffff;
	v18 =	vsub.f32 v18, v15;
	v25 =	vmul.f32 v51, v25  }
0x1e2: {  	v28 =	vld.idx.msk [tilespmem:v28+s14+$0x0], $0xffff;
	[tilespmem:v30+s23+$0x0] =	vst.idx.msk $0xffff, v10;
	v10 =	vmul.f32 v27, v34  }
0x1e3: {  	s18 =	simm.s32 $0x83B0;
	v18 =	vmul.f32 v25, v18;
	[tilespmem:v16+s12+$0x0] =	vst.idx.msk $0xffff, v19  }
0x1e4: {  	v16 =	vld [tilespmem:s18+$0xFFFFFFF0];
	v10 =	vadd.f32 v10, v26;
	[tilespmem:v29+s23+$0x0] =	vst.idx.msk $0xffff, v9  }
0x1e5: {  	v15 =	vadd.f32 v18, v15;
	[tilespmem:v24+s12+$0x0] =	vst.idx.msk $0xffff, v19  }
0x1e6: {  	s19 =	simm.s32 $0x7FD0;
	v9 =	vadd.s32 s10, v12;
	vm0 =	vle.f32 v8, v10;
	v12 =	vld [tilespmem:s18+$0x0]  }
0x1e7: {  	vm1 =	vle.f32 v28, v15;
	v8 =	vld [tilespmem:s19+$0xFFFFFFF0];
	v24 =	vadd.s32 s14, v48;
	v18 =	vsel vm0, $0x1, v2  }
0x1e8: {  	v38 =	vor.u32 $0x800, v11;
	v25 =	vsel vm1, $0x1, v2;
	v18 =	vadd.s32 v18, v24  }
0x1e9: {  	vm0 =	vgt.s32 v6, v16;
	v24 =	vadd.s32 v38, v18;
	v18 =	vshll.u32 v18, $0x4  }
0x1ea: {  	v26 =	vsel vm0, v6, v16;
	v6 =	vadd.s32 v25, v9;
	v18 =	vor.u32 v0, v18  }
0x1eb: {  	v25 =	vadd.s32 v38, v6;
	v6 =	vshll.u32 v6, $0x4;
	vm0 =	vgt.s32 v26, v12  }
0x1ec: {  	v27 =	vld [tilespmem:s19+$0x0];
	v6 =	vor.u32 v0, v6;
	v16 =	vsel vm0, v26, v12;
	vm0 =	vgt.s32 v7, v8  }
0x1ed: {  	v12 =	vadd.s32 $0x1, v16;
	v7 =	vsel vm0, v7, v8  }
0x1ee: {  	v8 =	vshll.u32 v16, $0x4;
	[tilespmem:v24+s23+$0x0] =	vst.idx.msk $0xffff, v10;
	vm0 =	vlt.s32 v12, $0x3E;
	v9 =	vadd.s32 $0x1, v7  }
0x1ef: {  	s20 =	simm.s32 $0x8790;
	v10 =	vor.u32 v0, v8;
	[tilespmem:v18+s29+$0x0] =	vst.idx.msk $0xffff, v19;
	v8 =	vnsel vm0, $0x3E, v12;
	vm0 =	vlt.s32 v9, $0x3E  }
0x1f0: {  	v24 =	vld [tilespmem:s20+$0xFFFFFFF0];
	[tilespmem:v25+s23+$0x0] =	vst.idx.msk $0xffff, v15;
	v8 =	vshll.u32 v8, $0x4;
	v18 =	vnsel vm0, $0x3E, v9  }
0x1f1: {  	vm1 =	vgt.s32 v7, v27;
	[tilespmem:v6+s29+$0x0] =	vst.idx.msk $0xffff, v19;
	v15 =	vor.u32 v0, v8;
	v8 =	vshll.u32 v18, $0x4  }
0x1f2: {  	v29 =	vsel vm1, v7, v27;
	v25 =	vld [tilespmem:s20+$0x0];
	v18 =	vor.u32 v0, v8;
	v8 =	vshll.u32 v7, $0x4  }
0x1f3: {  	v6 =	vadd.s32 $0x1, v29;
	v27 =	vor.u32 v0, v8  }
0x1f4: {  	vm0 =	vlt.s32 v6, $0x3E  }
0x1f5: {  	v8 =	vnsel vm0, $0x3E, v6;
	v28 =	vld.idx.msk [tilespmem:v10+s25+$0x0], $0xffff;
	vm0 =	vgt.s32 v1, v24  }
0x1f6: {  	v30 =	vshll.u32 v29, $0x4;
	v33 =	vsel vm0, v1, v24;
	v31 =	vld.idx.msk [tilespmem:v15+s25+$0x0], $0xffff  }
0x1f7: {  	v57 =	vor.u32 v0, v30;
	v8 =	vshll.u32 v8, $0x4;
	vm0 =	vgt.s32 v33, v25;
	v24 =	vld.idx.msk [tilespmem:v18+s31+$0x0], $0xffff  }
0x1f8: {  	v56 =	vor.u32 v0, v8;
	v8 =	vadd.s32 $0x1, v33;
	v30 =	vsel vm0, v33, v25;
	v25 =	vld.idx.msk [tilespmem:v27+s31+$0x0], $0xffff  }
0x1f9: {  	vm1 =	vlt.s32 v8, $0x3E;
	v59 =	vadd.s32 $0x1, v30  }
0x1fa: {  	v61 =	vshll.u32 v33, $0x4;
	v58 =	vnsel vm1, $0x3E, v8;
	vm0 =	vlt.s32 v59, $0x3E  }
0x1fb: {  	v39 =	vor.u32 v0, v61;
	v35 =	vshll.u32 v58, $0x4;
	v40 =	vnsel vm0, $0x3E, v59  }
0x1fc: {  	v41 =	vld.idx.msk [tilespmem:v57+s31+$0x0], $0xffff;
	v35 =	vor.u32 v0, v35;
	v31 =	vsub.f32 v31, v28;
	v40 =	vshll.u32 v40, $0x4  }
0x1fd: {  	s9 =	simm.s32 $0x4;
	v42 =	vshll.u32 v30, $0x4;
	v60 =	vld.idx.msk [tilespmem:v56+s31+$0x0], $0xffff;
	v40 =	vor.u32 v0, v40;
	v24 =	vsub.f32 v24, v25  }
0x1fe: {  	s21 =	scvt.s32.f32 s9;
	s17 =	simm.s32 $0x5;
	v42 =	vor.u32 v0, v42;
	vm0 =	vlt.f32 v31, v23  }
0x1ff: {  	s24 =	scvt.s32.f32 s17;
	v31 =	vsel vm0, v14, v31;
	vm0 =	vlt.f32 v24, v5  }
0x200: {  	s11 =	smul.f32 $1.587301680e-02, s21;
	v44 =	vld.idx.msk [tilespmem:v39+s30+$0x0], $0xffff;
	(erf) = vrcp.f32 v31;
	v24 =	vsel vm0, v20, v24  }
0x201: {  	s8 =	smul.f32 $1.587301680e-02, s24;
	v43 =	vld.idx.msk [tilespmem:v35+s30+$0x0], $0xffff;
	(erf) = vrcp.f32 v24  }
0x202: {  	v37 =	vsub.f32 v60, v41;
	v45 =	vld.idx.msk [tilespmem:v40+s30+$0x0], $0xffff;
	[tilespmem:$0x1FF60] =	vst v5  }
0x203: {  	v50 =	vmul.f32 s11, v20;
	v51 =	vmul.f32 s8, v20;
	v47 =	vshll.u32 v26, $0x4;
	v46 =	vld.idx.msk [tilespmem:v42+s30+$0x0], $0xffff  }
0x204: {  	v47 =	vor.u32 v0, v47;
	v49 =	vadd.s32 v3, v7;
	vm1 =	vlt.f32 v37, v5;
	v18 =	vld.idx.msk [tilespmem:v18+s22+$0x0], $0xffff  }
0x205: {  	v63 =	vadd.s32 v3, v29;
	v9 =	vadd.s32 s9, v9;
	v37 =	vsel vm1, v20, v37;
	v27 =	vld.idx.msk [tilespmem:v27+s22+$0x0], $0xffff  }
0x206: {  	v7 =	vadd.s32 v4, v26;
	v6 =	vadd.s32 s17, v6;
	(erf) = vrcp.f32 v37  }
0x207: {  	v31 =	vadd.s32 $0x1, v26;
	v24 =	vmul.f32 $9.999999740e-06, v62;
	v43 =	vsub.f32 v43, v44  }
0x208: {  	v58 =	vmul.f32 s13, v14;
	v25 =	vsub.f32 v50, v25;
	vm0 =	vlt.s32 v31, $0x3E;
	v10 =	vld.idx.msk [tilespmem:v10+s26+$0x0], $0xffff  }
0x209: {  	v48 =	vnsel vm0, $0x3E, v31;
	v32 =	vld.idx.msk [tilespmem:v56+s22+$0x0], $0xffff;
	vm0 =	vlt.f32 v43, v24;
	v26 =	vsub.f32 v45, v46;
	v56 =	vpop (erf)  }
0x20a: {  	v36 =	vadd.s32 s10, v59;
	v34 =	vld.idx.msk [tilespmem:v57+s22+$0x0], $0xffff;
	v43 =	vsel vm0, v62, v43;
	v57 =	vsub.f32 v18, v27;
	v52 =	vpop (erf)  }
0x20b: {  	v15 =	vld.idx.msk [tilespmem:v15+s26+$0x0], $0xffff;
	(erf) = vrcp.f32 v43;
	vm0 =	vlt.f32 v26, v24;
	v25 =	vmul.f32 v52, v25  }
0x20c: {  	v28 =	vsub.f32 v58, v28;
	v5 =	vor.u32 $0x801, v53;
	v49 =	vld.idx.msk [tilespmem:v49+s14+$0x0], $0xffff;
	v26 =	vsel vm0, v62, v26  }
0x20d: {  	v41 =	vsub.f32 v51, v41;
	v35 =	vld.idx.msk [tilespmem:v35+s0+$0x0], $0xffff;
	[tilespmem:$0x1FF70] =	vst v5;
	(erf) = vrcp.f32 v26;
	v25 =	vmul.f32 v25, v57  }
0x20e: {  	v60 =	vmul.f32 s1, v62;
	v48 =	vshll.u32 v48, $0x4;
	v33 =	vadd.s32 v5, v33;
	v39 =	vld.idx.msk [tilespmem:v39+s0+$0x0], $0xffff  }
0x20f: {  	v37 =	vor.u32 v0, v48;
	v48 =	vadd.s32 v4, v16;
	v42 =	vld.idx.msk [tilespmem:v42+s0+$0x0], $0xffff;
	v59 =	vpop (erf);
	v25 =	vadd.f32 v25, v27  }
0x210: {  	v40 =	vld.idx.msk [tilespmem:v40+s0+$0x0], $0xffff;
	v32 =	vsub.f32 v32, v34;
	v15 =	vsub.f32 v15, v10;
	v41 =	vmul.f32 v59, v41  }
0x211: {  	v45 =	vld.idx.msk [tilespmem:v63+s14+$0x0], $0xffff;
	v43 =	vsub.f32 v60, v46;
	v27 =	vmul.f32 s4, v62;
	vm0 =	vle.f32 v49, v25  }
0x212: {  	v28 =	vmul.f32 v56, v28;
	v32 =	vmul.f32 v41, v32;
	v61 =	vsel vm0, $0x1, v2  }
0x213: {  	v26 =	vadd.s32 v5, v30;
	v27 =	vsub.f32 v27, v44;
	v9 =	vadd.s32 v61, v9  }
0x214: {  	v33 =	vld.idx.msk [tilespmem:v33+s14+$0x0], $0xffff;
	v32 =	vadd.f32 v32, v34;
	v49 =	vpop (erf);
	v41 =	vadd.s32 v11, v9;
	v9 =	vshll.u32 v9, $0x4  }
0x215: {  	v63 =	vsub.f32 v35, v39;
	v56 =	vld.idx.msk [tilespmem:v48+s14+$0x0], $0xffff;
	v27 =	vmul.f32 v49, v27;
	v9 =	vor.u32 v0, v9  }
0x216: {  	v54 =	vsub.f32 v40, v42;
	v52 =	vld.idx.msk [tilespmem:v47+s26+$0x0], $0xffff;
	v15 =	vmul.f32 v28, v15;
	vm0 =	vle.f32 v45, v32;
	v55 =	vpop (erf)  }
0x217: {  	v28 =	vld.idx.msk [tilespmem:v37+s25+$0x0], $0xffff;
	v58 =	vsel vm0, $0x1, v2;
	v27 =	vmul.f32 v27, v63;
	v57 =	vmul.f32 v55, v43  }
0x218: {  	v59 =	vld.idx.msk [tilespmem:v47+s25+$0x0], $0xffff;
	v6 =	vadd.s32 v58, v6  }
0x219: {  	v26 =	vld.idx.msk [tilespmem:v26+s14+$0x0], $0xffff;
	v27 =	vadd.f32 v27, v39;
	v34 =	vmul.f32 v57, v54;
	[tilespmem:v41+s23+$0x0] =	vst.idx.msk $0xffff, v25  }
0x21a: {  	s28 =	simm.s32 $0x83D0;
	v25 =	vld.idx.msk [tilespmem:v37+s26+$0x0], $0xffff;
	[tilespmem:v9+s12+$0x0] =	vst.idx.msk $0xffff, v19;
	v9 =	vadd.s32 v11, v6;
	v6 =	vshll.u32 v6, $0x4  }
0x21b: {  	v47 =	vadd.f32 v15, v10;
	vm0 =	vle.f32 v33, v27;
	v10 =	vld [tilespmem:s28+$0xFFFFFFF0];
	v6 =	vor.u32 v0, v6  }
0x21c: {  	v8 =	vadd.s32 s14, v8;
	v61 =	vadd.f32 v34, v42;
	v15 =	vsel vm0, $0x1, v2  }
0x21d: {  	v60 =	vor.u32 $0x1000, v11;
	vm0 =	vle.f32 v56, v47;
	v8 =	vadd.s32 v15, v8  }
0x21e: {  	vm1 =	vle.f32 v26, v61;
	v15 =	vadd.s32 v60, v8;
	v8 =	vshll.u32 v8, $0x4  }
0x21f: {  	v26 =	vsub.f32 v28, v59;
	v8 =	vor.u32 v0, v8;
	[tilespmem:v9+s23+$0x0] =	vst.idx.msk $0xffff, v32  }
0x220: {  	v9 =	vsub.f32 v25, v52;
	v25 =	vsel vm0, $0x1, v2;
	vm0 =	vgt.s32 v16, v10;
	[tilespmem:v6+s12+$0x0] =	vst.idx.msk $0xffff, v19  }
0x221: {  	v12 =	vadd.s32 s6, v12;
	v28 =	vsel vm1, $0x1, v2;
	v50 =	vsel vm0, v16, v10;
	v10 =	vld [tilespmem:s28+$0x0]  }
0x222: {  	v5 =	vor.u32 $0xC01, v53;
	v28 =	vadd.s32 v28, v36;
	vm1 =	vlt.f32 v26, v23  }
0x223: {  	v6 =	vshll.u32 v28, $0x4;
	v16 =	vsel vm1, v14, v26;
	v26 =	vadd.s32 v60, v28  }
0x224: {  	[tilespmem:v15+s23+$0x0] =	vst.idx.msk $0xffff, v27;
	v15 =	vor.u32 v0, v6;
	v45 =	vadd.s32 $0x1, v50;
	(erf) = vrcp.f32 v16  }
0x225: {  	s20 =	simm.s32 $0x8B90;
	v63 =	vmul.f32 s5, v14;
	v12 =	vadd.s32 v25, v12;
	[tilespmem:v8+s2+$0x0] =	vst.idx.msk $0xffff, v19;
	vm0 =	vlt.s32 v45, $0x3E  }
0x226: {  	v25 =	vmul.f32 $9.999999740e-06, v13;
	v27 =	vld [tilespmem:s20+$0xFFFFFFF0];
	v8 =	vnsel vm0, $0x3E, v45;
	vm0 =	vgt.s32 v50, v10  }
0x227: {  	v6 =	vadd.s32 v38, v12;
	v12 =	vshll.u32 v12, $0x4;
	v37 =	vsel vm0, v50, v10  }
0x228: {  	v16 =	vshll.u32 v50, $0x4;
	v51 =	vor.u32 v0, v12;
	[tilespmem:v26+s23+$0x0] =	vst.idx.msk $0xffff, v61;
	v10 =	vadd.s32 $0x1, v37  }
0x229: {  	v35 =	vor.u32 v0, v16;
	[tilespmem:v15+s2+$0x0] =	vst.idx.msk $0xffff, v19;
	v12 =	vshll.u32 v37, $0x4;
	vm0 =	vlt.s32 v10, $0x3E  }
0x22a: {  	v8 =	vshll.u32 v8, $0x4;
	v15 =	vld [tilespmem:s20+$0x0];
	v48 =	vor.u32 v0, v12;
	v12 =	vnsel vm0, $0x3E, v10  }
0x22b: {  	v34 =	vor.u32 v0, v8;
	v8 =	vsub.f32 v63, v59;
	vm1 =	vgt.s32 v1, v27  }
0x22c: {  	v36 =	vadd.s32 v4, v37;
	v32 =	vadd.s32 s17, v10;
	v42 =	vsel vm1, v1, v27  }
0x22d: {  	v33 =	vadd.s32 $0x1, v42;
	v26 =	vshll.u32 v42, $0x4;
	v10 =	vshll.u32 v12, $0x4;
	v12 =	vpop (erf)  }
0x22e: {  	s7 =	simm.s32 $0x7FF0;
	s16 =	simm.s32 $0x6FC0;
	vm0 =	vlt.s32 v33, $0x3E;
	v41 =	vor.u32 v0, v26;
	v8 =	vmul.f32 v12, v8  }
0x22f: {  	s24 =	simm.s32 $0x87B0;
	s3 =	simm.s32 $0x7B90;
	s19 =	simm.s32 $0x0;
	v49 =	vor.u32 v0, v10;
	v10 =	vnsel vm0, $0x3E, v33;
	vm0 =	vgt.s32 v42, v15  }
0x230: {  	s18 =	simm.s32 $0x2;
	s29 =	simm.s32 $0x73B0;
	s31 =	simm.s32 $0x6;
	v10 =	vshll.u32 v10, $0x4;
	v28 =	vsel vm0, v42, v15;
	v8 =	vmul.f32 v8, v9  }
0x231: {  	s22 =	simm.s32 $0x6000;
	s30 =	simm.s32 $0x6BD0;
	s0 =	simm.s32 $0x67E0;
	v27 =	vmovc v11;
	v44 =	vor.u32 v0, v10;
	v39 =	vadd.s32 $0x1, v28;
	v10 =	vshll.u32 v28, $0x4;
	v9 =	vld.idx.msk [tilespmem:v7+s14+$0x0], $0xffff  }
0x232: {  	s26 =	simm.s32 $0x63F0;
	s2 =	simm.s32 $0x77A0;
	v26 =	vmovc v11;
	v46 =	vld.idx.msk [tilespmem:v48+s25+$0x0], $0xffff;
	s25 =	simm.s32 $0x8F80;
	vm0 =	vlt.s32 v39, $0x3E;
	v43 =	vor.u32 v0, v10;
	v7 =	vadd.f32 v8, v52  }
.LBB2_11:
0x233: {  	_ =	sdelay $0x1  }
0x234: {  	v8 =	vld.idx.msk [tilespmem:v49+s26+$0x0], $0xffff  }
0x235: {  	v15 =	vld [tilespmem:s7+$0xFFFFFFF0];
	vm1 =	vle.f32 v9, v7  }
0x236: {  	v61 =	vadd.s32 s18, v31;
	v52 =	vld.idx.msk [tilespmem:v41+s30+$0x0], $0xffff;
	v9 =	vsel vm1, $0x1, v2  }
0x237: {  	v54 =	vld.idx.msk [tilespmem:v44+s30+$0x0], $0xffff;
	v9 =	vadd.s32 v9, v61  }
0x238: {  	v40 =	vadd.s32 v4, v50;
	v53 =	vld [tilespmem:s7+$0x0];
	v50 =	vadd.s32 v38, v9;
	v9 =	vshll.u32 v9, $0x4  }
0x239: {  	v10 =	vadd.s32 v5, v42;
	v12 =	vadd.s32 v5, v28;
	v9 =	vor.u32 v0, v9  }
0x23a: {  	v42 =	vadd.s32 s10, v39;
	v31 =	vmovc v45;
	v45 =	vld.idx.msk [tilespmem:v43+s30+$0x0], $0xffff;
	v58 =	vmul.f32 s4, v13;
	vm1 =	vgt.s32 v29, v15  }
0x23b: {  	v56 =	vld.idx.msk [tilespmem:v44+s3+$0x0], $0xffff;
	v33 =	vadd.s32 s19, v33;
	v55 =	vsub.f32 v8, v46;
	v8 =	vsel vm1, v29, v15  }
0x23c: {  	v43 =	vld.idx.msk [tilespmem:v43+s3+$0x0], $0xffff;
	[tilespmem:v6+s23+$0x0] =	vst.idx.msk $0xffff, v47;
	v6 =	vsub.f32 v54, v52;
	v15 =	vnsel vm0, $0x3E, v39;
	v38 =	vadd.s32 $0x1, v8  }
0x23d: {  	v57 =	vld.idx.msk [tilespmem:v41+s3+$0x0], $0xffff;
	s21 =	simm.s32 $0x9780;
	vm0 =	vgt.s32 v8, v53;
	v15 =	vshll.u32 v15, $0x4;
	vm1 =	vlt.s32 v38, $0x3E;
	[tilespmem:v50+s23+$0x0] =	vst.idx.msk $0xffff, v7  }
0x23e: {  	v29 =	vsel vm0, v8, v53;
	v7 =	vor.u32 v0, v15;
	v15 =	vnsel vm1, $0x3E, v38;
	[tilespmem:v9+s21+$0x0] =	vst.idx.msk $0xffff, v19  }
0x23f: {  	v52 =	vsub.f32 v58, v52;
	v63 =	vshll.u32 v29, $0x4;
	v9 =	vshll.u32 v15, $0x4;
	v15 =	vld [tilespmem:s24+$0xFFFFFFF0]  }
0x240: {  	v17 =	vld [tilespmem:$0x1FF70];
	[tilespmem:v51+s21+$0x0] =	vst.idx.msk $0xffff, v19;
	v44 =	vadd.s32 v3, v29;
	v50 =	vadd.s32 $0x1, v29;
	vm1 =	vlt.f32 v55, v23  }
0x241: {  	v51 =	vld [tilespmem:s24+$0x0];
	vm0 =	vlt.s32 v50, $0x3E;
	v41 =	vor.u32 v0, v9;
	v9 =	vadd.s32 v3, v8  }
0x242: {  	v1 =	vld [tilespmem:$0x1FF60];
	v59 =	vnsel vm0, $0x3E, v50;
	v8 =	vshll.u32 v8, $0x4;
	vm0 =	vlt.f32 v6, v25  }
0x243: {  	v60 =	vshll.u32 v59, $0x4;
	v53 =	vor.u32 v0, v8;
	v6 =	vsel vm0, v13, v6;
	v54 =	vld.idx.msk [tilespmem:v7+s30+$0x0], $0xffff  }
0x244: {  	s12 =	smov.u32 s31;
	v8 =	vld.idx.msk [tilespmem:v12+s14+$0x0], $0xffff;
	v47 =	vor.u32 v0, v60;
	(erf) = vrcp.f32 v6;
	vm0 =	vgt.s32 v30, v15  }
0x245: {  	s10 =	smov.u32 s6;
	s6 =	smov.u32 s17;
	s17 =	sadd.s32 $0x1, s12;
	v55 =	vsel vm1, v14, v55;
	v60 =	vor.u32 v0, v63;
	v59 =	vld.idx.msk [tilespmem:v7+s3+$0x0], $0xffff;
	v15 =	vsel vm0, v30, v15  }
0x246: {  	v50 =	vadd.s32 s17, v50;
	v12 =	vld.idx.msk [tilespmem:v41+s16+$0x0], $0xffff;
	v39 =	vadd.s32 $0x1, v15;
	vm0 =	vgt.s32 v15, v51  }
0x247: {  	v61 =	vld.idx.msk [tilespmem:v41+s22+$0x0], $0xffff;
	v6 =	vshll.u32 v15, $0x4;
	vm1 =	vlt.s32 v39, $0x3E;
	v30 =	vsel vm0, v15, v51  }
0x248: {  	v51 =	vld.idx.msk [tilespmem:v53+s22+$0x0], $0xffff;
	v54 =	vsub.f32 v54, v45;
	v63 =	vor.u32 v0, v6;
	v15 =	vadd.s32 v17, v15  }
0x249: {  	v58 =	vld.idx.msk [tilespmem:v47+s22+$0x0], $0xffff;
	v7 =	vnsel vm1, $0x3E, v39;
	v41 =	vadd.s32 $0x1, v30;
	v16 =	vshll.u32 v30, $0x4  }
0x24a: {  	v22 =	vmovc v62;
	v62 =	vld.idx.msk [tilespmem:v60+s22+$0x0], $0xffff;
	v6 =	vshll.u32 v7, $0x4;
	vm0 =	vlt.s32 v41, $0x3E;
	v7 =	vadd.s32 v17, v30  }
0x24b: {  	v21 =	vor.u32 v0, v6;
	v6 =	vnsel vm0, $0x3E, v41;
	vm0 =	vlt.f32 v54, v25  }
0x24c: {  	v16 =	vor.u32 v0, v16;
	v18 =	vshll.u32 v6, $0x4;
	v6 =	vld.idx.msk [tilespmem:v48+s29+$0x0], $0xffff;
	v48 =	vsel vm0, v13, v54  }
0x24d: {  	v49 =	vld.idx.msk [tilespmem:v49+s29+$0x0], $0xffff;
	v41 =	vadd.s32 s10, v41;
	v54 =	vpop (erf);
	(erf) = vrcp.f32 v48;
	v48 =	vsub.f32 v61, v51  }
0x24e: {  	v53 =	vld.idx.msk [tilespmem:v53+s16+$0x0], $0xffff;
	v18 =	vor.u32 v0, v18;
	v52 =	vmul.f32 v54, v52;
	v61 =	vsub.f32 v56, v57  }
0x24f: {  	s4 =	smov.u32 s5;
	s5 =	smov.u32 s11;
	v10 =	vld.idx.msk [tilespmem:v10+s14+$0x0], $0xffff;
	v56 =	vsub.f32 v58, v62;
	v58 =	vmul.f32 s1, v13;
	vm0 =	vlt.f32 v48, v1  }
0x250: {  	s11 =	scvt.s32.f32 s12;
	s1 =	smov.u32 s13;
	s13 =	smov.u32 s8;
	(erf) = vrcp.f32 v55;
	v52 =	vmul.f32 v52, v61;
	v55 =	vld.idx.msk [tilespmem:v21+s0+$0x0], $0xffff;
	v48 =	vsel vm0, v20, v48  }
0x251: {  	s21 =	scvt.s32.f32 s17;
	v61 =	vmul.f32 s13, v14;
	vm0 =	vlt.f32 v56, v1;
	v1 =	vld.idx.msk [tilespmem:v63+s0+$0x0], $0xffff;
	(erf) = vrcp.f32 v48  }
0x252: {  	s11 =	smul.f32 $1.587301680e-02, s11;
	v54 =	vor.u32 $0x1800, v27;
	v52 =	vadd.f32 v52, v57;
	v56 =	vsel vm0, v20, v56;
	v57 =	vld.idx.msk [tilespmem:v16+s0+$0x0], $0xffff  }
0x253: {  	s8 =	smul.f32 $1.587301680e-02, s21;
	v12 =	vsub.f32 v12, v53;
	v46 =	vsub.f32 v61, v46;
	v48 =	vld.idx.msk [tilespmem:v18+s0+$0x0], $0xffff;
	(erf) = vrcp.f32 v56  }
0x254: {  	v47 =	vld.idx.msk [tilespmem:v47+s16+$0x0], $0xffff;
	v49 =	vsub.f32 v49, v6;
	vm0 =	vle.f32 v10, v52;
	v10 =	vsub.f32 v58, v45  }
0x255: {  	v60 =	vld.idx.msk [tilespmem:v60+s16+$0x0], $0xffff;
	v45 =	vmul.f32 s11, v20;
	v58 =	vmul.f32 s8, v20;
	v61 =	vsel vm0, $0x1, v2  }
0x256: {  	v16 =	vld.idx.msk [tilespmem:v16+s2+$0x0], $0xffff;
	v56 =	vsub.f32 v59, v43;
	v33 =	vadd.s32 v61, v33;
	v55 =	vsub.f32 v55, v1;
	v59 =	vpop (erf)  }
0x257: {  	v18 =	vld.idx.msk [tilespmem:v18+s2+$0x0], $0xffff;
	v45 =	vsub.f32 v45, v51;
	v51 =	vsub.f32 v58, v62;
	v10 =	vmul.f32 v59, v10  }
0x258: {  	v61 =	vadd.s32 v54, v33;
	vm0 =	vlt.f32 v55, v24;
	v48 =	vsub.f32 v48, v57  }
0x259: {  	v33 =	vshll.u32 v33, $0x4;
	v58 =	vpop (erf);
	v55 =	vsel vm0, v22, v55;
	v10 =	vmul.f32 v10, v56  }
0x25a: {  	v33 =	vor.u32 v0, v33;
	vm0 =	vlt.f32 v48, v24;
	v56 =	vpop (erf);
	(erf) = vrcp.f32 v55  }
0x25b: {  	v9 =	vld.idx.msk [tilespmem:v9+s14+$0x0], $0xffff;
	v48 =	vsel vm0, v22, v48;
	v45 =	vmul.f32 v56, v45;
	v10 =	vadd.f32 v10, v43  }
0x25c: {  	v21 =	vld.idx.msk [tilespmem:v21+s2+$0x0], $0xffff;
	v18 =	vsub.f32 v18, v16;
	v43 =	vsub.f32 v47, v60;
	v47 =	vpop (erf);
	(erf) = vrcp.f32 v48  }
0x25d: {  	v59 =	vmul.f32 s4, v22;
	[tilespmem:v61+s23+$0x0] =	vst.idx.msk $0xffff, v52;
	v12 =	vmul.f32 v45, v12;
	vm0 =	vle.f32 v8, v10  }
0x25e: {  	s21 =	simm.s32 $0xA780;
	v46 =	vmul.f32 v58, v46;
	v51 =	vmul.f32 v47, v51;
	v47 =	vld.idx.msk [tilespmem:v63+s2+$0x0], $0xffff;
	v52 =	vsel vm0, $0x1, v2  }
0x25f: {  	[tilespmem:v33+s21+$0x0] =	vst.idx.msk $0xffff, v19;
	v8 =	vmul.f32 s1, v22;
	v12 =	vadd.f32 v12, v53;
	v33 =	vadd.s32 v52, v42  }
0x260: {  	v1 =	vsub.f32 v59, v1;
	v56 =	vmul.f32 v51, v43;
	v58 =	vadd.s32 v54, v33  }
0x261: {  	s19 =	smov.u32 s18;
	s18 =	smov.u32 s9;
	s9 =	smov.u32 s12;
	v44 =	vld.idx.msk [tilespmem:v44+s14+$0x0], $0xffff;
	v59 =	vsub.f32 v8, v57;
	v33 =	vshll.u32 v33, $0x4;
	vm0 =	vle.f32 v9, v12  }
0x262: {  	v27 =	vmovc v26;
	v9 =	vadd.s32 s9, v38;
	v33 =	vor.u32 v0, v33;
	v17 =	vsel vm0, $0x1, v2  }
0x263: {  	v7 =	vld.idx.msk [tilespmem:v7+s14+$0x0], $0xffff;
	v21 =	vsub.f32 v21, v47;
	v8 =	vadd.s32 v17, v9;
	v9 =	vadd.f32 v56, v60;
	v61 =	vpop (erf)  }
0x264: {  	v26 =	vmovc v11;
	v15 =	vld.idx.msk [tilespmem:v15+s14+$0x0], $0xffff;
	v63 =	vadd.s32 v11, v8;
	v17 =	vshll.u32 v8, $0x4;
	v1 =	vmul.f32 v61, v1  }
0x265: {  	v55 =	vmul.f32 v46, v49;
	v54 =	vld.idx.msk [tilespmem:v35+s26+$0x0], $0xffff;
	v48 =	vpop (erf);
	v52 =	vor.u32 v0, v17;
	[tilespmem:v58+s23+$0x0] =	vst.idx.msk $0xffff, v10  }
0x266: {  	v8 =	vld.idx.msk [tilespmem:v35+s29+$0x0], $0xffff;
	vm0 =	vle.f32 v44, v9;
	v1 =	vmul.f32 v1, v21;
	v21 =	vmul.f32 v48, v59  }
0x267: {  	v38 =	vor.u32 $0x800, v26;
	v56 =	vor.u32 $0x1000, v27;
	v10 =	vld.idx.msk [tilespmem:v36+s14+$0x0], $0xffff;
	v53 =	vsel vm0, $0x1, v2;
	[tilespmem:v33+s21+$0x0] =	vst.idx.msk $0xffff, v19  }
0x268: {  	v58 =	vld.idx.msk [tilespmem:v34+s26+$0x0], $0xffff;
	v57 =	vadd.s32 v53, v50;
	v1 =	vadd.f32 v1, v47;
	v18 =	vmul.f32 v21, v18  }
0x269: {  	v47 =	vadd.f32 v55, v6;
	v59 =	vadd.s32 v11, v57;
	v33 =	vshll.u32 v57, $0x4;
	[tilespmem:v63+s23+$0x0] =	vst.idx.msk $0xffff, v12  }
0x26a: {  	s28 =	sadd.s32 $0x20, s28;
	v12 =	vld.idx.msk [tilespmem:v34+s29+$0x0], $0xffff;
	[tilespmem:v52+s25+$0x0] =	vst.idx.msk $0xffff, v19;
	vm0 =	vle.f32 v15, v1;
	v16 =	vadd.f32 v18, v16  }
0x26b: {  	v6 =	vadd.s32 s19, v39;
	v33 =	vor.u32 v0, v33;
	v15 =	vld [tilespmem:s28+$0xFFFFFFF0];
	v60 =	vsel vm0, $0x1, v2  }
0x26c: {  	vm0 =	vle.f32 v10, v47;
	v6 =	vadd.s32 v60, v6;
	vm1 =	vle.f32 v7, v16  }
0x26d: {  	v7 =	vsub.f32 v58, v54;
	v10 =	vadd.s32 v56, v6;
	v6 =	vshll.u32 v6, $0x4  }
0x26e: {  	v21 =	vmul.f32 s5, v14;
	v18 =	vsel vm1, $0x1, v2;
	v6 =	vor.u32 v0, v6  }
0x26f: {  	[tilespmem:v59+s23+$0x0] =	vst.idx.msk $0xffff, v9;
	v9 =	vsel vm0, $0x1, v2;
	v18 =	vadd.s32 v18, v41;
	vm1 =	vlt.f32 v7, v23  }
0x270: {  	[tilespmem:v33+s25+$0x0] =	vst.idx.msk $0xffff, v19;
	v9 =	vadd.s32 v9, v32;
	v61 =	vshll.u32 v18, $0x4;
	vm0 =	vgt.s32 v37, v15  }
0x271: {  	v7 =	vsel vm1, v14, v7;
	v18 =	vadd.s32 v56, v18;
	v50 =	vsel vm0, v37, v15;
	v15 =	vld [tilespmem:s28+$0x0]  }
0x272: {  	s21 =	simm.s32 $0x9F80;
	(erf) = vrcp.f32 v7;
	v45 =	vadd.s32 $0x1, v50;
	[tilespmem:v10+s23+$0x0] =	vst.idx.msk $0xffff, v1;
	v1 =	vor.u32 v0, v61  }
0x273: {  	s20 =	sadd.s32 $0x20, s20;
	v12 =	vsub.f32 v12, v8;
	v7 =	vshll.u32 v50, $0x4;
	vm0 =	vlt.s32 v45, $0x3E;
	[tilespmem:v6+s21+$0x0] =	vst.idx.msk $0xffff, v19  }
0x274: {  	v6 =	vadd.s32 v38, v9;
	v9 =	vshll.u32 v9, $0x4;
	v10 =	vnsel vm0, $0x3E, v45;
	v63 =	vld [tilespmem:s20+$0xFFFFFFF0]  }
0x275: {  	v35 =	vor.u32 v0, v7;
	v51 =	vor.u32 v0, v9;
	v7 =	vshll.u32 v10, $0x4  }
0x276: {  	[tilespmem:v18+s23+$0x0] =	vst.idx.msk $0xffff, v16;
	v34 =	vor.u32 v0, v7;
	vm0 =	vgt.s32 v50, v15  }
0x277: {  	v7 =	vsub.f32 v21, v54;
	v37 =	vsel vm0, v50, v15;
	[tilespmem:v1+s21+$0x0] =	vst.idx.msk $0xffff, v19  }
0x278: {  	v1 =	vadd.s32 $0x1, v37;
	v9 =	vshll.u32 v37, $0x4;
	v36 =	vadd.s32 v4, v37;
	v10 =	vld [tilespmem:s20+$0x0]  }
0x279: {  	vm0 =	vlt.s32 v1, $0x3E;
	v48 =	vor.u32 v0, v9;
	vm1 =	vgt.s32 v28, v63  }
0x27a: {  	v32 =	vadd.s32 s17, v1;
	v9 =	vnsel vm0, $0x3E, v1;
	v42 =	vsel vm1, v28, v63  }
0x27b: {  	p0 =	slt.u32 s31, $0x3E;
	v15 =	vpop (erf);
	v1 =	vshll.u32 v9, $0x4;
	v33 =	vadd.s32 $0x1, v42;
	v16 =	vshll.u32 v42, $0x4  }
.Ltmp4:
0x27c: {  	v49 =	vor.u32 v0, v1;
	v1 =	vmul.f32 v15, v7;
	vm0 =	vlt.s32 v33, $0x3E;
	(pc) =	sbr.rel @p0 .LBB2_11-.Ltmp4, $4  }
0x27d: {  	v41 =	vor.u32 v0, v16;
	v7 =	vnsel vm0, $0x3E, v33;
	vm0 =	vgt.s32 v42, v10  }
0x27e: {  	v1 =	vmul.f32 v1, v12;
	v7 =	vshll.u32 v7, $0x4;
	v28 =	vsel vm0, v42, v10  }
0x27f: {  	v9 =	vld.idx.msk [tilespmem:v40+s14+$0x0], $0xffff;
	v44 =	vor.u32 v0, v7;
	v39 =	vadd.s32 $0x1, v28;
	v10 =	vshll.u32 v28, $0x4  }
0x280: {  	s31 =	sadd.s32 $0x2, s31;
	s7 =	sadd.s32 $0x20, s7;
	s24 =	sadd.s32 $0x20, s24;
	v62 =	vmovc v22;
	v46 =	vld.idx.msk [tilespmem:v48+s26+$0x0], $0xffff;
	v7 =	vadd.f32 v1, v8;
	vm0 =	vlt.s32 v39, $0x3E;
	v43 =	vor.u32 v0, v10  }
0x281: {  	_ =	sdelay $0x2  }
0x282: {  	vm1 =	vle.f32 v9, v7  }
0x283: {  	v8 =	vadd.s32 s18, v31;
	v1 =	vsel vm1, $0x1, v2  }
0x284: {  	v1 =	vadd.s32 v1, v8  }
0x285: {  	v8 =	vadd.s32 v38, v1;
	v1 =	vshll.u32 v1, $0x4  }
0x286: {  	v1 =	vor.u32 v0, v1;
	_ =	sdelay $0x3  }
0x287: {  	s21 =	simm.s32 $0x9780;
	[tilespmem:v8+s23+$0x0] =	vst.idx.msk $0xffff, v7  }
0x288: {  	[tilespmem:v1+s21+$0x0] =	vst.idx.msk $0xffff, v19  }
0x289: {  	v1 =	vld [tilespmem:s24+$0xFFFFFFF0]  }
0x28a: {  	[tilespmem:v6+s23+$0x0] =	vst.idx.msk $0xffff, v47  }
0x28b: {  	[tilespmem:v51+s21+$0x0] =	vst.idx.msk $0xffff, v19  }
0x28c: {  	v6 =	vld [tilespmem:s24+$0x0];
	_ =	sdelay $0x1  }
0x28d: {  	vm1 =	vgt.s32 v30, v1  }
0x28e: {  	v7 =	vnsel vm0, $0x3E, v39;
	v1 =	vsel vm1, v30, v1  }
0x28f: {  	v9 =	vshll.u32 v7, $0x4;
	v8 =	vadd.s32 $0x1, v1  }
0x290: {  	v20 =	vor.u32 v0, v9;
	vm0 =	vgt.s32 v1, v6;
	vm1 =	vlt.s32 v8, $0x3E  }
0x291: {  	v12 =	vshll.u32 v1, $0x4;
	v7 =	vsel vm0, v1, v6;
	v6 =	vnsel vm1, $0x3E, v8  }
0x292: {  	v10 =	vld.idx.msk [tilespmem:v49+s26+$0x0], $0xffff;
	v12 =	vor.u32 v0, v12;
	v9 =	vadd.s32 $0x1, v7;
	v6 =	vshll.u32 v6, $0x4  }
0x293: {  	v29 =	vld.idx.msk [tilespmem:v41+s30+$0x0], $0xffff;
	vm0 =	vlt.s32 v9, $0x3E;
	v6 =	vor.u32 v0, v6  }
0x294: {  	v16 =	vld.idx.msk [tilespmem:v44+s30+$0x0], $0xffff;
	v18 =	vshll.u32 v7, $0x4;
	v15 =	vnsel vm0, $0x3E, v9  }
0x295: {  	v22 =	vld.idx.msk [tilespmem:v43+s30+$0x0], $0xffff;
	v18 =	vor.u32 v0, v18;
	v15 =	vshll.u32 v15, $0x4  }
0x296: {  	v21 =	vld.idx.msk [tilespmem:v20+s30+$0x0], $0xffff;
	v15 =	vor.u32 v0, v15  }
0x297: {  	v31 =	vld.idx.msk [tilespmem:v12+s0+$0x0], $0xffff  }
0x298: {  	v30 =	vld.idx.msk [tilespmem:v6+s0+$0x0], $0xffff;
	_ =	sdelay $0x1  }
0x299: {  	v16 =	vsub.f32 v16, v29;
	v52 =	vld.idx.msk [tilespmem:v18+s0+$0x0], $0xffff  }
0x29a: {  	v21 =	vsub.f32 v21, v22;
	v37 =	vld.idx.msk [tilespmem:v15+s0+$0x0], $0xffff  }
0x29b: {  	v10 =	vsub.f32 v10, v46;
	vm0 =	vlt.f32 v16, v25  }
0x29c: {  	v40 =	vld.idx.msk [tilespmem:v35+s26+$0x0], $0xffff;
	v16 =	vsel vm0, v13, v16;
	vm0 =	vlt.f32 v21, v25;
	v30 =	vsub.f32 v30, v31  }
0x29d: {  	vm1 =	vlt.f32 v10, v23;
	(erf) = vrcp.f32 v16;
	v16 =	vsel vm0, v13, v21;
	v21 =	vld.idx.msk [tilespmem:v34+s26+$0x0], $0xffff  }
0x29e: {  	v10 =	vsel vm1, v14, v10;
	(erf) = vrcp.f32 v16;
	vm0 =	vlt.f32 v30, v24  }
0x29f: {  	(erf) = vrcp.f32 v10;
	v10 =	vsub.f32 v37, v52;
	v16 =	vsel vm0, v62, v30  }
0x2a0: {  	v59 =	vld [tilespmem:$0x1FF70];
	(erf) = vrcp.f32 v16  }
0x2a1: {  	vm0 =	vlt.f32 v10, v24  }
0x2a2: {  	v16 =	vsub.f32 v21, v40;
	v10 =	vsel vm0, v62, v10  }
0x2a3: {  	v6 =	vld.idx.msk [tilespmem:v6+s2+$0x0], $0xffff;
	(erf) = vrcp.f32 v10  }
0x2a4: {  	v15 =	vld.idx.msk [tilespmem:v15+s2+$0x0], $0xffff;
	vm0 =	vlt.f32 v16, v23  }
0x2a5: {  	v1 =	vadd.s32 v59, v1;
	v10 =	vld.idx.msk [tilespmem:v12+s2+$0x0], $0xffff;
	v12 =	vsel vm0, v14, v16  }
0x2a6: {  	v53 =	vmul.f32 s5, v62;
	v21 =	vld.idx.msk [tilespmem:v48+s29+$0x0], $0xffff;
	v30 =	vpop (erf);
	(erf) = vrcp.f32 v12  }
0x2a7: {  	v54 =	vmul.f32 s8, v14;
	v23 =	vpop (erf);
	v16 =	vld.idx.msk [tilespmem:v49+s29+$0x0], $0xffff  }
0x2a8: {  	v31 =	vsub.f32 v53, v31;
	v12 =	vld.idx.msk [tilespmem:v18+s2+$0x0], $0xffff;
	v18 =	vpop (erf)  }
0x2a9: {  	v55 =	vmul.f32 s13, v62;
	v61 =	vld.idx.msk [tilespmem:v35+s29+$0x0], $0xffff;
	v51 =	vsub.f32 v54, v46;
	v37 =	vadd.s32 v59, v7;
	v60 =	vpop (erf)  }
0x2aa: {  	v1 =	vld.idx.msk [tilespmem:v1+s14+$0x0], $0xffff;
	v6 =	vsub.f32 v6, v10;
	v31 =	vmul.f32 v60, v31  }
0x2ab: {  	v38 =	vsub.f32 v55, v52;
	v52 =	vld.idx.msk [tilespmem:v34+s29+$0x0], $0xffff;
	v18 =	vmul.f32 v18, v51  }
0x2ac: {  	v63 =	vadd.s32 v4, v50;
	v14 =	vmul.f32 s11, v14;
	v53 =	vpop (erf);
	v6 =	vmul.f32 v31, v6  }
0x2ad: {  	v16 =	vsub.f32 v16, v21;
	v15 =	vsub.f32 v15, v12;
	v31 =	vmul.f32 v53, v38  }
0x2ae: {  	v8 =	vadd.s32 s18, v8;
	v37 =	vld.idx.msk [tilespmem:v37+s14+$0x0], $0xffff;
	v6 =	vadd.f32 v6, v10;
	v10 =	vsub.f32 v14, v40  }
0x2af: {  	v9 =	vadd.s32 s6, v9;
	v14 =	vmul.f32 v18, v16;
	v15 =	vmul.f32 v31, v15;
	v18 =	vpop (erf)  }
0x2b0: {  	vm0 =	vle.f32 v1, v6;
	v1 =	vsub.f32 v52, v61;
	v10 =	vmul.f32 v18, v10  }
0x2b1: {  	v16 =	vor.u32 $0x1000, v26;
	v12 =	vadd.f32 v15, v12;
	v15 =	vld.idx.msk [tilespmem:v63+s14+$0x0], $0xffff;
	v18 =	vsel vm0, $0x1, v2  }
0x2b2: {  	v21 =	vadd.f32 v14, v21;
	v8 =	vadd.s32 v18, v8;
	v1 =	vmul.f32 v10, v1  }
0x2b3: {  	vm0 =	vle.f32 v37, v12;
	v10 =	vadd.s32 v16, v8;
	v8 =	vshll.u32 v8, $0x4  }
0x2b4: {  	v31 =	vld.idx.msk [tilespmem:v36+s14+$0x0], $0xffff;
	v14 =	vsel vm0, $0x1, v2;
	v8 =	vor.u32 v0, v8;
	v1 =	vadd.f32 v1, v61  }
0x2b5: {  	v9 =	vadd.s32 v14, v9  }
0x2b6: {  	v18 =	vshll.u32 v9, $0x4;
	vm1 =	vle.f32 v15, v1  }
0x2b7: {  	v9 =	vadd.s32 v16, v9;
	v16 =	vadd.s32 s9, v45;
	v15 =	vsel vm1, $0x1, v2  }
0x2b8: {  	s16 =	simm.s32 $0x9F80;
	v14 =	vor.u32 $0x800, v11;
	[tilespmem:v10+s23+$0x0] =	vst.idx.msk $0xffff, v6;
	v6 =	vor.u32 v0, v18;
	v10 =	vadd.s32 v15, v16  }
0x2b9: {  	s7 =	sadd.s32 $0x20, s20;
	vm0 =	vle.f32 v31, v21;
	[tilespmem:v8+s16+$0x0] =	vst.idx.msk $0xffff, v19;
	v8 =	vadd.s32 v14, v10;
	v10 =	vshll.u32 v10, $0x4  }
0x2ba: {  	v15 =	vsel vm0, $0x1, v2;
	v16 =	vld [tilespmem:s7+$0xFFFFFFF0];
	v10 =	vor.u32 v0, v10  }
0x2bb: {  	v15 =	vadd.s32 v15, v32  }
0x2bc: {  	v18 =	vadd.s32 v14, v15;
	v15 =	vshll.u32 v15, $0x4;
	[tilespmem:v9+s23+$0x0] =	vst.idx.msk $0xffff, v12  }
0x2bd: {  	v15 =	vor.u32 v0, v15;
	[tilespmem:v6+s16+$0x0] =	vst.idx.msk $0xffff, v19  }
0x2be: {  	[tilespmem:v8+s23+$0x0] =	vst.idx.msk $0xffff, v1  }
0x2bf: {  	s12 =	sadd.s32 $0x20, s24;
	v9 =	vld [tilespmem:s7+$0x0];
	vm0 =	vgt.s32 v28, v16;
	[tilespmem:v10+s21+$0x0] =	vst.idx.msk $0xffff, v19  }
0x2c0: {  	v6 =	vsel vm0, v28, v16;
	v1 =	vld [tilespmem:s12+$0xFFFFFFF0]  }
0x2c1: {  	[tilespmem:v18+s23+$0x0] =	vst.idx.msk $0xffff, v21;
	v31 =	vadd.s32 $0x1, v6  }
0x2c2: {  	[tilespmem:v15+s21+$0x0] =	vst.idx.msk $0xffff, v19;
	vm0 =	vlt.s32 v31, $0x3E  }
0x2c3: {  	v8 =	vld [tilespmem:s12+$0x0];
	v10 =	vshll.u32 v6, $0x4;
	v12 =	vnsel vm0, $0x3E, v31  }
0x2c4: {  	v35 =	vor.u32 v0, v10;
	vm0 =	vgt.s32 v6, v9;
	v10 =	vshll.u32 v12, $0x4  }
0x2c5: {  	v34 =	vsel vm0, v6, v9;
	v38 =	vor.u32 v0, v10;
	vm0 =	vgt.s32 v7, v1  }
0x2c6: {  	v32 =	vadd.s32 $0x1, v34;
	v9 =	vshll.u32 v34, $0x4;
	v1 =	vsel vm0, v7, v1  }
0x2c7: {  	vm1 =	vlt.s32 v32, $0x3E;
	v7 =	vor.u32 v0, v9;
	v9 =	vadd.s32 $0x1, v1  }
0x2c8: {  	vm0 =	vgt.s32 v1, v8;
	v10 =	vnsel vm1, $0x3E, v32;
	vm1 =	vlt.s32 v9, $0x3E  }
0x2c9: {  	v12 =	vsel vm0, v1, v8;
	v8 =	vshll.u32 v10, $0x4;
	v10 =	vnsel vm1, $0x3E, v9  }
0x2ca: {  	v15 =	vadd.s32 $0x1, v12;
	v37 =	vor.u32 v0, v8;
	v8 =	vshll.u32 v10, $0x4  }
0x2cb: {  	vm0 =	vlt.s32 v15, $0x3E;
	v10 =	vshll.u32 v1, $0x4;
	v16 =	vor.u32 v0, v8  }
0x2cc: {  	v54 =	vshll.u32 v12, $0x4;
	v21 =	vld.idx.msk [tilespmem:v38+s30+$0x0], $0xffff;
	v18 =	vnsel vm0, $0x3E, v15;
	v10 =	vor.u32 v0, v10  }
0x2cd: {  	v40 =	vor.u32 v0, v54;
	v8 =	vld.idx.msk [tilespmem:v35+s30+$0x0], $0xffff;
	v18 =	vshll.u32 v18, $0x4  }
0x2ce: {  	v36 =	vld.idx.msk [tilespmem:v7+s30+$0x0], $0xffff;
	v18 =	vor.u32 v0, v18  }
0x2cf: {  	v55 =	vld.idx.msk [tilespmem:v37+s30+$0x0], $0xffff  }
0x2d0: {  	v58 =	vld.idx.msk [tilespmem:v16+s0+$0x0], $0xffff  }
0x2d1: {  	v60 =	vld.idx.msk [tilespmem:v10+s0+$0x0], $0xffff  }
0x2d2: {  	v63 =	vld.idx.msk [tilespmem:v40+s0+$0x0], $0xffff  }
0x2d3: {  	v21 =	vsub.f32 v21, v8;
	v61 =	vld.idx.msk [tilespmem:v18+s0+$0x0], $0xffff;
	_ =	sdelay $0x1  }
0x2d4: {  	vm0 =	vlt.f32 v21, v25;
	v45 =	vsub.f32 v55, v36  }
0x2d5: {  	v21 =	vsel vm0, v13, v21;
	v46 =	vsub.f32 v58, v60  }
0x2d6: {  	(erf) = vrcp.f32 v21;
	vm0 =	vlt.f32 v45, v25  }
0x2d7: {  	v21 =	vsel vm0, v13, v45;
	vm0 =	vlt.f32 v46, v24;
	v48 =	vsub.f32 v61, v63  }
0x2d8: {  	(erf) = vrcp.f32 v21;
	v21 =	vsel vm0, v62, v46  }
0x2d9: {  	vm0 =	vlt.f32 v48, v24;
	(erf) = vrcp.f32 v21  }
0x2da: {  	v21 =	vsel vm0, v62, v48  }
0x2db: {  	(erf) = vrcp.f32 v21;
	_ =	sdelay $0x1  }
0x2dc: {  	v16 =	vld.idx.msk [tilespmem:v16+s2+$0x0], $0xffff  }
0x2dd: {  	v10 =	vld.idx.msk [tilespmem:v10+s2+$0x0], $0xffff  }
0x2de: {  	v1 =	vadd.s32 v59, v1;
	v18 =	vld.idx.msk [tilespmem:v18+s2+$0x0], $0xffff;
	v21 =	vmul.f32 s11, v62  }
0x2df: {  	v56 =	vmov v3;
	v24 =	vld.idx.msk [tilespmem:v40+s2+$0x0], $0xffff;
	v40 =	vpop (erf)  }
0x2e0: {  	v3 =	vmul.f32 s8, v62;
	v12 =	vadd.s32 v59, v12;
	v21 =	vsub.f32 v21, v60;
	v45 =	vpop (erf)  }
0x2e1: {  	v50 =	vpop (erf)  }
0x2e2: {  	v3 =	vsub.f32 v3, v63;
	v16 =	vsub.f32 v16, v10;
	v21 =	vmul.f32 v50, v21  }
0x2e3: {  	v1 =	vld.idx.msk [tilespmem:v1+s14+$0x0], $0xffff;
	v51 =	vpop (erf)  }
0x2e4: {  	v18 =	vsub.f32 v18, v24;
	v16 =	vmul.f32 v21, v16;
	v3 =	vmul.f32 v51, v3  }
0x2e5: {  	v12 =	vld.idx.msk [tilespmem:v12+s14+$0x0], $0xffff  }
0x2e6: {  	v10 =	vadd.f32 v16, v10;
	v3 =	vmul.f32 v3, v18;
	_ =	sdelay $0x1  }
0x2e7: {  	vm0 =	vle.f32 v1, v10;
	v1 =	vadd.f32 v3, v24  }
0x2e8: {  	v9 =	vadd.s32 s9, v9;
	v15 =	vadd.s32 s17, v15;
	v16 =	vsel vm0, $0x1, v2  }
0x2e9: {  	v60 =	vor.u32 $0x1000, v11;
	v9 =	vadd.s32 v16, v9;
	vm0 =	vle.f32 v12, v1  }
0x2ea: {  	v12 =	vadd.s32 v60, v9;
	v9 =	vshll.u32 v9, $0x4;
	v16 =	vsel vm0, $0x1, v2  }
0x2eb: {  	v9 =	vor.u32 v0, v9;
	v15 =	vadd.s32 v16, v15  }
0x2ec: {  	v16 =	vshll.u32 v15, $0x4;
	v15 =	vadd.s32 v60, v15  }
0x2ed: {  	v16 =	vor.u32 v0, v16;
	_ =	sdelay $0x1  }
0x2ee: {  	[tilespmem:v12+s23+$0x0] =	vst.idx.msk $0xffff, v10  }
0x2ef: {  	s7 =	sadd.s32 $0x20, s7;
	[tilespmem:v9+s16+$0x0] =	vst.idx.msk $0xffff, v19  }
0x2f0: {  	v9 =	vld [tilespmem:s7+$0xFFFFFFF0];
	[tilespmem:v15+s23+$0x0] =	vst.idx.msk $0xffff, v1  }
0x2f1: {  	[tilespmem:v16+s16+$0x0] =	vst.idx.msk $0xffff, v19  }
0x2f2: {  	v1 =	vld [tilespmem:s7+$0x0];
	_ =	sdelay $0x2  }
0x2f3: {  	vm0 =	vgt.s32 v34, v9  }
0x2f4: {  	v10 =	vmul.f32 s4, v13;
	v9 =	vsel vm0, v34, v9  }
0x2f5: {  	v18 =	vld.idx.msk [tilespmem:v41+s3+$0x0], $0xffff;
	v15 =	vadd.s32 v5, v42;
	v12 =	vadd.s32 $0x1, v9;
	vm0 =	vgt.s32 v9, v1  }
0x2f6: {  	v10 =	vsub.f32 v10, v29;
	v16 =	vld.idx.msk [tilespmem:v44+s3+$0x0], $0xffff;
	vm1 =	vlt.s32 v12, $0x3E;
	v1 =	vsel vm0, v9, v1  }
0x2f7: {  	v21 =	vshll.u32 v9, $0x4;
	v24 =	vnsel vm1, $0x3E, v12;
	v52 =	vadd.s32 $0x1, v1  }
0x2f8: {  	v21 =	vor.u32 v0, v21;
	v24 =	vshll.u32 v24, $0x4;
	vm0 =	vlt.s32 v52, $0x3E  }
0x2f9: {  	v20 =	vld.idx.msk [tilespmem:v20+s3+$0x0], $0xffff;
	v53 =	vshll.u32 v1, $0x4;
	v24 =	vor.u32 v0, v24;
	v54 =	vnsel vm0, $0x3E, v52  }
0x2fa: {  	v55 =	vld.idx.msk [tilespmem:v43+s3+$0x0], $0xffff;
	v61 =	vmul.f32 s1, v13;
	v29 =	vor.u32 v0, v53;
	v58 =	vshll.u32 v54, $0x4  }
0x2fb: {  	v35 =	vld.idx.msk [tilespmem:v35+s3+$0x0], $0xffff;
	v10 =	vmul.f32 v30, v10;
	v16 =	vsub.f32 v16, v18;
	v42 =	vor.u32 v0, v58  }
0x2fc: {  	v15 =	vld.idx.msk [tilespmem:v15+s14+$0x0], $0xffff  }
0x2fd: {  	v28 =	vadd.s32 v5, v28;
	v10 =	vmul.f32 v10, v16;
	v16 =	vsub.f32 v61, v22;
	v30 =	vld.idx.msk [tilespmem:v21+s30+$0x0], $0xffff  }
0x2fe: {  	v22 =	vld.idx.msk [tilespmem:v24+s30+$0x0], $0xffff  }
0x2ff: {  	v10 =	vadd.f32 v10, v18;
	v18 =	vsub.f32 v20, v55;
	v16 =	vmul.f32 v23, v16;
	v62 =	vld.idx.msk [tilespmem:v29+s30+$0x0], $0xffff  }
0x300: {  	v20 =	vld.idx.msk [tilespmem:v42+s30+$0x0], $0xffff  }
0x301: {  	v63 =	vmul.f32 s5, v13;
	vm0 =	vle.f32 v15, v10;
	v15 =	vmul.f32 v16, v18;
	v16 =	vld.idx.msk [tilespmem:v38+s3+$0x0], $0xffff  }
0x302: {  	v33 =	vadd.s32 s19, v33;
	v17 =	vmul.f32 s8, v13;
	v6 =	vadd.s32 v5, v6;
	v28 =	vld.idx.msk [tilespmem:v28+s14+$0x0], $0xffff  }
0x303: {  	v49 =	vadd.s32 v5, v34;
	v8 =	vsub.f32 v63, v8;
	v22 =	vsub.f32 v22, v30  }
0x304: {  	v48 =	vmul.f32 s13, v13;
	v18 =	vor.u32 $0x1800, v27;
	v27 =	vsel vm0, $0x1, v2  }
0x305: {  	v7 =	vld.idx.msk [tilespmem:v7+s3+$0x0], $0xffff;
	v15 =	vadd.f32 v15, v55;
	vm0 =	vlt.f32 v22, v25;
	v20 =	vsub.f32 v20, v62  }
0x306: {  	v8 =	vmul.f32 v40, v8;
	v21 =	vld.idx.msk [tilespmem:v21+s3+$0x0], $0xffff;
	v16 =	vsub.f32 v16, v35;
	v22 =	vsel vm0, v13, v22  }
0x307: {  	vm0 =	vle.f32 v28, v15;
	v28 =	vld.idx.msk [tilespmem:v37+s3+$0x0], $0xffff;
	(erf) = vrcp.f32 v22;
	vm1 =	vlt.f32 v20, v25  }
0x308: {  	v9 =	vadd.s32 v5, v9;
	v27 =	vadd.s32 v27, v33;
	v24 =	vld.idx.msk [tilespmem:v24+s3+$0x0], $0xffff;
	v20 =	vsel vm1, v13, v20  }
0x309: {  	v6 =	vld.idx.msk [tilespmem:v6+s14+$0x0], $0xffff;
	v8 =	vmul.f32 v8, v16;
	v16 =	vsub.f32 v48, v36;
	(erf) = vrcp.f32 v20  }
0x30a: {  	v1 =	vadd.s32 v5, v1;
	v23 =	vadd.s32 s10, v39;
	v50 =	vadd.s32 v18, v27  }
0x30b: {  	v8 =	vadd.f32 v8, v35;
	v16 =	vmul.f32 v45, v16;
	v25 =	vsel vm0, $0x1, v2  }
0x30c: {  	v22 =	vshll.u32 v27, $0x4;
	v27 =	vld.idx.msk [tilespmem:v29+s3+$0x0], $0xffff;
	v20 =	vadd.s32 v25, v23;
	v25 =	vsub.f32 v28, v7  }
0x30d: {  	v17 =	vsub.f32 v17, v62;
	v24 =	vsub.f32 v24, v21;
	v23 =	vld.idx.msk [tilespmem:v49+s14+$0x0], $0xffff;
	v28 =	vmul.f32 s11, v13  }
0x30e: {  	v29 =	vadd.s32 s6, v32;
	vm0 =	vle.f32 v6, v8;
	v6 =	vmul.f32 v16, v25;
	v16 =	vld.idx.msk [tilespmem:v42+s3+$0x0], $0xffff  }
0x30f: {  	v18 =	vadd.s32 v18, v20;
	v20 =	vshll.u32 v20, $0x4;
	v25 =	vsub.f32 v28, v30  }
0x310: {  	v22 =	vor.u32 v0, v22;
	v20 =	vor.u32 v0, v20;
	v6 =	vadd.f32 v6, v7;
	v7 =	vpop (erf)  }
0x311: {  	v28 =	vsel vm0, $0x1, v2;
	v30 =	vadd.s32 s18, v31;
	v7 =	vmul.f32 v7, v25  }
0x312: {  	v9 =	vld.idx.msk [tilespmem:v9+s14+$0x0], $0xffff;
	v25 =	vor.u32 $0x1800, v26;
	v26 =	vadd.s32 v28, v30;
	vm0 =	vle.f32 v23, v6;
	v23 =	vpop (erf)  }
0x313: {  	v16 =	vsub.f32 v16, v27;
	v7 =	vmul.f32 v7, v24;
	v17 =	vmul.f32 v23, v17  }
0x314: {  	v1 =	vld.idx.msk [tilespmem:v1+s14+$0x0], $0xffff;
	v23 =	vadd.s32 v25, v26;
	v24 =	vshll.u32 v26, $0x4;
	v26 =	vsel vm0, $0x1, v2  }
0x315: {  	v26 =	vadd.s32 v26, v29;
	v7 =	vadd.f32 v7, v21;
	v16 =	vmul.f32 v17, v16  }
0x316: {  	v12 =	vadd.s32 s9, v12;
	[tilespmem:v50+s23+$0x0] =	vst.idx.msk $0xffff, v10;
	v10 =	vor.u32 v0, v24;
	v21 =	vadd.s32 v25, v26  }
0x317: {  	s8 =	simm.s32 $0xA780;
	v17 =	vshll.u32 v26, $0x4;
	vm0 =	vle.f32 v9, v7;
	v9 =	vadd.f32 v16, v27  }
0x318: {  	[tilespmem:v22+s8+$0x0] =	vst.idx.msk $0xffff, v19;
	v24 =	vor.u32 v0, v17;
	v17 =	vor.u32 $0x1800, v11;
	v22 =	vsel vm0, $0x1, v2  }
0x319: {  	[tilespmem:v18+s23+$0x0] =	vst.idx.msk $0xffff, v15;
	v16 =	vadd.s32 s17, v52;
	v12 =	vadd.s32 v22, v12;
	vm0 =	vle.f32 v1, v9  }
0x31a: {  	[tilespmem:v20+s8+$0x0] =	vst.idx.msk $0xffff, v19;
	v1 =	vadd.s32 v17, v12;
	v12 =	vshll.u32 v12, $0x4;
	v15 =	vsel vm0, $0x1, v2  }
0x31b: {  	[tilespmem:v23+s23+$0x0] =	vst.idx.msk $0xffff, v8;
	v8 =	vor.u32 v0, v12;
	v12 =	vadd.s32 v15, v16  }
0x31c: {  	[tilespmem:v10+s8+$0x0] =	vst.idx.msk $0xffff, v19;
	v10 =	vadd.s32 v17, v12;
	v12 =	vshll.u32 v12, $0x4  }
0x31d: {  	[tilespmem:v21+s23+$0x0] =	vst.idx.msk $0xffff, v6;
	v6 =	vor.u32 v0, v12  }
0x31e: {  	[tilespmem:v24+s8+$0x0] =	vst.idx.msk $0xffff, v19  }
0x31f: {  	[tilespmem:v1+s23+$0x0] =	vst.idx.msk $0xffff, v7  }
0x320: {  	[tilespmem:v8+s8+$0x0] =	vst.idx.msk $0xffff, v19  }
0x321: {  	[tilespmem:v10+s23+$0x0] =	vst.idx.msk $0xffff, v9  }
0x322: {  	s10 =	simm.s32 $0x8FA0;
	[tilespmem:v6+s8+$0x0] =	vst.idx.msk $0xffff, v19  }
0x323: {  	v1 =	vld [tilespmem:s10+$0xFFFFFFE0]  }
0x324: {  	v6 =	vld [tilespmem:s10+$0xFFFFFFF0]  }
0x325: {  	v7 =	vld [tilespmem:s10+$0x0];
	_ =	sdelay $0x2  }
0x326: {  	vm0 =	vne.s32 v1, v19  }
0x327: {  	v47 =	vimm.s32 $0x0;
	v3 =	vld [tilespmem:$0x1FFC0];
	vm2 =	vne.s32 v6, v19;
	v1 =	vsel vm0, $0x1, v2  }
0x328: {  	vm1 =	vne.s32 v7, v19;
	v6 =	vsel vm2, $0x1, v2;
	v1 =	vadd.s32 v1, v47  }
0x329: {  	vm3 =	vlt.s32 v47, $0x3F;
	v7 =	vsel vm1, $0x1, v2;
	v6 =	vadd.s32 v6, v1  }
0x32a: {  	v35 =	vnsel vm3, $0x3F, v47;
	vm3 =	vlt.s32 v6, $0x3F;
	v9 =	vadd.s32 v7, v6  }
0x32b: {  	v6 =	vnsel vm3, $0x3F, v6;
	vm3 =	vlt.s32 v9, $0x3F  }
0x32c: {  	v10 =	vld [tilespmem:s10+$0x10];
	v8 =	vadd.s32 v3, v35;
	v12 =	vnsel vm3, $0x3F, v9  }
0x32d: {  	s12 =	simm.s32 $0x3;
	v7 =	vmov s14;
	v12 =	vadd.s32 v3, v12  }
0x32e: {  	s11 =	simm.s32 $0x2;
	v16 =	vmov s12;
	v7 =	vand.u32 $0x7C, v7;
	v6 =	vadd.s32 v3, v6  }
0x32f: {  	v15 =	vmov s11;
	v16 =	vand.u32 $0x7F, v16;
	v7 =	vbroadcast v7, $0x0  }
0x330: {  	s3 =	simm.s32 $0x0;
	v15 =	vand.u32 $0x7E, v15;
	v25 =	vbroadcast v16, $0x0  }
0x331: {  	v36 =	vbroadcast v15, $0x0;
	v8 =	vld.idx.msk [tilespmem:v8+s3+$0x0], $0xffff;
	vm3 =	vne.s32 v10, v19;
	v15 =	vor.u32 v11, v7  }
0x332: {  	v10 =	vor.u32 v11, v25;
	v12 =	vld.idx.msk [tilespmem:v12+s3+$0x0], $0xffff  }
0x333: {  	v16 =	vor.u32 v11, v36;
	v6 =	vld.idx.msk [tilespmem:v6+s3+$0x0], $0xffff;
	_ =	sdelay $0x2  }
0x334: {  	[tilespmem:v15+s23+$0x0] =	vst.idx.msk vm0, v8  }
0x335: {  	s13 =	simm.s32 $0x97A0;
	vm0 =	vlt.s32 v1, $0x3F;
	[tilespmem:v10+s23+$0x0] =	vst.idx.msk vm3, v12  }
0x336: {  	s17 =	simm.s32 $0x5;
	v1 =	vnsel vm0, $0x3F, v1;
	[tilespmem:v16+s23+$0x0] =	vst.idx.msk vm1, v6;
	v10 =	vld [tilespmem:s13+$0x10]  }
0x337: {  	v57 =	vmov v4;
	s16 =	simm.s32 $0x8FE0;
	s18 =	simm.s32 $0x6;
	v22 =	vmov s17;
	s14 =	simm.s32 $0x1;
	v1 =	vadd.s32 v3, v1;
	v4 =	vld [tilespmem:$0x1FFD0]  }
0x338: {  	v22 =	vand.u32 $0x7D, v22;
	v24 =	vmov s18;
	v23 =	vld [tilespmem:s16+$0xFFFFFFF0];
	v8 =	vmov s14  }
0x339: {  	s19 =	simm.s32 $0x4;
	v32 =	vbroadcast v22, $0x0;
	v24 =	vand.u32 $0x7E, v24;
	v27 =	vld [tilespmem:s16+$0x0];
	v8 =	vand.u32 $0x7D, v8  }
0x33a: {  	v22 =	vbroadcast v24, $0x0;
	v24 =	vmov s19;
	v15 =	vld [tilespmem:s13+$0xFFFFFFE0];
	v8 =	vbroadcast v8, $0x0  }
0x33b: {  	v24 =	vand.u32 $0x7C, v24;
	v21 =	vsel vm3, $0x1, v2;
	vm1 =	vne.s32 v10, v19;
	v10 =	vld [tilespmem:s16+$0xFFFFFFE0]  }
0x33c: {  	v9 =	vadd.s32 v21, v9;
	v12 =	vor.u32 v11, v8;
	v1 =	vld.idx.msk [tilespmem:v1+s3+$0x0], $0xffff;
	v16 =	vadd.s32 v4, v35  }
0x33d: {  	v40 =	vbroadcast v24, $0x0;
	vm3 =	vlt.s32 v9, $0x3F  }
0x33e: {  	v26 =	vnsel vm3, $0x3F, v9  }
0x33f: {  	v24 =	vor.u32 v11, v40;
	vm5 =	vne.s32 v27, v19;
	v26 =	vadd.s32 v3, v26  }
0x340: {  	vm3 =	vne.s32 v23, v19;
	vm4 =	vne.s32 v15, v19;
	vm6 =	vne.s32 v10, v19  }
0x341: {  	v15 =	vor.u32 v14, v7;
	v18 =	vsel vm4, $0x1, v2;
	[tilespmem:v12+s23+$0x0] =	vst.idx.msk vm2, v1;
	v10 =	vld.idx.msk [tilespmem:v16+s3+$0x0], $0xffff;
	v1 =	vsel vm6, $0x1, v2  }
0x342: {  	v18 =	vadd.s32 v18, v47;
	v12 =	vld [tilespmem:s13+$0xFFFFFFF0];
	v16 =	vsel vm3, $0x1, v2;
	v1 =	vadd.s32 v1, v9  }
0x343: {  	v6 =	vld [tilespmem:s13+$0x0];
	v23 =	vsel vm5, $0x1, v2;
	vm7 =	vlt.s32 v18, $0x3F;
	v16 =	vadd.s32 v16, v1  }
0x344: {  	v9 =	vld.idx.msk [tilespmem:v26+s3+$0x0], $0xffff;
	v26 =	vnsel vm7, $0x3F, v18;
	vm2 =	vlt.s32 v16, $0x3F;
	v29 =	vadd.s32 v23, v16  }
0x345: {  	v26 =	vadd.s32 v4, v26;
	v16 =	vnsel vm2, $0x3F, v16;
	vm2 =	vlt.s32 v29, $0x3F  }
0x346: {  	s20 =	simm.s32 $0x7;
	[tilespmem:v15+s23+$0x0] =	vst.idx.msk vm4, v10;
	v15 =	vld [tilespmem:s16+$0x10];
	v10 =	vadd.s32 v3, v16;
	v16 =	vnsel vm2, $0x3F, v29  }
0x347: {  	v28 =	vmov s20;
	vm4 =	vne.s32 v12, v19;
	v12 =	vadd.s32 v3, v16  }
0x348: {  	v21 =	vor.u32 v14, v8;
	vm0 =	vne.s32 v6, v19;
	v16 =	vsel vm4, $0x1, v2  }
0x349: {  	v51 =	vsel vm0, $0x1, v2;
	[tilespmem:v24+s23+$0x0] =	vst.idx.msk vm6, v9;
	v9 =	vadd.s32 v16, v18;
	v16 =	vand.u32 $0x7F, v28  }
0x34a: {  	v30 =	vsel vm1, $0x1, v2;
	v28 =	vadd.s32 v51, v9;
	v24 =	vbroadcast v16, $0x0;
	v16 =	vld.idx.msk [tilespmem:v26+s3+$0x0], $0xffff  }
0x34b: {  	v26 =	vadd.s32 v30, v28;
	v30 =	vor.u32 v11, v22;
	vm7 =	vne.s32 v15, v19;
	v10 =	vld.idx.msk [tilespmem:v10+s3+$0x0], $0xffff  }
0x34c: {  	s21 =	simm.s32 $0x9FA0;
	v15 =	vor.u32 v11, v24;
	v12 =	vld.idx.msk [tilespmem:v12+s3+$0x0], $0xffff  }
0x34d: {  	v27 =	vld [tilespmem:s21+$0xFFFFFFE0]  }
0x34e: {  	vm2 =	vlt.s32 v1, $0x3F  }
0x34f: {  	v1 =	vnsel vm2, $0x3F, v1;
	[tilespmem:v21+s23+$0x0] =	vst.idx.msk vm4, v16  }
0x350: {  	v1 =	vadd.s32 v3, v1;
	vm8 =	vlt.s32 v9, $0x3F;
	[tilespmem:v30+s23+$0x0] =	vst.idx.msk vm5, v10  }
0x351: {  	v53 =	vor.u32 v11, v32;
	v38 =	vor.u32 v60, v32;
	v9 =	vnsel vm8, $0x3F, v9;
	[tilespmem:v15+s23+$0x0] =	vst.idx.msk vm7, v12  }
0x352: {  	s22 =	simm.s32 $0x97E0;
	v58 =	vmovc v5;
	v31 =	vor.u32 v14, v36;
	vm2 =	vne.s32 v27, v19;
	v9 =	vadd.s32 v4, v9;
	v5 =	vld [tilespmem:$0x1FFE0]  }
0x353: {  	s25 =	simm.s32 $0x9020;
	v20 =	vor.u32 v17, v8;
	v18 =	vld [tilespmem:s22+$0xFFFFFFE0];
	vm6 =	vlt.s32 v26, $0x3F;
	v54 =	vsel vm2, $0x1, v2  }
0x354: {  	v52 =	vor.u32 v60, v8;
	v51 =	vld [tilespmem:s25+$0x0];
	v8 =	vnsel vm6, $0x3F, v26;
	v16 =	vadd.s32 v54, v47  }
0x355: {  	v6 =	vor.u32 v14, v25;
	v8 =	vadd.s32 v4, v8;
	v1 =	vld.idx.msk [tilespmem:v1+s3+$0x0], $0xffff;
	vm4 =	vlt.s32 v16, $0x3F  }
0x356: {  	v23 =	vor.u32 v17, v32;
	v10 =	vld [tilespmem:s21+$0xFFFFFFF0];
	vm5 =	vlt.s32 v28, $0x3F;
	v34 =	vnsel vm4, $0x3F, v16  }
0x357: {  	vm8 =	vmmov vm0;
	v9 =	vld.idx.msk [tilespmem:v9+s3+$0x0], $0xffff;
	v12 =	vnsel vm5, $0x3F, v28;
	v28 =	vadd.s32 v5, v34  }
0x358: {  	vm0 =	vmmov vm1;
	v27 =	vor.u32 v17, v7;
	v7 =	vor.u32 v60, v7;
	v30 =	vld [tilespmem:s22+$0x0]  }
0x359: {  	s28 =	simm.s32 $0xB;
	v33 =	vor.u32 v14, v24;
	vm6 =	vne.s32 v18, v19;
	v15 =	vsel vm7, $0x1, v2;
	v55 =	vld [tilespmem:s22+$0x10]  }
0x35a: {  	v63 =	vmov s28;
	v12 =	vadd.s32 v4, v12;
	v15 =	vadd.s32 v15, v29;
	v29 =	vld.idx.msk [tilespmem:v8+s3+$0x0], $0xffff;
	[tilespmem:v53+s23+$0x0] =	vst.idx.msk vm3, v1  }
0x35b: {  	v21 =	vor.u32 v14, v40;
	v18 =	vsel vm6, $0x1, v2;
	v61 =	vld [tilespmem:s22+$0xFFFFFFF0];
	vm1 =	vne.s32 v10, v19  }
0x35c: {  	s24 =	simm.s32 $0x9;
	vm9 =	vne.s32 v51, v19;
	v8 =	vor.u32 v14, v32;
	v10 =	vadd.s32 v18, v26;
	v18 =	vld.idx.msk [tilespmem:v28+s3+$0x0], $0xffff  }
0x35d: {  	v32 =	vor.u32 v17, v40;
	v26 =	vmov s24;
	vm5 =	vne.s32 v30, v19;
	v30 =	vld [tilespmem:s25+$0xFFFFFFF0]  }
0x35e: {  	[tilespmem:v31+s23+$0x0] =	vst.idx.msk vm8, v9;
	v31 =	vsel vm9, $0x1, v2;
	vm3 =	vlt.s32 v10, $0x3F;
	v1 =	vadd.s32 v5, v35  }
0x35f: {  	s26 =	simm.s32 $0xA;
	v26 =	vand.u32 $0x7D, v26;
	v34 =	vor.u32 v14, v22;
	vm4 =	vne.s32 v55, v19;
	v12 =	vld.idx.msk [tilespmem:v12+s3+$0x0], $0xffff  }
0x360: {  	[tilespmem:v21+s23+$0x0] =	vst.idx.msk vm6, v29;
	v21 =	vmov s26;
	v48 =	vnsel vm3, $0x3F, v10;
	vm3 =	vlt.s32 v15, $0x3F  }
0x361: {  	v21 =	vand.u32 $0x7E, v21;
	v49 =	vnsel vm3, $0x3F, v15;
	v50 =	vsel vm4, $0x1, v2;
	[tilespmem:v52+s23+$0x0] =	vst.idx.msk vm1, v18;
	v18 =	vld [tilespmem:s25+$0xFFFFFFE0]  }
0x362: {  	s31 =	simm.s32 $0x8;
	vm7 =	vne.s32 v61, v19;
	v37 =	vadd.s32 v3, v49;
	vm6 =	vne.s32 v30, v19  }
0x363: {  	v30 =	vmov s31;
	v28 =	vbroadcast v21, $0x0;
	v21 =	vsel vm1, $0x1, v2;
	v1 =	vld.idx.msk [tilespmem:v1+s3+$0x0], $0xffff  }
0x364: {  	v53 =	vsel vm6, $0x1, v2;
	v30 =	vand.u32 $0x7C, v30;
	[tilespmem:v6+s23+$0x0] =	vst.idx.msk vm0, v12;
	v6 =	vsel vm7, $0x1, v2  }
0x365: {  	s1 =	simm.s32 $0xA7A0;
	v12 =	vsel vm5, $0x1, v2;
	v16 =	vadd.s32 v21, v16;
	v30 =	vbroadcast v30, $0x0  }
0x366: {  	v6 =	vadd.s32 v6, v10;
	vm3 =	vlt.s32 v16, $0x3F;
	v21 =	vld [tilespmem:s1+$0xFFFFFFF0];
	vm11 =	vne.s32 v18, v19  }
0x367: {  	s4 =	simm.s32 $0x9FE0;
	v12 =	vadd.s32 v12, v6;
	v55 =	vor.u32 v11, v30;
	v61 =	vsel vm11, $0x1, v2  }
0x368: {  	v62 =	vld [tilespmem:s4+$0xFFFFFFE0];
	v42 =	vadd.s32 v50, v12;
	v52 =	vnsel vm3, $0x3F, v16;
	[tilespmem:v7+s23+$0x0] =	vst.idx.msk vm2, v1;
	v15 =	vadd.s32 v61, v15  }
0x369: {  	v7 =	vld [tilespmem:s1+$0xFFFFFFE0];
	v39 =	vadd.s32 v5, v52;
	vm2 =	vlt.s32 v15, $0x3F;
	v1 =	vadd.s32 v53, v15  }
0x36a: {  	v37 =	vld.idx.msk [tilespmem:v37+s3+$0x0], $0xffff;
	v18 =	vadd.s32 v4, v48;
	v9 =	vnsel vm2, $0x3F, v15;
	vm2 =	vlt.s32 v1, $0x3F  }
0x36b: {  	vm0 =	vne.s32 v21, v19;
	v21 =	vld [tilespmem:s21+$0x0];
	v15 =	vnsel vm2, $0x3F, v1;
	v1 =	vadd.s32 v31, v1  }
0x36c: {  	vm13 =	vlt.s32 v12, $0x3F;
	v31 =	vand.u32 $0x7F, v63;
	v63 =	vld [tilespmem:s25+$0x10];
	vm2 =	vlt.s32 v1, $0x3F  }
0x36d: {  	v54 =	vld [tilespmem:s21+$0x10];
	vm1 =	vne.s32 v62, v19;
	v15 =	vadd.s32 v3, v15;
	v62 =	vnsel vm2, $0x3F, v1  }
0x36e: {  	v12 =	vnsel vm13, $0x3F, v12;
	vm2 =	vne.s32 v7, v19;
	v7 =	vadd.s32 v3, v62  }
0x36f: {  	v29 =	vbroadcast v26, $0x0;
	v10 =	vor.u32 v60, v36;
	v44 =	vadd.s32 v4, v12;
	v12 =	vld.idx.msk [tilespmem:v39+s3+$0x0], $0xffff  }
0x370: {  	s8 =	simm.s32 $0x9820;
	v45 =	vor.u32 v11, v28;
	v18 =	vld.idx.msk [tilespmem:v18+s3+$0x0], $0xffff;
	[tilespmem:v55+s23+$0x0] =	vst.idx.msk vm11, v37;
	vm11 =	vne.s32 v21, v19  }
0x371: {  	vm8 =	vlt.s32 v42, $0x3F;
	v31 =	vbroadcast v31, $0x0;
	v37 =	vld [tilespmem:s8+$0xFFFFFFE0];
	vm12 =	vne.s32 v63, v19  }
0x372: {  	vm3 =	vne.s32 v54, v19;
	v53 =	vnsel vm8, $0x3F, v42;
	v15 =	vld.idx.msk [tilespmem:v15+s3+$0x0], $0xffff;
	v62 =	vsel vm12, $0x1, v2  }
0x373: {  	v54 =	vadd.s32 v4, v53;
	v63 =	vor.u32 v11, v31;
	v41 =	vadd.s32 v62, v1;
	v1 =	vld.idx.msk [tilespmem:v7+s3+$0x0], $0xffff  }
0x374: {  	v26 =	vor.u32 v17, v29;
	v48 =	vor.u32 v14, v30;
	v39 =	vor.u32 v14, v28  }
0x375: {  	v9 =	vadd.s32 v3, v9;
	v21 =	vor.u32 v11, v29;
	v52 =	vsel vm11, $0x1, v2;
	[tilespmem:v8+s23+$0x0] =	vst.idx.msk vm7, v18  }
0x376: {  	v55 =	vsel vm3, $0x1, v2;
	v16 =	vadd.s32 v52, v16;
	v8 =	vsel vm2, $0x1, v2;
	[tilespmem:v10+s23+$0x0] =	vst.idx.msk vm11, v12  }
0x377: {  	vm10 =	vlt.s32 v6, $0x3F;
	v49 =	vadd.s32 v55, v16;
	v8 =	vadd.s32 v8, v47;
	[tilespmem:v45+s23+$0x0] =	vst.idx.msk vm9, v15  }
0x378: {  	v52 =	vld.idx.msk [tilespmem:v54+s3+$0x0], $0xffff;
	vm8 =	vne.s32 v37, v19;
	v7 =	vnsel vm10, $0x3F, v6;
	vm10 =	vlt.s32 v16, $0x3F;
	[tilespmem:v63+s23+$0x0] =	vst.idx.msk vm12, v1  }
0x379: {  	v37 =	vor.u32 v14, v29;
	v6 =	vsel vm1, $0x1, v2;
	v16 =	vnsel vm10, $0x3F, v16;
	v55 =	vld [tilespmem:$0x1FFF0]  }
0x37a: {  	v9 =	vld.idx.msk [tilespmem:v9+s3+$0x0], $0xffff;
	v61 =	vsel vm8, $0x1, v2;
	v6 =	vadd.s32 v6, v49;
	v16 =	vadd.s32 v5, v16  }
0x37b: {  	v46 =	vadd.s32 v4, v7;
	v7 =	vsel vm0, $0x1, v2;
	vm7 =	vlt.s32 v6, $0x3F;
	v15 =	vld [tilespmem:s4+$0xFFFFFFF0]  }
0x37c: {  	v18 =	vnsel vm7, $0x3F, v6;
	vm9 =	vmmov vm5;
	vm5 =	vlt.s32 v8, $0x3F;
	v53 =	vld [tilespmem:s8+$0x0]  }
0x37d: {  	v50 =	vadd.s32 v7, v8;
	v12 =	vadd.s32 v5, v18;
	v18 =	vld [tilespmem:s1+$0x0];
	v1 =	vnsel vm5, $0x3F, v8  }
0x37e: {  	vm7 =	vmmov vm4;
	vm4 =	vlt.s32 v49, $0x3F;
	v54 =	vld [tilespmem:s8+$0x10];
	v1 =	vadd.s32 v55, v1  }
0x37f: {  	v45 =	vadd.s32 v61, v42;
	v7 =	vnsel vm4, $0x3F, v49;
	[tilespmem:v21+s23+$0x0] =	vst.idx.msk vm6, v9;
	v47 =	vld.idx.msk [tilespmem:v16+s3+$0x0], $0xffff  }
0x380: {  	s29 =	simm.s32 $0x9780;
	s0 =	simm.s32 $0x77A0;
	s6 =	simm.s32 $0xA020;
	v49 =	vor.u32 v60, v25;
	vm5 =	vlt.s32 v50, $0x3F;
	[tilespmem:v48+s23+$0x0] =	vst.idx.msk vm8, v52;
	v9 =	vld [tilespmem:s8+$0xFFFFFFF0];
	v43 =	vadd.s32 v55, v35  }
0x381: {  	s5 =	simm.s32 $0xA820;
	s2 =	simm.s32 $0x9F80;
	s7 =	simm.s32 $0xA7E0;
	v10 =	vadd.s32 v5, v7;
	v7 =	vor.u32 v60, v40;
	v21 =	vor.u32 v17, v36;
	v8 =	vld [tilespmem:s6+$0xFFFFFFE0]  }
0x382: {  	s9 =	simm.s32 $0x9060;
	s30 =	simm.s32 $0x67E0;
	s11 =	simm.s32 $0xC;
	v16 =	vnsel vm5, $0x3F, v50;
	vm8 =	vne.s32 v15, v19;
	v48 =	vld.idx.msk [tilespmem:v12+s3+$0x0], $0xffff;
	vm5 =	vne.s32 v18, v19  }
0x383: {  	s24 =	simm.s32 $0x7B90;
	s26 =	simm.s32 $0x73B0;
	s25 =	simm.s32 $0x63F0;
	vm6 =	vne.s32 v53, v19;
	v35 =	vadd.s32 v55, v16;
	vm4 =	vne.s32 v54, v19;
	v42 =	vld.idx.msk [tilespmem:v1+s3+$0x0], $0xffff  }
.LBB2_13:
0x384: {  	s12 =	sadd.s32 $0x1, s11  }
0x385: {  	s13 =	sadd.s32 $0x2, s11;
	vm10 =	vlt.s32 v45, $0x3F;
	v1 =	vor.u32 v14, v31;
	v12 =	vld.idx.msk [tilespmem:v43+s3+$0x0], $0xffff;
	v15 =	vsel vm5, $0x1, v2;
	v40 =	vmovc v28;
	v36 =	vmovc v30;
	s14 =	smov.u32 s11;
	s10 =	sadd.s32 $0x4, s11  }
0x386: {  	p0 =	slt.u32 s11, $0x7C;
	v16 =	vmov s12;
	v18 =	vmov s13;
	v30 =	vld.idx.msk [tilespmem:v46+s3+$0x0], $0xffff;
	v15 =	vadd.s32 v15, v50;
	[tilespmem:v49+s23+$0x0] =	vst.idx.msk vm3, v47  }
0x387: {  	v16 =	vand.u32 $0x7D, v16;
	v18 =	vand.u32 $0x7E, v18;
	v10 =	vld.idx.msk [tilespmem:v10+s3+$0x0], $0xffff;
	vm3 =	vlt.s32 v15, $0x3F  }
0x388: {  	s11 =	sadd.s32 $0x3, s14;
	v43 =	vld [tilespmem:s9+$0xFFFFFFF0];
	v16 =	vbroadcast v16, $0x0;
	v28 =	vbroadcast v18, $0x0;
	v18 =	vsel vm8, $0x1, v2  }
0x389: {  	v47 =	vnsel vm10, $0x3F, v45;
	v46 =	vmov s11;
	[tilespmem:v38+s23+$0x0] =	vst.idx.msk vm8, v48;
	v38 =	vld.idx.msk [tilespmem:v44+s3+$0x0], $0xffff;
	v44 =	vnsel vm3, $0x3F, v15  }
0x38a: {  	vm3 =	vlt.s32 v41, $0x3F;
	v48 =	vor.u32 v17, v16;
	v49 =	vld [tilespmem:s7+$0xFFFFFFF0];
	[tilespmem:v20+s23+$0x0] =	vst.idx.msk vm0, v42;
	v42 =	vadd.s32 v55, v44  }
0x38b: {  	v51 =	vsel vm4, $0x1, v2;
	v6 =	vadd.s32 v18, v6;
	v50 =	vnsel vm3, $0x3F, v41;
	v20 =	vmovc v23;
	v44 =	vld [tilespmem:s9+$0xFFFFFFE0];
	[tilespmem:v27+s23+$0x0] =	vst.idx.msk vm2, v12  }
0x38c: {  	vm0 =	vlt.s32 v6, $0x3F;
	v12 =	vadd.s32 v3, v50;
	v50 =	vor.u32 v17, v25;
	[tilespmem:v34+s23+$0x0] =	vst.idx.msk vm9, v30;
	v18 =	vld [tilespmem:s1+$0x10];
	s1 =	smov.u32 s7;
	s7 =	smov.u32 s5  }
0x38d: {  	vm8 =	vne.s32 v43, v19;
	v43 =	vld [tilespmem:s9+$0x0];
	[tilespmem:v7+s23+$0x0] =	vst.idx.msk vm1, v10;
	vm1 =	vne.s32 v8, v19;
	v7 =	vnsel vm0, $0x3F, v6  }
0x38e: {  	v23 =	vmovc v26;
	v26 =	vmovc v48;
	vm9 =	vne.s32 v9, v19;
	v8 =	vmov s14;
	v10 =	vsel vm8, $0x1, v2;
	v9 =	vld.idx.msk [tilespmem:v35+s3+$0x0], $0xffff  }
0x38f: {  	v13 =	vsel vm9, $0x1, v2;
	v8 =	vand.u32 $0x7C, v8;
	v35 =	vsel vm6, $0x1, v2;
	[tilespmem:v33+s23+$0x0] =	vst.idx.msk vm7, v38;
	v38 =	vld.idx.msk [tilespmem:v42+s3+$0x0], $0xffff;
	v33 =	vmovc v1  }
0x390: {  	v25 =	vmovc v24;
	v24 =	vmovc v31;
	v30 =	vbroadcast v8, $0x0;
	v1 =	vadd.s32 v13, v45;
	v8 =	vor.u32 v60, v22;
	v42 =	vld [tilespmem:s4+$0x10]  }
0x391: {  	vm11 =	vne.s32 v44, v19;
	v44 =	vadd.s32 v4, v47;
	v12 =	vld.idx.msk [tilespmem:v12+s3+$0x0], $0xffff;
	vm2 =	vne.s32 v18, v19  }
0x392: {  	v27 =	vmovc v32;
	v34 =	vmovc v39;
	v18 =	vor.u32 v11, v30;
	v31 =	vsel vm11, $0x1, v2;
	v45 =	vld [tilespmem:s1+$0xFFFFFFE0];
	v47 =	vsel vm2, $0x1, v2  }
0x393: {  	vm0 =	vne.s32 v49, v19;
	v31 =	vadd.s32 v31, v41;
	vm7 =	vne.s32 v43, v19  }
0x394: {  	vm10 =	vlt.s32 v1, $0x3F;
	vm3 =	vlt.s32 v31, $0x3F;
	v10 =	vadd.s32 v10, v31;
	[tilespmem:v21+s23+$0x0] =	vst.idx.msk vm5, v9  }
0x395: {  	v9 =	vnsel vm3, $0x3F, v31;
	vm5 =	vlt.s32 v10, $0x3F;
	vm3 =	vne.s32 v42, v19  }
0x396: {  	v35 =	vadd.s32 v35, v1;
	v9 =	vadd.s32 v3, v9;
	v21 =	vnsel vm5, $0x3F, v10;
	v32 =	vld [tilespmem:s4+$0x0];
	s4 =	smov.u32 s6  }
0x397: {  	s8 =	sadd.s32 $0x40, s8;
	v42 =	vadd.s32 v51, v35;
	[tilespmem:v18+s23+$0x0] =	vst.idx.msk vm11, v12;
	v12 =	vadd.s32 v3, v21;
	v18 =	vsel vm7, $0x1, v2  }
0x398: {  	v15 =	vadd.s32 v47, v15;
	v10 =	vadd.s32 v18, v10;
	v18 =	vand.u32 $0x7F, v46;
	[tilespmem:v50+s23+$0x0] =	vst.idx.msk vm2, v38  }
0x399: {  	v7 =	vadd.s32 v5, v7;
	v21 =	vld [tilespmem:s8+$0xFFFFFFE0];
	vm2 =	vlt.s32 v10, $0x3F;
	v31 =	vbroadcast v18, $0x0  }
0x39a: {  	v38 =	vor.u32 v60, v29;
	v29 =	vmovc v16;
	v18 =	vld [tilespmem:s9+$0x10];
	v39 =	vnsel vm2, $0x3F, v10;
	vm2 =	vne.s32 v45, v19  }
0x39b: {  	vm11 =	vlt.s32 v42, $0x3F;
	v16 =	vadd.s32 v3, v39;
	v39 =	vld.idx.msk [tilespmem:v44+s3+$0x0], $0xffff;
	vm5 =	vne.s32 v32, v19  }
0x39c: {  	v43 =	vor.u32 v11, v29;
	v32 =	vor.u32 v17, v36;
	v12 =	vld.idx.msk [tilespmem:v12+s3+$0x0], $0xffff;
	v41 =	vsel vm5, $0x1, v2  }
0x39d: {  	v45 =	vor.u32 v11, v28;
	v44 =	vnsel vm11, $0x3F, v42;
	v46 =	vadd.s32 v41, v6  }
0x39e: {  	v47 =	vor.u32 v14, v30;
	v6 =	vadd.s32 v4, v44;
	v41 =	vsel vm3, $0x1, v2  }
0x39f: {  	vm13 =	vlt.s32 v35, $0x3F;
	vm11 =	vne.s32 v21, v19;
	v21 =	vadd.s32 v41, v46  }
0x3a0: {  	v51 =	vsel vm11, $0x1, v2;
	vm12 =	vne.s32 v18, v19;
	v18 =	vnsel vm13, $0x3F, v35  }
0x3a1: {  	v35 =	vor.u32 v11, v31;
	v41 =	vsel vm12, $0x1, v2;
	v44 =	vadd.s32 v4, v18;
	v7 =	vld.idx.msk [tilespmem:v7+s3+$0x0], $0xffff  }
0x3a2: {  	v1 =	vnsel vm10, $0x3F, v1;
	v41 =	vadd.s32 v41, v10;
	v16 =	vld.idx.msk [tilespmem:v16+s3+$0x0], $0xffff;
	[tilespmem:v37+s23+$0x0] =	vst.idx.msk vm9, v39;
	vm9 =	vlt.s32 v46, $0x3F  }
0x3a3: {  	s6 =	sadd.s32 $0x40, s6;
	v39 =	vor.u32 v14, v28;
	v10 =	vld.idx.msk [tilespmem:v6+s3+$0x0], $0xffff;
	[tilespmem:v45+s23+$0x0] =	vst.idx.msk vm7, v12;
	v6 =	vsel vm1, $0x1, v2;
	v12 =	vsel vm2, $0x1, v2  }
0x3a4: {  	v37 =	vor.u32 v14, v29;
	v18 =	vnsel vm9, $0x3F, v46;
	v9 =	vld.idx.msk [tilespmem:v9+s3+$0x0], $0xffff;
	v6 =	vadd.s32 v6, v21  }
0x3a5: {  	v12 =	vadd.s32 v12, v15;
	v18 =	vadd.s32 v5, v18;
	v45 =	vld [tilespmem:s4+$0xFFFFFFF0];
	vm7 =	vlt.s32 v6, $0x3F  }
0x3a6: {  	v46 =	vadd.s32 v4, v1;
	vm9 =	vmmov vm6;
	v52 =	vld [tilespmem:s8+$0x0];
	v48 =	vnsel vm7, $0x3F, v6  }
0x3a7: {  	vm6 =	vlt.s32 v12, $0x3F;
	vm7 =	vmmov vm4;
	v1 =	vadd.s32 v5, v48;
	[tilespmem:v8+s23+$0x0] =	vst.idx.msk vm5, v7  }
0x3a8: {  	vm4 =	vlt.s32 v15, $0x3F;
	v7 =	vnsel vm6, $0x3F, v12;
	v8 =	vsel vm0, $0x1, v2;
	[tilespmem:v35+s23+$0x0] =	vst.idx.msk vm12, v16;
	v16 =	vld [tilespmem:s1+$0x0]  }
0x3a9: {  	v50 =	vadd.s32 v8, v12;
	[tilespmem:v47+s23+$0x0] =	vst.idx.msk vm11, v10;
	v53 =	vld [tilespmem:s8+$0x10];
	v10 =	vnsel vm4, $0x3F, v15;
	v15 =	vadd.s32 v55, v7  }
.Ltmp5:
0x3aa: {  	vm4 =	vlt.s32 v21, $0x3F;
	vm5 =	vlt.s32 v50, $0x3F;
	[tilespmem:v43+s23+$0x0] =	vst.idx.msk vm8, v9;
	v43 =	vadd.s32 v55, v10;
	v47 =	vld.idx.msk [tilespmem:v18+s3+$0x0], $0xffff;
	(pc) =	sbr.rel @p0 .LBB2_13-.Ltmp5, $4  }
0x3ab: {  	v49 =	vor.u32 v60, v25;
	v7 =	vnsel vm4, $0x3F, v21;
	v12 =	vnsel vm5, $0x3F, v50;
	v9 =	vld [tilespmem:s8+$0xFFFFFFF0]  }
0x3ac: {  	v21 =	vor.u32 v17, v22;
	v22 =	vmovc v40;
	v10 =	vadd.s32 v5, v7;
	v35 =	vadd.s32 v55, v12;
	v8 =	vld [tilespmem:s6+$0xFFFFFFE0]  }
0x3ad: {  	vm8 =	vne.s32 v45, v19;
	v7 =	vor.u32 v60, v36;
	v48 =	vld.idx.msk [tilespmem:v1+s3+$0x0], $0xffff;
	vm5 =	vne.s32 v16, v19  }
0x3ae: {  	s11 =	smov.u32 s10;
	s5 =	sadd.s32 $0x40, s5;
	s9 =	sadd.s32 $0x40, s9;
	v45 =	vadd.s32 v51, v42;
	vm6 =	vne.s32 v52, v19;
	vm4 =	vne.s32 v53, v19;
	v42 =	vld.idx.msk [tilespmem:v15+s3+$0x0], $0xffff  }
0x3af: {  	_ =	sdelay $0x3  }
0x3b0: {  	vm10 =	vlt.s32 v45, $0x3F;
	v1 =	vld.idx.msk [tilespmem:v46+s3+$0x0], $0xffff  }
0x3b1: {  	v12 =	vnsel vm10, $0x3F, v45  }
0x3b2: {  	v15 =	vld.idx.msk [tilespmem:v44+s3+$0x0], $0xffff;
	v12 =	vadd.s32 v4, v12;
	_ =	sdelay $0x2  }
0x3b3: {  	[tilespmem:v34+s23+$0x0] =	vst.idx.msk vm9, v1  }
0x3b4: {  	vm15 =	vne.s32 v9, v19;
	v1 =	vld [tilespmem:s4+$0x0]  }
0x3b5: {  	v41 =	vsel vm8, $0x1, v2;
	v16 =	vsel vm15, $0x1, v2;
	[tilespmem:v33+s23+$0x0] =	vst.idx.msk vm7, v15;
	v12 =	vld.idx.msk [tilespmem:v12+s3+$0x0], $0xffff  }
0x3b6: {  	v36 =	vsel vm6, $0x1, v2;
	v54 =	vor.u32 v60, v24;
	v16 =	vadd.s32 v16, v45;
	v18 =	vld [tilespmem:s4+$0x10]  }
0x3b7: {  	v9 =	vsel vm5, $0x1, v2;
	v6 =	vadd.s32 v41, v6;
	vm13 =	vlt.s32 v16, $0x3F  }
0x3b8: {  	v9 =	vadd.s32 v9, v50;
	vm14 =	vlt.s32 v6, $0x3F;
	v45 =	vnsel vm13, $0x3F, v16  }
0x3b9: {  	vm12 =	vlt.s32 v9, $0x3F;
	vm7 =	vne.s32 v8, v19;
	v8 =	vadd.s32 v4, v45  }
0x3ba: {  	v10 =	vld.idx.msk [tilespmem:v10+s3+$0x0], $0xffff;
	v46 =	vnsel vm14, $0x3F, v6;
	v44 =	vnsel vm12, $0x3F, v9;
	vm12 =	vmmov vm6;
	[tilespmem:v37+s23+$0x0] =	vst.idx.msk vm15, v12  }
0x3bb: {  	v16 =	vadd.s32 v36, v16;
	vm11 =	vne.s32 v1, v19;
	vm9 =	vne.s32 v18, v19;
	v18 =	vld [tilespmem:s6+$0xFFFFFFF0]  }
0x3bc: {  	v33 =	vadd.s32 v5, v46;
	v50 =	vsel vm7, $0x1, v2;
	v12 =	vsel vm11, $0x1, v2  }
0x3bd: {  	v1 =	vor.u32 v60, v22;
	v6 =	vadd.s32 v12, v6;
	v12 =	vsel vm9, $0x1, v2  }
0x3be: {  	[tilespmem:v49+s23+$0x0] =	vst.idx.msk vm3, v47;
	v8 =	vld.idx.msk [tilespmem:v8+s3+$0x0], $0xffff;
	vm15 =	vlt.s32 v16, $0x3F;
	v12 =	vadd.s32 v12, v6;
	vm13 =	vlt.s32 v6, $0x3F  }
0x3bf: {  	v49 =	vld [tilespmem:s1+$0x10];
	[tilespmem:v38+s23+$0x0] =	vst.idx.msk vm8, v48;
	v16 =	vnsel vm15, $0x3F, v16;
	v6 =	vnsel vm13, $0x3F, v6;
	vm14 =	vlt.s32 v12, $0x3F  }
0x3c0: {  	v51 =	vld [tilespmem:s7+$0xFFFFFFF0];
	[tilespmem:v7+s23+$0x0] =	vst.idx.msk vm1, v10;
	v6 =	vadd.s32 v5, v6;
	v7 =	vnsel vm14, $0x3F, v12;
	vm10 =	vne.s32 v18, v19  }
0x3c1: {  	v10 =	vld [tilespmem:s7+$0xFFFFFFE0];
	v12 =	vadd.s32 v50, v12;
	v7 =	vadd.s32 v5, v7;
	v18 =	vsel vm10, $0x1, v2  }
0x3c2: {  	v33 =	vld.idx.msk [tilespmem:v33+s3+$0x0], $0xffff;
	v16 =	vadd.s32 v4, v16;
	vm15 =	vlt.s32 v12, $0x3F;
	v18 =	vadd.s32 v18, v12  }
0x3c3: {  	v29 =	vor.u32 v60, v29;
	[tilespmem:v39+s23+$0x0] =	vst.idx.msk vm12, v8;
	v12 =	vnsel vm15, $0x3F, v12;
	vm8 =	vlt.s32 v18, $0x3F  }
0x3c4: {  	vm6 =	vmmov vm4;
	v52 =	vld [tilespmem:s6+$0x0];
	v8 =	vadd.s32 v5, v12;
	v12 =	vnsel vm8, $0x3F, v18  }
0x3c5: {  	v15 =	vor.u32 v14, v31;
	v34 =	vadd.s32 v55, v44;
	v6 =	vld.idx.msk [tilespmem:v6+s3+$0x0], $0xffff;
	v12 =	vadd.s32 v5, v12  }
0x3c6: {  	vm1 =	vne.s32 v49, v19;
	vm3 =	vne.s32 v10, v19;
	v10 =	vor.u32 v60, v30;
	v7 =	vld.idx.msk [tilespmem:v7+s3+$0x0], $0xffff  }
0x3c7: {  	v53 =	vsel vm1, $0x1, v2;
	vm4 =	vne.s32 v51, v19;
	[tilespmem:v1+s23+$0x0] =	vst.idx.msk vm11, v33;
	v1 =	vld.idx.msk [tilespmem:v16+s3+$0x0], $0xffff  }
0x3c8: {  	v9 =	vadd.s32 v53, v9;
	v63 =	vsel vm4, $0x1, v2;
	v61 =	vsel vm3, $0x1, v2;
	v33 =	vld [tilespmem:s7+$0x0]  }
0x3c9: {  	v16 =	vor.u32 v17, v25;
	v25 =	vadd.s32 v61, v9;
	vm11 =	vne.s32 v52, v19;
	v8 =	vld.idx.msk [tilespmem:v8+s3+$0x0], $0xffff  }
0x3ca: {  	vm12 =	vlt.s32 v9, $0x3F;
	v36 =	vsel vm11, $0x1, v2;
	[tilespmem:v54+s23+$0x0] =	vst.idx.msk vm9, v6;
	v6 =	vor.u32 v60, v28;
	v12 =	vld.idx.msk [tilespmem:v12+s3+$0x0], $0xffff  }
0x3cb: {  	v9 =	vnsel vm12, $0x3F, v9;
	vm8 =	vlt.s32 v25, $0x3F;
	v39 =	vld [tilespmem:s7+$0x10];
	[tilespmem:v10+s23+$0x0] =	vst.idx.msk vm7, v7;
	v7 =	vadd.s32 v36, v18  }
0x3cc: {  	v62 =	vnsel vm8, $0x3F, v25;
	[tilespmem:v15+s23+$0x0] =	vst.idx.msk vm6, v1;
	v15 =	vadd.s32 v63, v25;
	v1 =	vld [tilespmem:s5+$0xFFFFFFE0];
	vm9 =	vlt.s32 v7, $0x3F  }
0x3cd: {  	vm6 =	vne.s32 v33, v19;
	vm12 =	vlt.s32 v15, $0x3F;
	v18 =	vld [tilespmem:s6+$0x10];
	v7 =	vnsel vm9, $0x3F, v7  }
0x3ce: {  	v25 =	vsel vm6, $0x1, v2;
	v10 =	vadd.s32 v55, v62;
	v7 =	vadd.s32 v5, v7;
	[tilespmem:v29+s23+$0x0] =	vst.idx.msk vm10, v8  }
0x3cf: {  	v8 =	vadd.s32 v55, v9;
	v9 =	vnsel vm12, $0x3F, v15;
	v15 =	vadd.s32 v25, v15;
	v25 =	vld [tilespmem:s5+$0xFFFFFFF0];
	[tilespmem:v6+s23+$0x0] =	vst.idx.msk vm11, v12  }
0x3d0: {  	vm13 =	vlt.s32 v15, $0x3F;
	vm7 =	vne.s32 v39, v19;
	v6 =	vadd.s32 v55, v9;
	v9 =	vld [tilespmem:s5+$0x0]  }
0x3d1: {  	v12 =	vnsel vm13, $0x3F, v15;
	v29 =	vsel vm7, $0x1, v2;
	vm8 =	vne.s32 v1, v19  }
0x3d2: {  	vm11 =	vne.s32 v18, v19;
	v1 =	vadd.s32 v29, v15;
	v15 =	vsel vm8, $0x1, v2  }
0x3d3: {  	v18 =	vor.u32 v60, v31;
	v12 =	vadd.s32 v55, v12;
	v15 =	vadd.s32 v15, v1;
	v7 =	vld.idx.msk [tilespmem:v7+s3+$0x0], $0xffff  }
0x3d4: {  	v10 =	vld.idx.msk [tilespmem:v10+s3+$0x0], $0xffff;
	vm12 =	vlt.s32 v1, $0x3F;
	vm10 =	vlt.s32 v15, $0x3F;
	vm9 =	vne.s32 v25, v19  }
0x3d5: {  	v29 =	vld.idx.msk [tilespmem:v43+s3+$0x0], $0xffff;
	v43 =	vnsel vm10, $0x3F, v15;
	v44 =	vsel vm9, $0x1, v2;
	vm10 =	vne.s32 v9, v19  }
0x3d6: {  	v1 =	vnsel vm12, $0x3F, v1;
	v25 =	vld.idx.msk [tilespmem:v35+s3+$0x0], $0xffff;
	v15 =	vadd.s32 v44, v15;
	v45 =	vsel vm10, $0x1, v2  }
0x3d7: {  	v33 =	vadd.s32 v55, v43;
	v9 =	vld.idx.msk [tilespmem:v34+s3+$0x0], $0xffff;
	vm12 =	vlt.s32 v15, $0x3F;
	v34 =	vadd.s32 v45, v15  }
0x3d8: {  	v8 =	vld.idx.msk [tilespmem:v8+s3+$0x0], $0xffff;
	v1 =	vadd.s32 v55, v1;
	[tilespmem:v18+s23+$0x0] =	vst.idx.msk vm11, v7;
	v15 =	vnsel vm12, $0x3F, v15;
	vm14 =	vlt.s32 v34, $0x3F  }
0x3d9: {  	[tilespmem:v20+s23+$0x0] =	vst.idx.msk vm0, v42;
	v18 =	vld [tilespmem:s5+$0x10];
	v7 =	vadd.s32 v55, v15;
	v15 =	vnsel vm14, $0x3F, v34  }
0x3da: {  	v20 =	vor.u32 v17, v22;
	[tilespmem:v23+s23+$0x0] =	vst.idx.msk vm4, v10;
	v6 =	vld.idx.msk [tilespmem:v6+s3+$0x0], $0xffff;
	v15 =	vadd.s32 v55, v15  }
0x3db: {  	v12 =	vld.idx.msk [tilespmem:v12+s3+$0x0], $0xffff;
	[tilespmem:v21+s23+$0x0] =	vst.idx.msk vm5, v25;
	v21 =	vor.u32 v17, v24  }
0x3dc: {  	[tilespmem:v16+s23+$0x0] =	vst.idx.msk vm1, v9;
	v9 =	vld.idx.msk [tilespmem:v33+s3+$0x0], $0xffff  }
0x3dd: {  	[tilespmem:v27+s23+$0x0] =	vst.idx.msk vm2, v29;
	v1 =	vld.idx.msk [tilespmem:v1+s3+$0x0], $0xffff;
	v16 =	vor.u32 v17, v30  }
0x3de: {  	[tilespmem:v32+s23+$0x0] =	vst.idx.msk vm3, v8;
	v8 =	vor.u32 v17, v28;
	vm15 =	vne.s32 v18, v19;
	v7 =	vld.idx.msk [tilespmem:v7+s3+$0x0], $0xffff  }
0x3df: {  	[tilespmem:v20+s23+$0x0] =	vst.idx.msk vm6, v6;
	v6 =	vor.u32 v17, v31;
	v10 =	vld.idx.msk [tilespmem:v15+s3+$0x0], $0xffff  }
0x3e0: {  	[tilespmem:v21+s23+$0x0] =	vst.idx.msk vm7, v12  }
0x3e1: {  	[tilespmem:v26+s23+$0x0] =	vst.idx.msk vm9, v9  }
0x3e2: {  	[tilespmem:v16+s23+$0x0] =	vst.idx.msk vm8, v1  }
0x3e3: {  	[tilespmem:v8+s23+$0x0] =	vst.idx.msk vm10, v7  }
0x3e4: {  	s5 =	rddreg [dreg:$0xc];
	[tilespmem:v6+s23+$0x0] =	vst.idx.msk vm15, v10  }
0x3e5: {  	s28 =	sshll.u32 s5, $0xB;
	s31 =	rddreg [dreg:$0x8]  }
0x3e6: {  	s4 =	simm.s32 $0x2;
	s1 =	sadd.s32 s28, s31  }
0x3e7: {  	[hbm4b:s1+s3] =	stream.linear.scatter [tilespmem:s23], [sflag:$0x5], $0x2000, $0x38;
	[tilespmem:$0xAF80] =	vst v63  }
0x3e8: {  	_ =	swait.ge [sflag:s4], $0x1000  }
0x3e9: {  	[sflag:s4] =	ssyncset.done $0x0  }
0x3ea: {  	s6 =	simm.s32 $0x4;
	[sflag:s4] =	ssyncadd.s32 $0xFFFFF000  }
0x3eb: {  	s8 =	simm.s32 $0x1;
	p0 =	seq.s32 s5, $0xF;
	_ =	swait.ge [sflag:s6], $0x1000  }
0x3ec: {  	s7 =	simm.s32 $0x0;
	s1 =	sshll.u32 @!p0 s5, $0xA;
	s5 =	rddreg [dreg:$0xa]  }
0x3ed: {  	[sflag:s6] =	ssyncset.done $0x0;
	s4 =	rddreg [dreg:$0x3];
	s1 =	sadd.s32 @!p0 s5, s1  }
0x3ee: {  	v1 =	vmov s7;
	[sflag:s6] =	ssyncadd.s32 $0xFFFFF000;
	s5 =	simm.s32 @!p0 $0x0;
	s4 =	sadd.s32 @!p0 s4, s1  }
0x3ef: {  	v1 =	vadd.s32 $0x1, v1;
	[tilespmem:s5], [sflag:$0x1] =	stream.linear.gather @!p0 [hbm4b:s4+s5], $0x1000, $0x38;
	[tilespmem:$0xAF80] =	vst v63  }
0x3f0: {  	v1 =	vand.u32 $0x3F, v1;
	v6 =	vmov s8;
	s4 =	rddreg [dreg:$0x5]  }
0x3f1: {  	v1 =	vbroadcast v1, $0x0;
	v6 =	vadd.s32 $0x1, v6;
	s1 =	sadd.s32 @!p0 s4, s1;
	s4 =	simm.s32 @!p0 $0x2000  }
0x3f2: {  	v26 =	vimm.f32 $0.0e+00;
	v6 =	vand.u32 $0x7E, v6;
	[tilespmem:s4], [sflag:$0x3] =	stream.linear.gather @!p0 [hbm4b:s1+s5], $0x1000, $0x38;
	[tilespmem:$0xAF80] =	vst v63  }
0x3f3: {  	v7 =	vbroadcast v6, $0x0;
	v6 =	vor.u32 v3, v1;
	[tilespmem:$0x6000] =	vst v26  }
0x3f4: {  	[tilespmem:$0x63F0] =	vst v26  }
0x3f5: {  	v8 =	vadd.s32 v3, v7;
	[tilespmem:$0x67E0] =	vst v26  }
0x3f6: {  	[tilespmem:$0x6BD0] =	vst v26  }
0x3f7: {  	s16 =	simm.s32 $0x3000;
	v9 =	vld.idx.msk [tilespmem:v3+s15+$0x0], $0xffff  }
0x3f8: {  	v10 =	vld.idx.msk [tilespmem:v6+s16+$0x0], $0xffff  }
0x3f9: {  	v12 =	vld.idx.msk [tilespmem:v6+s15+$0x0], $0xffff  }
0x3fa: {  	v6 =	vld.idx.msk [tilespmem:v8+s16+$0x0], $0xffff  }
0x3fb: {  	s10 =	simm.s32 $0x2;
	v8 =	vld.idx.msk [tilespmem:v8+s15+$0x0], $0xffff  }
0x3fc: {  	v19 =	vmov s10  }
0x3fd: {  	v19 =	vadd.s32 $0x1, v19;
	v10 =	vadd.f32 $9.999999740e-06, v10  }
0x3fe: {  	s9 =	simm.s32 $0x3;
	v19 =	vand.u32 $0x3F, v19;
	v20 =	vor.u32 v4, v1;
	v9 =	vadd.f32 v12, v9  }
0x3ff: {  	v15 =	vmov s9;
	v18 =	vld.idx.msk [tilespmem:v4+s15+$0x0], $0xffff;
	v21 =	vadd.f32 $9.999999740e-06, v6;
	v10 =	vadd.f32 v10, v26  }
0x400: {  	s11 =	simm.s32 $0x6020;
	v16 =	vadd.s32 v4, v7;
	v22 =	vld.idx.msk [tilespmem:v5+s15+$0x0], $0xffff;
	v12 =	vadd.f32 v8, v12;
	v9 =	vmul.f32 $5.000000000e-01, v9  }
0x401: {  	s12 =	simm.s32 $0x6FD0;
	v31 =	vbroadcast v19, $0x0;
	v15 =	vadd.s32 $0x1, v15;
	v6 =	vld.idx.msk [tilespmem:v55+s15+$0x0], $0xffff;
	[tilespmem:s11+$0xFFFFFFF0] =	vst v10;
	v10 =	vadd.f32 v21, v10  }
0x402: {  	v15 =	vand.u32 $0x7E, v15;
	[tilespmem:s12+$0xFFFFFFF0] =	vst v9;
	v9 =	vmul.f32 $5.000000000e-01, v12  }
0x403: {  	v19 =	vbroadcast v15, $0x0;
	v12 =	vor.u32 v3, v31;
	v15 =	vld.idx.msk [tilespmem:v20+s16+$0x0], $0xffff;
	[tilespmem:s11+$0x0] =	vst v10  }
0x404: {  	v21 =	vld.idx.msk [tilespmem:v20+s15+$0x0], $0xffff;
	[tilespmem:s12+$0x0] =	vst v9  }
0x405: {  	v9 =	vadd.s32 v3, v19;
	v20 =	vld.idx.msk [tilespmem:v16+s16+$0x0], $0xffff  }
0x406: {  	s13 =	simm.s32 $0x5;
	v16 =	vld.idx.msk [tilespmem:v16+s15+$0x0], $0xffff  }
0x407: {  	v23 =	vmov s13  }
0x408: {  	v23 =	vadd.s32 $0x1, v23;
	v24 =	vld.idx.msk [tilespmem:v12+s16+$0x0], $0xffff;
	v15 =	vadd.f32 $9.999999740e-06, v15  }
0x409: {  	v23 =	vand.u32 $0x7E, v23;
	v27 =	vor.u32 v5, v1;
	v12 =	vld.idx.msk [tilespmem:v12+s15+$0x0], $0xffff;
	v18 =	vadd.f32 v21, v18  }
0x40a: {  	v25 =	vadd.s32 v5, v7;
	v28 =	vld.idx.msk [tilespmem:v9+s16+$0x0], $0xffff;
	v15 =	vadd.f32 v15, v26;
	v29 =	vadd.f32 $9.999999740e-06, v20  }
0x40b: {  	s14 =	simm.s32 $0x6410;
	v9 =	vld.idx.msk [tilespmem:v9+s15+$0x0], $0xffff;
	v20 =	vbroadcast v23, $0x0;
	v18 =	vmul.f32 $5.000000000e-01, v18;
	v21 =	vadd.f32 v16, v21  }
0x40c: {  	s17 =	simm.s32 $0x73C0;
	v30 =	vor.u32 v4, v31;
	[tilespmem:s14+$0xFFFFFFF0] =	vst v15;
	v15 =	vadd.f32 v29, v15  }
0x40d: {  	s18 =	simm.s32 $0x4;
	v29 =	vadd.s32 v3, v20;
	v24 =	vadd.f32 $9.999999740e-06, v24;
	[tilespmem:s17+$0xFFFFFFF0] =	vst v18;
	v18 =	vmul.f32 $5.000000000e-01, v21  }
0x40e: {  	v23 =	vadd.s32 v4, v19;
	v8 =	vadd.f32 v12, v8;
	v21 =	vmov s18;
	v46 =	vld.idx.msk [tilespmem:v27+s16+$0x0], $0xffff;
	[tilespmem:s14+$0x0] =	vst v15  }
0x40f: {  	v28 =	vadd.f32 $9.999999740e-06, v28;
	v21 =	vadd.s32 $0x1, v21;
	v10 =	vadd.f32 v24, v10;
	v24 =	vld.idx.msk [tilespmem:v27+s15+$0x0], $0xffff;
	[tilespmem:s17+$0x0] =	vst v18  }
0x410: {  	s19 =	simm.s32 $0x6040;
	v12 =	vadd.f32 v9, v12;
	v8 =	vmul.f32 $5.000000000e-01, v8;
	v18 =	vand.u32 $0x3F, v21;
	v27 =	vld.idx.msk [tilespmem:v25+s16+$0x0], $0xffff  }
0x411: {  	s20 =	simm.s32 $0x6FF0;
	v21 =	vbroadcast v18, $0x0;
	[tilespmem:s19+$0xFFFFFFF0] =	vst v10;
	v10 =	vadd.f32 v28, v10;
	v18 =	vld.idx.msk [tilespmem:v25+s15+$0x0], $0xffff  }
0x412: {  	v47 =	vld.idx.msk [tilespmem:v29+s16+$0x0], $0xffff;
	[tilespmem:s20+$0xFFFFFFF0] =	vst v8;
	v8 =	vmul.f32 $5.000000000e-01, v12  }
0x413: {  	v12 =	vor.u32 v3, v21;
	v25 =	vld.idx.msk [tilespmem:v30+s16+$0x0], $0xffff;
	[tilespmem:s19+$0x0] =	vst v10  }
0x414: {  	s21 =	simm.s32 $0x7;
	v48 =	vld.idx.msk [tilespmem:v30+s15+$0x0], $0xffff;
	v28 =	vadd.f32 $9.999999740e-06, v46;
	[tilespmem:s20+$0x0] =	vst v8  }
0x415: {  	v49 =	vmov s21;
	v1 =	vor.u32 v55, v1;
	v8 =	vadd.f32 v24, v22;
	v30 =	vld.idx.msk [tilespmem:v23+s16+$0x0], $0xffff  }
0x416: {  	v7 =	vadd.s32 v55, v7;
	v23 =	vld.idx.msk [tilespmem:v23+s15+$0x0], $0xffff;
	v28 =	vadd.f32 v28, v26;
	v27 =	vadd.f32 $9.999999740e-06, v27  }
0x417: {  	s22 =	simm.s32 $0x6800;
	v22 =	vld.idx.msk [tilespmem:v29+s15+$0x0], $0xffff;
	v29 =	vadd.s32 $0x1, v49;
	v8 =	vmul.f32 $5.000000000e-01, v8;
	v24 =	vadd.f32 v18, v24  }
0x418: {  	s28 =	simm.s32 $0x77B0;
	v51 =	vld.idx.msk [tilespmem:v12+s16+$0x0], $0xffff;
	[tilespmem:s22+$0xFFFFFFF0] =	vst v28;
	v27 =	vadd.f32 v27, v28;
	v28 =	vand.u32 $0x7E, v29;
	v29 =	vadd.f32 $9.999999740e-06, v25  }
0x419: {  	v52 =	vor.u32 v5, v31;
	v12 =	vld.idx.msk [tilespmem:v12+s15+$0x0], $0xffff;
	v16 =	vadd.f32 v48, v16;
	[tilespmem:s28+$0xFFFFFFF0] =	vst v8;
	v8 =	vmul.f32 $5.000000000e-01, v24  }
0x41a: {  	v50 =	vadd.s32 v5, v19;
	v53 =	vld.idx.msk [tilespmem:v1+s16+$0x0], $0xffff;
	[tilespmem:s22+$0x0] =	vst v27;
	v15 =	vadd.f32 v29, v15;
	v24 =	vadd.f32 $9.999999740e-06, v30  }
0x41b: {  	s31 =	simm.s32 $0x6;
	s6 =	simm.s32 $0x6430;
	v25 =	vbroadcast v28, $0x0;
	v1 =	vld.idx.msk [tilespmem:v1+s15+$0x0], $0xffff;
	[tilespmem:s28+$0x0] =	vst v8;
	v8 =	vmul.f32 $5.000000000e-01, v16;
	v16 =	vadd.f32 v23, v48  }
0x41c: {  	s7 =	simm.s32 $0x73E0;
	v30 =	vadd.s32 v4, v20;
	v29 =	vmov s31;
	v54 =	vld.idx.msk [tilespmem:v7+s16+$0x0], $0xffff;
	[tilespmem:s6+$0xFFFFFFF0] =	vst v15;
	v28 =	vadd.f32 v24, v15  }
0x41d: {  	v33 =	vadd.s32 v3, v25;
	v24 =	vld.idx.msk [tilespmem:v7+s15+$0x0], $0xffff;
	v7 =	vadd.f32 $9.999999740e-06, v51;
	[tilespmem:s7+$0xFFFFFFF0] =	vst v8;
	v8 =	vmul.f32 $5.000000000e-01, v16  }
0x41e: {  	v61 =	vadd.s32 $0x1, v29;
	v15 =	vor.u32 v4, v21;
	v9 =	vadd.f32 v12, v9;
	v40 =	vld.idx.msk [tilespmem:v52+s16+$0x0], $0xffff;
	[tilespmem:s6+$0x0] =	vst v28  }
0x41f: {  	v32 =	vand.u32 $0x3F, v61;
	v16 =	vadd.f32 $9.999999740e-06, v47;
	v29 =	vld.idx.msk [tilespmem:v52+s15+$0x0], $0xffff;
	v7 =	vadd.f32 v7, v10;
	[tilespmem:s7+$0x0] =	vst v8  }
0x420: {  	s11 =	simm.s32 $0x6060;
	v12 =	vadd.f32 v22, v12;
	v10 =	vadd.f32 $9.999999740e-06, v53;
	v62 =	vmul.f32 $5.000000000e-01, v9;
	v8 =	vld.idx.msk [tilespmem:v50+s16+$0x0], $0xffff  }
0x421: {  	s10 =	simm.s32 $0x7010;
	v63 =	vadd.f32 v1, v6;
	v6 =	vbroadcast v32, $0x0;
	v32 =	vld.idx.msk [tilespmem:v50+s15+$0x0], $0xffff;
	[tilespmem:s11+$0xFFFFFFF0] =	vst v7;
	v34 =	vadd.f32 v16, v7  }
0x422: {  	s21 =	simm.s32 $0x6000;
	s13 =	simm.s32 $0x8;
	v12 =	vmul.f32 $5.000000000e-01, v12;
	v9 =	vld.idx.msk [tilespmem:v33+s16+$0x0], $0xffff;
	v16 =	vadd.f32 v10, v26;
	[tilespmem:s10+$0xFFFFFFF0] =	vst v62  }
0x423: {  	s9 =	simm.s32 $0x6820;
	v35 =	vor.u32 v55, v31;
	s8 =	simm.s32 $0x77D0;
	s4 =	simm.s32 $0x6BF0;
	v26 =	vadd.f32 $9.999999740e-06, v54;
	v1 =	vadd.f32 v24, v1;
	v38 =	vld.idx.msk [tilespmem:v15+s16+$0x0], $0xffff;
	[tilespmem:s11+$0x0] =	vst v34  }
0x424: {  	s5 =	simm.s32 $0x7BA0;
	s1 =	simm.s32 $0x7BC0;
	s18 =	simm.s32 $0x7F80;
	v10 =	vor.u32 v3, v6;
	v7 =	vmul.f32 $5.000000000e-01, v63;
	v36 =	vld.idx.msk [tilespmem:v15+s15+$0x0], $0xffff;
	v40 =	vadd.f32 $9.999999740e-06, v40;
	[tilespmem:s10+$0x0] =	vst v12  }
0x425: {  	s19 =	simm.s32 $0x8780;
	s20 =	simm.s32 $0x8B80;
	s22 =	simm.s32 $0x6FC0;
	v26 =	vadd.f32 v26, v16;
	v39 =	vadd.f32 v29, v18;
	[tilespmem:s4+$0xFFFFFFF0] =	vst v16;
	v12 =	vmul.f32 $5.000000000e-01, v1;
	v37 =	vld.idx.msk [tilespmem:v30+s16+$0x0], $0xffff  }
.LBB2_15:
0x426: {  	s14 =	sadd.s32 $0x1, s13;
	v1 =	vld.idx.msk [tilespmem:v30+s15+$0x0], $0xffff;
	v15 =	vadd.f32 v40, v27;
	v8 =	vadd.f32 $9.999999740e-06, v8  }
0x427: {  	v16 =	vadd.s32 v55, v19;
	[tilespmem:s4+$0x0] =	vst v26;
	s4 =	sadd.s32 $0x20, s4;
	v19 =	vmovc v20;
	v20 =	vmovc v25;
	v18 =	vmov v6;
	v31 =	vmov v32;
	s17 =	smov.u32 s13;
	s12 =	sadd.s32 $0x2, s13  }
0x428: {  	p0 =	slt.u32 s13, $0x3C;
	v29 =	vadd.f32 v32, v29;
	v6 =	vmov s14;
	v40 =	vld.idx.msk [tilespmem:v33+s15+$0x0], $0xffff;
	v25 =	vmul.f32 $5.000000000e-01, v39;
	[tilespmem:s5+$0x0] =	vst v12  }
0x429: {  	v32 =	vadd.s32 v5, v19;
	v6 =	vadd.s32 $0x1, v6;
	v12 =	vld.idx.msk [tilespmem:v10+s16+$0x0], $0xffff;
	[tilespmem:s9+$0xFFFFFFF0] =	vst v15;
	v27 =	vadd.f32 v8, v15  }
0x42a: {  	v15 =	vmul.f32 $5.000000000e-01, v29;
	v6 =	vand.u32 $0x7E, v6;
	v8 =	vld.idx.msk [tilespmem:v10+s15+$0x0], $0xffff;
	v10 =	vadd.f32 $9.999999740e-06, v38;
	[tilespmem:s8+$0xFFFFFFF0] =	vst v25  }
0x42b: {  	v29 =	vor.u32 v5, v21;
	v25 =	vbroadcast v6, $0x0;
	v6 =	vadd.f32 v36, v23;
	v38 =	vld.idx.msk [tilespmem:v35+s16+$0x0], $0xffff;
	[tilespmem:s9+$0x0] =	vst v27  }
0x42c: {  	v30 =	vadd.s32 v4, v20;
	v13 =	vadd.f32 $9.999999740e-06, v37;
	v10 =	vadd.f32 v10, v28;
	v35 =	vld.idx.msk [tilespmem:v35+s15+$0x0], $0xffff;
	[tilespmem:s8+$0x0] =	vst v15  }
0x42d: {  	s6 =	sadd.s32 $0x20, s6;
	v15 =	vadd.f32 v1, v36;
	v33 =	vadd.s32 v3, v25;
	v6 =	vmul.f32 $5.000000000e-01, v6;
	v36 =	vld.idx.msk [tilespmem:v16+s16+$0x0], $0xffff;
	[tilespmem:s5+$0xFFFFFFF0] =	vst v7;
	s5 =	smov.u32 s1  }
0x42e: {  	s7 =	sadd.s32 $0x20, s7;
	v37 =	vor.u32 v4, v18;
	v23 =	vmov v1;
	[tilespmem:s6+$0xFFFFFFF0] =	vst v10;
	v28 =	vadd.f32 v13, v10;
	v7 =	vld.idx.msk [tilespmem:v16+s15+$0x0], $0xffff  }
0x42f: {  	v9 =	vadd.f32 $9.999999740e-06, v9;
	v1 =	vadd.f32 $9.999999740e-06, v12;
	[tilespmem:s7+$0xFFFFFFF0] =	vst v6;
	v6 =	vmul.f32 $5.000000000e-01, v15  }
0x430: {  	v10 =	vmov s17;
	v12 =	vadd.f32 v8, v22;
	v15 =	vadd.f32 v40, v8;
	v22 =	vmovc v40;
	v16 =	vld.idx.msk [tilespmem:v29+s16+$0x0], $0xffff;
	[tilespmem:s6+$0x0] =	vst v28  }
0x431: {  	v8 =	vadd.s32 $0x1, v10;
	v1 =	vadd.f32 v1, v34;
	v10 =	vadd.f32 $9.999999740e-06, v38;
	v29 =	vld.idx.msk [tilespmem:v29+s15+$0x0], $0xffff;
	[tilespmem:s7+$0x0] =	vst v6  }
0x432: {  	s11 =	sadd.s32 $0x20, s11;
	v6 =	vand.u32 $0x3F, v8;
	v12 =	vmul.f32 $5.000000000e-01, v12;
	v39 =	vadd.f32 v35, v24;
	v8 =	vld.idx.msk [tilespmem:v32+s16+$0x0], $0xffff  }
.Ltmp6:
0x433: {  	s10 =	sadd.s32 $0x20, s10;
	v6 =	vbroadcast v6, $0x0;
	v34 =	vadd.f32 v9, v1;
	[tilespmem:s11+$0xFFFFFFF0] =	vst v1;
	v32 =	vld.idx.msk [tilespmem:v32+s15+$0x0], $0xffff;
	v1 =	vadd.f32 v10, v26;
	(pc) =	sbr.rel @p0 .LBB2_15-.Ltmp6, $4  }
0x434: {  	v35 =	vadd.f32 v7, v35;
	v24 =	vmovc v7;
	v9 =	vld.idx.msk [tilespmem:v33+s16+$0x0], $0xffff;
	[tilespmem:s10+$0xFFFFFFF0] =	vst v12;
	v12 =	vmul.f32 $5.000000000e-01, v15;
	v15 =	vadd.f32 $9.999999740e-06, v36  }
0x435: {  	v7 =	vmul.f32 $5.000000000e-01, v39;
	v10 =	vor.u32 v3, v6;
	v38 =	vld.idx.msk [tilespmem:v37+s16+$0x0], $0xffff;
	[tilespmem:s11+$0x0] =	vst v34  }
0x436: {  	s13 =	smov.u32 s12;
	v40 =	vadd.f32 $9.999999740e-06, v16;
	v36 =	vld.idx.msk [tilespmem:v37+s15+$0x0], $0xffff;
	[tilespmem:s10+$0x0] =	vst v12;
	v26 =	vadd.f32 v15, v1;
	v12 =	vmul.f32 $5.000000000e-01, v35  }
0x437: {  	s9 =	sadd.s32 $0x20, s9;
	s8 =	sadd.s32 $0x20, s8;
	s1 =	sadd.s32 $0x20, s1;
	v39 =	vadd.f32 v29, v31;
	v35 =	vor.u32 v55, v21;
	v21 =	vmov v18;
	v37 =	vld.idx.msk [tilespmem:v30+s16+$0x0], $0xffff;
	[tilespmem:s4+$0xFFFFFFF0] =	vst v1  }
0x438: {  	_ =	sdelay $0x3  }
0x439: {  	v1 =	vld.idx.msk [tilespmem:v10+s16+$0x0], $0xffff  }
0x43a: {  	v10 =	vld.idx.msk [tilespmem:v10+s15+$0x0], $0xffff;
	_ =	sdelay $0x1  }
0x43b: {  	v31 =	vld.idx.msk [tilespmem:v33+s15+$0x0], $0xffff;
	_ =	sdelay $0x1  }
0x43c: {  	v1 =	vadd.f32 $9.999999740e-06, v1  }
0x43d: {  	v15 =	vor.u32 v4, v6;
	v16 =	vadd.f32 v10, v22  }
0x43e: {  	[tilespmem:s4+$0x0] =	vst v26;
	v9 =	vadd.f32 $9.999999740e-06, v9;
	v1 =	vadd.f32 v1, v34  }
0x43f: {  	s11 =	sadd.s32 $0x20, s11;
	v18 =	vadd.s32 v4, v25;
	[tilespmem:s5+$0x0] =	vst v12;
	v10 =	vadd.f32 v31, v10;
	v16 =	vmul.f32 $5.000000000e-01, v16  }
0x440: {  	s10 =	sadd.s32 $0x20, s10;
	[tilespmem:s11+$0xFFFFFFF0] =	vst v1;
	v22 =	vadd.f32 v9, v1  }
0x441: {  	v1 =	vld.idx.msk [tilespmem:v30+s15+$0x0], $0xffff;
	v9 =	vmul.f32 $5.000000000e-01, v10;
	[tilespmem:s10+$0xFFFFFFF0] =	vst v16  }
0x442: {  	v63 =	vadd.f32 $9.999999740e-06, v38;
	v10 =	vld.idx.msk [tilespmem:v15+s16+$0x0], $0xffff;
	[tilespmem:s11+$0x0] =	vst v22  }
0x443: {  	v16 =	vadd.f32 v40, v27;
	v15 =	vld.idx.msk [tilespmem:v15+s15+$0x0], $0xffff;
	[tilespmem:s10+$0x0] =	vst v9  }
0x444: {  	v12 =	vadd.f32 v36, v23;
	v23 =	vor.u32 v5, v21;
	v27 =	vadd.f32 v63, v28;
	v38 =	vld.idx.msk [tilespmem:v18+s16+$0x0], $0xffff  }
0x445: {  	s6 =	sadd.s32 $0x20, s6;
	v4 =	vmul.f32 $5.000000000e-01, v39;
	v39 =	vadd.f32 $9.999999740e-06, v37;
	[tilespmem:s9+$0xFFFFFFF0] =	vst v16;
	v9 =	vld.idx.msk [tilespmem:v18+s15+$0x0], $0xffff  }
0x446: {  	v12 =	vmul.f32 $5.000000000e-01, v12;
	[tilespmem:s6+$0xFFFFFFF0] =	vst v27;
	v18 =	vadd.s32 v5, v20;
	v40 =	vadd.f32 v1, v36  }
0x447: {  	s7 =	sadd.s32 $0x20, s7;
	v27 =	vadd.f32 v39, v27;
	[tilespmem:s8+$0xFFFFFFF0] =	vst v4;
	v10 =	vadd.f32 $9.999999740e-06, v10  }
0x448: {  	v42 =	vor.u32 v5, v6;
	[tilespmem:s7+$0xFFFFFFF0] =	vst v12;
	v41 =	vld.idx.msk [tilespmem:v35+s16+$0x0], $0xffff;
	v12 =	vmul.f32 $5.000000000e-01, v40;
	v1 =	vadd.f32 v15, v1  }
0x449: {  	v43 =	vld.idx.msk [tilespmem:v23+s16+$0x0], $0xffff;
	[tilespmem:s6+$0x0] =	vst v27;
	v10 =	vadd.f32 v10, v27;
	v44 =	vadd.f32 $9.999999740e-06, v38  }
0x44a: {  	v45 =	vld.idx.msk [tilespmem:v23+s15+$0x0], $0xffff;
	s6 =	sadd.s32 $0x20, s6;
	[tilespmem:s7+$0x0] =	vst v12;
	v12 =	vadd.s32 v5, v25;
	v1 =	vmul.f32 $5.000000000e-01, v1;
	v15 =	vadd.f32 v9, v15  }
0x44b: {  	v8 =	vadd.f32 $9.999999740e-06, v8;
	s7 =	sadd.s32 $0x20, s7;
	v46 =	vld.idx.msk [tilespmem:v18+s16+$0x0], $0xffff;
	[tilespmem:s6+$0xFFFFFFF0] =	vst v10;
	v23 =	vadd.f32 v44, v10  }
0x44c: {  	v18 =	vld.idx.msk [tilespmem:v18+s15+$0x0], $0xffff;
	v10 =	vadd.f32 v32, v29;
	[tilespmem:s7+$0xFFFFFFF0] =	vst v1;
	v1 =	vmul.f32 $5.000000000e-01, v15  }
0x44d: {  	v8 =	vadd.f32 v8, v16;
	v15 =	vadd.s32 v55, v19;
	v16 =	vld.idx.msk [tilespmem:v42+s16+$0x0], $0xffff;
	[tilespmem:s6+$0x0] =	vst v23  }
0x44e: {  	v19 =	vadd.f32 $9.999999740e-06, v43;
	v10 =	vmul.f32 $5.000000000e-01, v10;
	v47 =	vld.idx.msk [tilespmem:v42+s15+$0x0], $0xffff;
	[tilespmem:s7+$0x0] =	vst v1  }
0x44f: {  	v21 =	vor.u32 v55, v21;
	[tilespmem:s9+$0x0] =	vst v8;
	v48 =	vadd.f32 v45, v32;
	v49 =	vld.idx.msk [tilespmem:v12+s16+$0x0], $0xffff  }
0x450: {  	v8 =	vadd.f32 v19, v8;
	[tilespmem:s8+$0x0] =	vst v10;
	v10 =	vadd.f32 $9.999999740e-06, v46;
	v12 =	vld.idx.msk [tilespmem:v12+s15+$0x0], $0xffff  }
0x451: {  	[tilespmem:s5+$0xFFFFFFF0] =	vst v7;
	s13 =	sadd.s32 $0x20, s9;
	v50 =	vadd.s32 v55, v20;
	v20 =	vmul.f32 $5.000000000e-01, v48;
	v19 =	vld.idx.msk [tilespmem:v35+s15+$0x0], $0xffff;
	v51 =	vadd.f32 v18, v45  }
0x452: {  	s14 =	sadd.s32 $0x20, s8;
	v53 =	vor.u32 v55, v6;
	[tilespmem:s13+$0xFFFFFFF0] =	vst v8;
	v52 =	vld.idx.msk [tilespmem:v15+s16+$0x0], $0xffff;
	v8 =	vadd.f32 v10, v8;
	v10 =	vadd.f32 $9.999999740e-06, v16  }
0x453: {  	v1 =	vadd.f32 $9.999999740e-06, v41;
	v15 =	vld.idx.msk [tilespmem:v15+s15+$0x0], $0xffff;
	[tilespmem:s14+$0xFFFFFFF0] =	vst v20;
	v16 =	vmul.f32 $5.000000000e-01, v51;
	v18 =	vadd.f32 v47, v18  }
0x454: {  	v20 =	vld.idx.msk [tilespmem:v21+s16+$0x0], $0xffff;
	[tilespmem:s13+$0x0] =	vst v8;
	v8 =	vadd.f32 v10, v8;
	v10 =	vadd.f32 $9.999999740e-06, v49  }
0x455: {  	s5 =	sadd.s32 $0x20, s13;
	v54 =	vld.idx.msk [tilespmem:v21+s15+$0x0], $0xffff;
	[tilespmem:s14+$0x0] =	vst v16;
	v16 =	vadd.s32 v55, v25;
	v18 =	vmul.f32 $5.000000000e-01, v18;
	v61 =	vadd.f32 v12, v47  }
0x456: {  	s6 =	sadd.s32 $0x20, s14;
	v62 =	vld.idx.msk [tilespmem:v50+s16+$0x0], $0xffff;
	[tilespmem:s5+$0xFFFFFFF0] =	vst v8;
	v21 =	vadd.f32 v10, v8  }
0x457: {  	v1 =	vadd.f32 v1, v26;
	v7 =	vld.idx.msk [tilespmem:v50+s15+$0x0], $0xffff;
	v8 =	vadd.f32 $9.999999740e-06, v52;
	v10 =	vmul.f32 $5.000000000e-01, v61;
	[tilespmem:s6+$0xFFFFFFF0] =	vst v18  }
0x458: {  	v18 =	vadd.f32 v19, v24;
	v19 =	vadd.f32 v15, v19;
	v63 =	vld.idx.msk [tilespmem:v53+s16+$0x0], $0xffff;
	[tilespmem:s5+$0x0] =	vst v21  }
0x459: {  	s17 =	sadd.s32 $0x20, s4;
	v20 =	vadd.f32 $9.999999740e-06, v20;
	v8 =	vadd.f32 v8, v1;
	v6 =	vld.idx.msk [tilespmem:v53+s15+$0x0], $0xffff;
	[tilespmem:s6+$0x0] =	vst v10  }
0x45a: {  	[tilespmem:s17+$0xFFFFFFF0] =	vst v1;
	v10 =	vmul.f32 $5.000000000e-01, v19;
	v1 =	vld.idx.msk [tilespmem:v16+s16+$0x0], $0xffff  }
0x45b: {  	v18 =	vmul.f32 $5.000000000e-01, v18;
	[tilespmem:s17+$0x0] =	vst v8;
	v8 =	vadd.f32 v20, v8;
	v19 =	vadd.f32 $9.999999740e-06, v62;
	v16 =	vld.idx.msk [tilespmem:v16+s15+$0x0], $0xffff  }
0x45c: {  	[tilespmem:s1+$0x0] =	vst v10;
	v10 =	vadd.f32 v54, v15;
	v15 =	vadd.f32 v7, v54  }
0x45d: {  	s4 =	sadd.s32 $0x20, s17;
	[tilespmem:s1+$0xFFFFFFF0] =	vst v18;
	v18 =	vadd.f32 v19, v8;
	v19 =	vadd.f32 $9.999999740e-06, v63  }
0x45e: {  	[tilespmem:s4+$0xFFFFFFF0] =	vst v8;
	v15 =	vmul.f32 $5.000000000e-01, v15  }
0x45f: {  	s28 =	sadd.s32 $0x20, s1;
	v8 =	vmul.f32 $5.000000000e-01, v10;
	[tilespmem:s4+$0x0] =	vst v18;
	v10 =	vadd.f32 v19, v18;
	v1 =	vadd.f32 $9.999999740e-06, v1  }
0x460: {  	[tilespmem:s28+$0x0] =	vst v15;
	v15 =	vadd.f32 v16, v6;
	v6 =	vadd.f32 v6, v7  }
0x461: {  	s4 =	sadd.s32 $0x20, s4;
	[tilespmem:s28+$0xFFFFFFF0] =	vst v8;
	v20 =	vadd.f32 v1, v10  }
0x462: {  	[tilespmem:s4+$0xFFFFFFF0] =	vst v10;
	v6 =	vmul.f32 $5.000000000e-01, v6  }
0x463: {  	s1 =	sadd.s32 $0x20, s28;
	v1 =	vmul.f32 $5.000000000e-01, v15;
	[tilespmem:s4+$0x0] =	vst v20  }
0x464: {  	[tilespmem:s1+$0xFFFFFFF0] =	vst v6  }
0x465: {  	[tilespmem:s1+$0x0] =	vst v1  }
0x466: {  	v1 =	vld [tilespmem:$0x1FF80];
	_ =	sdelay $0x7  }
0x467: {  	v1 =	vld.idx.msk [tilespmem:v1+s15+$0x0], $0xffff;
	_ =	sdelay $0x4  }
0x468: {  	v1 =	vadd.f32 v1, v31;
	_ =	sdelay $0x1  }
0x469: {  	v1 =	vmul.f32 $5.000000000e-01, v1;
	_ =	sdelay $0x1  }
0x46a: {  	[tilespmem:$0x73A0] =	vst v1;
	v1 =	vld [tilespmem:$0x1FF90];
	_ =	sdelay $0x7  }
0x46b: {  	v1 =	vld.idx.msk [tilespmem:v1+s15+$0x0], $0xffff;
	_ =	sdelay $0x4  }
0x46c: {  	v1 =	vadd.f32 v1, v9;
	_ =	sdelay $0x1  }
0x46d: {  	v1 =	vmul.f32 $5.000000000e-01, v1;
	_ =	sdelay $0x1  }
0x46e: {  	[tilespmem:$0x7790] =	vst v1;
	v1 =	vld [tilespmem:$0x1FFA0];
	_ =	sdelay $0x7  }
0x46f: {  	v1 =	vld.idx.msk [tilespmem:v1+s15+$0x0], $0xffff;
	_ =	sdelay $0x4  }
0x470: {  	v1 =	vadd.f32 v1, v12;
	_ =	sdelay $0x1  }
0x471: {  	v1 =	vmul.f32 $5.000000000e-01, v1;
	_ =	sdelay $0x1  }
0x472: {  	[tilespmem:$0x7B80] =	vst v1;
	v1 =	vld [tilespmem:$0x1FFB0];
	_ =	sdelay $0x7  }
0x473: {  	v1 =	vld.idx.msk [tilespmem:v1+s15+$0x0], $0xffff;
	_ =	sdelay $0x4  }
0x474: {  	v1 =	vadd.f32 v1, v16;
	_ =	sdelay $0x1  }
0x475: {  	v1 =	vmul.f32 $5.000000000e-01, v1;
	_ =	sdelay $0x1  }
0x476: {  	s31 =	simm.s32 $0x7FA0;
	[tilespmem:$0x7F70] =	vst v1  }
0x477: {  	[tilespmem:s31+$0xFFFFFFF0] =	vst v2  }
0x478: {  	[tilespmem:s31+$0x0] =	vst v2  }
0x479: {  	[tilespmem:s31+$0x10] =	vst v2  }
0x47a: {  	s1 =	simm.s32 $0x83A0;
	[tilespmem:s31+$0xFFFFFFE0] =	vst v2  }
0x47b: {  	[tilespmem:s1+$0xFFFFFFF0] =	vst v2  }
0x47c: {  	[tilespmem:s1+$0x0] =	vst v2  }
0x47d: {  	[tilespmem:s1+$0x10] =	vst v2  }
0x47e: {  	s4 =	simm.s32 $0x87A0;
	[tilespmem:s1+$0xFFFFFFE0] =	vst v2  }
0x47f: {  	[tilespmem:s4+$0xFFFFFFF0] =	vst v2  }
0x480: {  	[tilespmem:s4+$0x0] =	vst v2  }
0x481: {  	[tilespmem:s4+$0x10] =	vst v2  }
0x482: {  	s5 =	simm.s32 $0x8BA0;
	[tilespmem:s4+$0xFFFFFFE0] =	vst v2  }
0x483: {  	[tilespmem:s5+$0xFFFFFFF0] =	vst v2  }
0x484: {  	[tilespmem:s5+$0x0] =	vst v2  }
0x485: {  	[tilespmem:s5+$0x10] =	vst v2  }
0x486: {  	s10 =	simm.s32 $0x8380;
	s7 =	simm.s32 $0x7FE0;
	s6 =	simm.s32 $0x0;
	[tilespmem:s5+$0xFFFFFFE0] =	vst v2  }
.LBB2_17:
0x487: {  	[tilespmem:s7+$0xFFFFFFF0] =	vst v2;
	s1 =	sadd.s32 $0x40, s1  }
0x488: {  	s4 =	sadd.s32 $0x40, s4;
	[tilespmem:s1+$0xFFFFFFF0] =	vst v2  }
0x489: {  	s5 =	sadd.s32 $0x40, s5;
	[tilespmem:s4+$0xFFFFFFF0] =	vst v2  }
0x48a: {  	[tilespmem:s5+$0xFFFFFFF0] =	vst v2  }
0x48b: {  	[tilespmem:s7+$0x0] =	vst v2  }
0x48c: {  	[tilespmem:s1+$0x0] =	vst v2  }
0x48d: {  	[tilespmem:s4+$0x0] =	vst v2  }
0x48e: {  	[tilespmem:s5+$0x0] =	vst v2  }
0x48f: {  	[tilespmem:s7+$0x10] =	vst v2  }
0x490: {  	s6 =	sadd.s32 $0x4, s6;
	[tilespmem:s1+$0x10] =	vst v2  }
0x491: {  	p0 =	slt.u32 s6, $0x3C;
	[tilespmem:s4+$0x10] =	vst v2  }
.Ltmp7:
0x492: {  	[tilespmem:s5+$0x10] =	vst v2;
	(pc) =	sbr.rel @p0 .LBB2_17-.Ltmp7, $4  }
0x493: {  	[tilespmem:s7+$0xFFFFFFE0] =	vst v2  }
0x494: {  	[tilespmem:s1+$0xFFFFFFE0] =	vst v2  }
0x495: {  	[tilespmem:s4+$0xFFFFFFE0] =	vst v2  }
0x496: {  	s7 =	sadd.s32 $0x40, s7;
	[tilespmem:s5+$0xFFFFFFE0] =	vst v2  }
0x497: {  	(erf) = vrcp.f32 v22;
	_ =	sdelay $0x5  }
0x498: {  	[tilespmem:$0x1FF50] =	vst v17;
	s1 =	simm.s32 $0x6020  }
0x499: {  	v1 =	vld [tilespmem:s1+$0xFFFFFFF0]  }
0x49a: {  	v6 =	vld [tilespmem:s1+$0x0]  }
0x49b: {  	v7 =	vpop (erf)  }
0x49c: {  	v31 =	vmul.f32 $6.300000000e+01, v7;
	_ =	sdelay $0x1  }
0x49d: {  	v1 =	vmul.f32 v1, v31  }
0x49e: {  	v26 =	vimm.s32 $0x0;
	v6 =	vmul.f32 v6, v31  }
0x49f: {  	vm1 =	vgt.s32 v26, $0x0;
	v7 =	vtrunc.f32 v1  }
0x4a0: {  	v8 =	vtrunc.f32 v6;
	v9 =	vcvt.f32.s32 v7;
	vm0 =	vgt.f32 v1, v7  }
0x4a1: {  	(erf) = vrcp.f32 v23;
	v1 =	vcvt.f32.s32 v8;
	v7 =	vsel vm0, $0x1, v2  }
0x4a2: {  	vm0 =	vgt.f32 v6, v8;
	v6 =	vadd.s32 v9, v7;
	v7 =	vnsel vm1, $0x0, v26  }
0x4a3: {  	v8 =	vsel vm0, $0x1, v2;
	vm2 =	vgt.s32 v6, $0x0;
	v7 =	vmin.u32 v7, $0x3F  }
0x4a4: {  	vm0 =	vgt.s32 v6, v26;
	v9 =	vnsel vm2, $0x0, v6;
	v7 =	vshll.u32 v7, $0x4  }
0x4a5: {  	v1 =	vadd.s32 v1, v8;
	v8 =	vmin.u32 v9, $0x3F;
	v25 =	vor.u32 v0, v7  }
0x4a6: {  	vm1 =	vgt.s32 v1, v6;
	v8 =	vshll.u32 v8, $0x4  }
0x4a7: {  	v6 =	vor.u32 v0, v8  }
0x4a8: {  	s13 =	simm.s32 $0x0  }
0x4a9: {  	v19 =	vmov s13  }
0x4aa: {  	s14 =	simm.s32 $0x1;
	s4 =	simm.s32 $0x6410;
	[tilespmem:v25+s18+$0x0] =	vst.idx.msk vm0, v19  }
0x4ab: {  	v24 =	vmov s14;
	v7 =	vld [tilespmem:s4+$0xFFFFFFF0]  }
0x4ac: {  	[tilespmem:v6+s18+$0x0] =	vst.idx.msk vm1, v24  }
0x4ad: {  	v8 =	vpop (erf);
	v6 =	vld [tilespmem:s4+$0x0]  }
0x4ae: {  	v32 =	vmul.f32 $6.300000000e+01, v8;
	_ =	sdelay $0x1  }
0x4af: {  	v7 =	vmul.f32 v7, v32  }
0x4b0: {  	(erf) = vrcp.f32 v21  }
0x4b1: {  	v6 =	vmul.f32 v6, v32;
	v8 =	vtrunc.f32 v7  }
0x4b2: {  	v9 =	vcvt.f32.s32 v8;
	vm0 =	vgt.f32 v7, v8  }
0x4b3: {  	s17 =	simm.s32 $0x6040;
	v10 =	vtrunc.f32 v6;
	v12 =	vsel vm0, $0x1, v2;
	vm0 =	vgt.s32 v26, $0x0  }
0x4b4: {  	v7 =	vld [tilespmem:s17+$0xFFFFFFF0];
	v8 =	vcvt.f32.s32 v10;
	vm1 =	vgt.f32 v6, v10;
	v6 =	vadd.s32 v9, v12  }
0x4b5: {  	v15 =	vld [tilespmem:s17+$0x0];
	v9 =	vnsel vm0, $0x0, v26;
	v10 =	vsel vm1, $0x1, v2;
	vm0 =	vgt.s32 v6, $0x0  }
0x4b6: {  	v9 =	vmin.u32 v9, $0x3F;
	vm1 =	vgt.s32 v6, v26;
	v12 =	vnsel vm0, $0x0, v6  }
0x4b7: {  	v9 =	vshll.u32 v9, $0x4;
	v8 =	vadd.s32 v8, v10;
	v10 =	vmin.u32 v12, $0x3F  }
0x4b8: {  	v9 =	vor.u32 v0, v9  }
0x4b9: {  	v7 =	vmul.f32 v7, v31;
	vm0 =	vgt.s32 v8, v6;
	v6 =	vshll.u32 v10, $0x4  }
0x4ba: {  	v12 =	vmul.f32 v15, v31;
	v6 =	vor.u32 v0, v6;
	v10 =	vpop (erf)  }
0x4bb: {  	v30 =	vmul.f32 $6.300000000e+01, v10;
	v10 =	vtrunc.f32 v7  }
0x4bc: {  	v15 =	vtrunc.f32 v12;
	v16 =	vcvt.f32.s32 v10;
	vm2 =	vgt.f32 v7, v10  }
0x4bd: {  	s1 =	simm.s32 $0x6800;
	(erf) = vrcp.f32 v20;
	v7 =	vcvt.f32.s32 v15;
	[tilespmem:v9+s10+$0x0] =	vst.idx.msk vm1, v19;
	v10 =	vsel vm2, $0x1, v2  }
0x4be: {  	vm1 =	vgt.f32 v12, v15;
	vm2 =	vgt.s32 v1, $0x0;
	v9 =	vadd.s32 v16, v10;
	v10 =	vld [tilespmem:s1+$0xFFFFFFF0]  }
0x4bf: {  	v12 =	vsel vm1, $0x1, v2;
	[tilespmem:v6+s10+$0x0] =	vst.idx.msk vm0, v24;
	v6 =	vnsel vm2, $0x0, v1;
	vm0 =	vgt.s32 v9, $0x0  }
0x4c0: {  	v34 =	vadd.s32 v7, v12;
	v15 =	vld [tilespmem:s1+$0x0];
	v6 =	vmin.u32 v6, $0x3F;
	v16 =	vnsel vm0, $0x0, v9  }
0x4c1: {  	vm0 =	vgt.s32 v9, v1;
	v1 =	vshll.u32 v6, $0x4;
	v7 =	vmin.u32 v16, $0x3F  }
0x4c2: {  	vm1 =	vgt.s32 v34, v9;
	v1 =	vor.u32 v0, v1;
	v6 =	vshll.u32 v7, $0x4  }
0x4c3: {  	v6 =	vor.u32 v0, v6;
	v7 =	vmul.f32 v10, v30;
	_ =	sdelay $0x1  }
0x4c4: {  	s28 =	simm.s32 $0x2;
	s6 =	simm.s32 $0x6060;
	v9 =	vmul.f32 v15, v30;
	v10 =	vtrunc.f32 v7  }
0x4c5: {  	s31 =	simm.s32 $0x3;
	v27 =	vmov s28;
	v12 =	vld [tilespmem:s6+$0x0];
	v15 =	vcvt.f32.s32 v10;
	vm2 =	vgt.f32 v7, v10  }
0x4c6: {  	s5 =	simm.s32 $0x6430;
	v28 =	vmov s31;
	v7 =	vtrunc.f32 v9;
	v10 =	vld [tilespmem:s6+$0xFFFFFFF0];
	[tilespmem:v1+s18+$0x0] =	vst.idx.msk vm0, v27;
	v1 =	vsel vm2, $0x1, v2  }
0x4c7: {  	v16 =	vcvt.f32.s32 v7;
	v18 =	vld [tilespmem:s5+$0xFFFFFFF0];
	[tilespmem:v6+s18+$0x0] =	vst.idx.msk vm1, v28;
	v1 =	vadd.s32 v15, v1  }
0x4c8: {  	vm0 =	vgt.f32 v9, v7;
	v6 =	vld [tilespmem:s5+$0x0];
	vm1 =	vgt.s32 v1, v26;
	vm2 =	vgt.s32 v1, $0x0  }
0x4c9: {  	v9 =	vsel vm0, $0x1, v2;
	v7 =	vpop (erf);
	v15 =	vnsel vm2, $0x0, v1  }
0x4ca: {  	v33 =	vadd.s32 v16, v9;
	v29 =	vmul.f32 $6.300000000e+01, v7;
	v7 =	vmin.u32 v15, $0x3F  }
0x4cb: {  	v9 =	vmul.f32 v12, v31;
	vm0 =	vgt.s32 v33, v1;
	v1 =	vshll.u32 v7, $0x4  }
0x4cc: {  	v15 =	vmul.f32 v10, v31;
	v7 =	vmul.f32 v18, v32;
	v1 =	vor.u32 v0, v1  }
0x4cd: {  	v10 =	vtrunc.f32 v9;
	v6 =	vmul.f32 v6, v32  }
0x4ce: {  	s4 =	simm.s32 $0x6BF0;
	v16 =	vtrunc.f32 v15;
	v12 =	vtrunc.f32 v7;
	[tilespmem:v25+s19+$0x0] =	vst.idx.msk vm1, v19  }
0x4cf: {  	v18 =	vcvt.f32.s32 v12;
	v35 =	vtrunc.f32 v6;
	v36 =	vld [tilespmem:s4+$0xFFFFFFF0]  }
0x4d0: {  	vm1 =	vgt.f32 v7, v12;
	v12 =	vcvt.f32.s32 v35;
	vm2 =	vgt.f32 v6, v35  }
0x4d1: {  	v7 =	vcvt.f32.s32 v10;
	v6 =	vsel vm1, $0x1, v2;
	v35 =	vsel vm2, $0x1, v2;
	[tilespmem:v1+s19+$0x0] =	vst.idx.msk vm0, v24  }
0x4d2: {  	v1 =	vadd.s32 v18, v6;
	vm0 =	vgt.s32 v8, $0x0;
	v35 =	vadd.s32 v12, v35;
	v6 =	vld [tilespmem:s4+$0x0]  }
0x4d3: {  	v12 =	vnsel vm0, $0x0, v8;
	vm0 =	vgt.s32 v1, v8;
	vm1 =	vgt.s32 v1, $0x0  }
0x4d4: {  	v8 =	vmin.u32 v12, $0x3F;
	v12 =	vnsel vm1, $0x0, v1;
	v18 =	vmul.f32 v36, v29  }
0x4d5: {  	vm1 =	vgt.s32 v35, v1;
	v8 =	vshll.u32 v8, $0x4;
	v12 =	vmin.u32 v12, $0x3F  }
0x4d6: {  	v8 =	vor.u32 v0, v8;
	v1 =	vshll.u32 v12, $0x4;
	v12 =	vtrunc.f32 v18  }
0x4d7: {  	v63 =	vcvt.f32.s32 v12;
	vm3 =	vgt.f32 v18, v12;
	v6 =	vmul.f32 v6, v29  }
0x4d8: {  	vm2 =	vgt.f32 v9, v10;
	v10 =	vor.u32 v0, v1;
	v1 =	vsel vm3, $0x1, v2  }
0x4d9: {  	v12 =	vcvt.f32.s32 v16;
	v36 =	vadd.s32 v63, v1;
	v1 =	vtrunc.f32 v6  }
0x4da: {  	v3 =	vmovc v56;
	v4 =	vmovc v57;
	v9 =	vcvt.f32.s32 v1;
	vm4 =	vgt.f32 v6, v1;
	vm5 =	vgt.s32 v36, $0x0  }
0x4db: {  	s7 =	simm.s32 $0x4;
	s8 =	simm.s32 $0x6;
	s12 =	simm.s32 $0x8F80;
	v5 =	vmovc v58;
	vm3 =	vgt.f32 v15, v16;
	v38 =	vsel vm4, $0x1, v2;
	v37 =	vnsel vm5, $0x0, v36;
	v6 =	vmovc v34  }
.LBB2_19:
0x4dc: {  	p0 =	slt.u32 s8, $0x3C;
	v1 =	vsel vm3, $0x1, v2;
	[tilespmem:v8+s10+$0x0] =	vst.idx.msk vm0, v27;
	v8 =	vadd.s32 v9, v38;
	v9 =	vmin.u32 v37, $0x3F;
	s1 =	sadd.s32 $0x20, s1  }
0x4dd: {  	v1 =	vadd.s32 v12, v1;
	v12 =	vld [tilespmem:s1+$0xFFFFFFF0];
	[tilespmem:v10+s10+$0x0] =	vst.idx.msk vm1, v28;
	vm0 =	vgt.s32 v8, v36;
	v9 =	vshll.u32 v9, $0x4  }
0x4de: {  	vm1 =	vgt.s32 v34, $0x0;
	vm3 =	vgt.s32 v1, $0x0;
	v10 =	vld [tilespmem:s1+$0x0];
	v9 =	vor.u32 v0, v9  }
0x4df: {  	v16 =	vsel vm2, $0x1, v2;
	v15 =	vnsel vm1, $0x0, v34;
	v18 =	vnsel vm3, $0x0, v1  }
0x4e0: {  	v34 =	vadd.s32 v7, v16;
	v15 =	vmin.u32 v15, $0x3F;
	v7 =	vmin.u32 v18, $0x3F  }
0x4e1: {  	vm2 =	vgt.s32 v1, v6;
	v6 =	vmovc v34;
	v15 =	vshll.u32 v15, $0x4;
	v7 =	vshll.u32 v7, $0x4  }
0x4e2: {  	vm1 =	vgt.s32 v34, v1;
	v15 =	vor.u32 v0, v15;
	v1 =	vor.u32 v0, v7  }
0x4e3: {  	vm3 =	vgt.s32 v8, $0x0;
	v7 =	vmul.f32 v12, v30;
	v10 =	vmul.f32 v10, v30;
	[tilespmem:v9+s20+$0x0] =	vst.idx.msk vm0, v24  }
0x4e4: {  	s9 =	sadd.s32 $0x1, s7;
	v12 =	vnsel vm3, $0x0, v8;
	v9 =	vmov s7;
	vm0 =	vgt.s32 v36, v26;
	v26 =	vmovc v8;
	v24 =	vmovc v28;
	s7 =	smov.u32 s8  }
0x4e5: {  	s6 =	sadd.s32 $0x20, s6;
	v28 =	vmov s9;
	v8 =	vtrunc.f32 v7;
	v16 =	vtrunc.f32 v10  }
0x4e6: {  	vm4 =	vgt.s32 v33, $0x0;
	v36 =	vcvt.f32.s32 v8;
	vm3 =	vgt.f32 v7, v8;
	v18 =	vld [tilespmem:s6+$0x0]  }
0x4e7: {  	s5 =	sadd.s32 $0x20, s5;
	v8 =	vsel vm3, $0x1, v2;
	v37 =	vcvt.f32.s32 v16;
	v7 =	vld [tilespmem:s6+$0xFFFFFFF0];
	[tilespmem:v15+s18+$0x0] =	vst.idx.msk vm2, v9;
	v15 =	vnsel vm4, $0x0, v33  }
0x4e8: {  	v38 =	vld [tilespmem:s5+$0xFFFFFFF0];
	[tilespmem:v1+s18+$0x0] =	vst.idx.msk vm1, v28;
	v1 =	vadd.s32 v36, v8;
	v8 =	vmin.u32 v15, $0x3F;
	vm1 =	vgt.f32 v10, v16  }
0x4e9: {  	v10 =	vld [tilespmem:s5+$0x0];
	vm2 =	vgt.s32 v1, v33;
	v8 =	vshll.u32 v8, $0x4;
	vm3 =	vgt.s32 v1, $0x0  }
0x4ea: {  	v15 =	vsel vm1, $0x1, v2;
	v8 =	vor.u32 v0, v8;
	v16 =	vnsel vm3, $0x0, v1;
	[tilespmem:v25+s20+$0x0] =	vst.idx.msk vm0, v19;
	v19 =	vmovc v27  }
0x4eb: {  	v12 =	vmin.u32 v12, $0x3F;
	v33 =	vadd.s32 v37, v15;
	v27 =	vmovc v9;
	v15 =	vmin.u32 v16, $0x3F  }
0x4ec: {  	v9 =	vmul.f32 v18, v31;
	vm0 =	vgt.s32 v33, v1;
	v1 =	vshll.u32 v15, $0x4  }
0x4ed: {  	v15 =	vmul.f32 v7, v31;
	v7 =	vmul.f32 v38, v32;
	v1 =	vor.u32 v0, v1  }
0x4ee: {  	v12 =	vshll.u32 v12, $0x4;
	v16 =	vtrunc.f32 v9;
	v10 =	vmul.f32 v10, v32  }
0x4ef: {  	s4 =	sadd.s32 $0x20, s4;
	v25 =	vor.u32 v0, v12;
	v18 =	vtrunc.f32 v15;
	v36 =	vtrunc.f32 v7;
	[tilespmem:v8+s19+$0x0] =	vst.idx.msk vm2, v19  }
0x4f0: {  	v8 =	vcvt.f32.s32 v36;
	v12 =	vtrunc.f32 v10;
	v37 =	vld [tilespmem:s4+$0xFFFFFFF0]  }
0x4f1: {  	vm1 =	vgt.f32 v7, v36;
	v36 =	vcvt.f32.s32 v12;
	vm2 =	vgt.f32 v10, v12  }
0x4f2: {  	v7 =	vcvt.f32.s32 v16;
	v10 =	vsel vm1, $0x1, v2;
	v12 =	vsel vm2, $0x1, v2;
	[tilespmem:v1+s19+$0x0] =	vst.idx.msk vm0, v24  }
0x4f3: {  	v1 =	vadd.s32 v8, v10;
	vm0 =	vgt.s32 v35, $0x0;
	v8 =	vadd.s32 v36, v12;
	v10 =	vld [tilespmem:s4+$0x0]  }
0x4f4: {  	v12 =	vnsel vm0, $0x0, v35;
	vm0 =	vgt.s32 v1, v35;
	vm1 =	vgt.s32 v1, $0x0;
	v35 =	vmovc v8  }
0x4f5: {  	v12 =	vmin.u32 v12, $0x3F;
	v36 =	vnsel vm1, $0x0, v1;
	v37 =	vmul.f32 v37, v29  }
0x4f6: {  	vm1 =	vgt.s32 v8, v1;
	v12 =	vshll.u32 v12, $0x4;
	v36 =	vmin.u32 v36, $0x3F  }
0x4f7: {  	v8 =	vor.u32 v0, v12;
	v1 =	vshll.u32 v36, $0x4;
	v12 =	vtrunc.f32 v37  }
.Ltmp8:
0x4f8: {  	v36 =	vcvt.f32.s32 v12;
	vm3 =	vgt.f32 v37, v12;
	v37 =	vmul.f32 v10, v29;
	(pc) =	sbr.rel @p0 .LBB2_19-.Ltmp8, $4  }
0x4f9: {  	vm2 =	vgt.f32 v9, v16;
	v10 =	vor.u32 v0, v1;
	v1 =	vsel vm3, $0x1, v2  }
0x4fa: {  	v12 =	vcvt.f32.s32 v18;
	v36 =	vadd.s32 v36, v1;
	v1 =	vtrunc.f32 v37  }
0x4fb: {  	v9 =	vcvt.f32.s32 v1;
	vm4 =	vgt.f32 v37, v1;
	vm5 =	vgt.s32 v36, $0x0  }
0x4fc: {  	s8 =	sadd.s32 $0x2, s8;
	vm3 =	vgt.f32 v15, v18;
	v38 =	vsel vm4, $0x1, v2;
	v37 =	vnsel vm5, $0x0, v36  }
0x4fd: {  	v1 =	vsel vm3, $0x1, v2  }
0x4fe: {  	vm13 =	vgt.s32 v34, $0x0;
	v1 =	vadd.s32 v12, v1  }
0x4ff: {  	v15 =	vsel vm2, $0x1, v2;
	v12 =	vnsel vm13, $0x0, v34;
	vm4 =	vgt.s32 v1, $0x0  }
0x500: {  	v7 =	vadd.s32 v7, v15;
	v12 =	vmin.u32 v12, $0x3F;
	v16 =	vnsel vm4, $0x0, v1  }
0x501: {  	vm14 =	vgt.s32 v1, v6;
	v6 =	vshll.u32 v12, $0x4;
	v15 =	vmin.u32 v16, $0x3F  }
0x502: {  	v12 =	vshll.u32 v15, $0x4;
	v15 =	vor.u32 v0, v6  }
0x503: {  	vm15 =	vgt.s32 v7, v1  }
0x504: {  	v1 =	vor.u32 v0, v12;
	_ =	sdelay $0x1  }
0x505: {  	v6 =	vmov s7  }
0x506: {  	s6 =	sadd.s32 $0x1, s7;
	s5 =	sadd.s32 $0x20, s5;
	[tilespmem:v15+s18+$0x0] =	vst.idx.msk vm14, v6  }
0x507: {  	v31 =	vmov s6;
	v12 =	vld [tilespmem:s5+$0xFFFFFFF0]  }
0x508: {  	[tilespmem:v1+s18+$0x0] =	vst.idx.msk vm15, v31  }
0x509: {  	v1 =	vld [tilespmem:s5+$0x0];
	_ =	sdelay $0x2  }
0x50a: {  	v12 =	vmul.f32 v12, v32;
	_ =	sdelay $0x1  }
0x50b: {  	vm5 =	vgt.s32 v35, $0x0;
	v1 =	vmul.f32 v1, v32;
	v15 =	vtrunc.f32 v12  }
0x50c: {  	[tilespmem:v10+s10+$0x0] =	vst.idx.msk vm1, v28;
	v10 =	vnsel vm5, $0x0, v35;
	v16 =	vcvt.f32.s32 v15;
	vm4 =	vgt.f32 v12, v15  }
0x50d: {  	[tilespmem:v8+s10+$0x0] =	vst.idx.msk vm0, v27;
	s1 =	sadd.s32 $0x20, s1;
	v10 =	vmin.u32 v10, $0x3F;
	v18 =	vtrunc.f32 v1;
	v12 =	vsel vm4, $0x1, v2  }
0x50e: {  	v10 =	vshll.u32 v10, $0x4;
	v15 =	vld [tilespmem:s1+$0xFFFFFFF0];
	vm6 =	vgt.f32 v1, v18;
	v1 =	vadd.s32 v16, v12  }
0x50f: {  	v8 =	vcvt.f32.s32 v18;
	vm7 =	vgt.s32 v1, $0x0;
	vm8 =	vgt.s32 v1, v35  }
0x510: {  	v10 =	vor.u32 v0, v10;
	v12 =	vld [tilespmem:s1+$0x0];
	v16 =	vsel vm6, $0x1, v2;
	v18 =	vnsel vm7, $0x0, v1  }
0x511: {  	v8 =	vadd.s32 v8, v16;
	v16 =	vmin.u32 v18, $0x3F  }
0x512: {  	vm9 =	vgt.s32 v8, v1;
	v1 =	vshll.u32 v16, $0x4  }
0x513: {  	v15 =	vmul.f32 v15, v30;
	v1 =	vor.u32 v0, v1  }
0x514: {  	vm11 =	vgt.s32 v33, $0x0  }
0x515: {  	v9 =	vadd.s32 v9, v38;
	s1 =	sadd.s32 $0x20, s1;
	v12 =	vmul.f32 v12, v30;
	v16 =	vtrunc.f32 v15;
	[tilespmem:v10+s10+$0x0] =	vst.idx.msk vm8, v6  }
0x516: {  	v54 =	vmin.u32 v37, $0x3F;
	vm10 =	vgt.f32 v15, v16;
	v10 =	vcvt.f32.s32 v16;
	v15 =	vld [tilespmem:s1+$0xFFFFFFF0]  }
0x517: {  	v51 =	vnsel vm11, $0x0, v33;
	v18 =	vtrunc.f32 v12;
	v16 =	vsel vm10, $0x1, v2  }
0x518: {  	v52 =	vcvt.f32.s32 v18;
	[tilespmem:v1+s10+$0x0] =	vst.idx.msk vm9, v31;
	v1 =	vadd.s32 v10, v16;
	v10 =	vmin.u32 v51, $0x3F  }
0x519: {  	vm12 =	vgt.f32 v12, v18;
	v12 =	vld [tilespmem:s1+$0x0];
	vm13 =	vgt.s32 v1, v33;
	v10 =	vshll.u32 v10, $0x4  }
0x51a: {  	v16 =	vsel vm12, $0x1, v2;
	vm14 =	vgt.s32 v1, $0x0;
	v10 =	vor.u32 v0, v10  }
0x51b: {  	v16 =	vadd.s32 v52, v16;
	v18 =	vnsel vm14, $0x0, v1;
	v15 =	vmul.f32 v15, v30  }
0x51c: {  	vm1 =	vgt.s32 v36, v26;
	vm15 =	vgt.s32 v16, v1;
	v18 =	vmin.u32 v18, $0x3F  }
0x51d: {  	vm7 =	vgt.s32 v16, $0x0;
	v1 =	vshll.u32 v18, $0x4;
	v18 =	vtrunc.f32 v15  }
0x51e: {  	v1 =	vor.u32 v0, v1;
	v12 =	vmul.f32 v12, v30;
	vm6 =	vgt.f32 v15, v18  }
0x51f: {  	s9 =	sadd.s32 $0x20, s4;
	v30 =	vcvt.f32.s32 v18;
	v15 =	vnsel vm7, $0x0, v16;
	[tilespmem:v10+s19+$0x0] =	vst.idx.msk vm13, v27;
	v10 =	vsel vm6, $0x1, v2  }
0x520: {  	v15 =	vmin.u32 v15, $0x3F;
	vm6 =	vgt.s32 v8, $0x0;
	v18 =	vld [tilespmem:s9+$0xFFFFFFF0];
	v53 =	vtrunc.f32 v12  }
0x521: {  	v10 =	vadd.s32 v30, v10;
	v15 =	vshll.u32 v15, $0x4;
	v30 =	vcvt.f32.s32 v53  }
0x522: {  	vm8 =	vgt.s32 v10, v16;
	vm9 =	vgt.f32 v12, v53;
	vm10 =	vgt.s32 v10, $0x0  }
0x523: {  	[tilespmem:v1+s19+$0x0] =	vst.idx.msk vm15, v28;
	v1 =	vor.u32 v0, v15;
	v15 =	vsel vm9, $0x1, v2;
	v16 =	vnsel vm10, $0x0, v10  }
0x524: {  	v8 =	vnsel vm6, $0x0, v8;
	v12 =	vld [tilespmem:s9+$0x0];
	v15 =	vadd.s32 v30, v15;
	v16 =	vmin.u32 v16, $0x3F  }
0x525: {  	vm11 =	vgt.s32 v15, v10;
	v10 =	vshll.u32 v16, $0x4;
	v18 =	vmul.f32 v18, v29  }
0x526: {  	vm0 =	vgt.s32 v9, v36;
	v8 =	vmin.u32 v8, $0x3F;
	v10 =	vor.u32 v0, v10  }
0x527: {  	vm12 =	vgt.s32 v9, $0x0;
	v8 =	vshll.u32 v8, $0x4;
	v30 =	vtrunc.f32 v18  }
0x528: {  	v16 =	vshll.u32 v54, $0x4;
	[tilespmem:v1+s19+$0x0] =	vst.idx.msk vm8, v6;
	v1 =	vcvt.f32.s32 v30;
	vm13 =	vgt.f32 v18, v30  }
0x529: {  	s1 =	sadd.s32 $0x20, s9;
	v12 =	vmul.f32 v12, v29;
	v30 =	vnsel vm12, $0x0, v9;
	v26 =	vsel vm13, $0x1, v2  }
0x52a: {  	v16 =	vor.u32 v0, v16;
	v18 =	vld [tilespmem:s1+$0xFFFFFFF0];
	v30 =	vmin.u32 v30, $0x3F;
	v1 =	vadd.s32 v1, v26  }
0x52b: {  	v26 =	vtrunc.f32 v12;
	[tilespmem:v10+s19+$0x0] =	vst.idx.msk vm11, v31;
	v10 =	vshll.u32 v30, $0x4;
	vm11 =	vgt.s32 v7, $0x0  }
0x52c: {  	v55 =	vcvt.f32.s32 v26;
	vm14 =	vgt.f32 v12, v26;
	vm15 =	vgt.s32 v1, $0x0  }
0x52d: {  	v30 =	vld [tilespmem:s1+$0x0];
	v10 =	vor.u32 v0, v10;
	vm9 =	vgt.s32 v1, v9;
	v7 =	vnsel vm11, $0x0, v7  }
0x52e: {  	v12 =	vsel vm14, $0x1, v2;
	v26 =	vnsel vm15, $0x0, v1;
	v7 =	vmin.u32 v7, $0x3F  }
0x52f: {  	vm14 =	vgt.s32 v15, $0x0;
	v12 =	vadd.s32 v55, v12;
	v18 =	vmul.f32 v18, v29  }
0x530: {  	v26 =	vmin.u32 v26, $0x3F;
	v7 =	vshll.u32 v7, $0x4;
	vm7 =	vgt.s32 v12, $0x0  }
0x531: {  	vm2 =	vgt.s32 v12, v1;
	v56 =	vtrunc.f32 v18;
	v57 =	vnsel vm7, $0x0, v12  }
0x532: {  	v58 =	vcvt.f32.s32 v56;
	vm8 =	vgt.f32 v18, v56;
	v29 =	vmul.f32 v30, v29  }
0x533: {  	v26 =	vshll.u32 v26, $0x4;
	v18 =	vmin.u32 v57, $0x3F;
	v30 =	vsel vm8, $0x1, v2  }
0x534: {  	v1 =	vshll.u32 v18, $0x4;
	v9 =	vadd.s32 v58, v30;
	v18 =	vtrunc.f32 v29  }
0x535: {  	vm10 =	vgt.s32 v9, $0x0;
	v30 =	vcvt.f32.s32 v18;
	vm5 =	vgt.f32 v29, v18  }
0x536: {  	v26 =	vor.u32 v0, v26;
	v18 =	vnsel vm10, $0x0, v9;
	v29 =	vsel vm5, $0x1, v2  }
0x537: {  	vm13 =	vgt.s32 v9, v12;
	v18 =	vmin.u32 v18, $0x3F;
	v29 =	vadd.s32 v30, v29  }
0x538: {  	v1 =	vor.u32 v0, v1;
	v18 =	vshll.u32 v18, $0x4;
	vm12 =	vgt.s32 v29, v9  }
0x539: {  	[tilespmem:v25+s20+$0x0] =	vst.idx.msk vm1, v19;
	v9 =	vnsel vm14, $0x0, v15;
	vm15 =	vgt.s32 v29, $0x0;
	v18 =	vor.u32 v0, v18  }
0x53a: {  	[tilespmem:v16+s20+$0x0] =	vst.idx.msk vm0, v24;
	v7 =	vor.u32 v0, v7;
	v9 =	vmin.u32 v9, $0x3F;
	v12 =	vnsel vm15, $0x0, v29  }
0x53b: {  	v8 =	vor.u32 v0, v8;
	[tilespmem:v10+s20+$0x0] =	vst.idx.msk vm9, v27;
	v9 =	vshll.u32 v9, $0x4;
	v12 =	vmin.u32 v12, $0x3F  }
0x53c: {  	[tilespmem:v26+s20+$0x0] =	vst.idx.msk vm2, v28;
	v9 =	vor.u32 v0, v9;
	v10 =	vshll.u32 v12, $0x4  }
0x53d: {  	[tilespmem:v1+s20+$0x0] =	vst.idx.msk vm13, v6;
	v10 =	vor.u32 v0, v10  }
0x53e: {  	v1 =	vimm.s32 $0x3E;
	[tilespmem:v18+s20+$0x0] =	vst.idx.msk vm12, v31  }
0x53f: {  	[tilespmem:v7+s18+$0x0] =	vst.idx.msk $0xffff, v1  }
0x540: {  	[tilespmem:v8+s10+$0x0] =	vst.idx.msk $0xffff, v1  }
0x541: {  	[tilespmem:v9+s19+$0x0] =	vst.idx.msk $0xffff, v1  }
0x542: {  	s11 =	simm.s32 $0x5;
	[tilespmem:v10+s20+$0x0] =	vst.idx.msk $0xffff, v1  }
0x543: {  	_ =	swait.ge [sflag:s11], $0x2000  }
0x544: {  	[sflag:s11] =	ssyncset.done $0x0  }
0x545: {  	s13 =	simm.s32 $0x7F90;
	[sflag:s11] =	ssyncadd.s32 $0xFFFFE000  }
0x546: {  	v1 =	vld [tilespmem:s13+$0xFFFFFFF0];
	_ =	sdelay $0x3  }
0x547: {  	v17 =	vimm.s32 $0x0  }
0x548: {  	v6 =	vld [tilespmem:s13+$0x0];
	vm5 =	vgt.s32 v17, v1  }
0x549: {  	v1 =	vsel vm5, v17, v1  }
0x54a: {  	v7 =	vadd.s32 $0x1, v1  }
0x54b: {  	vm6 =	vlt.s32 v7, $0x3E  }
0x54c: {  	v9 =	vshll.u32 v1, $0x4;
	v8 =	vnsel vm6, $0x3E, v7  }
0x54d: {  	vm7 =	vgt.s32 v1, v6;
	v9 =	vor.u32 v0, v9;
	v8 =	vshll.u32 v8, $0x4  }
0x54e: {  	v6 =	vsel vm7, v1, v6;
	v8 =	vor.u32 v0, v8  }
0x54f: {  	v10 =	vadd.s32 $0x1, v6  }
0x550: {  	vm8 =	vlt.s32 v10, $0x3E  }
0x551: {  	v15 =	vshll.u32 v6, $0x4;
	v12 =	vnsel vm8, $0x3E, v10  }
0x552: {  	v15 =	vor.u32 v0, v15;
	v12 =	vshll.u32 v12, $0x4;
	v18 =	vld.idx.msk [tilespmem:v9+s21+$0x0], $0xffff  }
0x553: {  	v12 =	vor.u32 v0, v12;
	v16 =	vld.idx.msk [tilespmem:v8+s21+$0x0], $0xffff;
	_ =	sdelay $0x3  }
0x554: {  	v19 =	vld.idx.msk [tilespmem:v15+s21+$0x0], $0xffff  }
0x555: {  	v13 =	vmul.f32 $9.999999740e-06, v22;
	v24 =	vld.idx.msk [tilespmem:v12+s21+$0x0], $0xffff;
	v16 =	vsub.f32 v16, v18;
	_ =	sdelay $0x1  }
0x556: {  	vm9 =	vlt.f32 v16, v13  }
0x557: {  	v16 =	vsel vm9, v22, v16  }
0x558: {  	(erf) = vrcp.f32 v16  }
0x559: {  	s3 =	simm.s32 $0x0;
	v24 =	vsub.f32 v24, v19  }
0x55a: {  	s14 =	scvt.s32.f32 s3  }
0x55b: {  	vm10 =	vlt.f32 v24, v13  }
0x55c: {  	s17 =	smul.f32 $1.587301680e-02, s14;
	v16 =	vsel vm10, v22, v24  }
0x55d: {  	(erf) = vrcp.f32 v16  }
0x55e: {  	s10 =	simm.s32 $0x1;
	v9 =	vld.idx.msk [tilespmem:v9+s22+$0x0], $0xffff;
	v16 =	vmul.f32 s17, v22  }
0x55f: {  	s28 =	scvt.s32.f32 s10;
	v8 =	vld.idx.msk [tilespmem:v8+s22+$0x0], $0xffff  }
0x560: {  	v1 =	vadd.s32 v3, v1;
	v16 =	vsub.f32 v16, v18  }
0x561: {  	s31 =	smul.f32 $1.587301680e-02, s28;
	v15 =	vld.idx.msk [tilespmem:v15+s22+$0x0], $0xffff;
	v24 =	vpop (erf)  }
0x562: {  	v12 =	vld.idx.msk [tilespmem:v12+s22+$0x0], $0xffff;
	v16 =	vmul.f32 v24, v16  }
0x563: {  	v26 =	vmul.f32 s31, v22;
	v18 =	vadd.s32 v3, v6  }
0x564: {  	v8 =	vsub.f32 v8, v9  }
0x565: {  	v1 =	vld.idx.msk [tilespmem:v1+s15+$0x0], $0xffff;
	v19 =	vsub.f32 v26, v19  }
0x566: {  	v8 =	vmul.f32 v16, v8;
	v16 =	vpop (erf)  }
0x567: {  	v12 =	vsub.f32 v12, v15;
	v16 =	vmul.f32 v16, v19  }
0x568: {  	v8 =	vadd.f32 v8, v9;
	v9 =	vld.idx.msk [tilespmem:v18+s15+$0x0], $0xffff  }
0x569: {  	v12 =	vmul.f32 v16, v12  }
0x56a: {  	vm11 =	vle.f32 v1, v8  }
0x56b: {  	v1 =	vadd.s32 s3, v7;
	v7 =	vsel vm11, $0x1, v2;
	v12 =	vadd.f32 v12, v15  }
0x56c: {  	v1 =	vadd.s32 v7, v1  }
0x56d: {  	v7 =	vadd.s32 v11, v1;
	vm12 =	vle.f32 v9, v12  }
0x56e: {  	v1 =	vshll.u32 v1, $0x4;
	v9 =	vadd.s32 s10, v10;
	v10 =	vsel vm12, $0x1, v2  }
0x56f: {  	v1 =	vor.u32 v0, v1;
	v9 =	vadd.s32 v10, v9  }
0x570: {  	v10 =	vadd.s32 v11, v9;
	v9 =	vshll.u32 v9, $0x4  }
0x571: {  	s7 =	rddreg [dreg:$0xe];
	v9 =	vor.u32 v0, v9  }
0x572: {  	s1 =	sadd.s32 $0x2, s7  }
0x573: {  	s9 =	simm.s32 $0x7FB0;
	v19 =	vmov s1;
	[tilespmem:v7+s23+$0x0] =	vst.idx.msk $0xffff, v8  }
0x574: {  	s8 =	simm.s32 $0x8390;
	v8 =	vld [tilespmem:s9+$0xFFFFFFF0];
	[tilespmem:v1+s12+$0x0] =	vst.idx.msk $0xffff, v19  }
0x575: {  	v1 =	vld [tilespmem:s8+$0xFFFFFFF0];
	[tilespmem:v10+s23+$0x0] =	vst.idx.msk $0xffff, v12  }
0x576: {  	v15 =	vld [tilespmem:s9+$0x0];
	[tilespmem:v9+s12+$0x0] =	vst.idx.msk $0xffff, v19  }
0x577: {  	v7 =	vld [tilespmem:s8+$0x0];
	_ =	sdelay $0x1  }
0x578: {  	vm4 =	vgt.s32 v6, v8  }
0x579: {  	v8 =	vsel vm4, v6, v8;
	vm13 =	vgt.s32 v17, v1  }
0x57a: {  	v24 =	vadd.s32 $0x1, v8;
	v1 =	vsel vm13, v17, v1  }
0x57b: {  	vm7 =	vgt.s32 v8, v15;
	v9 =	vadd.s32 $0x1, v1;
	vm15 =	vgt.s32 v1, v7  }
0x57c: {  	vm6 =	vlt.s32 v24, $0x3E;
	vm14 =	vlt.s32 v9, $0x3E;
	v7 =	vsel vm15, v1, v7  }
0x57d: {  	v10 =	vshll.u32 v1, $0x4;
	v12 =	vnsel vm14, $0x3E, v9;
	v16 =	vadd.s32 $0x1, v7  }
0x57e: {  	v10 =	vor.u32 v0, v10;
	v12 =	vshll.u32 v12, $0x4;
	vm5 =	vlt.s32 v16, $0x3E  }
0x57f: {  	v12 =	vor.u32 v0, v12;
	v18 =	vshll.u32 v7, $0x4;
	v6 =	vnsel vm5, $0x3E, v16  }
0x580: {  	v26 =	vnsel vm6, $0x3E, v24;
	v18 =	vor.u32 v0, v18;
	v6 =	vshll.u32 v6, $0x4  }
0x581: {  	v27 =	vor.u32 v0, v6;
	v6 =	vsel vm7, v8, v15;
	v15 =	vshll.u32 v26, $0x4  }
0x582: {  	v26 =	vshll.u32 v8, $0x4;
	v28 =	vadd.s32 $0x1, v6;
	v15 =	vor.u32 v0, v15  }
0x583: {  	v30 =	vld.idx.msk [tilespmem:v10+s25+$0x0], $0xffff;
	v26 =	vor.u32 v0, v26;
	vm8 =	vlt.s32 v28, $0x3E  }
0x584: {  	v31 =	vld.idx.msk [tilespmem:v12+s25+$0x0], $0xffff;
	v61 =	vshll.u32 v6, $0x4;
	v29 =	vnsel vm8, $0x3E, v28  }
0x585: {  	v62 =	vld.idx.msk [tilespmem:v18+s25+$0x0], $0xffff;
	v32 =	vor.u32 v0, v61;
	v29 =	vshll.u32 v29, $0x4  }
0x586: {  	v63 =	vld.idx.msk [tilespmem:v27+s25+$0x0], $0xffff;
	v42 =	vor.u32 v0, v29  }
0x587: {  	v43 =	vld.idx.msk [tilespmem:v15+s21+$0x0], $0xffff  }
0x588: {  	v44 =	vld.idx.msk [tilespmem:v26+s21+$0x0], $0xffff;
	_ =	sdelay $0x1  }
0x589: {  	v45 =	vld.idx.msk [tilespmem:v32+s21+$0x0], $0xffff  }
0x58a: {  	v25 =	vmul.f32 $9.999999740e-06, v23;
	v31 =	vsub.f32 v31, v30;
	v39 =	vld.idx.msk [tilespmem:v42+s21+$0x0], $0xffff  }
0x58b: {  	v34 =	vsub.f32 v63, v62  }
0x58c: {  	vm9 =	vlt.f32 v31, v25;
	v36 =	vsub.f32 v43, v44  }
0x58d: {  	v31 =	vsel vm9, v23, v31;
	vm10 =	vlt.f32 v34, v25  }
0x58e: {  	(erf) = vrcp.f32 v31;
	v31 =	vsel vm10, v23, v34;
	vm11 =	vlt.f32 v36, v13  }
0x58f: {  	(erf) = vrcp.f32 v31;
	v46 =	vsel vm11, v22, v36;
	v31 =	vsub.f32 v39, v45  }
0x590: {  	(erf) = vrcp.f32 v46  }
0x591: {  	s8 =	simm.s32 $0x2;
	vm12 =	vlt.f32 v31, v13  }
0x592: {  	s11 =	scvt.s32.f32 s8;
	v31 =	vsel vm12, v22, v31  }
0x593: {  	(erf) = vrcp.f32 v31  }
0x594: {  	s1 =	simm.s32 $0x3;
	s9 =	smul.f32 $1.587301680e-02, s11;
	v15 =	vld.idx.msk [tilespmem:v15+s22+$0x0], $0xffff  }
0x595: {  	s13 =	scvt.s32.f32 s1;
	v26 =	vld.idx.msk [tilespmem:v26+s22+$0x0], $0xffff  }
0x596: {  	v8 =	vadd.s32 v3, v8;
	v31 =	vmul.f32 s9, v22  }
0x597: {  	s14 =	smul.f32 $1.587301680e-02, s13;
	v32 =	vld.idx.msk [tilespmem:v32+s22+$0x0], $0xffff;
	v47 =	vpop (erf)  }
0x598: {  	v35 =	vld.idx.msk [tilespmem:v42+s22+$0x0], $0xffff;
	v31 =	vsub.f32 v31, v44;
	v48 =	vpop (erf)  }
0x599: {  	v50 =	vmul.f32 s14, v22;
	v10 =	vld.idx.msk [tilespmem:v10+s26+$0x0], $0xffff;
	v49 =	vadd.s32 v3, v6;
	v40 =	vpop (erf)  }
0x59a: {  	v12 =	vld.idx.msk [tilespmem:v12+s26+$0x0], $0xffff;
	v15 =	vsub.f32 v15, v26;
	v31 =	vmul.f32 v40, v31  }
0x59b: {  	v8 =	vld.idx.msk [tilespmem:v8+s15+$0x0], $0xffff;
	v38 =	vsub.f32 v50, v45  }
0x59c: {  	v51 =	vmul.f32 s17, v23;
	v1 =	vadd.s32 v4, v1;
	v15 =	vmul.f32 v31, v15;
	v52 =	vpop (erf)  }
0x59d: {  	v54 =	vmul.f32 s31, v23;
	v31 =	vsub.f32 v35, v32;
	v53 =	vmul.f32 v52, v38  }
0x59e: {  	v9 =	vadd.s32 s3, v9;
	v30 =	vsub.f32 v51, v30;
	v37 =	vld.idx.msk [tilespmem:v49+s15+$0x0], $0xffff;
	v15 =	vadd.f32 v15, v26  }
0x59f: {  	v18 =	vld.idx.msk [tilespmem:v18+s26+$0x0], $0xffff;
	v28 =	vadd.s32 s1, v28;
	v12 =	vsub.f32 v12, v10;
	v31 =	vmul.f32 v53, v31  }
0x5a0: {  	v27 =	vld.idx.msk [tilespmem:v27+s26+$0x0], $0xffff;
	v30 =	vmul.f32 v47, v30;
	v26 =	vadd.s32 v4, v7;
	vm13 =	vle.f32 v8, v15  }
0x5a1: {  	v1 =	vld.idx.msk [tilespmem:v1+s15+$0x0], $0xffff;
	v8 =	vadd.s32 s8, v24;
	v24 =	vadd.f32 v31, v32;
	v31 =	vsel vm13, $0x1, v2  }
0x5a2: {  	v12 =	vmul.f32 v30, v12;
	v30 =	vsub.f32 v54, v62;
	v8 =	vadd.s32 v31, v8  }
0x5a3: {  	vm14 =	vle.f32 v37, v24;
	v31 =	vadd.s32 v11, v8;
	v8 =	vshll.u32 v8, $0x4  }
0x5a4: {  	v10 =	vadd.f32 v12, v10;
	v55 =	vsel vm14, $0x1, v2;
	v8 =	vor.u32 v0, v8  }
0x5a5: {  	v12 =	vsub.f32 v27, v18;
	v27 =	vadd.s32 v55, v28;
	v28 =	vmul.f32 v48, v30  }
0x5a6: {  	vm15 =	vle.f32 v1, v10;
	v1 =	vld.idx.msk [tilespmem:v26+s15+$0x0], $0xffff;
	v30 =	vadd.s32 v11, v27;
	v27 =	vshll.u32 v27, $0x4  }
0x5a7: {  	v26 =	vor.u32 v0, v27;
	v27 =	vsel vm15, $0x1, v2;
	v12 =	vmul.f32 v28, v12  }
0x5a8: {  	[tilespmem:v31+s23+$0x0] =	vst.idx.msk $0xffff, v15;
	v9 =	vadd.s32 v27, v9  }
0x5a9: {  	s18 =	simm.s32 $0x83B0;
	[tilespmem:v8+s12+$0x0] =	vst.idx.msk $0xffff, v19;
	v8 =	vadd.s32 v14, v9;
	v12 =	vadd.f32 v12, v18  }
0x5aa: {  	v15 =	vld [tilespmem:s18+$0xFFFFFFF0]  }
0x5ab: {  	v9 =	vshll.u32 v9, $0x4;
	[tilespmem:v30+s23+$0x0] =	vst.idx.msk $0xffff, v24;
	vm4 =	vle.f32 v1, v12  }
0x5ac: {  	v9 =	vor.u32 v0, v9;
	v1 =	vadd.s32 s10, v16;
	[tilespmem:v26+s12+$0x0] =	vst.idx.msk $0xffff, v19;
	v16 =	vsel vm4, $0x1, v2  }
0x5ad: {  	v18 =	vld [tilespmem:s18+$0x0];
	v1 =	vadd.s32 v16, v1  }
0x5ae: {  	[tilespmem:v8+s23+$0x0] =	vst.idx.msk $0xffff, v10;
	v8 =	vadd.s32 v14, v1;
	v1 =	vshll.u32 v1, $0x4  }
0x5af: {  	vm5 =	vgt.s32 v7, v15;
	v1 =	vor.u32 v0, v1  }
0x5b0: {  	v10 =	vsel vm5, v7, v15  }
0x5b1: {  	s19 =	simm.s32 $0x8790;
	[tilespmem:v9+s29+$0x0] =	vst.idx.msk $0xffff, v19;
	v7 =	vadd.s32 $0x1, v10  }
0x5b2: {  	v15 =	vld [tilespmem:s19+$0xFFFFFFF0];
	v9 =	vshll.u32 v10, $0x4;
	vm6 =	vlt.s32 v7, $0x3E;
	vm7 =	vgt.s32 v10, v18  }
0x5b3: {  	v16 =	vnsel vm6, $0x3E, v7;
	v39 =	vsel vm7, v10, v18;
	[tilespmem:v8+s23+$0x0] =	vst.idx.msk $0xffff, v12;
	v12 =	vor.u32 v0, v9  }
0x5b4: {  	v8 =	vshll.u32 v16, $0x4;
	v36 =	vadd.s32 $0x1, v39;
	[tilespmem:v1+s29+$0x0] =	vst.idx.msk $0xffff, v19;
	v1 =	vshll.u32 v39, $0x4  }
0x5b5: {  	v16 =	vor.u32 v0, v8;
	vm8 =	vlt.s32 v36, $0x3E;
	v9 =	vor.u32 v0, v1;
	v1 =	vld [tilespmem:s19+$0x0]  }
0x5b6: {  	v8 =	vnsel vm8, $0x3E, v36  }
0x5b7: {  	vm9 =	vgt.s32 v17, v15;
	v8 =	vshll.u32 v8, $0x4  }
0x5b8: {  	v15 =	vsel vm9, v17, v15;
	v31 =	vor.u32 v0, v8  }
0x5b9: {  	v32 =	vadd.s32 $0x1, v15;
	v18 =	vld.idx.msk [tilespmem:v12+s25+$0x0], $0xffff  }
0x5ba: {  	s20 =	simm.s32 $0x7FD0;
	vm10 =	vlt.s32 v32, $0x3E;
	v24 =	vld.idx.msk [tilespmem:v16+s25+$0x0], $0xffff;
	vm11 =	vgt.s32 v15, v1  }
0x5bb: {  	v26 =	vshll.u32 v15, $0x4;
	v8 =	vnsel vm10, $0x3E, v32;
	v40 =	vsel vm11, v15, v1;
	v1 =	vld [tilespmem:s20+$0xFFFFFFF0]  }
0x5bc: {  	v57 =	vor.u32 v0, v26;
	v8 =	vshll.u32 v8, $0x4;
	v33 =	vld.idx.msk [tilespmem:v9+s25+$0x0], $0xffff  }
0x5bd: {  	v56 =	vor.u32 v0, v8;
	v38 =	vadd.s32 $0x1, v40;
	v8 =	vld.idx.msk [tilespmem:v31+s25+$0x0], $0xffff  }
0x5be: {  	v29 =	vmul.f32 $9.999999740e-06, v21;
	v28 =	vld [tilespmem:s20+$0x0];
	vm12 =	vlt.s32 v38, $0x3E  }
0x5bf: {  	v26 =	vshll.u32 v40, $0x4;
	v27 =	vnsel vm12, $0x3E, v38;
	v24 =	vsub.f32 v24, v18  }
0x5c0: {  	v41 =	vor.u32 v0, v26;
	v26 =	vshll.u32 v27, $0x4;
	vm14 =	vgt.s32 v6, v1  }
0x5c1: {  	v43 =	vld.idx.msk [tilespmem:v57+s30+$0x0], $0xffff;
	v42 =	vor.u32 v0, v26;
	vm13 =	vlt.f32 v24, v25;
	v1 =	vsel vm14, v6, v1  }
0x5c2: {  	v27 =	vld.idx.msk [tilespmem:v56+s30+$0x0], $0xffff;
	v24 =	vsel vm13, v23, v24;
	v8 =	vsub.f32 v8, v33;
	v6 =	vadd.s32 $0x1, v1  }
0x5c3: {  	vm1 =	vgt.s32 v1, v28;
	(erf) = vrcp.f32 v24;
	vm4 =	vlt.s32 v6, $0x3E  }
0x5c4: {  	[tilespmem:$0x1FEE0] =	vst v25;
	v34 =	vsel vm1, v1, v28;
	v28 =	vshll.u32 v1, $0x4;
	vm15 =	vlt.f32 v8, v25  }
0x5c5: {  	v44 =	vld.idx.msk [tilespmem:v41+s30+$0x0], $0xffff;
	v26 =	vnsel vm4, $0x3E, v6;
	v47 =	vor.u32 v0, v28;
	v28 =	vshll.u32 v34, $0x4  }
0x5c6: {  	v24 =	vsel vm15, v23, v8;
	v8 =	vadd.s32 $0x1, v34;
	v26 =	vshll.u32 v26, $0x4;
	v45 =	vld.idx.msk [tilespmem:v42+s30+$0x0], $0xffff  }
0x5c7: {  	v27 =	vsub.f32 v27, v43;
	vm5 =	vlt.s32 v8, $0x3E;
	v46 =	vor.u32 v0, v26  }
0x5c8: {  	v48 =	vor.u32 v0, v28;
	v26 =	vnsel vm5, $0x3E, v8  }
0x5c9: {  	v12 =	vld.idx.msk [tilespmem:v12+s26+$0x0], $0xffff;
	vm6 =	vlt.f32 v27, v29;
	v26 =	vshll.u32 v26, $0x4  }
0x5ca: {  	v16 =	vld.idx.msk [tilespmem:v16+s26+$0x0], $0xffff;
	(erf) = vrcp.f32 v24;
	v24 =	vor.u32 v0, v26;
	v26 =	vsel vm6, v21, v27  }
0x5cb: {  	v49 =	vld.idx.msk [tilespmem:v47+s21+$0x0], $0xffff;
	(erf) = vrcp.f32 v26;
	v26 =	vsub.f32 v45, v44  }
0x5cc: {  	v10 =	vadd.s32 v4, v10;
	v27 =	vmul.f32 s9, v23;
	v58 =	vld.idx.msk [tilespmem:v46+s21+$0x0], $0xffff;
	[tilespmem:$0x1FEF0] =	vst v29  }
0x5cd: {  	v61 =	vmul.f32 s31, v21;
	vm7 =	vlt.f32 v26, v29;
	v50 =	vld.idx.msk [tilespmem:v48+s21+$0x0], $0xffff  }
0x5ce: {  	v53 =	vmul.f32 s17, v21;
	v18 =	vsub.f32 v27, v18;
	v35 =	vld.idx.msk [tilespmem:v56+s0+$0x0], $0xffff;
	v28 =	vsel vm7, v21, v26  }
0x5cf: {  	v55 =	vmul.f32 s14, v23;
	v52 =	vpop (erf);
	v51 =	vld.idx.msk [tilespmem:v24+s21+$0x0], $0xffff;
	(erf) = vrcp.f32 v28  }
0x5d0: {  	v15 =	vadd.s32 v59, v15;
	v16 =	vsub.f32 v16, v12;
	v37 =	vld.idx.msk [tilespmem:v57+s0+$0x0], $0xffff;
	v18 =	vmul.f32 v52, v18  }
0x5d1: {  	v7 =	vadd.s32 s8, v7;
	v54 =	vadd.s32 v59, v40;
	v10 =	vld.idx.msk [tilespmem:v10+s15+$0x0], $0xffff;
	v45 =	vsub.f32 v58, v49  }
0x5d2: {  	v32 =	vadd.s32 s3, v32;
	v33 =	vsub.f32 v55, v33;
	v41 =	vld.idx.msk [tilespmem:v41+s0+$0x0], $0xffff;
	v16 =	vmul.f32 v18, v16  }
0x5d3: {  	v1 =	vadd.s32 v3, v1;
	v42 =	vld.idx.msk [tilespmem:v42+s0+$0x0], $0xffff;
	v18 =	vsub.f32 v53, v43;
	v43 =	vpop (erf);
	vm8 =	vlt.f32 v45, v13  }
0x5d4: {  	s4 =	simm.s32 $0x4;
	[tilespmem:$0x1FF00] =	vst v13;
	v12 =	vadd.f32 v16, v12;
	v51 =	vsub.f32 v51, v50;
	v56 =	vpop (erf);
	v62 =	vsel vm8, v22, v45  }
0x5d5: {  	s5 =	simm.s32 $0x5;
	s28 =	scvt.s32.f32 s4;
	v15 =	vld.idx.msk [tilespmem:v15+s15+$0x0], $0xffff;
	v16 =	vmul.f32 v56, v18;
	v18 =	vsub.f32 v35, v37;
	(erf) = vrcp.f32 v62  }
0x5d6: {  	s11 =	scvt.s32.f32 s5;
	v25 =	vmul.f32 $9.999999740e-06, v20;
	v44 =	vsub.f32 v61, v44;
	v54 =	vld.idx.msk [tilespmem:v54+s15+$0x0], $0xffff;
	vm9 =	vlt.f32 v51, v13  }
0x5d7: {  	s6 =	smul.f32 $1.587301680e-02, s28;
	vm10 =	vle.f32 v10, v12;
	v10 =	vld.idx.msk [tilespmem:v46+s22+$0x0], $0xffff;
	v63 =	vsel vm9, v22, v51;
	v16 =	vmul.f32 v16, v18  }
0x5d8: {  	s18 =	smul.f32 $1.587301680e-02, s11;
	v55 =	vadd.s32 v3, v34;
	v27 =	vmul.f32 s17, v20;
	v46 =	vld.idx.msk [tilespmem:v47+s22+$0x0], $0xffff;
	(erf) = vrcp.f32 v63;
	v53 =	vpop (erf)  }
0x5d9: {  	v24 =	vld.idx.msk [tilespmem:v24+s22+$0x0], $0xffff;
	v42 =	vsub.f32 v42, v41;
	v18 =	vmul.f32 v53, v44;
	v16 =	vadd.f32 v16, v37  }
0x5da: {  	v8 =	vadd.s32 s5, v8;
	v9 =	vld.idx.msk [tilespmem:v9+s26+$0x0], $0xffff;
	v56 =	vmul.f32 s18, v22;
	v51 =	vmul.f32 s6, v22  }
0x5db: {  	v52 =	vadd.s32 v4, v39;
	v37 =	vld.idx.msk [tilespmem:v48+s22+$0x0], $0xffff;
	v18 =	vmul.f32 v18, v42;
	vm11 =	vle.f32 v15, v16  }
0x5dc: {  	v31 =	vld.idx.msk [tilespmem:v31+s26+$0x0], $0xffff;
	v58 =	vsub.f32 v56, v50;
	v35 =	vsub.f32 v51, v49;
	v57 =	vsel vm11, $0x1, v2  }
0x5dd: {  	v10 =	vsub.f32 v10, v46;
	v15 =	vadd.f32 v18, v41;
	v32 =	vadd.s32 v57, v32  }
0x5de: {  	v18 =	vadd.s32 s10, v38;
	v38 =	vadd.s32 v60, v32;
	v32 =	vshll.u32 v32, $0x4;
	v61 =	vpop (erf)  }
0x5df: {  	vm12 =	vle.f32 v54, v15;
	v63 =	vor.u32 v0, v32;
	v50 =	vmul.f32 v61, v35  }
0x5e0: {  	v1 =	vld.idx.msk [tilespmem:v1+s15+$0x0], $0xffff;
	v33 =	vmul.f32 v43, v33;
	v24 =	vsub.f32 v24, v37;
	v62 =	vsel vm12, $0x1, v2  }
0x5e1: {  	v54 =	vsub.f32 v31, v9;
	v18 =	vadd.s32 v62, v18;
	v51 =	vpop (erf);
	v10 =	vmul.f32 v50, v10  }
0x5e2: {  	v53 =	vadd.s32 v60, v18;
	v18 =	vshll.u32 v18, $0x4;
	v35 =	vmul.f32 v51, v58  }
0x5e3: {  	v42 =	vld.idx.msk [tilespmem:v55+s15+$0x0], $0xffff;
	v18 =	vor.u32 v0, v18;
	[tilespmem:v38+s23+$0x0] =	vst.idx.msk $0xffff, v16;
	v10 =	vadd.f32 v10, v46  }
0x5e4: {  	s13 =	simm.s32 $0x8B90;
	v28 =	vmul.f32 s31, v20;
	v44 =	vsel vm10, $0x1, v2;
	v24 =	vmul.f32 v35, v24;
	[tilespmem:v63+s2+$0x0] =	vst.idx.msk $0xffff, v19  }
0x5e5: {  	v7 =	vadd.s32 v44, v7;
	v55 =	vmul.f32 v33, v54;
	v56 =	vld [tilespmem:s13+$0xFFFFFFF0];
	vm13 =	vle.f32 v1, v10  }
0x5e6: {  	v1 =	vadd.s32 s4, v6;
	v24 =	vadd.f32 v24, v37;
	v6 =	vsel vm13, $0x1, v2  }
0x5e7: {  	v31 =	vmul.f32 s9, v20;
	v16 =	vadd.s32 v14, v7;
	[tilespmem:v53+s23+$0x0] =	vst.idx.msk $0xffff, v15;
	v1 =	vadd.s32 v6, v1  }
0x5e8: {  	v7 =	vshll.u32 v7, $0x4;
	[tilespmem:v18+s2+$0x0] =	vst.idx.msk $0xffff, v19;
	vm14 =	vle.f32 v42, v24;
	v18 =	vadd.s32 v11, v1  }
0x5e9: {  	v7 =	vor.u32 v0, v7;
	v1 =	vshll.u32 v1, $0x4;
	v6 =	vld [tilespmem:s13+$0x0];
	v15 =	vsel vm14, $0x1, v2  }
0x5ea: {  	v57 =	vld.idx.msk [tilespmem:v52+s15+$0x0], $0xffff;
	v1 =	vor.u32 v0, v1;
	v8 =	vadd.s32 v15, v8;
	vm15 =	vgt.s32 v17, v56  }
0x5eb: {  	v15 =	vshll.u32 v8, $0x4;
	v8 =	vadd.s32 v11, v8;
	v58 =	vsel vm15, v17, v56  }
0x5ec: {  	v32 =	vmul.f32 s14, v20;
	v33 =	vmul.f32 s6, v20;
	[tilespmem:v16+s23+$0x0] =	vst.idx.msk $0xffff, v12;
	v12 =	vshll.u32 v58, $0x4  }
0x5ed: {  	v9 =	vadd.f32 v55, v9;
	v37 =	vadd.s32 $0x1, v58;
	[tilespmem:v18+s23+$0x0] =	vst.idx.msk $0xffff, v10;
	v10 =	vor.u32 v0, v12  }
0x5ee: {  	s17 =	simm.s32 $0x87B0;
	[tilespmem:v7+s29+$0x0] =	vst.idx.msk $0xffff, v19;
	v15 =	vor.u32 v0, v15;
	vm4 =	vlt.s32 v37, $0x3E;
	vm0 =	vgt.s32 v58, v6  }
0x5ef: {  	s19 =	simm.s32 $0x83D0;
	vm6 =	vle.f32 v57, v9;
	[tilespmem:v1+s12+$0x0] =	vst.idx.msk $0xffff, v19;
	v1 =	vld [tilespmem:s17+$0xFFFFFFF0];
	v35 =	vsel vm0, v58, v6;
	v6 =	vnsel vm4, $0x3E, v37  }
0x5f0: {  	v12 =	vld [tilespmem:s19+$0xFFFFFFF0];
	v38 =	vadd.s32 $0x1, v35;
	v6 =	vshll.u32 v6, $0x4;
	[tilespmem:v8+s23+$0x0] =	vst.idx.msk $0xffff, v24;
	v24 =	vadd.s32 v5, v35  }
0x5f1: {  	s31 =	simm.s32 $0x6BD0;
	v61 =	vsel vm6, $0x1, v2;
	vm5 =	vlt.s32 v38, $0x3E;
	v6 =	vor.u32 v0, v6  }
0x5f2: {  	v44 =	vadd.s32 v5, v58;
	v7 =	vshll.u32 v35, $0x4;
	v16 =	vnsel vm5, $0x3E, v38;
	v45 =	vld.idx.msk [tilespmem:v10+s31+$0x0], $0xffff  }
0x5f3: {  	v18 =	vadd.s32 s1, v36;
	v7 =	vor.u32 v0, v7;
	[tilespmem:v15+s12+$0x0] =	vst.idx.msk $0xffff, v19;
	v41 =	vld.idx.msk [tilespmem:v10+s24+$0x0], $0xffff;
	v8 =	vshll.u32 v16, $0x4  }
0x5f4: {  	v16 =	vadd.s32 v61, v18;
	v18 =	vld [tilespmem:s19+$0x0];
	vm7 =	vgt.s32 v40, v1;
	v8 =	vor.u32 v0, v8  }
0x5f5: {  	v15 =	vadd.s32 v14, v16;
	v16 =	vshll.u32 v16, $0x4;
	vm8 =	vgt.s32 v39, v12;
	v42 =	vld.idx.msk [tilespmem:v24+s15+$0x0], $0xffff  }
0x5f6: {  	v1 =	vsel vm7, v40, v1;
	v16 =	vor.u32 v0, v16;
	v12 =	vsel vm8, v39, v12;
	v62 =	vld.idx.msk [tilespmem:v6+s31+$0x0], $0xffff  }
0x5f7: {  	v47 =	vadd.s32 $0x1, v1;
	v39 =	vshll.u32 v1, $0x4;
	v48 =	vld.idx.msk [tilespmem:v6+s24+$0x0], $0xffff;
	v6 =	vshll.u32 v12, $0x4  }
0x5f8: {  	v57 =	vadd.s32 v59, v1;
	v46 =	vld.idx.msk [tilespmem:v7+s31+$0x0], $0xffff;
	v51 =	vadd.s32 $0x1, v12;
	v6 =	vor.u32 v0, v6  }
0x5f9: {  	v54 =	vadd.s32 v4, v12;
	v40 =	vld.idx.msk [tilespmem:v7+s24+$0x0], $0xffff;
	vm9 =	vlt.s32 v51, $0x3E;
	vm1 =	vgt.s32 v12, v18  }
0x5fa: {  	vm10 =	vlt.s32 v47, $0x3E;
	v7 =	vnsel vm9, $0x3E, v51;
	v63 =	vld.idx.msk [tilespmem:v8+s31+$0x0], $0xffff;
	[tilespmem:v15+s23+$0x0] =	vst.idx.msk $0xffff, v9;
	v43 =	vsel vm1, v12, v18  }
0x5fb: {  	v50 =	vld.idx.msk [tilespmem:v8+s24+$0x0], $0xffff;
	v7 =	vshll.u32 v7, $0x4;
	v12 =	vnsel vm10, $0x3E, v47;
	[tilespmem:v16+s29+$0x0] =	vst.idx.msk $0xffff, v19;
	v49 =	vadd.s32 $0x1, v43  }
0x5fc: {  	v8 =	vshll.u32 v43, $0x4;
	v7 =	vor.u32 v0, v7;
	v12 =	vshll.u32 v12, $0x4;
	v9 =	vld [tilespmem:s17+$0x0]  }
0x5fd: {  	v53 =	vadd.s32 v4, v43;
	vm11 =	vlt.s32 v49, $0x3E;
	v58 =	vor.u32 v0, v8;
	v8 =	vld.idx.msk [tilespmem:v6+s25+$0x0], $0xffff  }
0x5fe: {  	v15 =	vsub.f32 v62, v45;
	v10 =	vnsel vm11, $0x3E, v49;
	v55 =	vld.idx.msk [tilespmem:v6+s26+$0x0], $0xffff;
	v6 =	vor.u32 v0, v12;
	[tilespmem:$0x1FF10] =	vst v60  }
0x5ff: {  	[tilespmem:$0x1FF20] =	vst v14;
	v60 =	vor.u32 v0, v39;
	v10 =	vshll.u32 v10, $0x4;
	v16 =	vsub.f32 v63, v46  }
0x600: {  	v36 =	vmul.f32 s18, v20;
	vm12 =	vlt.f32 v15, v25;
	v44 =	vld.idx.msk [tilespmem:v44+s15+$0x0], $0xffff;
	[tilespmem:$0x1FF30] =	vst v25;
	v62 =	vor.u32 v0, v10  }
0x601: {  	v10 =	vsel vm12, v20, v15;
	v24 =	vld.idx.msk [tilespmem:v7+s25+$0x0], $0xffff;
	vm13 =	vlt.f32 v16, v25;
	vm14 =	vgt.s32 v1, v9  }
0x602: {  	(erf) = vrcp.f32 v10;
	v7 =	vld.idx.msk [tilespmem:v7+s26+$0x0], $0xffff;
	v12 =	vsel vm13, v20, v16;
	v39 =	vsel vm14, v1, v9  }
0x603: {  	v30 =	vmovc v4;
	s11 =	simm.s32 $0x0;
	v29 =	vmovc v59;
	v61 =	vld.idx.msk [tilespmem:v58+s25+$0x0], $0xffff;
	(erf) = vrcp.f32 v12;
	v52 =	vadd.s32 $0x1, v39;
	v9 =	vshll.u32 v39, $0x4  }
0x604: {  	s8 =	simm.s32 $0x8F80;
	s3 =	simm.s32 $0x7B90;
	s20 =	simm.s32 $0x7FF0;
	v26 =	vmovc v3;
	v13 =	vmovc v20;
	v10 =	vld.idx.msk [tilespmem:v6+s30+$0x0], $0xffff;
	v56 =	vadd.s32 v59, v39;
	v59 =	vmul.f32 s14, v21;
	vm15 =	vlt.s32 v52, $0x3E  }
0x605: {  	s12 =	simm.s32 $0x6;
	v14 =	vmovc v21;
	s14 =	simm.s32 $0xA780;
	v12 =	vld.idx.msk [tilespmem:v62+s25+$0x0], $0xffff;
	v63 =	vor.u32 v0, v9;
	v9 =	vmul.f32 s9, v21;
	s9 =	simm.s32 $0x2;
	[tilespmem:$0x1FF40] =	vst v5;
	v15 =	vnsel vm15, $0x3E, v52  }
.LBB2_21:
0x606: {  	v5 =	vld [tilespmem:$0x1FEE0];
	_ =	sdelay $0x2  }
0x607: {  	v24 =	vsub.f32 v24, v8;
	_ =	sdelay $0x1  }
0x608: {  	vm0 =	vlt.f32 v24, v5  }
0x609: {  	v17 =	vsel vm0, v23, v24  }
0x60a: {  	v4 =	vadd.s32 s10, v38;
	v38 =	vpop (erf);
	(erf) = vrcp.f32 v17  }
0x60b: {  	v1 =	vld [tilespmem:s20+$0xFFFFFFF0];
	_ =	sdelay $0x1  }
0x60c: {  	v48 =	vsub.f32 v48, v41;
	v3 =	vadd.s32 s11, v37;
	v37 =	vld [tilespmem:s20+$0x0]  }
0x60d: {  	v16 =	vmul.f32 s6, v23;
	v50 =	vsub.f32 v50, v40;
	v45 =	vsub.f32 v27, v45  }
0x60e: {  	v46 =	vsub.f32 v28, v46;
	v15 =	vshll.u32 v15, $0x4;
	v28 =	vmovc v32;
	v12 =	vsub.f32 v12, v61  }
0x60f: {  	v15 =	vor.u32 v0, v15;
	v8 =	vsub.f32 v16, v8;
	v16 =	vld.idx.msk [tilespmem:v60+s30+$0x0], $0xffff;
	vm13 =	vgt.s32 v34, v1  }
0x610: {  	v32 =	vmovc v36;
	v7 =	vsub.f32 v7, v55;
	v1 =	vsel vm13, v34, v1;
	vm14 =	vlt.f32 v12, v5  }
0x611: {  	vm1 =	vgt.s32 v1, v37;
	v12 =	vsel vm14, v23, v12;
	v36 =	vshll.u32 v1, $0x4;
	v24 =	vpop (erf)  }
0x612: {  	v25 =	vld.idx.msk [tilespmem:v63+s30+$0x0], $0xffff;
	v45 =	vmul.f32 v38, v45;
	v38 =	vadd.s32 $0x1, v1;
	v34 =	vsel vm1, v1, v37;
	v21 =	vpop (erf)  }
0x613: {  	v54 =	vld.idx.msk [tilespmem:v54+s15+$0x0], $0xffff;
	v36 =	vor.u32 v0, v36;
	vm15 =	vlt.s32 v38, $0x3E;
	v8 =	vmul.f32 v21, v8  }
0x614: {  	v37 =	vadd.s32 $0x1, v34;
	v10 =	vsub.f32 v10, v16;
	v24 =	vmul.f32 v24, v46;
	v17 =	vmovc v11;
	v11 =	vld [tilespmem:$0x1FEF0]  }
0x615: {  	(erf) = vrcp.f32 v12;
	v12 =	vld.idx.msk [tilespmem:v15+s30+$0x0], $0xffff;
	v20 =	vshll.u32 v34, $0x4;
	v7 =	vmul.f32 v8, v7  }
0x616: {  	v5 =	vnsel vm15, $0x3E, v38;
	vm4 =	vlt.s32 v37, $0x3E;
	v20 =	vor.u32 v0, v20  }
0x617: {  	v5 =	vshll.u32 v5, $0x4;
	v24 =	vmul.f32 v24, v50;
	v7 =	vadd.f32 v7, v55  }
0x618: {  	v58 =	vld.idx.msk [tilespmem:v58+s26+$0x0], $0xffff;
	v45 =	vmul.f32 v45, v48;
	v46 =	vnsel vm4, $0x3E, v37;
	v5 =	vor.u32 v0, v5  }
0x619: {  	v24 =	vadd.f32 v24, v40;
	vm5 =	vlt.f32 v10, v11;
	vm8 =	vle.f32 v54, v7;
	v54 =	vld [tilespmem:$0x1FF50]  }
0x61a: {  	v62 =	vld.idx.msk [tilespmem:v62+s26+$0x0], $0xffff;
	v10 =	vsel vm5, v14, v10;
	v8 =	vsub.f32 v9, v16;
	v9 =	vsub.f32 v12, v25  }
0x61b: {  	v6 =	vld.idx.msk [tilespmem:v6+s0+$0x0], $0xffff;
	v46 =	vshll.u32 v46, $0x4;
	vm7 =	vle.f32 v42, v24;
	(erf) = vrcp.f32 v10  }
0x61c: {  	s31 =	smov.u32 s12;
	s11 =	smov.u32 s9;
	v63 =	vld.idx.msk [tilespmem:v63+s0+$0x0], $0xffff;
	v10 =	vadd.f32 v45, v41;
	vm2 =	vlt.f32 v9, v11;
	v55 =	vsel vm7, $0x1, v2  }
0x61d: {  	s9 =	smov.u32 s4;
	s4 =	smov.u32 s31;
	s31 =	simm.s32 $0x6000;
	v15 =	vld.idx.msk [tilespmem:v15+s0+$0x0], $0xffff;
	v46 =	vor.u32 v0, v46;
	v9 =	vsel vm2, v14, v9;
	v4 =	vadd.s32 v55, v4  }
0x61e: {  	v40 =	vld.idx.msk [tilespmem:v36+s31+$0x0], $0xffff;
	vm6 =	vle.f32 v44, v10;
	v44 =	vpop (erf);
	(erf) = vrcp.f32 v9;
	v9 =	vadd.s32 v54, v4  }
0x61f: {  	v45 =	vld.idx.msk [tilespmem:v60+s0+$0x0], $0xffff  }
0x620: {  	v18 =	vmul.f32 s18, v23;
	v21 =	vld.idx.msk [tilespmem:v5+s31+$0x0], $0xffff  }
0x621: {  	v12 =	vld.idx.msk [tilespmem:v20+s31+$0x0], $0xffff  }
0x622: {  	v16 =	vsub.f32 v18, v61;
	v18 =	vld.idx.msk [tilespmem:v46+s31+$0x0], $0xffff  }
0x623: {  	v42 =	vsub.f32 v62, v58;
	v61 =	vadd.s32 s9, v51;
	v62 =	vsel vm6, $0x1, v2;
	[tilespmem:v9+s23+$0x0] =	vst.idx.msk $0xffff, v24;
	v9 =	vld [tilespmem:$0x1FF00]  }
0x624: {  	v3 =	vadd.s32 v62, v3;
	v60 =	vsel vm8, $0x1, v2  }
0x625: {  	v15 =	vsub.f32 v15, v63;
	v41 =	vadd.s32 v60, v61;
	v60 =	vadd.s32 v54, v3  }
0x626: {  	s21 =	scvt.s32.f32 s12;
	v25 =	vsub.f32 v59, v25;
	v55 =	vld [tilespmem:$0x1FF20];
	v21 =	vsub.f32 v21, v40;
	v61 =	vpop (erf);
	v4 =	vshll.u32 v4, $0x4  }
0x627: {  	v6 =	vsub.f32 v6, v45;
	v8 =	vmul.f32 v61, v8;
	v4 =	vor.u32 v0, v4  }
0x628: {  	s28 =	smov.u32 s6;
	v27 =	vmovc v31;
	s6 =	smul.f32 $1.587301680e-02, s21;
	v5 =	vld.idx.msk [tilespmem:v5+s22+$0x0], $0xffff;
	v18 =	vsub.f32 v18, v12;
	v3 =	vshll.u32 v3, $0x4;
	vm9 =	vlt.f32 v21, v9  }
0x629: {  	v31 =	vmovc v33;
	v62 =	vld [tilespmem:$0x1FF10];
	v16 =	vmul.f32 v44, v16;
	v3 =	vor.u32 v0, v3;
	v21 =	vsel vm9, v22, v21  }
0x62a: {  	s10 =	smov.u32 s1;
	s1 =	smov.u32 s5;
	s5 =	sadd.s32 $0x1, s4;
	v33 =	vmul.f32 s6, v22;
	v24 =	vld.idx.msk [tilespmem:v57+s15+$0x0], $0xffff;
	[tilespmem:v60+s23+$0x0] =	vst.idx.msk $0xffff, v10;
	vm10 =	vlt.f32 v18, v9;
	(erf) = vrcp.f32 v21  }
0x62b: {  	s24 =	smov.u32 s18;
	s18 =	scvt.s32.f32 s5;
	v48 =	vadd.s32 v55, v41;
	v6 =	vmul.f32 v8, v6;
	v8 =	vpop (erf);
	v10 =	vld.idx.msk [tilespmem:v36+s22+$0x0], $0xffff;
	v18 =	vsel vm10, v22, v18  }
0x62c: {  	v8 =	vmul.f32 v8, v25;
	v9 =	vld.idx.msk [tilespmem:v56+s15+$0x0], $0xffff;
	[tilespmem:v4+s14+$0x0] =	vst.idx.msk $0xffff, v19;
	(erf) = vrcp.f32 v18  }
0x62d: {  	s18 =	smul.f32 $1.587301680e-02, s18;
	v1 =	vadd.s32 v26, v1;
	v6 =	vadd.f32 v6, v45;
	v4 =	vld.idx.msk [tilespmem:v20+s22+$0x0], $0xffff  }
0x62e: {  	v40 =	vsub.f32 v33, v40;
	v16 =	vmul.f32 v16, v42;
	v8 =	vmul.f32 v8, v15;
	v18 =	vld.idx.msk [tilespmem:v46+s22+$0x0], $0xffff  }
0x62f: {  	[tilespmem:v3+s14+$0x0] =	vst.idx.msk $0xffff, v19;
	v3 =	vadd.s32 v26, v34;
	v15 =	vmul.f32 s18, v22;
	vm11 =	vle.f32 v24, v6  }
0x630: {  	v8 =	vadd.f32 v8, v63;
	v24 =	vsel vm11, $0x1, v2;
	v21 =	vadd.s32 s11, v47  }
0x631: {  	[tilespmem:v48+s23+$0x0] =	vst.idx.msk $0xffff, v7;
	v7 =	vadd.s32 s10, v52;
	v12 =	vsub.f32 v15, v12;
	v15 =	vadd.s32 v24, v21  }
0x632: {  	v25 =	vld.idx.msk [tilespmem:v53+s15+$0x0], $0xffff;
	v5 =	vsub.f32 v5, v10;
	v21 =	vadd.s32 v62, v15;
	vm12 =	vle.f32 v9, v8  }
0x633: {  	v15 =	vshll.u32 v15, $0x4;
	v24 =	vsel vm12, $0x1, v2;
	v9 =	vsub.f32 v18, v4;
	v18 =	vpop (erf)  }
0x634: {  	v15 =	vor.u32 v0, v15;
	v7 =	vadd.s32 v24, v7;
	v18 =	vmul.f32 v18, v40  }
0x635: {  	v16 =	vadd.f32 v16, v58;
	v1 =	vld.idx.msk [tilespmem:v1+s15+$0x0], $0xffff;
	v24 =	vadd.s32 v62, v7;
	v63 =	vpop (erf)  }
0x636: {  	v7 =	vshll.u32 v7, $0x4;
	v12 =	vmul.f32 v63, v12;
	v5 =	vmul.f32 v18, v5  }
0x637: {  	v3 =	vld.idx.msk [tilespmem:v3+s15+$0x0], $0xffff;
	vm13 =	vle.f32 v25, v16;
	v7 =	vor.u32 v0, v7  }
0x638: {  	v41 =	vshll.u32 v41, $0x4;
	[tilespmem:v21+s23+$0x0] =	vst.idx.msk $0xffff, v6;
	v9 =	vmul.f32 v12, v9;
	v5 =	vadd.f32 v5, v10  }
0x639: {  	v20 =	vadd.s32 s1, v49;
	v6 =	vadd.s32 s4, v38;
	[tilespmem:v15+s2+$0x0] =	vst.idx.msk $0xffff, v19;
	v18 =	vsel vm13, $0x1, v2  }
0x63a: {  	s13 =	sadd.s32 $0x20, s13;
	v12 =	vadd.s32 v18, v20;
	v4 =	vadd.f32 v9, v4;
	vm14 =	vle.f32 v1, v5  }
0x63b: {  	[tilespmem:v24+s23+$0x0] =	vst.idx.msk $0xffff, v8;
	v10 =	vadd.s32 v55, v12;
	v9 =	vshll.u32 v12, $0x4;
	v12 =	vld [tilespmem:s13+$0xFFFFFFF0];
	v8 =	vsel vm14, $0x1, v2  }
0x63c: {  	v1 =	vor.u32 v0, v9;
	vm15 =	vle.f32 v3, v4;
	v6 =	vadd.s32 v8, v6  }
0x63d: {  	[tilespmem:v7+s2+$0x0] =	vst.idx.msk $0xffff, v19;
	v3 =	vadd.s32 s5, v37;
	v7 =	vsel vm15, $0x1, v2;
	v9 =	vadd.s32 v17, v6  }
0x63e: {  	v8 =	vld [tilespmem:s13+$0x0];
	v3 =	vadd.s32 v7, v3;
	v7 =	vor.u32 v0, v41;
	v6 =	vshll.u32 v6, $0x4  }
0x63f: {  	v6 =	vor.u32 v0, v6  }
0x640: {  	[tilespmem:v10+s23+$0x0] =	vst.idx.msk $0xffff, v16;
	vm4 =	vgt.s32 v35, v12  }
0x641: {  	v15 =	vadd.s32 v17, v3;
	v3 =	vshll.u32 v3, $0x4;
	[tilespmem:v1+s29+$0x0] =	vst.idx.msk $0xffff, v19;
	v1 =	vsel vm4, v35, v12  }
0x642: {  	v3 =	vor.u32 v0, v3;
	v37 =	vadd.s32 $0x1, v1;
	[tilespmem:v9+s23+$0x0] =	vst.idx.msk $0xffff, v5  }
0x643: {  	v10 =	vshll.u32 v1, $0x4;
	vm0 =	vgt.s32 v1, v8;
	vm5 =	vlt.s32 v37, $0x3E;
	[tilespmem:v7+s29+$0x0] =	vst.idx.msk $0xffff, v19  }
0x644: {  	s19 =	sadd.s32 $0x20, s19;
	v5 =	vor.u32 v0, v10;
	v35 =	vsel vm0, v1, v8;
	v7 =	vnsel vm5, $0x3E, v37;
	[tilespmem:v6+s8+$0x0] =	vst.idx.msk $0xffff, v19  }
0x645: {  	s17 =	sadd.s32 $0x20, s17;
	v38 =	vadd.s32 $0x1, v35;
	v7 =	vshll.u32 v7, $0x4;
	v9 =	vld [tilespmem:s19+$0xFFFFFFF0]  }
0x646: {  	[tilespmem:v15+s23+$0x0] =	vst.idx.msk $0xffff, v4;
	vm6 =	vlt.s32 v38, $0x3E;
	v6 =	vld [tilespmem:s17+$0xFFFFFFF0];
	v4 =	vor.u32 v0, v7  }
0x647: {  	v12 =	vld [tilespmem:$0x1FF40];
	[tilespmem:v3+s8+$0x0] =	vst.idx.msk $0xffff, v19;
	v7 =	vnsel vm6, $0x3E, v38  }
0x648: {  	s21 =	simm.s32 $0x6BD0;
	v8 =	vshll.u32 v35, $0x4;
	v3 =	vshll.u32 v7, $0x4;
	v7 =	vld [tilespmem:s19+$0x0]  }
0x649: {  	v8 =	vor.u32 v0, v8;
	v45 =	vld.idx.msk [tilespmem:v5+s21+$0x0], $0xffff  }
0x64a: {  	v41 =	vld.idx.msk [tilespmem:v5+s3+$0x0], $0xffff;
	vm8 =	vgt.s32 v43, v9  }
0x64b: {  	v3 =	vor.u32 v0, v3;
	vm7 =	vgt.s32 v39, v6;
	v48 =	vld.idx.msk [tilespmem:v4+s3+$0x0], $0xffff;
	v9 =	vsel vm8, v43, v9  }
0x64c: {  	v15 =	vsel vm7, v39, v6;
	v6 =	vld.idx.msk [tilespmem:v4+s21+$0x0], $0xffff;
	v4 =	vshll.u32 v9, $0x4  }
0x64d: {  	v59 =	vmul.f32 s24, v14;
	v5 =	vld [tilespmem:s17+$0x0];
	v4 =	vor.u32 v0, v4  }
0x64e: {  	v33 =	vmul.f32 s6, v13;
	v36 =	vmul.f32 s18, v13;
	v10 =	vadd.s32 v12, v35;
	v46 =	vld.idx.msk [tilespmem:v8+s21+$0x0], $0xffff  }
0x64f: {  	v1 =	vadd.s32 v12, v1;
	v40 =	vld.idx.msk [tilespmem:v8+s3+$0x0], $0xffff;
	v47 =	vadd.s32 $0x1, v15;
	v51 =	vadd.s32 $0x1, v9  }
0x650: {  	v12 =	vshll.u32 v15, $0x4;
	v16 =	vld.idx.msk [tilespmem:v3+s21+$0x0], $0xffff;
	vm1 =	vgt.s32 v9, v7;
	vm9 =	vlt.s32 v51, $0x3E  }
0x651: {  	v54 =	vadd.s32 v30, v9;
	v50 =	vld.idx.msk [tilespmem:v3+s3+$0x0], $0xffff;
	v43 =	vsel vm1, v9, v7;
	v8 =	vnsel vm9, $0x3E, v51  }
0x652: {  	v49 =	vadd.s32 $0x1, v43;
	v7 =	vshll.u32 v43, $0x4;
	v3 =	vshll.u32 v8, $0x4;
	v8 =	vld.idx.msk [tilespmem:v4+s25+$0x0], $0xffff  }
0x653: {  	vm14 =	vgt.s32 v15, v5;
	vm11 =	vlt.s32 v49, $0x3E;
	v58 =	vor.u32 v0, v7;
	v55 =	vld.idx.msk [tilespmem:v4+s26+$0x0], $0xffff  }
0x654: {  	vm10 =	vlt.s32 v47, $0x3E;
	v3 =	vor.u32 v0, v3;
	v7 =	vnsel vm11, $0x3E, v49;
	v4 =	vld [tilespmem:$0x1FF30]  }
0x655: {  	v9 =	vnsel vm10, $0x3E, v47;
	v18 =	vsub.f32 v6, v45;
	v6 =	vshll.u32 v7, $0x4  }
0x656: {  	v42 =	vld.idx.msk [tilespmem:v10+s15+$0x0], $0xffff;
	v57 =	vadd.s32 v29, v15;
	v7 =	vshll.u32 v9, $0x4;
	v62 =	vor.u32 v0, v6  }
0x657: {  	p0 =	slt.u32 s12, $0x3E;
	v44 =	vld.idx.msk [tilespmem:v1+s15+$0x0], $0xffff;
	v60 =	vor.u32 v0, v12;
	v39 =	vsel vm14, v15, v5;
	v6 =	vor.u32 v0, v7  }
.Ltmp9:
0x658: {  	v53 =	vadd.s32 v30, v43;
	v52 =	vadd.s32 $0x1, v39;
	v9 =	vsub.f32 v16, v46;
	v61 =	vld.idx.msk [tilespmem:v58+s25+$0x0], $0xffff;
	(pc) =	sbr.rel @p0 .LBB2_21-.Ltmp9, $4  }
0x659: {  	v56 =	vadd.s32 v29, v39;
	vm15 =	vlt.s32 v52, $0x3E;
	v24 =	vld.idx.msk [tilespmem:v3+s25+$0x0], $0xffff;
	vm12 =	vlt.f32 v18, v4  }
0x65a: {  	v15 =	vnsel vm15, $0x3E, v52;
	v7 =	vld.idx.msk [tilespmem:v3+s26+$0x0], $0xffff;
	vm13 =	vlt.f32 v9, v4;
	v1 =	vsel vm12, v13, v18  }
0x65b: {  	s7 =	sadd.s32 $0x2, s12;
	v12 =	vld.idx.msk [tilespmem:v62+s25+$0x0], $0xffff;
	v4 =	vsel vm13, v13, v9;
	(erf) = vrcp.f32 v1;
	v1 =	vshll.u32 v39, $0x4  }
0x65c: {  	s20 =	sadd.s32 $0x20, s20;
	s12 =	smov.u32 s7;
	v11 =	vmovc v17;
	v10 =	vld.idx.msk [tilespmem:v6+s30+$0x0], $0xffff;
	v9 =	vmul.f32 s28, v14;
	(erf) = vrcp.f32 v4;
	v63 =	vor.u32 v0, v1  }
0x65d: {  	_ =	sdelay $0x1  }
0x65e: {  	v1 =	vshll.u32 v15, $0x4  }
0x65f: {  	v1 =	vor.u32 v0, v1  }
0x660: {  	v3 =	vld.idx.msk [tilespmem:v60+s30+$0x0], $0xffff  }
0x661: {  	v16 =	vld [tilespmem:$0x1FEE0]  }
0x662: {  	v4 =	vld.idx.msk [tilespmem:v63+s30+$0x0], $0xffff  }
0x663: {  	v26 =	vld [tilespmem:$0x1FEF0]  }
0x664: {  	v5 =	vsub.f32 v24, v8;
	v15 =	vld.idx.msk [tilespmem:v1+s30+$0x0], $0xffff  }
0x665: {  	v12 =	vsub.f32 v12, v61  }
0x666: {  	vm0 =	vlt.f32 v5, v16;
	v10 =	vsub.f32 v10, v3  }
0x667: {  	vm1 =	vlt.f32 v12, v16;
	v5 =	vsel vm0, v23, v5  }
0x668: {  	(erf) = vrcp.f32 v5;
	v5 =	vsel vm1, v23, v12;
	vm0 =	vlt.f32 v10, v26  }
0x669: {  	(erf) = vrcp.f32 v5;
	v5 =	vsel vm0, v14, v10;
	v10 =	vsub.f32 v15, v4;
	_ =	sdelay $0x1  }
0x66a: {  	(erf) = vrcp.f32 v5;
	vm0 =	vlt.f32 v10, v26  }
0x66b: {  	v5 =	vsel vm0, v14, v10  }
0x66c: {  	(erf) = vrcp.f32 v5;
	v5 =	vld.idx.msk [tilespmem:v6+s0+$0x0], $0xffff  }
0x66d: {  	v6 =	vld.idx.msk [tilespmem:v60+s0+$0x0], $0xffff;
	_ =	sdelay $0x1  }
0x66e: {  	v12 =	vpop (erf)  }
0x66f: {  	v15 =	vpop (erf)  }
0x670: {  	v18 =	vld.idx.msk [tilespmem:v63+s0+$0x0], $0xffff;
	v10 =	vmul.f32 s6, v23;
	v16 =	vpop (erf)  }
0x671: {  	v3 =	vsub.f32 v9, v3;
	v1 =	vld.idx.msk [tilespmem:v1+s0+$0x0], $0xffff;
	v9 =	vpop (erf);
	v5 =	vsub.f32 v5, v6  }
0x672: {  	v21 =	vld.idx.msk [tilespmem:v62+s26+$0x0], $0xffff;
	v8 =	vsub.f32 v10, v8;
	v20 =	vpop (erf)  }
0x673: {  	v10 =	vld.idx.msk [tilespmem:v58+s26+$0x0], $0xffff;
	v3 =	vmul.f32 v20, v3  }
0x674: {  	v7 =	vsub.f32 v7, v55;
	v4 =	vsub.f32 v59, v4;
	v8 =	vmul.f32 v16, v8;
	v16 =	vld.idx.msk [tilespmem:v57+s15+$0x0], $0xffff  }
0x675: {  	v22 =	vld.idx.msk [tilespmem:v54+s15+$0x0], $0xffff;
	v20 =	vmul.f32 s18, v23;
	v3 =	vmul.f32 v3, v5;
	v5 =	vpop (erf)  }
0x676: {  	v1 =	vsub.f32 v1, v18;
	v57 =	vld [tilespmem:$0x1FF10];
	v7 =	vmul.f32 v8, v7;
	v4 =	vmul.f32 v5, v4  }
0x677: {  	v8 =	vld.idx.msk [tilespmem:v56+s15+$0x0], $0xffff;
	v3 =	vadd.f32 v3, v6;
	v5 =	vsub.f32 v20, v61  }
0x678: {  	v6 =	vadd.f32 v7, v55;
	v1 =	vmul.f32 v4, v1  }
0x679: {  	vm0 =	vle.f32 v16, v3;
	v4 =	vsub.f32 v21, v10;
	v5 =	vmul.f32 v9, v5  }
0x67a: {  	v7 =	vadd.s32 s9, v47;
	v9 =	vsel vm0, $0x1, v2;
	v1 =	vadd.f32 v1, v18  }
0x67b: {  	v56 =	vld [tilespmem:$0x1FF20];
	vm0 =	vle.f32 v22, v6;
	v4 =	vmul.f32 v5, v4;
	v5 =	vadd.s32 v9, v7  }
0x67c: {  	v7 =	vld.idx.msk [tilespmem:v53+s15+$0x0], $0xffff;
	v9 =	vadd.s32 v57, v5;
	v5 =	vshll.u32 v5, $0x4;
	vm1 =	vle.f32 v8, v1  }
0x67d: {  	v8 =	vadd.s32 s1, v52;
	v5 =	vor.u32 v0, v5;
	v16 =	vsel vm1, $0x1, v2  }
0x67e: {  	v20 =	vadd.s32 s4, v51;
	v18 =	vsel vm0, $0x1, v2;
	v8 =	vadd.s32 v16, v8  }
0x67f: {  	v4 =	vadd.f32 v4, v10;
	v16 =	vadd.s32 v18, v20;
	v10 =	vadd.s32 v57, v8  }
0x680: {  	v8 =	vshll.u32 v8, $0x4;
	v18 =	vadd.s32 v56, v16  }
0x681: {  	v16 =	vshll.u32 v16, $0x4;
	vm0 =	vle.f32 v7, v4;
	v8 =	vor.u32 v0, v8;
	[tilespmem:v9+s23+$0x0] =	vst.idx.msk $0xffff, v3  }
0x682: {  	s7 =	sadd.s32 $0x20, s13;
	v3 =	vadd.s32 s5, v49;
	v7 =	vsel vm0, $0x1, v2;
	[tilespmem:v5+s2+$0x0] =	vst.idx.msk $0xffff, v19;
	v5 =	vor.u32 v0, v16  }
0x683: {  	v3 =	vadd.s32 v7, v3;
	v7 =	vld [tilespmem:s7+$0xFFFFFFF0]  }
0x684: {  	[tilespmem:v10+s23+$0x0] =	vst.idx.msk $0xffff, v1  }
0x685: {  	v9 =	vadd.s32 v56, v3;
	v3 =	vshll.u32 v3, $0x4;
	[tilespmem:v18+s23+$0x0] =	vst.idx.msk $0xffff, v6  }
0x686: {  	v1 =	vor.u32 v0, v3;
	[tilespmem:v8+s2+$0x0] =	vst.idx.msk $0xffff, v19  }
0x687: {  	s12 =	sadd.s32 $0x20, s17;
	v3 =	vld [tilespmem:s7+$0x0];
	[tilespmem:v5+s29+$0x0] =	vst.idx.msk $0xffff, v19  }
0x688: {  	vm0 =	vgt.s32 v35, v7;
	v5 =	vld [tilespmem:s12+$0xFFFFFFF0]  }
0x689: {  	v7 =	vsel vm0, v35, v7  }
0x68a: {  	[tilespmem:v9+s23+$0x0] =	vst.idx.msk $0xffff, v4;
	v6 =	vadd.s32 $0x1, v7  }
0x68b: {  	[tilespmem:v1+s29+$0x0] =	vst.idx.msk $0xffff, v19;
	v1 =	vshll.u32 v7, $0x4;
	vm1 =	vlt.s32 v6, $0x3E  }
0x68c: {  	v4 =	vld [tilespmem:s12+$0x0];
	v51 =	vor.u32 v0, v1;
	vm0 =	vgt.s32 v7, v3;
	v1 =	vnsel vm1, $0x3E, v6  }
0x68d: {  	v8 =	vsel vm0, v7, v3;
	vm0 =	vgt.s32 v39, v5;
	v1 =	vshll.u32 v1, $0x4  }
0x68e: {  	v22 =	vadd.s32 $0x1, v8;
	v3 =	vshll.u32 v8, $0x4;
	v5 =	vsel vm0, v39, v5  }
0x68f: {  	v1 =	vor.u32 v0, v1;
	vm1 =	vlt.s32 v22, $0x3E;
	v25 =	vor.u32 v0, v3  }
0x690: {  	v3 =	vadd.s32 $0x1, v5;
	v18 =	vshll.u32 v5, $0x4;
	v9 =	vnsel vm1, $0x3E, v22  }
0x691: {  	vm0 =	vlt.s32 v3, $0x3E;
	vm1 =	vgt.s32 v5, v4;
	v18 =	vor.u32 v0, v18  }
0x692: {  	v9 =	vshll.u32 v9, $0x4;
	v10 =	vnsel vm0, $0x3E, v3;
	v4 =	vsel vm1, v5, v4  }
0x693: {  	v16 =	vor.u32 v0, v9;
	v9 =	vshll.u32 v10, $0x4;
	v10 =	vadd.s32 $0x1, v4  }
0x694: {  	v23 =	vld [tilespmem:$0x1FF30];
	vm0 =	vlt.s32 v10, $0x3E  }
0x695: {  	v21 =	vshll.u32 v4, $0x4;
	v20 =	vor.u32 v0, v9;
	v9 =	vld.idx.msk [tilespmem:v51+s21+$0x0], $0xffff;
	v24 =	vnsel vm0, $0x3E, v10  }
0x696: {  	v21 =	vor.u32 v0, v21;
	v34 =	vld.idx.msk [tilespmem:v1+s21+$0x0], $0xffff;
	v24 =	vshll.u32 v24, $0x4  }
0x697: {  	v52 =	vld.idx.msk [tilespmem:v25+s21+$0x0], $0xffff;
	v24 =	vor.u32 v0, v24  }
0x698: {  	v43 =	vld.idx.msk [tilespmem:v18+s30+$0x0], $0xffff  }
0x699: {  	v59 =	vld.idx.msk [tilespmem:v16+s21+$0x0], $0xffff  }
0x69a: {  	v60 =	vld.idx.msk [tilespmem:v20+s30+$0x0], $0xffff  }
0x69b: {  	v61 =	vld.idx.msk [tilespmem:v21+s30+$0x0], $0xffff  }
0x69c: {  	v34 =	vsub.f32 v34, v9;
	v62 =	vld.idx.msk [tilespmem:v24+s30+$0x0], $0xffff;
	_ =	sdelay $0x1  }
0x69d: {  	vm0 =	vlt.f32 v34, v23;
	v35 =	vsub.f32 v59, v52  }
0x69e: {  	v34 =	vsel vm0, v13, v34;
	v39 =	vsub.f32 v60, v43  }
0x69f: {  	(erf) = vrcp.f32 v34;
	vm1 =	vlt.f32 v35, v23  }
0x6a0: {  	v35 =	vsel vm1, v13, v35;
	vm0 =	vlt.f32 v39, v26;
	v63 =	vsub.f32 v62, v61  }
0x6a1: {  	(erf) = vrcp.f32 v35;
	v49 =	vsel vm0, v14, v39  }
0x6a2: {  	(erf) = vrcp.f32 v49;
	vm0 =	vlt.f32 v63, v26  }
0x6a3: {  	v30 =	vsel vm0, v14, v63  }
0x6a4: {  	(erf) = vrcp.f32 v30;
	_ =	sdelay $0x1  }
0x6a5: {  	v18 =	vld.idx.msk [tilespmem:v18+s0+$0x0], $0xffff  }
0x6a6: {  	v20 =	vld.idx.msk [tilespmem:v20+s0+$0x0], $0xffff  }
0x6a7: {  	v5 =	vadd.s32 v29, v5;
	v21 =	vld.idx.msk [tilespmem:v21+s0+$0x0], $0xffff;
	v30 =	vmul.f32 s6, v14  }
0x6a8: {  	v24 =	vld.idx.msk [tilespmem:v24+s0+$0x0], $0xffff;
	v53 =	vpop (erf)  }
0x6a9: {  	v55 =	vmul.f32 s18, v14;
	v4 =	vadd.s32 v29, v4;
	v30 =	vsub.f32 v30, v43;
	v54 =	vpop (erf)  }
0x6aa: {  	v58 =	vpop (erf)  }
0x6ab: {  	v20 =	vsub.f32 v20, v18;
	v39 =	vsub.f32 v55, v61;
	v30 =	vmul.f32 v58, v30  }
0x6ac: {  	v5 =	vld.idx.msk [tilespmem:v5+s15+$0x0], $0xffff;
	v59 =	vpop (erf)  }
0x6ad: {  	v24 =	vsub.f32 v24, v21;
	v20 =	vmul.f32 v30, v20;
	v30 =	vmul.f32 v59, v39  }
0x6ae: {  	v4 =	vld.idx.msk [tilespmem:v4+s15+$0x0], $0xffff  }
0x6af: {  	v18 =	vadd.f32 v20, v18;
	v20 =	vmul.f32 v30, v24;
	_ =	sdelay $0x1  }
0x6b0: {  	vm0 =	vle.f32 v5, v18;
	v5 =	vadd.f32 v20, v21  }
0x6b1: {  	v3 =	vadd.s32 s4, v3;
	v20 =	vsel vm0, $0x1, v2  }
0x6b2: {  	v10 =	vadd.s32 s5, v10;
	v3 =	vadd.s32 v20, v3;
	vm0 =	vle.f32 v4, v5  }
0x6b3: {  	v4 =	vadd.s32 v57, v3;
	v3 =	vshll.u32 v3, $0x4;
	v20 =	vsel vm0, $0x1, v2  }
0x6b4: {  	v3 =	vor.u32 v0, v3;
	v10 =	vadd.s32 v20, v10  }
0x6b5: {  	v20 =	vadd.s32 v57, v10;
	v10 =	vshll.u32 v10, $0x4  }
0x6b6: {  	v10 =	vor.u32 v0, v10;
	_ =	sdelay $0x1  }
0x6b7: {  	[tilespmem:v4+s23+$0x0] =	vst.idx.msk $0xffff, v18  }
0x6b8: {  	s28 =	sadd.s32 $0x20, s7;
	[tilespmem:v3+s2+$0x0] =	vst.idx.msk $0xffff, v19  }
0x6b9: {  	v3 =	vld [tilespmem:s28+$0xFFFFFFF0];
	[tilespmem:v20+s23+$0x0] =	vst.idx.msk $0xffff, v5  }
0x6ba: {  	[tilespmem:v10+s2+$0x0] =	vst.idx.msk $0xffff, v19  }
0x6bb: {  	v4 =	vld [tilespmem:s28+$0x0];
	_ =	sdelay $0x2  }
0x6bc: {  	vm0 =	vgt.s32 v8, v3  }
0x6bd: {  	v3 =	vsel vm0, v8, v3  }
0x6be: {  	vm0 =	vgt.s32 v3, v4  }
0x6bf: {  	v5 =	vadd.s32 $0x1, v3;
	v10 =	vshll.u32 v3, $0x4;
	v4 =	vsel vm0, v3, v4  }
0x6c0: {  	v10 =	vor.u32 v0, v10;
	vm0 =	vlt.s32 v5, $0x3E;
	v18 =	vadd.s32 $0x1, v4  }
0x6c1: {  	v20 =	vnsel vm0, $0x3E, v5;
	v21 =	vshll.u32 v4, $0x4;
	vm0 =	vlt.s32 v18, $0x3E  }
0x6c2: {  	v20 =	vshll.u32 v20, $0x4;
	v21 =	vor.u32 v0, v21;
	v24 =	vnsel vm0, $0x3E, v18  }
0x6c3: {  	v20 =	vor.u32 v0, v20;
	v24 =	vshll.u32 v24, $0x4  }
0x6c4: {  	v24 =	vor.u32 v0, v24  }
0x6c5: {  	v14 =	vld [tilespmem:$0x1FF40]  }
0x6c6: {  	v30 =	vld.idx.msk [tilespmem:v10+s21+$0x0], $0xffff  }
0x6c7: {  	v60 =	vld.idx.msk [tilespmem:v21+s21+$0x0], $0xffff  }
0x6c8: {  	v28 =	vsub.f32 v28, v46;
	v27 =	vsub.f32 v27, v45;
	v61 =	vld.idx.msk [tilespmem:v20+s21+$0x0], $0xffff  }
0x6c9: {  	v62 =	vld.idx.msk [tilespmem:v24+s21+$0x0], $0xffff  }
0x6ca: {  	v12 =	vmul.f32 v12, v27;
	v15 =	vmul.f32 v15, v28;
	v28 =	vsub.f32 v48, v41;
	v1 =	vld.idx.msk [tilespmem:v1+s3+$0x0], $0xffff  }
0x6cb: {  	v49 =	vld.idx.msk [tilespmem:v51+s3+$0x0], $0xffff  }
0x6cc: {  	v12 =	vmul.f32 v12, v28  }
0x6cd: {  	v25 =	vld.idx.msk [tilespmem:v25+s3+$0x0], $0xffff;
	v63 =	vsub.f32 v50, v40;
	v8 =	vadd.s32 v14, v8;
	v27 =	vsub.f32 v61, v30  }
0x6ce: {  	v28 =	vadd.s32 s10, v38;
	v16 =	vld.idx.msk [tilespmem:v16+s3+$0x0], $0xffff;
	v9 =	vsub.f32 v31, v9;
	v48 =	vsub.f32 v62, v60  }
0x6cf: {  	v29 =	vsub.f32 v32, v52;
	v15 =	vmul.f32 v15, v63;
	vm0 =	vlt.f32 v27, v23  }
0x6d0: {  	v1 =	vsub.f32 v1, v49;
	v27 =	vsel vm0, v13, v27;
	vm0 =	vlt.f32 v48, v23  }
0x6d1: {  	v9 =	vmul.f32 v53, v9;
	v17 =	vld [tilespmem:$0x1FF50];
	(erf) = vrcp.f32 v27;
	v38 =	vsel vm0, v13, v48  }
0x6d2: {  	v15 =	vadd.f32 v15, v40;
	v7 =	vadd.s32 v14, v7;
	v8 =	vld.idx.msk [tilespmem:v8+s15+$0x0], $0xffff;
	(erf) = vrcp.f32 v38  }
0x6d3: {  	v16 =	vsub.f32 v16, v25;
	v29 =	vmul.f32 v54, v29;
	v10 =	vld.idx.msk [tilespmem:v10+s3+$0x0], $0xffff  }
0x6d4: {  	v12 =	vadd.f32 v12, v41;
	v1 =	vmul.f32 v9, v1;
	vm1 =	vle.f32 v42, v15;
	v20 =	vld.idx.msk [tilespmem:v20+s3+$0x0], $0xffff  }
0x6d5: {  	v6 =	vadd.s32 s9, v6;
	v26 =	vsel vm1, $0x1, v2;
	v16 =	vmul.f32 v29, v16;
	v21 =	vld.idx.msk [tilespmem:v21+s3+$0x0], $0xffff  }
0x6d6: {  	v22 =	vadd.s32 s1, v22;
	v1 =	vadd.f32 v1, v49;
	v26 =	vadd.s32 v26, v28;
	v24 =	vld.idx.msk [tilespmem:v24+s3+$0x0], $0xffff  }
0x6d7: {  	v9 =	vadd.f32 v16, v25;
	v28 =	vadd.s32 v17, v26;
	v26 =	vshll.u32 v26, $0x4;
	v7 =	vld.idx.msk [tilespmem:v7+s15+$0x0], $0xffff  }
0x6d8: {  	v26 =	vor.u32 v0, v26;
	v3 =	vadd.s32 v14, v3;
	v4 =	vadd.s32 v14, v4  }
0x6d9: {  	v16 =	vsub.f32 v36, v60;
	v20 =	vsub.f32 v20, v10;
	vm0 =	vle.f32 v44, v12  }
0x6da: {  	v27 =	vadd.s32 s11, v37;
	v23 =	vsub.f32 v33, v30;
	v50 =	vsel vm0, $0x1, v2;
	v25 =	vpop (erf)  }
0x6db: {  	vm0 =	vle.f32 v8, v9;
	v8 =	vsub.f32 v24, v21;
	v27 =	vadd.s32 v50, v27;
	v29 =	vpop (erf)  }
0x6dc: {  	v24 =	vsel vm0, $0x1, v2;
	vm0 =	vle.f32 v7, v1;
	v16 =	vmul.f32 v29, v16  }
0x6dd: {  	v4 =	vld.idx.msk [tilespmem:v4+s15+$0x0], $0xffff;
	v31 =	vadd.s32 v17, v27;
	v27 =	vshll.u32 v27, $0x4;
	v23 =	vmul.f32 v25, v23  }
0x6de: {  	v3 =	vld.idx.msk [tilespmem:v3+s15+$0x0], $0xffff;
	v7 =	vadd.s32 v24, v22;
	v22 =	vsel vm0, $0x1, v2;
	v8 =	vmul.f32 v16, v8  }
0x6df: {  	v27 =	vor.u32 v0, v27;
	v6 =	vadd.s32 v22, v6;
	v20 =	vmul.f32 v23, v20  }
0x6e0: {  	[tilespmem:v28+s23+$0x0] =	vst.idx.msk $0xffff, v15;
	v15 =	vadd.s32 v17, v6;
	v6 =	vshll.u32 v6, $0x4;
	v8 =	vadd.f32 v8, v21  }
0x6e1: {  	v5 =	vadd.s32 s4, v5;
	v6 =	vor.u32 v0, v6;
	v10 =	vadd.f32 v20, v10  }
0x6e2: {  	v16 =	vadd.s32 v17, v7;
	v7 =	vshll.u32 v7, $0x4;
	vm0 =	vle.f32 v4, v8  }
0x6e3: {  	[tilespmem:v26+s14+$0x0] =	vst.idx.msk $0xffff, v19;
	vm1 =	vle.f32 v3, v10;
	v4 =	vadd.s32 s5, v18;
	v3 =	vsel vm0, $0x1, v2  }
0x6e4: {  	[tilespmem:v31+s23+$0x0] =	vst.idx.msk $0xffff, v12;
	v7 =	vor.u32 v0, v7;
	v3 =	vadd.s32 v3, v4;
	v4 =	vsel vm1, $0x1, v2  }
0x6e5: {  	[tilespmem:v27+s14+$0x0] =	vst.idx.msk $0xffff, v19;
	v12 =	vadd.s32 v17, v3;
	v4 =	vadd.s32 v4, v5  }
0x6e6: {  	[tilespmem:v15+s23+$0x0] =	vst.idx.msk $0xffff, v1;
	v3 =	vshll.u32 v3, $0x4;
	v5 =	vadd.s32 v17, v4  }
0x6e7: {  	[tilespmem:v6+s14+$0x0] =	vst.idx.msk $0xffff, v19;
	v1 =	vor.u32 v0, v3;
	v3 =	vshll.u32 v4, $0x4  }
0x6e8: {  	[tilespmem:v16+s23+$0x0] =	vst.idx.msk $0xffff, v9;
	v3 =	vor.u32 v0, v3  }
0x6e9: {  	[tilespmem:v7+s14+$0x0] =	vst.idx.msk $0xffff, v19  }
0x6ea: {  	[tilespmem:v12+s23+$0x0] =	vst.idx.msk $0xffff, v8  }
0x6eb: {  	[tilespmem:v5+s23+$0x0] =	vst.idx.msk $0xffff, v10  }
0x6ec: {  	[tilespmem:v1+s14+$0x0] =	vst.idx.msk $0xffff, v19  }
0x6ed: {  	s4 =	simm.s32 $0x8FA0;
	[tilespmem:v3+s14+$0x0] =	vst.idx.msk $0xffff, v19  }
0x6ee: {  	v1 =	vld [tilespmem:s4+$0xFFFFFFE0]  }
0x6ef: {  	v3 =	vld [tilespmem:s4+$0xFFFFFFF0]  }
0x6f0: {  	v4 =	vld [tilespmem:s4+$0x0];
	_ =	sdelay $0x2  }
0x6f1: {  	v13 =	vimm.s32 $0x0;
	v53 =	vld [tilespmem:$0x1FFC0];
	vm0 =	vne.s32 v1, v19  }
0x6f2: {  	vm3 =	vlt.s32 v13, $0x3F;
	vm2 =	vne.s32 v3, v19;
	v1 =	vsel vm0, $0x1, v2  }
0x6f3: {  	vm1 =	vne.s32 v4, v19;
	v3 =	vsel vm2, $0x1, v2;
	v1 =	vadd.s32 v1, v13  }
0x6f4: {  	v31 =	vnsel vm3, $0x3F, v13;
	s5 =	simm.s32 $0x0;
	v4 =	vsel vm1, $0x1, v2;
	v3 =	vadd.s32 v3, v1  }
0x6f5: {  	v6 =	vmov s5;
	vm3 =	vlt.s32 v3, $0x3F;
	v4 =	vadd.s32 v4, v3  }
0x6f6: {  	v5 =	vadd.s32 v53, v31;
	v3 =	vnsel vm3, $0x3F, v3;
	vm3 =	vlt.s32 v4, $0x3F  }
0x6f7: {  	s6 =	simm.s32 $0x2;
	v6 =	vand.u32 $0x7C, v6;
	v8 =	vld [tilespmem:s4+$0x10];
	v3 =	vadd.s32 v53, v3;
	v9 =	vnsel vm3, $0x3F, v4  }
0x6f8: {  	s7 =	simm.s32 $0x3;
	v7 =	vbroadcast v6, $0x0;
	v10 =	vmov s6;
	v6 =	vadd.s32 v53, v9  }
0x6f9: {  	v9 =	vand.u32 $0x7E, v10;
	v10 =	vmov s7  }
0x6fa: {  	v32 =	vbroadcast v9, $0x0;
	v10 =	vand.u32 $0x7F, v10  }
0x6fb: {  	v5 =	vld.idx.msk [tilespmem:v5+s15+$0x0], $0xffff;
	v9 =	vor.u32 v11, v7;
	v20 =	vbroadcast v10, $0x0  }
0x6fc: {  	vm3 =	vne.s32 v8, v19;
	v10 =	vor.u32 v11, v32;
	v3 =	vld.idx.msk [tilespmem:v3+s15+$0x0], $0xffff  }
0x6fd: {  	v8 =	vor.u32 v11, v20;
	v6 =	vld.idx.msk [tilespmem:v6+s15+$0x0], $0xffff;
	_ =	sdelay $0x1  }
0x6fe: {  	s9 =	simm.s32 $0x1  }
0x6ff: {  	s8 =	simm.s32 $0x97A0;
	[tilespmem:v9+s23+$0x0] =	vst.idx.msk vm0, v5;
	v5 =	vmov s9  }
0x700: {  	vm0 =	vlt.s32 v1, $0x3F;
	v9 =	vld [tilespmem:s8+$0xFFFFFFE0];
	v5 =	vand.u32 $0x7D, v5;
	[tilespmem:v10+s23+$0x0] =	vst.idx.msk vm1, v3  }
0x701: {  	v1 =	vnsel vm0, $0x3F, v1;
	v3 =	vbroadcast v5, $0x0;
	v5 =	vld [tilespmem:s8+$0x0];
	[tilespmem:v8+s23+$0x0] =	vst.idx.msk vm3, v6  }
0x702: {  	v1 =	vadd.s32 v53, v1;
	v52 =	vld [tilespmem:$0x1FFD0]  }
0x703: {  	s10 =	simm.s32 $0x8FE0;
	s12 =	simm.s32 $0x6  }
0x704: {  	v22 =	vmov s12;
	v24 =	vld [tilespmem:s10+$0x0];
	v16 =	vsel vm3, $0x1, v2  }
0x705: {  	v22 =	vand.u32 $0x7E, v22;
	v4 =	vadd.s32 v16, v4;
	v16 =	vld [tilespmem:s10+$0xFFFFFFF0]  }
0x706: {  	vm3 =	vlt.s32 v4, $0x3F;
	vm4 =	vne.s32 v9, v19;
	vm0 =	vne.s32 v5, v19;
	v5 =	vld [tilespmem:s10+$0xFFFFFFE0]  }
0x707: {  	s11 =	simm.s32 $0x5;
	v8 =	vor.u32 v11, v3;
	v15 =	vsel vm4, $0x1, v2;
	v1 =	vld.idx.msk [tilespmem:v1+s15+$0x0], $0xffff;
	v10 =	vadd.s32 v52, v31  }
0x708: {  	v23 =	vnsel vm3, $0x3F, v4;
	v18 =	vadd.s32 v15, v13;
	v15 =	vmov s11  }
0x709: {  	s13 =	simm.s32 $0x4;
	vm5 =	vne.s32 v24, v19;
	v23 =	vadd.s32 v53, v23;
	v15 =	vand.u32 $0x7D, v15  }
0x70a: {  	v28 =	vbroadcast v15, $0x0;
	v15 =	vbroadcast v22, $0x0;
	v22 =	vmov s13  }
0x70b: {  	vm3 =	vne.s32 v16, v19;
	v22 =	vand.u32 $0x7C, v22;
	vm6 =	vne.s32 v5, v19  }
0x70c: {  	v9 =	vor.u32 v56, v7;
	[tilespmem:v8+s23+$0x0] =	vst.idx.msk vm2, v1;
	v36 =	vbroadcast v22, $0x0;
	v5 =	vld.idx.msk [tilespmem:v10+s15+$0x0], $0xffff;
	v1 =	vsel vm6, $0x1, v2  }
0x70d: {  	v16 =	vsel vm5, $0x1, v2;
	v8 =	vld [tilespmem:s8+$0xFFFFFFF0];
	v10 =	vsel vm3, $0x1, v2;
	v1 =	vadd.s32 v1, v4  }
0x70e: {  	v6 =	vld [tilespmem:s8+$0x10];
	vm7 =	vlt.s32 v18, $0x3F;
	v22 =	vor.u32 v11, v36;
	v10 =	vadd.s32 v10, v1  }
0x70f: {  	v4 =	vld.idx.msk [tilespmem:v23+s15+$0x0], $0xffff;
	v23 =	vnsel vm7, $0x3F, v18;
	vm2 =	vlt.s32 v10, $0x3F;
	v24 =	vadd.s32 v16, v10  }
0x710: {  	v23 =	vadd.s32 v52, v23;
	v10 =	vnsel vm2, $0x3F, v10;
	vm2 =	vlt.s32 v24, $0x3F  }
0x711: {  	s14 =	simm.s32 $0x7;
	[tilespmem:v9+s23+$0x0] =	vst.idx.msk vm4, v5;
	v5 =	vadd.s32 v53, v10;
	v9 =	vld [tilespmem:s10+$0x10];
	v10 =	vnsel vm2, $0x3F, v24  }
0x712: {  	v25 =	vmov s14;
	vm4 =	vne.s32 v8, v19;
	v8 =	vadd.s32 v53, v10  }
0x713: {  	s17 =	simm.s32 $0x9FA0;
	v21 =	vor.u32 v56, v3;
	vm1 =	vne.s32 v6, v19;
	v10 =	vsel vm4, $0x1, v2  }
0x714: {  	v30 =	vsel vm0, $0x1, v2;
	v26 =	vld [tilespmem:s17+$0xFFFFFFE0];
	[tilespmem:v22+s23+$0x0] =	vst.idx.msk vm6, v4;
	v4 =	vadd.s32 v10, v18;
	v10 =	vand.u32 $0x7F, v25  }
0x715: {  	v29 =	vsel vm1, $0x1, v2;
	v30 =	vadd.s32 v30, v4;
	v18 =	vbroadcast v10, $0x0;
	v10 =	vld.idx.msk [tilespmem:v23+s15+$0x0], $0xffff  }
0x716: {  	v23 =	vadd.s32 v29, v30;
	v29 =	vor.u32 v11, v15;
	v5 =	vld.idx.msk [tilespmem:v5+s15+$0x0], $0xffff;
	vm7 =	vne.s32 v9, v19  }
0x717: {  	v9 =	vor.u32 v11, v18;
	v8 =	vld.idx.msk [tilespmem:v8+s15+$0x0], $0xffff;
	_ =	sdelay $0x1  }
0x718: {  	vm2 =	vlt.s32 v1, $0x3F  }
0x719: {  	v1 =	vnsel vm2, $0x3F, v1;
	[tilespmem:v21+s23+$0x0] =	vst.idx.msk vm4, v10  }
0x71a: {  	s18 =	simm.s32 $0x97E0;
	v1 =	vadd.s32 v53, v1;
	vm2 =	vne.s32 v26, v19;
	[tilespmem:v29+s23+$0x0] =	vst.idx.msk vm5, v5  }
0x71b: {  	s24 =	simm.s32 $0xB;
	v25 =	vld [tilespmem:s18+$0xFFFFFFE0];
	vm6 =	vlt.s32 v23, $0x3F;
	v54 =	vsel vm2, $0x1, v2;
	[tilespmem:v9+s23+$0x0] =	vst.idx.msk vm7, v8  }
0x71c: {  	v62 =	vmov s24;
	v22 =	vnsel vm6, $0x3F, v23;
	v10 =	vadd.s32 v54, v13;
	v54 =	vld [tilespmem:$0x1FFE0]  }
0x71d: {  	v27 =	vor.u32 v56, v32;
	v43 =	vor.u32 v57, v32;
	v51 =	vadd.s32 v52, v22  }
0x71e: {  	v12 =	vor.u32 v17, v3;
	v3 =	vor.u32 v57, v3;
	v6 =	vor.u32 v56, v20  }
0x71f: {  	v16 =	vor.u32 v17, v28;
	vm8 =	vlt.s32 v4, $0x3F;
	v1 =	vld.idx.msk [tilespmem:v1+s15+$0x0], $0xffff;
	vm4 =	vlt.s32 v10, $0x3F  }
0x720: {  	v4 =	vnsel vm8, $0x3F, v4;
	v26 =	vor.u32 v11, v28;
	v5 =	vld [tilespmem:s17+$0xFFFFFFF0];
	v34 =	vnsel vm4, $0x3F, v10  }
0x721: {  	vm6 =	vne.s32 v25, v19;
	v29 =	vld [tilespmem:s18+$0x0];
	v9 =	vsel vm7, $0x1, v2;
	v34 =	vadd.s32 v54, v34  }
0x722: {  	vm8 =	vmmov vm0;
	v21 =	vor.u32 v56, v36;
	v9 =	vadd.s32 v9, v24;
	v24 =	vld.idx.msk [tilespmem:v51+s15+$0x0], $0xffff  }
0x723: {  	vm0 =	vmmov vm1;
	v4 =	vadd.s32 v52, v4;
	vm5 =	vlt.s32 v30, $0x3F  }
0x724: {  	v22 =	vor.u32 v17, v7;
	v7 =	vor.u32 v57, v7;
	v8 =	vnsel vm5, $0x3F, v30;
	v55 =	vld [tilespmem:s18+$0x10]  }
0x725: {  	s28 =	simm.s32 $0x8;
	v25 =	vsel vm6, $0x1, v2;
	v58 =	vadd.s32 v52, v8;
	vm1 =	vne.s32 v5, v19  }
0x726: {  	s19 =	simm.s32 $0x9;
	s20 =	simm.s32 $0x9020;
	v48 =	vmov s28;
	v30 =	vor.u32 v56, v15;
	v8 =	vor.u32 v56, v28;
	[tilespmem:v26+s23+$0x0] =	vst.idx.msk vm3, v1;
	v59 =	vld.idx.msk [tilespmem:v34+s15+$0x0], $0xffff  }
0x727: {  	v5 =	vadd.s32 v25, v23;
	v23 =	vmov s19;
	vm5 =	vne.s32 v29, v19;
	[tilespmem:v21+s23+$0x0] =	vst.idx.msk vm6, v24;
	v24 =	vld [tilespmem:s20+$0xFFFFFFF0]  }
0x728: {  	v26 =	vld [tilespmem:s18+$0xFFFFFFF0];
	vm3 =	vlt.s32 v5, $0x3F;
	v23 =	vand.u32 $0x7D, v23;
	v1 =	vadd.s32 v54, v31  }
0x729: {  	s21 =	simm.s32 $0xA;
	v29 =	vor.u32 v56, v18;
	v61 =	vsel vm1, $0x1, v2;
	vm4 =	vne.s32 v55, v19  }
0x72a: {  	v21 =	vmov s21;
	v37 =	vld.idx.msk [tilespmem:v58+s15+$0x0], $0xffff;
	v63 =	vnsel vm3, $0x3F, v5;
	vm3 =	vlt.s32 v9, $0x3F  }
0x72b: {  	v25 =	vbroadcast v23, $0x0;
	v10 =	vadd.s32 v61, v10;
	v44 =	vnsel vm3, $0x3F, v9;
	[tilespmem:v3+s23+$0x0] =	vst.idx.msk vm1, v59;
	v3 =	vld [tilespmem:s20+$0xFFFFFFE0]  }
0x72c: {  	v50 =	vsel vm5, $0x1, v2;
	v33 =	vadd.s32 v53, v44;
	vm6 =	vne.s32 v24, v19;
	v24 =	vld [tilespmem:s20+$0x0]  }
0x72d: {  	v21 =	vand.u32 $0x7E, v21;
	vm7 =	vne.s32 v26, v19;
	v26 =	vand.u32 $0x7C, v48;
	v1 =	vld.idx.msk [tilespmem:v1+s15+$0x0], $0xffff  }
0x72e: {  	v4 =	vld.idx.msk [tilespmem:v4+s15+$0x0], $0xffff;
	v45 =	vsel vm4, $0x1, v2;
	vm3 =	vlt.s32 v10, $0x3F;
	v26 =	vbroadcast v26, $0x0  }
0x72f: {  	s4 =	simm.s32 $0x9FE0;
	v23 =	vbroadcast v21, $0x0;
	v21 =	vor.u32 v17, v25;
	v47 =	vnsel vm3, $0x3F, v10  }
0x730: {  	v60 =	vld [tilespmem:s4+$0xFFFFFFE0];
	v44 =	vor.u32 v56, v26;
	[tilespmem:v6+s23+$0x0] =	vst.idx.msk vm0, v37;
	v6 =	vsel vm7, $0x1, v2;
	vm11 =	vne.s32 v3, v19  }
0x731: {  	v5 =	vadd.s32 v6, v5;
	v6 =	vor.u32 v11, v26;
	v33 =	vld.idx.msk [tilespmem:v33+s15+$0x0], $0xffff;
	v55 =	vsel vm11, $0x1, v2  }
0x732: {  	s1 =	simm.s32 $0xA7A0;
	v49 =	vsel vm6, $0x1, v2;
	vm9 =	vne.s32 v24, v19;
	[tilespmem:v7+s23+$0x0] =	vst.idx.msk vm2, v1;
	v9 =	vadd.s32 v55, v9  }
0x733: {  	[tilespmem:v27+s23+$0x0] =	vst.idx.msk vm8, v4;
	v4 =	vld [tilespmem:s1+$0xFFFFFFE0];
	v27 =	vsel vm9, $0x1, v2;
	vm2 =	vlt.s32 v9, $0x3F;
	v1 =	vadd.s32 v49, v9  }
0x734: {  	v3 =	vadd.s32 v52, v63;
	v7 =	vnsel vm2, $0x3F, v9;
	vm2 =	vlt.s32 v1, $0x3F  }
0x735: {  	vm1 =	vne.s32 v60, v19;
	v24 =	vld [tilespmem:s17+$0x0];
	v9 =	vnsel vm2, $0x3F, v1;
	v1 =	vadd.s32 v27, v1  }
0x736: {  	v60 =	vld [tilespmem:s20+$0x10];
	v9 =	vadd.s32 v53, v9;
	[tilespmem:v6+s23+$0x0] =	vst.idx.msk vm11, v33;
	v6 =	vand.u32 $0x7F, v62;
	vm2 =	vlt.s32 v1, $0x3F  }
0x737: {  	v51 =	vld [tilespmem:s17+$0x10];
	v27 =	vbroadcast v6, $0x0;
	v6 =	vadd.s32 v54, v47;
	v59 =	vnsel vm2, $0x3F, v1  }
0x738: {  	v58 =	vadd.s32 v50, v5;
	v46 =	vld [tilespmem:s1+$0xFFFFFFF0];
	vm2 =	vne.s32 v4, v19;
	v4 =	vadd.s32 v53, v59  }
0x739: {  	s8 =	simm.s32 $0x9820;
	v35 =	vor.u32 v56, v23;
	v34 =	vor.u32 v57, v28;
	v41 =	vadd.s32 v45, v58;
	v3 =	vld.idx.msk [tilespmem:v3+s15+$0x0], $0xffff  }
0x73a: {  	v28 =	vor.u32 v17, v36;
	vm13 =	vlt.s32 v58, $0x3F;
	vm8 =	vlt.s32 v41, $0x3F;
	v33 =	vld [tilespmem:s8+$0xFFFFFFE0]  }
0x73b: {  	v63 =	vor.u32 v11, v23;
	vm12 =	vne.s32 v60, v19;
	vm11 =	vne.s32 v24, v19;
	v9 =	vld.idx.msk [tilespmem:v9+s15+$0x0], $0xffff  }
0x73c: {  	vm3 =	vne.s32 v51, v19;
	v51 =	vnsel vm13, $0x3F, v58;
	v55 =	vsel vm12, $0x1, v2;
	v59 =	vld.idx.msk [tilespmem:v6+s15+$0x0], $0xffff  }
0x73d: {  	v50 =	vsel vm3, $0x1, v2;
	v37 =	vadd.s32 v55, v1;
	v58 =	vor.u32 v11, v27;
	v1 =	vld.idx.msk [tilespmem:v4+s15+$0x0], $0xffff  }
0x73e: {  	v40 =	vadd.s32 v52, v51;
	vm0 =	vne.s32 v46, v19;
	v7 =	vadd.s32 v53, v7  }
0x73f: {  	v24 =	vor.u32 v11, v25;
	v62 =	vnsel vm8, $0x3F, v41;
	v61 =	vsel vm11, $0x1, v2;
	[tilespmem:v8+s23+$0x0] =	vst.idx.msk vm7, v3  }
0x740: {  	v39 =	vadd.s32 v52, v62;
	v10 =	vadd.s32 v61, v10;
	v3 =	vsel vm2, $0x1, v2;
	[tilespmem:v63+s23+$0x0] =	vst.idx.msk vm9, v9  }
0x741: {  	vm10 =	vlt.s32 v5, $0x3F;
	v45 =	vadd.s32 v50, v10;
	v3 =	vadd.s32 v3, v13;
	[tilespmem:v43+s23+$0x0] =	vst.idx.msk vm11, v59  }
0x742: {  	v61 =	vld [tilespmem:s4+$0xFFFFFFF0];
	vm8 =	vne.s32 v33, v19;
	v4 =	vnsel vm10, $0x3F, v5;
	vm10 =	vlt.s32 v10, $0x3F;
	[tilespmem:v58+s23+$0x0] =	vst.idx.msk vm12, v1  }
0x743: {  	v33 =	vor.u32 v56, v25;
	v5 =	vsel vm1, $0x1, v2;
	v10 =	vnsel vm10, $0x3F, v10;
	v55 =	vld [tilespmem:$0x1FFF0]  }
0x744: {  	v38 =	vsel vm8, $0x1, v2;
	v6 =	vadd.s32 v5, v45;
	v5 =	vld.idx.msk [tilespmem:v7+s15+$0x0], $0xffff;
	v7 =	vadd.s32 v54, v10  }
0x745: {  	v60 =	vld.idx.msk [tilespmem:v39+s15+$0x0], $0xffff;
	v42 =	vadd.s32 v52, v4;
	v41 =	vadd.s32 v38, v41;
	vm7 =	vlt.s32 v6, $0x3F  }
0x746: {  	v8 =	vnsel vm7, $0x3F, v6;
	vm9 =	vmmov vm5;
	vm5 =	vlt.s32 v3, $0x3F;
	v62 =	vld [tilespmem:s8+$0x0]  }
0x747: {  	vm7 =	vmmov vm4;
	v4 =	vadd.s32 v54, v8;
	v1 =	vnsel vm5, $0x3F, v3;
	v47 =	vld [tilespmem:s1+$0x0]  }
0x748: {  	vm4 =	vlt.s32 v45, $0x3F;
	v8 =	vsel vm0, $0x1, v2;
	v63 =	vld [tilespmem:s8+$0x10];
	v1 =	vadd.s32 v55, v1  }
0x749: {  	v46 =	vadd.s32 v8, v3;
	v3 =	vnsel vm4, $0x3F, v45;
	[tilespmem:v24+s23+$0x0] =	vst.idx.msk vm6, v5;
	v43 =	vld.idx.msk [tilespmem:v7+s15+$0x0], $0xffff  }
0x74a: {  	s6 =	simm.s32 $0xA020;
	v45 =	vor.u32 v57, v20;
	vm5 =	vlt.s32 v46, $0x3F;
	[tilespmem:v44+s23+$0x0] =	vst.idx.msk vm8, v60;
	v9 =	vld [tilespmem:s8+$0xFFFFFFF0];
	v39 =	vadd.s32 v55, v31  }
0x74b: {  	v14 =	vmovc v56;
	v10 =	vadd.s32 v54, v3;
	v24 =	vor.u32 v17, v32;
	vm8 =	vne.s32 v61, v19;
	v8 =	vld [tilespmem:s6+$0xFFFFFFE0]  }
0x74c: {  	s5 =	simm.s32 $0xA820;
	v13 =	vmovc v57;
	v5 =	vnsel vm5, $0x3F, v46;
	v7 =	vor.u32 v57, v36;
	v44 =	vld.idx.msk [tilespmem:v4+s15+$0x0], $0xffff;
	vm6 =	vne.s32 v62, v19  }
0x74d: {  	s7 =	simm.s32 $0xA7E0;
	s9 =	simm.s32 $0x9060;
	s11 =	simm.s32 $0xC;
	vm5 =	vne.s32 v47, v19;
	v31 =	vadd.s32 v55, v5;
	vm4 =	vne.s32 v63, v19;
	v38 =	vld.idx.msk [tilespmem:v1+s15+$0x0], $0xffff  }
.LBB2_23:
0x74e: {  	s12 =	sadd.s32 $0x1, s11  }
0x74f: {  	s13 =	sadd.s32 $0x2, s11;
	vm10 =	vlt.s32 v41, $0x3F;
	v1 =	vor.u32 v14, v27;
	v3 =	vld.idx.msk [tilespmem:v39+s15+$0x0], $0xffff;
	v4 =	vsel vm5, $0x1, v2;
	v36 =	vmovc v23;
	v32 =	vmovc v26;
	s14 =	smov.u32 s11;
	s10 =	sadd.s32 $0x4, s11  }
0x750: {  	p0 =	slt.u32 s11, $0x7C;
	v5 =	vmov s12;
	v23 =	vmov s13;
	v26 =	vld.idx.msk [tilespmem:v42+s15+$0x0], $0xffff;
	v4 =	vadd.s32 v4, v46;
	[tilespmem:v45+s23+$0x0] =	vst.idx.msk vm3, v43  }
0x751: {  	v5 =	vand.u32 $0x7D, v5;
	v23 =	vand.u32 $0x7E, v23;
	v10 =	vld.idx.msk [tilespmem:v10+s15+$0x0], $0xffff;
	vm3 =	vlt.s32 v4, $0x3F  }
0x752: {  	s11 =	sadd.s32 $0x3, s14;
	v42 =	vsel vm8, $0x1, v2;
	v39 =	vld [tilespmem:s9+$0xFFFFFFF0];
	v5 =	vbroadcast v5, $0x0;
	v23 =	vbroadcast v23, $0x0  }
0x753: {  	v45 =	vnsel vm10, $0x3F, v41;
	v43 =	vmov s11;
	[tilespmem:v34+s23+$0x0] =	vst.idx.msk vm8, v44;
	v34 =	vld.idx.msk [tilespmem:v40+s15+$0x0], $0xffff;
	v40 =	vnsel vm3, $0x3F, v4  }
0x754: {  	vm3 =	vlt.s32 v37, $0x3F;
	v44 =	vor.u32 v17, v5;
	v46 =	vld [tilespmem:s7+$0xFFFFFFF0];
	[tilespmem:v12+s23+$0x0] =	vst.idx.msk vm0, v38;
	v38 =	vadd.s32 v55, v40  }
0x755: {  	v48 =	vsel vm4, $0x1, v2;
	v6 =	vadd.s32 v42, v6;
	v47 =	vnsel vm3, $0x3F, v37;
	v12 =	vmovc v16;
	v40 =	vld [tilespmem:s9+$0xFFFFFFE0];
	[tilespmem:v22+s23+$0x0] =	vst.idx.msk vm2, v3  }
0x756: {  	v42 =	vor.u32 v17, v20;
	vm0 =	vlt.s32 v6, $0x3F;
	v3 =	vadd.s32 v53, v47;
	[tilespmem:v30+s23+$0x0] =	vst.idx.msk vm9, v26;
	v22 =	vld [tilespmem:s1+$0x10];
	s1 =	smov.u32 s7;
	s7 =	smov.u32 s5  }
0x757: {  	vm8 =	vne.s32 v39, v19;
	v39 =	vld [tilespmem:s9+$0x0];
	[tilespmem:v7+s23+$0x0] =	vst.idx.msk vm1, v10;
	vm1 =	vne.s32 v8, v19;
	v7 =	vnsel vm0, $0x3F, v6  }
0x758: {  	v16 =	vmovc v21;
	v21 =	vmovc v44;
	vm9 =	vne.s32 v9, v19;
	v8 =	vmov s14;
	v10 =	vsel vm8, $0x1, v2;
	v9 =	vld.idx.msk [tilespmem:v31+s15+$0x0], $0xffff  }
0x759: {  	v30 =	vsel vm9, $0x1, v2;
	v8 =	vand.u32 $0x7C, v8;
	v31 =	vsel vm6, $0x1, v2;
	[tilespmem:v29+s23+$0x0] =	vst.idx.msk vm7, v34;
	v34 =	vld.idx.msk [tilespmem:v38+s15+$0x0], $0xffff;
	v29 =	vmovc v1  }
0x75a: {  	v20 =	vmovc v18;
	v18 =	vmovc v27;
	v26 =	vbroadcast v8, $0x0;
	v1 =	vadd.s32 v30, v41;
	v8 =	vor.u32 v13, v15;
	v38 =	vld [tilespmem:s4+$0x10]  }
0x75b: {  	vm11 =	vne.s32 v40, v19;
	v40 =	vadd.s32 v52, v45;
	v3 =	vld.idx.msk [tilespmem:v3+s15+$0x0], $0xffff;
	vm2 =	vne.s32 v22, v19  }
0x75c: {  	v30 =	vmovc v35;
	v27 =	vor.u32 v11, v26;
	v41 =	vsel vm11, $0x1, v2;
	v22 =	vmovc v28;
	v44 =	vld [tilespmem:s1+$0xFFFFFFE0];
	v45 =	vsel vm2, $0x1, v2  }
0x75d: {  	vm0 =	vne.s32 v46, v19;
	v28 =	vadd.s32 v41, v37;
	vm7 =	vne.s32 v39, v19  }
0x75e: {  	vm10 =	vlt.s32 v1, $0x3F;
	vm3 =	vlt.s32 v28, $0x3F;
	v10 =	vadd.s32 v10, v28;
	[tilespmem:v24+s23+$0x0] =	vst.idx.msk vm5, v9  }
0x75f: {  	v9 =	vnsel vm3, $0x3F, v28;
	vm5 =	vlt.s32 v10, $0x3F;
	vm3 =	vne.s32 v38, v19  }
0x760: {  	v31 =	vadd.s32 v31, v1;
	v9 =	vadd.s32 v53, v9;
	v24 =	vnsel vm5, $0x3F, v10;
	v28 =	vld [tilespmem:s4+$0x0];
	s4 =	smov.u32 s6  }
0x761: {  	s8 =	sadd.s32 $0x40, s8;
	v38 =	vadd.s32 v48, v31;
	[tilespmem:v27+s23+$0x0] =	vst.idx.msk vm11, v3;
	v3 =	vadd.s32 v53, v24;
	v24 =	vsel vm7, $0x1, v2  }
0x762: {  	v4 =	vadd.s32 v45, v4;
	v10 =	vadd.s32 v24, v10;
	v24 =	vand.u32 $0x7F, v43;
	[tilespmem:v42+s23+$0x0] =	vst.idx.msk vm2, v34  }
0x763: {  	v7 =	vadd.s32 v54, v7;
	v35 =	vld [tilespmem:s8+$0xFFFFFFE0];
	vm2 =	vlt.s32 v10, $0x3F;
	v27 =	vbroadcast v24, $0x0  }
0x764: {  	v34 =	vor.u32 v13, v25;
	v25 =	vmovc v5;
	v24 =	vld [tilespmem:s9+$0x10];
	v37 =	vnsel vm2, $0x3F, v10;
	vm2 =	vne.s32 v44, v19  }
0x765: {  	vm11 =	vlt.s32 v38, $0x3F;
	v5 =	vadd.s32 v53, v37;
	v39 =	vld.idx.msk [tilespmem:v40+s15+$0x0], $0xffff;
	vm5 =	vne.s32 v28, v19  }
0x766: {  	v41 =	vor.u32 v11, v25;
	v28 =	vor.u32 v17, v32;
	v3 =	vld.idx.msk [tilespmem:v3+s15+$0x0], $0xffff;
	v37 =	vsel vm5, $0x1, v2  }
0x767: {  	v42 =	vor.u32 v11, v23;
	v40 =	vnsel vm11, $0x3F, v38;
	v43 =	vadd.s32 v37, v6  }
0x768: {  	v44 =	vor.u32 v14, v26;
	v6 =	vadd.s32 v52, v40;
	v37 =	vsel vm3, $0x1, v2  }
0x769: {  	vm13 =	vlt.s32 v31, $0x3F;
	vm11 =	vne.s32 v35, v19;
	v45 =	vadd.s32 v37, v43  }
0x76a: {  	v47 =	vsel vm11, $0x1, v2;
	vm12 =	vne.s32 v24, v19;
	v24 =	vnsel vm13, $0x3F, v31  }
0x76b: {  	v31 =	vor.u32 v11, v27;
	v35 =	vsel vm12, $0x1, v2;
	v40 =	vadd.s32 v52, v24;
	v7 =	vld.idx.msk [tilespmem:v7+s15+$0x0], $0xffff  }
0x76c: {  	v1 =	vnsel vm10, $0x3F, v1;
	v37 =	vadd.s32 v35, v10;
	v5 =	vld.idx.msk [tilespmem:v5+s15+$0x0], $0xffff;
	[tilespmem:v33+s23+$0x0] =	vst.idx.msk vm9, v39;
	vm9 =	vlt.s32 v43, $0x3F  }
0x76d: {  	s6 =	sadd.s32 $0x40, s6;
	v24 =	vsel vm2, $0x1, v2;
	v35 =	vor.u32 v14, v23;
	v10 =	vld.idx.msk [tilespmem:v6+s15+$0x0], $0xffff;
	[tilespmem:v42+s23+$0x0] =	vst.idx.msk vm7, v3;
	v3 =	vsel vm1, $0x1, v2  }
0x76e: {  	v33 =	vor.u32 v14, v25;
	v9 =	vld.idx.msk [tilespmem:v9+s15+$0x0], $0xffff;
	v6 =	vadd.s32 v3, v45;
	v3 =	vnsel vm9, $0x3F, v43  }
0x76f: {  	v24 =	vadd.s32 v24, v4;
	v48 =	vld [tilespmem:s4+$0xFFFFFFF0];
	vm7 =	vlt.s32 v6, $0x3F;
	v3 =	vadd.s32 v54, v3  }
0x770: {  	v42 =	vadd.s32 v52, v1;
	vm9 =	vmmov vm6;
	v49 =	vld [tilespmem:s8+$0x0];
	v39 =	vnsel vm7, $0x3F, v6  }
0x771: {  	vm6 =	vlt.s32 v24, $0x3F;
	vm7 =	vmmov vm4;
	v1 =	vadd.s32 v54, v39;
	[tilespmem:v8+s23+$0x0] =	vst.idx.msk vm5, v7  }
0x772: {  	vm4 =	vlt.s32 v4, $0x3F;
	v7 =	vsel vm0, $0x1, v2;
	[tilespmem:v31+s23+$0x0] =	vst.idx.msk vm12, v5;
	v5 =	vnsel vm6, $0x3F, v24;
	v50 =	vld [tilespmem:s1+$0x0]  }
0x773: {  	v4 =	vnsel vm4, $0x3F, v4;
	v46 =	vadd.s32 v7, v24;
	[tilespmem:v44+s23+$0x0] =	vst.idx.msk vm11, v10;
	v51 =	vld [tilespmem:s8+$0x10];
	v5 =	vadd.s32 v55, v5  }
.Ltmp10:
0x774: {  	vm4 =	vlt.s32 v45, $0x3F;
	v39 =	vadd.s32 v55, v4;
	vm5 =	vlt.s32 v46, $0x3F;
	[tilespmem:v41+s23+$0x0] =	vst.idx.msk vm8, v9;
	v43 =	vld.idx.msk [tilespmem:v3+s15+$0x0], $0xffff;
	(pc) =	sbr.rel @p0 .LBB2_23-.Ltmp10, $4  }
0x775: {  	v3 =	vnsel vm4, $0x3F, v45;
	v4 =	vnsel vm5, $0x3F, v46;
	v45 =	vor.u32 v13, v20;
	v9 =	vld [tilespmem:s8+$0xFFFFFFF0]  }
0x776: {  	v24 =	vor.u32 v17, v15;
	v15 =	vmovc v36;
	v10 =	vadd.s32 v54, v3;
	v31 =	vadd.s32 v55, v4;
	v8 =	vld [tilespmem:s6+$0xFFFFFFE0]  }
0x777: {  	v7 =	vor.u32 v13, v32;
	vm8 =	vne.s32 v48, v19;
	v44 =	vld.idx.msk [tilespmem:v1+s15+$0x0], $0xffff;
	vm5 =	vne.s32 v50, v19  }
0x778: {  	s11 =	smov.u32 s10;
	s5 =	sadd.s32 $0x40, s5;
	s9 =	sadd.s32 $0x40, s9;
	v41 =	vadd.s32 v47, v38;
	vm6 =	vne.s32 v49, v19;
	vm4 =	vne.s32 v51, v19;
	v38 =	vld.idx.msk [tilespmem:v5+s15+$0x0], $0xffff  }
0x779: {  	_ =	sdelay $0x1  }
0x77a: {  	vm10 =	vlt.s32 v41, $0x3F  }
0x77b: {  	v3 =	vnsel vm10, $0x3F, v41  }
0x77c: {  	v1 =	vld.idx.msk [tilespmem:v42+s15+$0x0], $0xffff;
	v3 =	vadd.s32 v52, v3  }
0x77d: {  	v4 =	vld.idx.msk [tilespmem:v40+s15+$0x0], $0xffff;
	_ =	sdelay $0x2  }
0x77e: {  	vm15 =	vne.s32 v9, v19  }
0x77f: {  	v5 =	vsel vm5, $0x1, v2;
	v9 =	vsel vm15, $0x1, v2;
	[tilespmem:v30+s23+$0x0] =	vst.idx.msk vm9, v1;
	v3 =	vld.idx.msk [tilespmem:v3+s15+$0x0], $0xffff  }
0x780: {  	v62 =	vsel vm8, $0x1, v2;
	v5 =	vadd.s32 v5, v46;
	v9 =	vadd.s32 v9, v41;
	[tilespmem:v29+s23+$0x0] =	vst.idx.msk vm7, v4;
	v1 =	vld [tilespmem:s4+$0x0]  }
0x781: {  	v6 =	vadd.s32 v62, v6;
	vm12 =	vlt.s32 v5, $0x3F;
	vm13 =	vlt.s32 v9, $0x3F;
	v11 =	vld [tilespmem:s4+$0x10]  }
0x782: {  	vm14 =	vlt.s32 v6, $0x3F;
	v63 =	vnsel vm12, $0x3F, v5;
	v36 =	vnsel vm13, $0x3F, v9  }
0x783: {  	v10 =	vld.idx.msk [tilespmem:v10+s15+$0x0], $0xffff;
	v40 =	vnsel vm14, $0x3F, v6;
	v41 =	vsel vm6, $0x1, v2;
	v37 =	vadd.s32 v52, v36  }
0x784: {  	vm12 =	vmmov vm6;
	v4 =	vor.u32 v14, v27;
	vm7 =	vne.s32 v8, v19;
	[tilespmem:v33+s23+$0x0] =	vst.idx.msk vm15, v3  }
0x785: {  	v9 =	vadd.s32 v41, v9;
	v14 =	vadd.s32 v54, v40;
	vm11 =	vne.s32 v1, v19;
	v42 =	vld [tilespmem:s6+$0xFFFFFFF0]  }
0x786: {  	v32 =	vsel vm7, $0x1, v2;
	vm9 =	vne.s32 v11, v19;
	v3 =	vsel vm11, $0x1, v2  }
0x787: {  	v1 =	vor.u32 v13, v15;
	v46 =	vsel vm9, $0x1, v2;
	v3 =	vadd.s32 v3, v6  }
0x788: {  	v8 =	vld.idx.msk [tilespmem:v37+s15+$0x0], $0xffff;
	vm15 =	vlt.s32 v9, $0x3F;
	v6 =	vadd.s32 v46, v3;
	vm13 =	vlt.s32 v3, $0x3F  }
0x789: {  	[tilespmem:v45+s23+$0x0] =	vst.idx.msk vm3, v43;
	v9 =	vnsel vm15, $0x3F, v9;
	v3 =	vnsel vm13, $0x3F, v3;
	vm14 =	vlt.s32 v6, $0x3F  }
0x78a: {  	v47 =	vld [tilespmem:s1+$0x10];
	[tilespmem:v7+s23+$0x0] =	vst.idx.msk vm1, v10;
	v3 =	vadd.s32 v54, v3;
	v48 =	vnsel vm14, $0x3F, v6;
	vm10 =	vne.s32 v42, v19  }
0x78b: {  	[tilespmem:v34+s23+$0x0] =	vst.idx.msk vm8, v44;
	v10 =	vld [tilespmem:s7+$0xFFFFFFE0];
	v6 =	vadd.s32 v32, v6;
	v7 =	vadd.s32 v54, v48;
	v11 =	vsel vm10, $0x1, v2  }
0x78c: {  	v14 =	vld.idx.msk [tilespmem:v14+s15+$0x0], $0xffff;
	v9 =	vadd.s32 v52, v9;
	vm15 =	vlt.s32 v6, $0x3F;
	v11 =	vadd.s32 v11, v6  }
0x78d: {  	v57 =	vor.u32 v13, v18;
	v49 =	vld [tilespmem:s7+$0xFFFFFFF0];
	[tilespmem:v35+s23+$0x0] =	vst.idx.msk vm12, v8;
	v6 =	vnsel vm15, $0x3F, v6;
	vm8 =	vlt.s32 v11, $0x3F  }
0x78e: {  	v58 =	vor.u32 v13, v26;
	v51 =	vld [tilespmem:s6+$0x0];
	v6 =	vadd.s32 v54, v6;
	v50 =	vnsel vm8, $0x3F, v11  }
0x78f: {  	v25 =	vor.u32 v13, v25;
	vm6 =	vmmov vm4;
	v3 =	vld.idx.msk [tilespmem:v3+s15+$0x0], $0xffff;
	v8 =	vadd.s32 v54, v50  }
0x790: {  	v29 =	vadd.s32 v55, v63;
	vm1 =	vne.s32 v47, v19;
	v47 =	vor.u32 v13, v27;
	v7 =	vld.idx.msk [tilespmem:v7+s15+$0x0], $0xffff  }
0x791: {  	v56 =	vsel vm1, $0x1, v2;
	vm3 =	vne.s32 v10, v19;
	[tilespmem:v1+s23+$0x0] =	vst.idx.msk vm11, v14;
	v1 =	vld.idx.msk [tilespmem:v9+s15+$0x0], $0xffff  }
0x792: {  	v5 =	vadd.s32 v56, v5;
	vm4 =	vne.s32 v49, v19;
	v59 =	vsel vm3, $0x1, v2;
	v61 =	vld [tilespmem:s7+$0x0]  }
0x793: {  	v63 =	vsel vm4, $0x1, v2;
	v60 =	vadd.s32 v59, v5;
	vm11 =	vne.s32 v51, v19;
	v6 =	vld.idx.msk [tilespmem:v6+s15+$0x0], $0xffff  }
0x794: {  	vm12 =	vlt.s32 v5, $0x3F;
	v30 =	vsel vm11, $0x1, v2;
	[tilespmem:v57+s23+$0x0] =	vst.idx.msk vm9, v3;
	v3 =	vor.u32 v13, v23;
	v8 =	vld.idx.msk [tilespmem:v8+s15+$0x0], $0xffff  }
0x795: {  	v35 =	vadd.s32 v63, v60;
	v5 =	vnsel vm12, $0x3F, v5;
	v30 =	vadd.s32 v30, v11;
	v34 =	vld [tilespmem:s7+$0x10];
	[tilespmem:v58+s23+$0x0] =	vst.idx.msk vm7, v7  }
0x796: {  	vm12 =	vlt.s32 v35, $0x3F;
	v5 =	vadd.s32 v55, v5;
	[tilespmem:v4+s23+$0x0] =	vst.idx.msk vm6, v1;
	vm9 =	vlt.s32 v30, $0x3F;
	v1 =	vld [tilespmem:s5+$0xFFFFFFE0]  }
0x797: {  	v41 =	vnsel vm12, $0x3F, v35;
	vm6 =	vne.s32 v61, v19;
	v36 =	vld [tilespmem:s6+$0x10];
	v7 =	vnsel vm9, $0x3F, v30  }
0x798: {  	vm8 =	vlt.s32 v60, $0x3F;
	v37 =	vsel vm6, $0x1, v2;
	v40 =	vadd.s32 v54, v7;
	[tilespmem:v25+s23+$0x0] =	vst.idx.msk vm10, v6  }
0x799: {  	v9 =	vor.u32 v17, v20;
	v62 =	vnsel vm8, $0x3F, v60;
	v4 =	vadd.s32 v37, v35;
	v42 =	vld [tilespmem:s5+$0xFFFFFFF0];
	[tilespmem:v3+s23+$0x0] =	vst.idx.msk vm11, v8  }
0x79a: {  	v32 =	vadd.s32 v55, v62;
	vm13 =	vlt.s32 v4, $0x3F;
	vm7 =	vne.s32 v34, v19;
	v43 =	vld [tilespmem:s5+$0x0]  }
0x79b: {  	v44 =	vnsel vm13, $0x3F, v4;
	v45 =	vsel vm7, $0x1, v2;
	vm8 =	vne.s32 v1, v19  }
0x79c: {  	vm11 =	vne.s32 v36, v19;
	v1 =	vadd.s32 v45, v4;
	v46 =	vsel vm8, $0x1, v2  }
0x79d: {  	v3 =	vadd.s32 v55, v41;
	v8 =	vadd.s32 v55, v44;
	v6 =	vld.idx.msk [tilespmem:v40+s15+$0x0], $0xffff;
	v4 =	vadd.s32 v46, v1  }
0x79e: {  	v49 =	vld.idx.msk [tilespmem:v31+s15+$0x0], $0xffff;
	vm12 =	vlt.s32 v1, $0x3F;
	vm10 =	vlt.s32 v4, $0x3F;
	vm9 =	vne.s32 v42, v19  }
0x79f: {  	v56 =	vld.idx.msk [tilespmem:v29+s15+$0x0], $0xffff;
	v50 =	vnsel vm10, $0x3F, v4;
	v51 =	vsel vm9, $0x1, v2;
	vm10 =	vne.s32 v43, v19  }
0x7a0: {  	v48 =	vld.idx.msk [tilespmem:v39+s15+$0x0], $0xffff;
	v1 =	vnsel vm12, $0x3F, v1;
	v4 =	vadd.s32 v51, v4;
	v57 =	vsel vm10, $0x1, v2  }
0x7a1: {  	v5 =	vld.idx.msk [tilespmem:v5+s15+$0x0], $0xffff;
	v1 =	vadd.s32 v55, v1;
	vm12 =	vlt.s32 v4, $0x3F;
	v25 =	vadd.s32 v57, v4  }
0x7a2: {  	v10 =	vld.idx.msk [tilespmem:v32+s15+$0x0], $0xffff;
	v20 =	vadd.s32 v55, v50;
	[tilespmem:v47+s23+$0x0] =	vst.idx.msk vm11, v6;
	v4 =	vnsel vm12, $0x3F, v4;
	vm14 =	vlt.s32 v25, $0x3F  }
0x7a3: {  	[tilespmem:v12+s23+$0x0] =	vst.idx.msk vm0, v38;
	v11 =	vld [tilespmem:s5+$0x10];
	v4 =	vadd.s32 v55, v4;
	v58 =	vnsel vm14, $0x3F, v25  }
0x7a4: {  	v59 =	vor.u32 v17, v15;
	[tilespmem:v24+s23+$0x0] =	vst.idx.msk vm5, v49;
	v3 =	vld.idx.msk [tilespmem:v3+s15+$0x0], $0xffff;
	v6 =	vadd.s32 v55, v58  }
0x7a5: {  	[tilespmem:v22+s23+$0x0] =	vst.idx.msk vm2, v48;
	v60 =	vor.u32 v17, v18;
	v8 =	vld.idx.msk [tilespmem:v8+s15+$0x0], $0xffff  }
0x7a6: {  	[tilespmem:v9+s23+$0x0] =	vst.idx.msk vm1, v56;
	v62 =	vor.u32 v17, v26;
	v1 =	vld.idx.msk [tilespmem:v1+s15+$0x0], $0xffff  }
0x7a7: {  	[tilespmem:v28+s23+$0x0] =	vst.idx.msk vm3, v5;
	v61 =	vld.idx.msk [tilespmem:v20+s15+$0x0], $0xffff  }
0x7a8: {  	v63 =	vor.u32 v17, v23;
	[tilespmem:v16+s23+$0x0] =	vst.idx.msk vm4, v10;
	vm15 =	vne.s32 v11, v19;
	v4 =	vld.idx.msk [tilespmem:v4+s15+$0x0], $0xffff  }
0x7a9: {  	[tilespmem:v59+s23+$0x0] =	vst.idx.msk vm6, v3;
	v3 =	vor.u32 v17, v27;
	v6 =	vld.idx.msk [tilespmem:v6+s15+$0x0], $0xffff  }
0x7aa: {  	[tilespmem:v60+s23+$0x0] =	vst.idx.msk vm7, v8  }
0x7ab: {  	[tilespmem:v62+s23+$0x0] =	vst.idx.msk vm8, v1  }
0x7ac: {  	[tilespmem:v21+s23+$0x0] =	vst.idx.msk vm9, v61  }
0x7ad: {  	s21 =	rddreg [dreg:$0xd];
	[tilespmem:v63+s23+$0x0] =	vst.idx.msk vm10, v4  }
0x7ae: {  	[tilespmem:v3+s23+$0x0] =	vst.idx.msk vm15, v6  }
0x7af: {  	s9 =	rddreg [dreg:$0xc]  }
0x7b0: {  	s9 =	sadd.s32 $0x1, s9  }
0x7b1: {  	p0 =	sne.s32 s9, $0x10  }
.Ltmp11:
0x7b2: {  	s24 =	rddreg [dreg:$0x1];
	(pc) =	sbr.rel @p0 .LBB2_4-.Ltmp11, $4  }
0x7b3: {  	s3 =	simm.s32 $0x0;
	s19 =	simm.s32 $0x2000;
	s1 =	sshll.u32 s21, $0x4  }
0x7b4: {  	s20 =	simm.s32 $0x7F80;
	s28 =	simm.s32 $0x8B80;
	s1 =	sand.u32 $0x1FFFFC00, s1  }
0x7b5: {  	s21 =	simm.s32 $0x8380;
	s1 =	sadd.s32 s24, s1;
	s24 =	simm.s32 $0x8780  }
0x7b6: {  	[hbm4b:s1+s3] =	stream.linear.scatter [tilespmem:s23], [sflag:$0x5], $0x2000, $0x38;
	[tilespmem:$0xAF80] =	vst v63  }
0x7b7: {  	s4 =	simm.s32 $0x5  }
0x7b8: {  	_ =	swait.ge [sflag:s4], $0x2000  }
0x7b9: {  	s5 =	rddreg [dreg:$0xb]  }
0x7ba: {  	s1 =	rddreg [dreg:$0x9];
	s5 =	sadd.s32 $0x1, s5  }
0x7bb: {  	p0 =	sne.s32 s5, s1  }
.Ltmp12:
0x7bc: {  	_ = 	snop;
	(pc) =	sbr.rel @p0 .LBB2_1-.Ltmp12, $3  }
0x7bd: {  	_ =	sdelay $0x1  }
0x7be: {  	[sflag:s4] =	ssyncset.done $0x0  }
0x7bf: {  	[sflag:s4] =	ssyncadd.s32 $0xFFFFE000  }
0x7c0: {  	_ =	sfence.sel $0x180000  }
0x7c1: {  	[bflag:$0x0] =	sbarrier.arrive $0xFFFF  }
0x7c2: {  	_ =	strace $0x90000047  }
0x7c3: {  	s0 =	stileid.u32;
	[bflag:$0x2] =	sbarrier.arrive $0xFFFF  }
0x7c4: {  	p0 =	sne.s32 s0, $0x0;
	s0 =	rddreg [dreg:$0x2]  }
0x7c5: {  	s0 =	sadd.s32 @!p0 $0x100000, s0  }
0x7c6: {  	[sflag:s0] =	ssyncadd.tile.s32 @!p0 $0x1;
	_ =	shalt  }
.Lfunc_end2:
_tile_overlayer_lowered:
.L_overlay_start_2:
0x7c7: {  	(tag) =	ssettag $0x2  }
0x7c8: {  	s0 =	rddreg [dreg:$0x0];
	s2 =	stileid.u32  }
0x7c9: {  	s1 =	rddreg [dreg:$0x1];
	p0 =	sne.s32 s2, $0x0  }
0x7ca: {  	s3 =	rddreg [dreg:$0x2];
	[bflag:$0x3] =	sbarrier.arrive $0xFFFF;
	s2 =	simm.s32 @!p0 $0x1C06  }
0x7cb: {  	[timem:s3], [sflag:s2] =	dma.local @!p0 [hbm:s0], s1  }
0x7cc: {  	s0 =	simm.s32 @!p0 $0x6  }
0x7cd: {  	_ =	swait.ge @!p0 [sflag:s0], s1  }
0x7ce: {  	s1 =	ssub.s32 @!p0 $0x0, s1;
	[sflag:s0] =	ssyncset.done @!p0 $0x0  }
0x7cf: {  	[sflag:s0] =	ssyncadd.s32 @!p0 s1  }
0x7d0: {  	[bflag:$0x3] =	sbarrier.arrive $0xFFFF  }
0x7d1: {  	_ =	shalt  }

</sc_bundles>
